<compile_context>
chip_gen: v7x
topology: tpu7x:2x2x1
jax: 0.10.2.dev20260603
libtpu: 0.0.44.dev20260713+nightly
codegen_flags: <defaults>
</compile_context>

<pallas_src>
import jax
import jax.numpy as jnp
from jax import lax
from jax.experimental import pallas as pl
from jax.experimental.pallas import tpu as pltpu
from jax.experimental.pallas import tpu_sc as plsc

N = 10000
E = 320000
D = 128
CK1 = 80
NCH1 = E // CK1
CK3 = 80
NCH3 = E // CK3
NC, NS = 2, 16
NW = NC * NS
N_PAD = 10112
ROWS_PER_SUB = N_PAD // NS
E_PAD = 327680
BE = 8192
BN = 2000


def _zero_rows(buf, nrows):
    def body(r, _):
        for j in range(D // 16):
            buf[r, pl.ds(j * 16, 16)] = jnp.zeros((16,), jnp.float32)
        return 0
    lax.fori_loop(0, nrows, body, 0)


def _slice_chunks(stage_rows):
    full = ROWS_PER_SUB // stage_rows
    out = [(i * stage_rows, stage_rows) for i in range(full)]
    rem = ROWS_PER_SUB - full * stage_rows
    if rem:
        out.append((full * stage_rows, rem))
    return out


def _zero_acc_slice(buf, acc, s, stage_rows):
    _zero_rows(buf, stage_rows)
    for off, ln in _slice_chunks(stage_rows):
        pltpu.sync_copy(buf.at[pl.ds(0, ln)],
                        acc.at[pl.ds(s * ROWS_PER_SUB + off, ln)])


def _readout_acc_slice(acc, out_hbm, c, s, stage_rows):
    for off, ln in _slice_chunks(stage_rows):
        sl = pl.ds(s * ROWS_PER_SUB + off, ln)
        pltpu.sync_copy(acc.at[sl], out_hbm.at[c, sl])


def _k1_body(h_hbm, src_hbm, dst_hbm,
             prod_hbm, sd_part_hbm, norms_hbm,
             idx_s0, idx_d0, idx_s1, idx_d1,
             hs0, hd0, hs1, hd1, nrm_v, acc,
             sem_s0, sem_d0, sem_s1, sem_d1):
    c = lax.axis_index("c")
    s = lax.axis_index("s")
    wid = s * NC + c
    idx_s = (idx_s0, idx_s1)
    idx_d = (idx_d0, idx_d1)
    hs = (hs0, hs1)
    hd = (hd0, hd1)
    sem_s = (sem_s0, sem_s1)
    sem_d = (sem_d0, sem_d1)

    _zero_acc_slice(hs0, acc, s, CK1)
    nrm_v[0, :] = jnp.zeros((16,), jnp.float32)
    nrm_v[1, :] = jnp.zeros((16,), jnp.float32)
    plsc.subcore_barrier()

    nw = NCH1 // NW

    def start_gather(t, b):
        base = (wid + t * NW) * CK1
        pltpu.sync_copy(src_hbm.at[pl.ds(base, CK1)], idx_s[b])
        pltpu.sync_copy(dst_hbm.at[pl.ds(base, CK1)], idx_d[b])
        pltpu.async_copy(h_hbm.at[idx_s[b]], hs[b], sem_s[b])
        pltpu.async_copy(h_hbm.at[idx_d[b]], hd[b], sem_d[b])

    start_gather(0, 0)
    start_gather(1, 1)

    def process(t, b, start_next):
        base = (wid + t * NW) * CK1
        pltpu.make_async_copy(h_hbm.at[idx_s[b]], hs[b], sem_s[b]).wait()
        pltpu.make_async_copy(h_hbm.at[idx_d[b]], hd[b], sem_d[b]).wait()

        def row_body(r, rc):
            rns, rnd = rc
            for j in range(D // 16):
                ds = pl.ds(j * 16, 16)
                a = hs[b][r, ds]
                bb = hd[b][r, ds]
                hd[b][r, ds] = a * bb
                hs[b][r, ds] = a - bb
                rns = rns + a * a
                rnd = rnd + bb * bb
            return rns, rnd

        z16 = jnp.zeros((16,), jnp.float32)
        rns, rnd = lax.fori_loop(0, CK1, row_body, (z16, z16))
        nrm_v[0, :] = nrm_v[0, :] + rns
        nrm_v[1, :] = nrm_v[1, :] + rnd
        pltpu.sync_copy(hd[b], prod_hbm.at[pl.ds(base, CK1)])
        pltpu.sync_copy(hs[b], acc.at[idx_d[b]], add=True)
        if start_next:
            start_gather(t + 2, b)

    def pair_body(i2, _):
        for b in range(2):
            t = i2 * 2 + b

            @pl.when(t + 2 < nw)
            def _(t=t, b=b):
                process(t, b, True)

            @pl.when(t + 2 >= nw)
            def _(t=t, b=b):
                process(t, b, False)
        return 0

    lax.fori_loop(0, nw // 2, pair_body, 0)
    process(nw - 1, (nw - 1) % 2, False)

    pltpu.sync_copy(nrm_v, norms_hbm.at[:, wid])
    plsc.subcore_barrier()
    _readout_acc_slice(acc, sd_part_hbm, c, s, CK1)


def _k3_body(sd_hbm, src_hbm, dst_hbm, score_hbm,
             hdp_hbm,
             idx_s0, idx_s1, idx_s2, idx_s3, idx_d0, idx_d1, idx_d2, idx_d3,
             sv0, sv1, sv2, sv3, buf0, buf1, buf2, buf3, acc,
             g0, g1, g2, g3, sc0, sc1, sc2, sc3):
    c = lax.axis_index("c")
    s = lax.axis_index("s")
    wid = s * NC + c
    idx_s = (idx_s0, idx_s1, idx_s2, idx_s3)
    idx_d = (idx_d0, idx_d1, idx_d2, idx_d3)
    sv = (sv0, sv1, sv2, sv3)
    buf = (buf0, buf1, buf2, buf3)
    sem_g = (g0, g1, g2, g3)
    sem_sc = (sc0, sc1, sc2, sc3)

    _zero_acc_slice(buf0, acc, s, CK3)
    plsc.subcore_barrier()

    nw = NCH3 // NW

    def start_gather(t, b):
        base = (wid + t * NW) * CK3
        pltpu.sync_copy(src_hbm.at[pl.ds(base, CK3)], idx_s[b])
        pltpu.sync_copy(dst_hbm.at[pl.ds(base, CK3)], idx_d[b])
        pltpu.sync_copy(score_hbm.at[pl.ds(base, CK3)], sv[b])
        pltpu.async_copy(sd_hbm.at[idx_s[b]], buf[b], sem_g[b])

    def wait_scatter(b):
        pltpu.make_async_copy(buf[b], acc.at[idx_d[b]], sem_sc[b]).wait()

    def process(t, b):
        bn = (b + 2) % 4

        @pl.when(t >= 2)
        def _():
            wait_scatter(bn)

        @pl.when(t + 2 < nw)
        def _():
            start_gather(t + 2, bn)
        pltpu.make_async_copy(sd_hbm.at[idx_s[b]], buf[b], sem_g[b]).wait()

        def row_body(r, _rc):
            grp = sv[b][pl.ds((r // 16) * 16, 16)]
            lane = jnp.full((16,), r % 16, jnp.int32)
            sval = lax.gather(
                grp, lane[:, None],
                lax.GatherDimensionNumbers(offset_dims=(),
                                           collapsed_slice_dims=(0,),
                                           start_index_map=(0,)),
                (1,), mode=lax.GatherScatterMode.PROMISE_IN_BOUNDS)
            for j in range(D // 16):
                ds = pl.ds(j * 16, 16)
                buf[b][r, ds] = buf[b][r, ds] * sval
            return 0

        lax.fori_loop(0, CK3, row_body, 0)
        pltpu.async_copy(buf[b], acc.at[idx_d[b]], sem_sc[b], add=True)

    start_gather(0, 0)
    start_gather(1, 1)

    def quad_body(i4, _):
        for k in range(4):
            process(i4 * 4 + k, k)
        return 0

    lax.fori_loop(0, nw // 4, quad_body, 0)
    process(nw - 1, (nw - 1) % 4)
    wait_scatter((nw - 2) % 4)
    wait_scatter((nw - 1) % 4)

    plsc.subcore_barrier()
    _readout_acc_slice(acc, hdp_hbm, c, s, CK3)


def _score_body(norms_ref, prod_ref, p_ref, out_ref):
    nsq = jnp.sum(norms_ref[...], axis=1)
    scale = jnp.sqrt(nsq[0]) * jnp.sqrt(nsq[1]) + 1e-06
    x = prod_ref[...]
    xh = x.astype(jnp.bfloat16)
    xl = (x - xh.astype(jnp.float32)).astype(jnp.bfloat16)
    p = p_ref[...]
    ph = p.astype(jnp.bfloat16)
    pl_ = (p - ph.astype(jnp.float32)).astype(jnp.bfloat16)
    dn = (((0,), (1,)), ((), ()))
    t = (lax.dot_general(ph, xh, dn, preferred_element_type=jnp.float32)
         + lax.dot_general(pl_, xh, dn, preferred_element_type=jnp.float32)
         + lax.dot_general(ph, xl, dn, preferred_element_type=jnp.float32))
    t = jax.nn.relu(t)
    out_ref[...] = jnp.exp(jnp.clip(jnp.sum(t, axis=0) / scale, -5.0, 5.0))


def _combine_body(a_ref, out_ref):
    out_ref[...] = a_ref[0] + a_ref[1]


def _ffn_body(hp_ref, w_ref, b_ref, out_ref):
    x = hp_ref[0] + hp_ref[1]
    y = lax.dot_general(x, w_ref[...], (((1,), (1,)), ((), ())),
                        preferred_element_type=jnp.float32)
    out_ref[...] = jax.nn.relu(y + b_ref[...])


_sc_mesh = plsc.VectorSubcoreMesh(core_axis_name="c", subcore_axis_name="s")

_k1 = pl.kernel(
    _k1_body,
    out_type=[
        jax.ShapeDtypeStruct((E_PAD, D), jnp.float32),
        jax.ShapeDtypeStruct((NC, N_PAD, D), jnp.float32),
        jax.ShapeDtypeStruct((2, NW, 16), jnp.float32),
    ],
    mesh=_sc_mesh,
    scratch_types=(
        [pltpu.VMEM((CK1,), jnp.int32) for _ in range(4)]
        + [pltpu.VMEM((CK1, D), jnp.float32) for _ in range(4)]
        + [pltpu.VMEM((2, 16), jnp.float32),
           pltpu.VMEM_SHARED((N_PAD, D), jnp.float32)]
        + [pltpu.SemaphoreType.DMA for _ in range(4)]
    ),
    name="k1_gather_prod_segsum",
)

_k3 = pl.kernel(
    _k3_body,
    out_type=jax.ShapeDtypeStruct((NC, N_PAD, D), jnp.float32),
    mesh=_sc_mesh,
    scratch_types=(
        [pltpu.VMEM((CK3,), jnp.int32) for _ in range(8)]
        + [pltpu.VMEM((CK3,), jnp.float32) for _ in range(4)]
        + [pltpu.VMEM((CK3, D), jnp.float32) for _ in range(4)]
        + [pltpu.VMEM_SHARED((N_PAD, D), jnp.float32)]
        + [pltpu.SemaphoreType.DMA for _ in range(8)]
    ),
    name="k3_weighted_segsum",
)


def kernel(h, edge_index, proj_cosim, ffn_w, ffn_b):
    src = edge_index[0]
    dst = edge_index[1]

    prod, sd_part, norms = _k1(h, src, dst)

    score = pl.pallas_call(
        _score_body,
        grid=(E_PAD // BE,),
        in_specs=[
            pl.BlockSpec((2, NW * 16), lambda i: (0, 0)),
            pl.BlockSpec((BE, D), lambda i: (i, 0)),
            pl.BlockSpec((D, D), lambda i: (0, 0)),
        ],
        out_specs=pl.BlockSpec((BE,), lambda i: (i,)),
        out_shape=jax.ShapeDtypeStruct((E_PAD,), jnp.float32),
    )(norms.reshape(2, NW * 16), prod, proj_cosim)

    sd = pl.pallas_call(
        _combine_body,
        grid=(4,),
        in_specs=[pl.BlockSpec((NC, 2528, D), lambda i: (0, i, 0))],
        out_specs=pl.BlockSpec((2528, D), lambda i: (i, 0)),
        out_shape=jax.ShapeDtypeStruct((N_PAD, D), jnp.float32),
    )(sd_part)

    hd_part = _k3(sd, src, dst, score)

    out = pl.pallas_call(
        _ffn_body,
        grid=(N // BN,),
        in_specs=[
            pl.BlockSpec((NC, BN, D), lambda i: (0, i, 0)),
            pl.BlockSpec((D, D), lambda i: (0, 0)),
            pl.BlockSpec((1, D), lambda i: (0, 0)),
        ],
        out_specs=pl.BlockSpec((BN, D), lambda i: (i, 0)),
        out_shape=jax.ShapeDtypeStruct((N, D), jnp.float32),
    )(hd_part, ffn_w, ffn_b.reshape(1, D))

    return out

# --- scband reference (transcript-rebuilt; emitter-appended) ---
"""Pipeline reference for scband-codirect-enhance-layer-79499844649024 (READ-ONLY COPY).

The authoritative reference and input builder live on the scoring server;
editing this copy changes nothing except your own understanding.
"""

import jax, jax.numpy as jnp
import numpy as np

N = 10000
E = 320000
IN_DIM = 128
OUT_DIM = 128


def setup_inputs(seed: int = 0):
    key = jax.random.key(seed)
    k1, k2, k3, k4, k5 = jax.random.split(key, 5)
    h = jax.random.normal(k1, (N, IN_DIM), dtype=jnp.float32)
    edge_index = jax.random.randint(k2, (2, E), 0, N, dtype=jnp.int32)
    # kaiming normal: std = sqrt(2 / fan_in)
    proj_cosim = jax.random.normal(k3, (IN_DIM, OUT_DIM), dtype=jnp.float32) * np.sqrt(2.0 / IN_DIM)
    # nn.Linear(out_dim, out_dim): weight [out, in], bias [out]
    bound = 1.0 / np.sqrt(OUT_DIM)
    ffn_w = jax.random.uniform(k4, (OUT_DIM, OUT_DIM), dtype=jnp.float32, minval=-bound, maxval=bound)
    ffn_b = jax.random.uniform(k5, (OUT_DIM,), dtype=jnp.float32, minval=-bound, maxval=bound)
    return {"h": h, "edge_index": edge_index, "proj_cosim": proj_cosim, "ffn_w": ffn_w, "ffn_b": ffn_b}


def reference(h, edge_index, proj_cosim, ffn_w, ffn_b):
    src = edge_index[0]
    dst = edge_index[1]
    n = h.shape[0]
    hs = h[src]  # gather: src node features per edge [E, in_dim]
    hd = h[dst]  # gather: dst node features per edge [E, in_dim]
    # src_cosim_dst: torch.norm with no dim -> scalar Frobenius norm of the whole tensor
    scale = jnp.linalg.norm(hs) * jnp.linalg.norm(hd) + 1e-06
    cosim = (hs * hd) / scale  # [E, in_dim]
    cosim = jax.nn.relu(cosim @ proj_cosim)  # [E, out_dim]
    # exp(field): exp(clamp(sum(-1, keepdim=True), -5, 5)) -> [E, 1]
    cosim = jnp.exp(jnp.clip(jnp.sum(cosim, axis=-1, keepdims=True), -5.0, 5.0))
    # update_all(u_sub_v('h','h','diff'), sum('diff','src_diff'))
    diff = hs - hd  # [E, in_dim]
    src_diff = jax.ops.segment_sum(diff, dst, num_segments=n)  # scatter-add by dst [N, in_dim]
    # update_all(u_mul_e('src_diff','cosim','cosim_diff'), sum('cosim_diff','h_diff'))
    cosim_diff = src_diff[src] * cosim  # gather + broadcast mul [E, in_dim]
    h_diff = jax.ops.segment_sum(cosim_diff, dst, num_segments=n)  # scatter-add [N, in_dim]
    # FFN + relu (dropout p=0.0 is identity)
    out = h_diff @ ffn_w.T + ffn_b
    out = jax.nn.relu(out)
    return out


if False:  # reference __main__ guard neutralized (emitter)
    inp = setup_inputs()
    o = reference(**inp)
    print(o.shape, o.dtype)

if __name__ == "__main__":
    import jax
    _d = setup_inputs()
    print(jax.jit(kernel)(*tuple(_d.values())))

</pallas_src>

<mosaic_0001>
#map = affine_map<(d0, d1) -> (0, 0)>
#map1 = affine_map<(d0, d1) -> (0)>
#map2 = affine_map<(d0, d1) -> (0, 0, 0)>
module attributes {stable_mosaic.version = 14 : i64} {
  func.func @k3_weighted_segsum(%arg0: i32, %arg1: i32, %arg2: memref<10112x128xf32, #tpu.memory_space<hbm>>, %arg3: memref<320000xi32, #tpu.memory_space<hbm>>, %arg4: memref<320000xi32, #tpu.memory_space<hbm>>, %arg5: memref<327680xf32, #tpu.memory_space<hbm>>, %arg6: memref<2x10112x128xf32, #tpu.memory_space<hbm>>, %arg7: memref<80xi32, #tpu.memory_space<vmem>>, %arg8: memref<80xi32, #tpu.memory_space<vmem>>, %arg9: memref<80xi32, #tpu.memory_space<vmem>>, %arg10: memref<80xi32, #tpu.memory_space<vmem>>, %arg11: memref<80xi32, #tpu.memory_space<vmem>>, %arg12: memref<80xi32, #tpu.memory_space<vmem>>, %arg13: memref<80xi32, #tpu.memory_space<vmem>>, %arg14: memref<80xi32, #tpu.memory_space<vmem>>, %arg15: memref<80xf32, #tpu.memory_space<vmem>>, %arg16: memref<80xf32, #tpu.memory_space<vmem>>, %arg17: memref<80xf32, #tpu.memory_space<vmem>>, %arg18: memref<80xf32, #tpu.memory_space<vmem>>, %arg19: memref<80x128xf32, #tpu.memory_space<vmem>>, %arg20: memref<80x128xf32, #tpu.memory_space<vmem>>, %arg21: memref<80x128xf32, #tpu.memory_space<vmem>>, %arg22: memref<80x128xf32, #tpu.memory_space<vmem>>, %arg23: memref<10112x128xf32, #tpu.memory_space<vmem_shared>>, %arg24: memref<!tpu.dma_semaphore, #tpu.memory_space<semaphore_mem>>, %arg25: memref<!tpu.dma_semaphore, #tpu.memory_space<semaphore_mem>>, %arg26: memref<!tpu.dma_semaphore, #tpu.memory_space<semaphore_mem>>, %arg27: memref<!tpu.dma_semaphore, #tpu.memory_space<semaphore_mem>>, %arg28: memref<!tpu.dma_semaphore, #tpu.memory_space<semaphore_mem>>, %arg29: memref<!tpu.dma_semaphore, #tpu.memory_space<semaphore_mem>>, %arg30: memref<!tpu.dma_semaphore, #tpu.memory_space<semaphore_mem>>, %arg31: memref<!tpu.dma_semaphore, #tpu.memory_space<semaphore_mem>>) attributes {dimension_semantics = [#tpu.dimension_semantics<core_parallel>, #tpu.dimension_semantics<subcore_parallel>], iteration_bounds = array<i64: 2, 16>, scalar_prefetch = 0 : i64, scratch_operands = 25 : i64, tpu.core_type = #tpu.core_type<sc_vector_subcore>, window_params = [{transform_indices = #map}, {transform_indices = #map1}, {transform_indices = #map1}, {transform_indices = #map1}, {transform_indices = #map2}]} {
    %mul3A = arith.constant 2 : i32
    %mul3A_0 = arith.muli %arg1, %mul3A : i32
    %add3A = arith.addi %mul3A_0, %arg0 : i32
    %scan3A = arith.constant 0 : i32
    %scan3A_1 = arith.constant 0 : i32
    %scan3A_2 = arith.constant 80 : i32
    %scan3A_3 = arith.addi %scan3A_1, %scan3A_2 : i32
    %scan3A_4 = arith.constant 1 : i32
    %scan3A_5 = scf.for %scan3A_113 = %scan3A_1 to %scan3A_3 step %scan3A_4 iter_args(%scan3A_114 = %scan3A) -> (i32)  : i32 {
      %broadcast_in_dim3A = arith.constant 0.000000e+00 : f32
      %broadcast_in_dim3A_115 = vector.broadcast %broadcast_in_dim3A : f32 to vector<16xf32>
      %swap3A = arith.index_cast %scan3A_113 : i32 to index
      %swap3A_116 = arith.constant 0 : index
      %swap3A_117 = tpu.vector_load %arg19[%swap3A, %swap3A_116] {strides = array<i32>} : memref<80x128xf32, #tpu.memory_space<vmem>>, vector<1x16xf32>,
      %swap3A_118 = vector.shape_cast %swap3A_117 : vector<1x16xf32> to vector<16xf32>
      %swap3A_119 = vector.shape_cast %broadcast_in_dim3A_115 : vector<16xf32> to vector<1x16xf32>
      tpu.vector_store %arg19[%swap3A, %swap3A_116], %swap3A_119 {strides = array<i32>} : memref<80x128xf32, #tpu.memory_space<vmem>>, vector<1x16xf32>,
      %broadcast_in_dim3A_120 = arith.constant 0.000000e+00 : f32
      %broadcast_in_dim3A_121 = vector.broadcast %broadcast_in_dim3A_120 : f32 to vector<16xf32>
      %swap3A_122 = arith.index_cast %scan3A_113 : i32 to index
      %swap3A_123 = arith.constant 16 : index
      %swap3A_124 = tpu.vector_load %arg19[%swap3A_122, %swap3A_123] {strides = array<i32>} : memref<80x128xf32, #tpu.memory_space<vmem>>, vector<1x16xf32>,
      %swap3A_125 = vector.shape_cast %swap3A_124 : vector<1x16xf32> to vector<16xf32>
      %swap3A_126 = vector.shape_cast %broadcast_in_dim3A_121 : vector<16xf32> to vector<1x16xf32>
      tpu.vector_store %arg19[%swap3A_122, %swap3A_123], %swap3A_126 {strides = array<i32>} : memref<80x128xf32, #tpu.memory_space<vmem>>, vector<1x16xf32>,
      %broadcast_in_dim3A_127 = arith.constant 0.000000e+00 : f32
      %broadcast_in_dim3A_128 = vector.broadcast %broadcast_in_dim3A_127 : f32 to vector<16xf32>
      %swap3A_129 = arith.index_cast %scan3A_113 : i32 to index
      %swap3A_130 = arith.constant 32 : index
      %swap3A_131 = tpu.vector_load %arg19[%swap3A_129, %swap3A_130] {strides = array<i32>} : memref<80x128xf32, #tpu.memory_space<vmem>>, vector<1x16xf32>,
      %swap3A_132 = vector.shape_cast %swap3A_131 : vector<1x16xf32> to vector<16xf32>
      %swap3A_133 = vector.shape_cast %broadcast_in_dim3A_128 : vector<16xf32> to vector<1x16xf32>
      tpu.vector_store %arg19[%swap3A_129, %swap3A_130], %swap3A_133 {strides = array<i32>} : memref<80x128xf32, #tpu.memory_space<vmem>>, vector<1x16xf32>,
      %broadcast_in_dim3A_134 = arith.constant 0.000000e+00 : f32
      %broadcast_in_dim3A_135 = vector.broadcast %broadcast_in_dim3A_134 : f32 to vector<16xf32>
      %swap3A_136 = arith.index_cast %scan3A_113 : i32 to index
      %swap3A_137 = arith.constant 48 : index
      %swap3A_138 = tpu.vector_load %arg19[%swap3A_136, %swap3A_137] {strides = array<i32>} : memref<80x128xf32, #tpu.memory_space<vmem>>, vector<1x16xf32>,
      %swap3A_139 = vector.shape_cast %swap3A_138 : vector<1x16xf32> to vector<16xf32>
      %swap3A_140 = vector.shape_cast %broadcast_in_dim3A_135 : vector<16xf32> to vector<1x16xf32>
      tpu.vector_store %arg19[%swap3A_136, %swap3A_137], %swap3A_140 {strides = array<i32>} : memref<80x128xf32, #tpu.memory_space<vmem>>, vector<1x16xf32>,
      %broadcast_in_dim3A_141 = arith.constant 0.000000e+00 : f32
      %broadcast_in_dim3A_142 = vector.broadcast %broadcast_in_dim3A_141 : f32 to vector<16xf32>
      %swap3A_143 = arith.index_cast %scan3A_113 : i32 to index
      %swap3A_144 = arith.constant 64 : index
      %swap3A_145 = tpu.vector_load %arg19[%swap3A_143, %swap3A_144] {strides = array<i32>} : memref<80x128xf32, #tpu.memory_space<vmem>>, vector<1x16xf32>,
      %swap3A_146 = vector.shape_cast %swap3A_145 : vector<1x16xf32> to vector<16xf32>
      %swap3A_147 = vector.shape_cast %broadcast_in_dim3A_142 : vector<16xf32> to vector<1x16xf32>
      tpu.vector_store %arg19[%swap3A_143, %swap3A_144], %swap3A_147 {strides = array<i32>} : memref<80x128xf32, #tpu.memory_space<vmem>>, vector<1x16xf32>,
      %broadcast_in_dim3A_148 = arith.constant 0.000000e+00 : f32
      %broadcast_in_dim3A_149 = vector.broadcast %broadcast_in_dim3A_148 : f32 to vector<16xf32>
      %swap3A_150 = arith.index_cast %scan3A_113 : i32 to index
      %swap3A_151 = arith.constant 80 : index
      %swap3A_152 = tpu.vector_load %arg19[%swap3A_150, %swap3A_151] {strides = array<i32>} : memref<80x128xf32, #tpu.memory_space<vmem>>, vector<1x16xf32>,
      %swap3A_153 = vector.shape_cast %swap3A_152 : vector<1x16xf32> to vector<16xf32>
      %swap3A_154 = vector.shape_cast %broadcast_in_dim3A_149 : vector<16xf32> to vector<1x16xf32>
      tpu.vector_store %arg19[%swap3A_150, %swap3A_151], %swap3A_154 {strides = array<i32>} : memref<80x128xf32, #tpu.memory_space<vmem>>, vector<1x16xf32>,
      %broadcast_in_dim3A_155 = arith.constant 0.000000e+00 : f32
      %broadcast_in_dim3A_156 = vector.broadcast %broadcast_in_dim3A_155 : f32 to vector<16xf32>
      %swap3A_157 = arith.index_cast %scan3A_113 : i32 to index
      %swap3A_158 = arith.constant 96 : index
      %swap3A_159 = tpu.vector_load %arg19[%swap3A_157, %swap3A_158] {strides = array<i32>} : memref<80x128xf32, #tpu.memory_space<vmem>>, vector<1x16xf32>,
      %swap3A_160 = vector.shape_cast %swap3A_159 : vector<1x16xf32> to vector<16xf32>
      %swap3A_161 = vector.shape_cast %broadcast_in_dim3A_156 : vector<16xf32> to vector<1x16xf32>
      tpu.vector_store %arg19[%swap3A_157, %swap3A_158], %swap3A_161 {strides = array<i32>} : memref<80x128xf32, #tpu.memory_space<vmem>>, vector<1x16xf32>,
      %broadcast_in_dim3A_162 = arith.constant 0.000000e+00 : f32
      %broadcast_in_dim3A_163 = vector.broadcast %broadcast_in_dim3A_162 : f32 to vector<16xf32>
      %swap3A_164 = arith.index_cast %scan3A_113 : i32 to index
      %swap3A_165 = arith.constant 112 : index
      %swap3A_166 = tpu.vector_load %arg19[%swap3A_164, %swap3A_165] {strides = array<i32>} : memref<80x128xf32, #tpu.memory_space<vmem>>, vector<1x16xf32>,
      %swap3A_167 = vector.shape_cast %swap3A_166 : vector<1x16xf32> to vector<16xf32>
      %swap3A_168 = vector.shape_cast %broadcast_in_dim3A_163 : vector<16xf32> to vector<1x16xf32>
      tpu.vector_store %arg19[%swap3A_164, %swap3A_165], %swap3A_168 {strides = array<i32>} : memref<80x128xf32, #tpu.memory_space<vmem>>, vector<1x16xf32>,
      %scan3A_169 = arith.constant 0 : i32
      scf.yield %scan3A_169 : i32
    }
    %scan3A_6 = arith.constant 80 : i32
    %mul3A_7 = arith.constant 632 : i32
    %mul3A_8 = arith.muli %arg1, %mul3A_7 : i32
    %add3A_9 = arith.constant 0 : i32
    %add3A_10 = arith.addi %mul3A_8, %add3A_9 : i32
    "tpu.region"() ({
      %run_scoped3A = tpu.sem_alloc : memref<!tpu.dma_semaphore, #tpu.memory_space<semaphore_mem>>
      %dma_start3A_113 = arith.constant 0 : i32
      %dma_start3A_114 = arith.constant 0 : i32
      %dma_start3A_115 = tpu.memref_slice %arg19[%dma_start3A_113, %dma_start3A_114] : memref<80x128xf32, #tpu.memory_space<vmem>> -> memref<80x128xf32, #tpu.memory_space<vmem>>
      %dma_start3A_116 = arith.constant 0 : i32
      %dma_start3A_117 = tpu.memref_slice %arg23[%add3A_10, %dma_start3A_116] : memref<10112x128xf32, #tpu.memory_space<vmem_shared>> -> memref<80x128xf32, #tpu.memory_space<vmem_shared>>
      %dma_start3A_118 = arith.constant 0 : i32
      %dma_start3A_119 = tpu.memref_slice %arg23[%add3A_10, %dma_start3A_118] : memref<10112x128xf32, #tpu.memory_space<vmem_shared>> -> memref<80x128xf32, #tpu.memory_space<vmem_shared>>
      %dma_start3A_120 = arith.constant 0 : i32
      %dma_start3A_121 = arith.constant 0 : i32
      %dma_start3A_122 = tpu.memref_slice %arg19[%dma_start3A_120, %dma_start3A_121] : memref<80x128xf32, #tpu.memory_space<vmem>> -> memref<80x128xf32, #tpu.memory_space<vmem>>
      tpu.enqueue_dma source(%dma_start3A_122 : memref<80x128xf32, #tpu.memory_space<vmem>>) target(%dma_start3A_119 : memref<80x128xf32, #tpu.memory_space<vmem_shared>>) target_semaphore(%run_scoped3A : memref<!tpu.dma_semaphore, #tpu.memory_space<semaphore_mem>>)
      %dma_wait3A_123 = arith.constant 0 : i32
      %dma_wait3A_124 = arith.constant 0 : i32
      %dma_wait3A_125 = tpu.memref_slice %arg19[%dma_wait3A_123, %dma_wait3A_124] : memref<80x128xf32, #tpu.memory_space<vmem>> -> memref<80x128xf32, #tpu.memory_space<vmem>>
      %dma_wait3A_126 = arith.constant 0 : i32
      %dma_wait3A_127 = tpu.memref_slice %arg23[%add3A_10, %dma_wait3A_126] : memref<10112x128xf32, #tpu.memory_space<vmem_shared>> -> memref<80x128xf32, #tpu.memory_space<vmem_shared>>
      %dma_wait3A_128 = arith.constant 0 : i32
      %dma_wait3A_129 = tpu.memref_slice %arg23[%add3A_10, %dma_wait3A_128] : memref<10112x128xf32, #tpu.memory_space<vmem_shared>> -> memref<80x128xf32, #tpu.memory_space<vmem_shared>>
      %dma_wait3A_130 = arith.constant 0 : i32
      %dma_wait3A_131 = arith.constant 0 : i32
      %dma_wait3A_132 = tpu.memref_slice %arg19[%dma_wait3A_130, %dma_wait3A_131] : memref<80x128xf32, #tpu.memory_space<vmem>> -> memref<80x128xf32, #tpu.memory_space<vmem>>
      tpu.wait_dma2 semaphore(%run_scoped3A : memref<!tpu.dma_semaphore, #tpu.memory_space<semaphore_mem>>) src(%dma_wait3A_132 : memref<80x128xf32, #tpu.memory_space<vmem>>) dst(%dma_wait3A_129 : memref<80x128xf32, #tpu.memory_space<vmem_shared>>)
      tpu.yield
    }) : () -> ()
    %mul3A_11 = arith.constant 632 : i32
    %mul3A_12 = arith.muli %arg1, %mul3A_11 : i32
    %add3A_13 = arith.constant 80 : i32
    %add3A_14 = arith.addi %mul3A_12, %add3A_13 : i32
    "tpu.region"() ({
      %run_scoped3A = tpu.sem_alloc : memref<!tpu.dma_semaphore, #tpu.memory_space<semaphore_mem>>
      %dma_start3A_113 = arith.constant 0 : i32
      %dma_start3A_114 = arith.constant 0 : i32
      %dma_start3A_115 = tpu.memref_slice %arg19[%dma_start3A_113, %dma_start3A_114] : memref<80x128xf32, #tpu.memory_space<vmem>> -> memref<80x128xf32, #tpu.memory_space<vmem>>
      %dma_start3A_116 = arith.constant 0 : i32
      %dma_start3A_117 = tpu.memref_slice %arg23[%add3A_14, %dma_start3A_116] : memref<10112x128xf32, #tpu.memory_space<vmem_shared>> -> memref<80x128xf32, #tpu.memory_space<vmem_shared>>
      %dma_start3A_118 = arith.constant 0 : i32
      %dma_start3A_119 = tpu.memref_slice %arg23[%add3A_14, %dma_start3A_118] : memref<10112x128xf32, #tpu.memory_space<vmem_shared>> -> memref<80x128xf32, #tpu.memory_space<vmem_shared>>
      %dma_start3A_120 = arith.constant 0 : i32
      %dma_start3A_121 = arith.constant 0 : i32
      %dma_start3A_122 = tpu.memref_slice %arg19[%dma_start3A_120, %dma_start3A_121] : memref<80x128xf32, #tpu.memory_space<vmem>> -> memref<80x128xf32, #tpu.memory_space<vmem>>
      tpu.enqueue_dma source(%dma_start3A_122 : memref<80x128xf32, #tpu.memory_space<vmem>>) target(%dma_start3A_119 : memref<80x128xf32, #tpu.memory_space<vmem_shared>>) target_semaphore(%run_scoped3A : memref<!tpu.dma_semaphore, #tpu.memory_space<semaphore_mem>>)
      %dma_wait3A_123 = arith.constant 0 : i32
      %dma_wait3A_124 = arith.constant 0 : i32
      %dma_wait3A_125 = tpu.memref_slice %arg19[%dma_wait3A_123, %dma_wait3A_124] : memref<80x128xf32, #tpu.memory_space<vmem>> -> memref<80x128xf32, #tpu.memory_space<vmem>>
      %dma_wait3A_126 = arith.constant 0 : i32
      %dma_wait3A_127 = tpu.memref_slice %arg23[%add3A_14, %dma_wait3A_126] : memref<10112x128xf32, #tpu.memory_space<vmem_shared>> -> memref<80x128xf32, #tpu.memory_space<vmem_shared>>
      %dma_wait3A_128 = arith.constant 0 : i32
      %dma_wait3A_129 = tpu.memref_slice %arg23[%add3A_14, %dma_wait3A_128] : memref<10112x128xf32, #tpu.memory_space<vmem_shared>> -> memref<80x128xf32, #tpu.memory_space<vmem_shared>>
      %dma_wait3A_130 = arith.constant 0 : i32
      %dma_wait3A_131 = arith.constant 0 : i32
      %dma_wait3A_132 = tpu.memref_slice %arg19[%dma_wait3A_130, %dma_wait3A_131] : memref<80x128xf32, #tpu.memory_space<vmem>> -> memref<80x128xf32, #tpu.memory_space<vmem>>
      tpu.wait_dma2 semaphore(%run_scoped3A : memref<!tpu.dma_semaphore, #tpu.memory_space<semaphore_mem>>) src(%dma_wait3A_132 : memref<80x128xf32, #tpu.memory_space<vmem>>) dst(%dma_wait3A_129 : memref<80x128xf32, #tpu.memory_space<vmem_shared>>)
      tpu.yield
    }) : () -> ()
    %mul3A_15 = arith.constant 632 : i32
    %mul3A_16 = arith.muli %arg1, %mul3A_15 : i32
    %add3A_17 = arith.constant 160 : i32
    %add3A_18 = arith.addi %mul3A_16, %add3A_17 : i32
    "tpu.region"() ({
      %run_scoped3A = tpu.sem_alloc : memref<!tpu.dma_semaphore, #tpu.memory_space<semaphore_mem>>
      %dma_start3A_113 = arith.constant 0 : i32
      %dma_start3A_114 = arith.constant 0 : i32
      %dma_start3A_115 = tpu.memref_slice %arg19[%dma_start3A_113, %dma_start3A_114] : memref<80x128xf32, #tpu.memory_space<vmem>> -> memref<80x128xf32, #tpu.memory_space<vmem>>
      %dma_start3A_116 = arith.constant 0 : i32
      %dma_start3A_117 = tpu.memref_slice %arg23[%add3A_18, %dma_start3A_116] : memref<10112x128xf32, #tpu.memory_space<vmem_shared>> -> memref<80x128xf32, #tpu.memory_space<vmem_shared>>
      %dma_start3A_118 = arith.constant 0 : i32
      %dma_start3A_119 = tpu.memref_slice %arg23[%add3A_18, %dma_start3A_118] : memref<10112x128xf32, #tpu.memory_space<vmem_shared>> -> memref<80x128xf32, #tpu.memory_space<vmem_shared>>
      %dma_start3A_120 = arith.constant 0 : i32
      %dma_start3A_121 = arith.constant 0 : i32
      %dma_start3A_122 = tpu.memref_slice %arg19[%dma_start3A_120, %dma_start3A_121] : memref<80x128xf32, #tpu.memory_space<vmem>> -> memref<80x128xf32, #tpu.memory_space<vmem>>
      tpu.enqueue_dma source(%dma_start3A_122 : memref<80x128xf32, #tpu.memory_space<vmem>>) target(%dma_start3A_119 : memref<80x128xf32, #tpu.memory_space<vmem_shared>>) target_semaphore(%run_scoped3A : memref<!tpu.dma_semaphore, #tpu.memory_space<semaphore_mem>>)
      %dma_wait3A_123 = arith.constant 0 : i32
      %dma_wait3A_124 = arith.constant 0 : i32
      %dma_wait3A_125 = tpu.memref_slice %arg19[%dma_wait3A_123, %dma_wait3A_124] : memref<80x128xf32, #tpu.memory_space<vmem>> -> memref<80x128xf32, #tpu.memory_space<vmem>>
      %dma_wait3A_126 = arith.constant 0 : i32
      %dma_wait3A_127 = tpu.memref_slice %arg23[%add3A_18, %dma_wait3A_126] : memref<10112x128xf32, #tpu.memory_space<vmem_shared>> -> memref<80x128xf32, #tpu.memory_space<vmem_shared>>
      %dma_wait3A_128 = arith.constant 0 : i32
      %dma_wait3A_129 = tpu.memref_slice %arg23[%add3A_18, %dma_wait3A_128] : memref<10112x128xf32, #tpu.memory_space<vmem_shared>> -> memref<80x128xf32, #tpu.memory_space<vmem_shared>>
      %dma_wait3A_130 = arith.constant 0 : i32
      %dma_wait3A_131 = arith.constant 0 : i32
      %dma_wait3A_132 = tpu.memref_slice %arg19[%dma_wait3A_130, %dma_wait3A_131] : memref<80x128xf32, #tpu.memory_space<vmem>> -> memref<80x128xf32, #tpu.memory_space<vmem>>
      tpu.wait_dma2 semaphore(%run_scoped3A : memref<!tpu.dma_semaphore, #tpu.memory_space<semaphore_mem>>) src(%dma_wait3A_132 : memref<80x128xf32, #tpu.memory_space<vmem>>) dst(%dma_wait3A_129 : memref<80x128xf32, #tpu.memory_space<vmem_shared>>)
      tpu.yield
    }) : () -> ()
    %mul3A_19 = arith.constant 632 : i32
    %mul3A_20 = arith.muli %arg1, %mul3A_19 : i32
    %add3A_21 = arith.constant 240 : i32
    %add3A_22 = arith.addi %mul3A_20, %add3A_21 : i32
    "tpu.region"() ({
      %run_scoped3A = tpu.sem_alloc : memref<!tpu.dma_semaphore, #tpu.memory_space<semaphore_mem>>
      %dma_start3A_113 = arith.constant 0 : i32
      %dma_start3A_114 = arith.constant 0 : i32
      %dma_start3A_115 = tpu.memref_slice %arg19[%dma_start3A_113, %dma_start3A_114] : memref<80x128xf32, #tpu.memory_space<vmem>> -> memref<80x128xf32, #tpu.memory_space<vmem>>
      %dma_start3A_116 = arith.constant 0 : i32
      %dma_start3A_117 = tpu.memref_slice %arg23[%add3A_22, %dma_start3A_116] : memref<10112x128xf32, #tpu.memory_space<vmem_shared>> -> memref<80x128xf32, #tpu.memory_space<vmem_shared>>
      %dma_start3A_118 = arith.constant 0 : i32
      %dma_start3A_119 = tpu.memref_slice %arg23[%add3A_22, %dma_start3A_118] : memref<10112x128xf32, #tpu.memory_space<vmem_shared>> -> memref<80x128xf32, #tpu.memory_space<vmem_shared>>
      %dma_start3A_120 = arith.constant 0 : i32
      %dma_start3A_121 = arith.constant 0 : i32
      %dma_start3A_122 = tpu.memref_slice %arg19[%dma_start3A_120, %dma_start3A_121] : memref<80x128xf32, #tpu.memory_space<vmem>> -> memref<80x128xf32, #tpu.memory_space<vmem>>
      tpu.enqueue_dma source(%dma_start3A_122 : memref<80x128xf32, #tpu.memory_space<vmem>>) target(%dma_start3A_119 : memref<80x128xf32, #tpu.memory_space<vmem_shared>>) target_semaphore(%run_scoped3A : memref<!tpu.dma_semaphore, #tpu.memory_space<semaphore_mem>>)
      %dma_wait3A_123 = arith.constant 0 : i32
      %dma_wait3A_124 = arith.constant 0 : i32
      %dma_wait3A_125 = tpu.memref_slice %arg19[%dma_wait3A_123, %dma_wait3A_124] : memref<80x128xf32, #tpu.memory_space<vmem>> -> memref<80x128xf32, #tpu.memory_space<vmem>>
      %dma_wait3A_126 = arith.constant 0 : i32
      %dma_wait3A_127 = tpu.memref_slice %arg23[%add3A_22, %dma_wait3A_126] : memref<10112x128xf32, #tpu.memory_space<vmem_shared>> -> memref<80x128xf32, #tpu.memory_space<vmem_shared>>
      %dma_wait3A_128 = arith.constant 0 : i32
      %dma_wait3A_129 = tpu.memref_slice %arg23[%add3A_22, %dma_wait3A_128] : memref<10112x128xf32, #tpu.memory_space<vmem_shared>> -> memref<80x128xf32, #tpu.memory_space<vmem_shared>>
      %dma_wait3A_130 = arith.constant 0 : i32
      %dma_wait3A_131 = arith.constant 0 : i32
      %dma_wait3A_132 = tpu.memref_slice %arg19[%dma_wait3A_130, %dma_wait3A_131] : memref<80x128xf32, #tpu.memory_space<vmem>> -> memref<80x128xf32, #tpu.memory_space<vmem>>
      tpu.wait_dma2 semaphore(%run_scoped3A : memref<!tpu.dma_semaphore, #tpu.memory_space<semaphore_mem>>) src(%dma_wait3A_132 : memref<80x128xf32, #tpu.memory_space<vmem>>) dst(%dma_wait3A_129 : memref<80x128xf32, #tpu.memory_space<vmem_shared>>)
      tpu.yield
    }) : () -> ()
    %mul3A_23 = arith.constant 632 : i32
    %mul3A_24 = arith.muli %arg1, %mul3A_23 : i32
    %add3A_25 = arith.constant 320 : i32
    %add3A_26 = arith.addi %mul3A_24, %add3A_25 : i32
    "tpu.region"() ({
      %run_scoped3A = tpu.sem_alloc : memref<!tpu.dma_semaphore, #tpu.memory_space<semaphore_mem>>
      %dma_start3A_113 = arith.constant 0 : i32
      %dma_start3A_114 = arith.constant 0 : i32
      %dma_start3A_115 = tpu.memref_slice %arg19[%dma_start3A_113, %dma_start3A_114] : memref<80x128xf32, #tpu.memory_space<vmem>> -> memref<80x128xf32, #tpu.memory_space<vmem>>
      %dma_start3A_116 = arith.constant 0 : i32
      %dma_start3A_117 = tpu.memref_slice %arg23[%add3A_26, %dma_start3A_116] : memref<10112x128xf32, #tpu.memory_space<vmem_shared>> -> memref<80x128xf32, #tpu.memory_space<vmem_shared>>
      %dma_start3A_118 = arith.constant 0 : i32
      %dma_start3A_119 = tpu.memref_slice %arg23[%add3A_26, %dma_start3A_118] : memref<10112x128xf32, #tpu.memory_space<vmem_shared>> -> memref<80x128xf32, #tpu.memory_space<vmem_shared>>
      %dma_start3A_120 = arith.constant 0 : i32
      %dma_start3A_121 = arith.constant 0 : i32
      %dma_start3A_122 = tpu.memref_slice %arg19[%dma_start3A_120, %dma_start3A_121] : memref<80x128xf32, #tpu.memory_space<vmem>> -> memref<80x128xf32, #tpu.memory_space<vmem>>
      tpu.enqueue_dma source(%dma_start3A_122 : memref<80x128xf32, #tpu.memory_space<vmem>>) target(%dma_start3A_119 : memref<80x128xf32, #tpu.memory_space<vmem_shared>>) target_semaphore(%run_scoped3A : memref<!tpu.dma_semaphore, #tpu.memory_space<semaphore_mem>>)
      %dma_wait3A_123 = arith.constant 0 : i32
      %dma_wait3A_124 = arith.constant 0 : i32
      %dma_wait3A_125 = tpu.memref_slice %arg19[%dma_wait3A_123, %dma_wait3A_124] : memref<80x128xf32, #tpu.memory_space<vmem>> -> memref<80x128xf32, #tpu.memory_space<vmem>>
      %dma_wait3A_126 = arith.constant 0 : i32
      %dma_wait3A_127 = tpu.memref_slice %arg23[%add3A_26, %dma_wait3A_126] : memref<10112x128xf32, #tpu.memory_space<vmem_shared>> -> memref<80x128xf32, #tpu.memory_space<vmem_shared>>
      %dma_wait3A_128 = arith.constant 0 : i32
      %dma_wait3A_129 = tpu.memref_slice %arg23[%add3A_26, %dma_wait3A_128] : memref<10112x128xf32, #tpu.memory_space<vmem_shared>> -> memref<80x128xf32, #tpu.memory_space<vmem_shared>>
      %dma_wait3A_130 = arith.constant 0 : i32
      %dma_wait3A_131 = arith.constant 0 : i32
      %dma_wait3A_132 = tpu.memref_slice %arg19[%dma_wait3A_130, %dma_wait3A_131] : memref<80x128xf32, #tpu.memory_space<vmem>> -> memref<80x128xf32, #tpu.memory_space<vmem>>
      tpu.wait_dma2 semaphore(%run_scoped3A : memref<!tpu.dma_semaphore, #tpu.memory_space<semaphore_mem>>) src(%dma_wait3A_132 : memref<80x128xf32, #tpu.memory_space<vmem>>) dst(%dma_wait3A_129 : memref<80x128xf32, #tpu.memory_space<vmem_shared>>)
      tpu.yield
    }) : () -> ()
    %mul3A_27 = arith.constant 632 : i32
    %mul3A_28 = arith.muli %arg1, %mul3A_27 : i32
    %add3A_29 = arith.constant 400 : i32
    %add3A_30 = arith.addi %mul3A_28, %add3A_29 : i32
    "tpu.region"() ({
      %run_scoped3A = tpu.sem_alloc : memref<!tpu.dma_semaphore, #tpu.memory_space<semaphore_mem>>
      %dma_start3A_113 = arith.constant 0 : i32
      %dma_start3A_114 = arith.constant 0 : i32
      %dma_start3A_115 = tpu.memref_slice %arg19[%dma_start3A_113, %dma_start3A_114] : memref<80x128xf32, #tpu.memory_space<vmem>> -> memref<80x128xf32, #tpu.memory_space<vmem>>
      %dma_start3A_116 = arith.constant 0 : i32
      %dma_start3A_117 = tpu.memref_slice %arg23[%add3A_30, %dma_start3A_116] : memref<10112x128xf32, #tpu.memory_space<vmem_shared>> -> memref<80x128xf32, #tpu.memory_space<vmem_shared>>
      %dma_start3A_118 = arith.constant 0 : i32
      %dma_start3A_119 = tpu.memref_slice %arg23[%add3A_30, %dma_start3A_118] : memref<10112x128xf32, #tpu.memory_space<vmem_shared>> -> memref<80x128xf32, #tpu.memory_space<vmem_shared>>
      %dma_start3A_120 = arith.constant 0 : i32
      %dma_start3A_121 = arith.constant 0 : i32
      %dma_start3A_122 = tpu.memref_slice %arg19[%dma_start3A_120, %dma_start3A_121] : memref<80x128xf32, #tpu.memory_space<vmem>> -> memref<80x128xf32, #tpu.memory_space<vmem>>
      tpu.enqueue_dma source(%dma_start3A_122 : memref<80x128xf32, #tpu.memory_space<vmem>>) target(%dma_start3A_119 : memref<80x128xf32, #tpu.memory_space<vmem_shared>>) target_semaphore(%run_scoped3A : memref<!tpu.dma_semaphore, #tpu.memory_space<semaphore_mem>>)
      %dma_wait3A_123 = arith.constant 0 : i32
      %dma_wait3A_124 = arith.constant 0 : i32
      %dma_wait3A_125 = tpu.memref_slice %arg19[%dma_wait3A_123, %dma_wait3A_124] : memref<80x128xf32, #tpu.memory_space<vmem>> -> memref<80x128xf32, #tpu.memory_space<vmem>>
      %dma_wait3A_126 = arith.constant 0 : i32
      %dma_wait3A_127 = tpu.memref_slice %arg23[%add3A_30, %dma_wait3A_126] : memref<10112x128xf32, #tpu.memory_space<vmem_shared>> -> memref<80x128xf32, #tpu.memory_space<vmem_shared>>
      %dma_wait3A_128 = arith.constant 0 : i32
      %dma_wait3A_129 = tpu.memref_slice %arg23[%add3A_30, %dma_wait3A_128] : memref<10112x128xf32, #tpu.memory_space<vmem_shared>> -> memref<80x128xf32, #tpu.memory_space<vmem_shared>>
      %dma_wait3A_130 = arith.constant 0 : i32
      %dma_wait3A_131 = arith.constant 0 : i32
      %dma_wait3A_132 = tpu.memref_slice %arg19[%dma_wait3A_130, %dma_wait3A_131] : memref<80x128xf32, #tpu.memory_space<vmem>> -> memref<80x128xf32, #tpu.memory_space<vmem>>
      tpu.wait_dma2 semaphore(%run_scoped3A : memref<!tpu.dma_semaphore, #tpu.memory_space<semaphore_mem>>) src(%dma_wait3A_132 : memref<80x128xf32, #tpu.memory_space<vmem>>) dst(%dma_wait3A_129 : memref<80x128xf32, #tpu.memory_space<vmem_shared>>)
      tpu.yield
    }) : () -> ()
    %mul3A_31 = arith.constant 632 : i32
    %mul3A_32 = arith.muli %arg1, %mul3A_31 : i32
    %add3A_33 = arith.constant 480 : i32
    %add3A_34 = arith.addi %mul3A_32, %add3A_33 : i32
    "tpu.region"() ({
      %run_scoped3A = tpu.sem_alloc : memref<!tpu.dma_semaphore, #tpu.memory_space<semaphore_mem>>
      %dma_start3A_113 = arith.constant 0 : i32
      %dma_start3A_114 = arith.constant 0 : i32
      %dma_start3A_115 = tpu.memref_slice %arg19[%dma_start3A_113, %dma_start3A_114] : memref<80x128xf32, #tpu.memory_space<vmem>> -> memref<80x128xf32, #tpu.memory_space<vmem>>
      %dma_start3A_116 = arith.constant 0 : i32
      %dma_start3A_117 = tpu.memref_slice %arg23[%add3A_34, %dma_start3A_116] : memref<10112x128xf32, #tpu.memory_space<vmem_shared>> -> memref<80x128xf32, #tpu.memory_space<vmem_shared>>
      %dma_start3A_118 = arith.constant 0 : i32
      %dma_start3A_119 = tpu.memref_slice %arg23[%add3A_34, %dma_start3A_118] : memref<10112x128xf32, #tpu.memory_space<vmem_shared>> -> memref<80x128xf32, #tpu.memory_space<vmem_shared>>
      %dma_start3A_120 = arith.constant 0 : i32
      %dma_start3A_121 = arith.constant 0 : i32
      %dma_start3A_122 = tpu.memref_slice %arg19[%dma_start3A_120, %dma_start3A_121] : memref<80x128xf32, #tpu.memory_space<vmem>> -> memref<80x128xf32, #tpu.memory_space<vmem>>
      tpu.enqueue_dma source(%dma_start3A_122 : memref<80x128xf32, #tpu.memory_space<vmem>>) target(%dma_start3A_119 : memref<80x128xf32, #tpu.memory_space<vmem_shared>>) target_semaphore(%run_scoped3A : memref<!tpu.dma_semaphore, #tpu.memory_space<semaphore_mem>>)
      %dma_wait3A_123 = arith.constant 0 : i32
      %dma_wait3A_124 = arith.constant 0 : i32
      %dma_wait3A_125 = tpu.memref_slice %arg19[%dma_wait3A_123, %dma_wait3A_124] : memref<80x128xf32, #tpu.memory_space<vmem>> -> memref<80x128xf32, #tpu.memory_space<vmem>>
      %dma_wait3A_126 = arith.constant 0 : i32
      %dma_wait3A_127 = tpu.memref_slice %arg23[%add3A_34, %dma_wait3A_126] : memref<10112x128xf32, #tpu.memory_space<vmem_shared>> -> memref<80x128xf32, #tpu.memory_space<vmem_shared>>
      %dma_wait3A_128 = arith.constant 0 : i32
      %dma_wait3A_129 = tpu.memref_slice %arg23[%add3A_34, %dma_wait3A_128] : memref<10112x128xf32, #tpu.memory_space<vmem_shared>> -> memref<80x128xf32, #tpu.memory_space<vmem_shared>>
      %dma_wait3A_130 = arith.constant 0 : i32
      %dma_wait3A_131 = arith.constant 0 : i32
      %dma_wait3A_132 = tpu.memref_slice %arg19[%dma_wait3A_130, %dma_wait3A_131] : memref<80x128xf32, #tpu.memory_space<vmem>> -> memref<80x128xf32, #tpu.memory_space<vmem>>
      tpu.wait_dma2 semaphore(%run_scoped3A : memref<!tpu.dma_semaphore, #tpu.memory_space<semaphore_mem>>) src(%dma_wait3A_132 : memref<80x128xf32, #tpu.memory_space<vmem>>) dst(%dma_wait3A_129 : memref<80x128xf32, #tpu.memory_space<vmem_shared>>)
      tpu.yield
    }) : () -> ()
    %mul3A_35 = arith.constant 632 : i32
    %mul3A_36 = arith.muli %arg1, %mul3A_35 : i32
    %add3A_37 = arith.constant 560 : i32
    %add3A_38 = arith.addi %mul3A_36, %add3A_37 : i32
    "tpu.region"() ({
      %run_scoped3A = tpu.sem_alloc : memref<!tpu.dma_semaphore, #tpu.memory_space<semaphore_mem>>
      %dma_start3A_113 = arith.constant 0 : i32
      %dma_start3A_114 = arith.constant 0 : i32
      %dma_start3A_115 = tpu.memref_slice %arg19[%dma_start3A_113, %dma_start3A_114] : memref<80x128xf32, #tpu.memory_space<vmem>> -> memref<72x128xf32, #tpu.memory_space<vmem>>
      %dma_start3A_116 = arith.constant 0 : i32
      %dma_start3A_117 = tpu.memref_slice %arg23[%add3A_38, %dma_start3A_116] : memref<10112x128xf32, #tpu.memory_space<vmem_shared>> -> memref<72x128xf32, #tpu.memory_space<vmem_shared>>
      %dma_start3A_118 = arith.constant 0 : i32
      %dma_start3A_119 = tpu.memref_slice %arg23[%add3A_38, %dma_start3A_118] : memref<10112x128xf32, #tpu.memory_space<vmem_shared>> -> memref<72x128xf32, #tpu.memory_space<vmem_shared>>
      %dma_start3A_120 = arith.constant 0 : i32
      %dma_start3A_121 = arith.constant 0 : i32
      %dma_start3A_122 = tpu.memref_slice %arg19[%dma_start3A_120, %dma_start3A_121] : memref<80x128xf32, #tpu.memory_space<vmem>> -> memref<72x128xf32, #tpu.memory_space<vmem>>
      tpu.enqueue_dma source(%dma_start3A_122 : memref<72x128xf32, #tpu.memory_space<vmem>>) target(%dma_start3A_119 : memref<72x128xf32, #tpu.memory_space<vmem_shared>>) target_semaphore(%run_scoped3A : memref<!tpu.dma_semaphore, #tpu.memory_space<semaphore_mem>>)
      %dma_wait3A_123 = arith.constant 0 : i32
      %dma_wait3A_124 = arith.constant 0 : i32
      %dma_wait3A_125 = tpu.memref_slice %arg19[%dma_wait3A_123, %dma_wait3A_124] : memref<80x128xf32, #tpu.memory_space<vmem>> -> memref<72x128xf32, #tpu.memory_space<vmem>>
      %dma_wait3A_126 = arith.constant 0 : i32
      %dma_wait3A_127 = tpu.memref_slice %arg23[%add3A_38, %dma_wait3A_126] : memref<10112x128xf32, #tpu.memory_space<vmem_shared>> -> memref<72x128xf32, #tpu.memory_space<vmem_shared>>
      %dma_wait3A_128 = arith.constant 0 : i32
      %dma_wait3A_129 = tpu.memref_slice %arg23[%add3A_38, %dma_wait3A_128] : memref<10112x128xf32, #tpu.memory_space<vmem_shared>> -> memref<72x128xf32, #tpu.memory_space<vmem_shared>>
      %dma_wait3A_130 = arith.constant 0 : i32
      %dma_wait3A_131 = arith.constant 0 : i32
      %dma_wait3A_132 = tpu.memref_slice %arg19[%dma_wait3A_130, %dma_wait3A_131] : memref<80x128xf32, #tpu.memory_space<vmem>> -> memref<72x128xf32, #tpu.memory_space<vmem>>
      tpu.wait_dma2 semaphore(%run_scoped3A : memref<!tpu.dma_semaphore, #tpu.memory_space<semaphore_mem>>) src(%dma_wait3A_132 : memref<72x128xf32, #tpu.memory_space<vmem>>) dst(%dma_wait3A_129 : memref<72x128xf32, #tpu.memory_space<vmem_shared>>)
      tpu.yield
    }) : () -> ()
    %barrier3A = arith.constant 0 : index
    tpu.barrier barrier_id(%barrier3A)
    %add3A_39 = arith.constant 0 : i32
    %add3A_40 = arith.addi %add3A, %add3A_39 : i32
    %mul3A_41 = arith.constant 80 : i32
    %mul3A_42 = arith.muli %add3A_40, %mul3A_41 : i32
    "tpu.region"() ({
      %run_scoped3A = tpu.sem_alloc : memref<!tpu.dma_semaphore, #tpu.memory_space<semaphore_mem>>
      %dma_start3A_113 = tpu.memref_slice %arg3[%mul3A_42] : memref<320000xi32, #tpu.memory_space<hbm>> -> memref<80xi32, #tpu.memory_space<hbm>>
      %dma_start3A_114 = tpu.memref_slice %arg3[%mul3A_42] : memref<320000xi32, #tpu.memory_space<hbm>> -> memref<80xi32, #tpu.memory_space<hbm>>
      tpu.enqueue_dma source(%dma_start3A_114 : memref<80xi32, #tpu.memory_space<hbm>>) target(%arg7 : memref<80xi32, #tpu.memory_space<vmem>>) target_semaphore(%run_scoped3A : memref<!tpu.dma_semaphore, #tpu.memory_space<semaphore_mem>>)
      %dma_wait3A_115 = tpu.memref_slice %arg3[%mul3A_42] : memref<320000xi32, #tpu.memory_space<hbm>> -> memref<80xi32, #tpu.memory_space<hbm>>
      %dma_wait3A_116 = tpu.memref_slice %arg3[%mul3A_42] : memref<320000xi32, #tpu.memory_space<hbm>> -> memref<80xi32, #tpu.memory_space<hbm>>
      tpu.wait_dma2 semaphore(%run_scoped3A : memref<!tpu.dma_semaphore, #tpu.memory_space<semaphore_mem>>) src(%dma_wait3A_116 : memref<80xi32, #tpu.memory_space<hbm>>) dst(%arg7 : memref<80xi32, #tpu.memory_space<vmem>>)
      tpu.yield
    }) : () -> ()
    "tpu.region"() ({
      %run_scoped3A = tpu.sem_alloc : memref<!tpu.dma_semaphore, #tpu.memory_space<semaphore_mem>>
      %dma_start3A_113 = tpu.memref_slice %arg4[%mul3A_42] : memref<320000xi32, #tpu.memory_space<hbm>> -> memref<80xi32, #tpu.memory_space<hbm>>
      %dma_start3A_114 = tpu.memref_slice %arg4[%mul3A_42] : memref<320000xi32, #tpu.memory_space<hbm>> -> memref<80xi32, #tpu.memory_space<hbm>>
      tpu.enqueue_dma source(%dma_start3A_114 : memref<80xi32, #tpu.memory_space<hbm>>) target(%arg11 : memref<80xi32, #tpu.memory_space<vmem>>) target_semaphore(%run_scoped3A : memref<!tpu.dma_semaphore, #tpu.memory_space<semaphore_mem>>)
      %dma_wait3A_115 = tpu.memref_slice %arg4[%mul3A_42] : memref<320000xi32, #tpu.memory_space<hbm>> -> memref<80xi32, #tpu.memory_space<hbm>>
      %dma_wait3A_116 = tpu.memref_slice %arg4[%mul3A_42] : memref<320000xi32, #tpu.memory_space<hbm>> -> memref<80xi32, #tpu.memory_space<hbm>>
      tpu.wait_dma2 semaphore(%run_scoped3A : memref<!tpu.dma_semaphore, #tpu.memory_space<semaphore_mem>>) src(%dma_wait3A_116 : memref<80xi32, #tpu.memory_space<hbm>>) dst(%arg11 : memref<80xi32, #tpu.memory_space<vmem>>)
      tpu.yield
    }) : () -> ()
    "tpu.region"() ({
      %run_scoped3A = tpu.sem_alloc : memref<!tpu.dma_semaphore, #tpu.memory_space<semaphore_mem>>
      %dma_start3A_113 = tpu.memref_slice %arg5[%mul3A_42] : memref<327680xf32, #tpu.memory_space<hbm>> -> memref<80xf32, #tpu.memory_space<hbm>>
      %dma_start3A_114 = tpu.memref_slice %arg5[%mul3A_42] : memref<327680xf32, #tpu.memory_space<hbm>> -> memref<80xf32, #tpu.memory_space<hbm>>
      tpu.enqueue_dma source(%dma_start3A_114 : memref<80xf32, #tpu.memory_space<hbm>>) target(%arg15 : memref<80xf32, #tpu.memory_space<vmem>>) target_semaphore(%run_scoped3A : memref<!tpu.dma_semaphore, #tpu.memory_space<semaphore_mem>>)
      %dma_wait3A_115 = tpu.memref_slice %arg5[%mul3A_42] : memref<327680xf32, #tpu.memory_space<hbm>> -> memref<80xf32, #tpu.memory_space<hbm>>
      %dma_wait3A_116 = tpu.memref_slice %arg5[%mul3A_42] : memref<327680xf32, #tpu.memory_space<hbm>> -> memref<80xf32, #tpu.memory_space<hbm>>
      tpu.wait_dma2 semaphore(%run_scoped3A : memref<!tpu.dma_semaphore, #tpu.memory_space<semaphore_mem>>) src(%dma_wait3A_116 : memref<80xf32, #tpu.memory_space<hbm>>) dst(%arg15 : memref<80xf32, #tpu.memory_space<vmem>>)
      tpu.yield
    }) : () -> ()
    %dma_start3A = arith.constant 0 : i32
    %dma_start3A_43 = arith.constant 0 : i32
    %dma_start3A_44 = tpu.memref_slice %arg2[%dma_start3A, %dma_start3A_43] : memref<10112x128xf32, #tpu.memory_space<hbm>> -> memref<10112x128xf32, #tpu.memory_space<hbm>>
    tpu.enqueue_indirect_dma source(%dma_start3A_44 : memref<10112x128xf32, #tpu.memory_space<hbm>>) target(%arg19 : memref<80x128xf32, #tpu.memory_space<vmem>>) offsets(%arg7 : memref<80xi32, #tpu.memory_space<vmem>>) semaphore(%arg24 : memref<!tpu.dma_semaphore, #tpu.memory_space<semaphore_mem>>)
    %add3A_45 = arith.constant 32 : i32
    %add3A_46 = arith.addi %add3A, %add3A_45 : i32
    %mul3A_47 = arith.constant 80 : i32
    %mul3A_48 = arith.muli %add3A_46, %mul3A_47 : i32
    "tpu.region"() ({
      %run_scoped3A = tpu.sem_alloc : memref<!tpu.dma_semaphore, #tpu.memory_space<semaphore_mem>>
      %dma_start3A_113 = tpu.memref_slice %arg3[%mul3A_48] : memref<320000xi32, #tpu.memory_space<hbm>> -> memref<80xi32, #tpu.memory_space<hbm>>
      %dma_start3A_114 = tpu.memref_slice %arg3[%mul3A_48] : memref<320000xi32, #tpu.memory_space<hbm>> -> memref<80xi32, #tpu.memory_space<hbm>>
      tpu.enqueue_dma source(%dma_start3A_114 : memref<80xi32, #tpu.memory_space<hbm>>) target(%arg8 : memref<80xi32, #tpu.memory_space<vmem>>) target_semaphore(%run_scoped3A : memref<!tpu.dma_semaphore, #tpu.memory_space<semaphore_mem>>)
      %dma_wait3A_115 = tpu.memref_slice %arg3[%mul3A_48] : memref<320000xi32, #tpu.memory_space<hbm>> -> memref<80xi32, #tpu.memory_space<hbm>>
      %dma_wait3A_116 = tpu.memref_slice %arg3[%mul3A_48] : memref<320000xi32, #tpu.memory_space<hbm>> -> memref<80xi32, #tpu.memory_space<hbm>>
      tpu.wait_dma2 semaphore(%run_scoped3A : memref<!tpu.dma_semaphore, #tpu.memory_space<semaphore_mem>>) src(%dma_wait3A_116 : memref<80xi32, #tpu.memory_space<hbm>>) dst(%arg8 : memref<80xi32, #tpu.memory_space<vmem>>)
      tpu.yield
    }) : () -> ()
    "tpu.region"() ({
      %run_scoped3A = tpu.sem_alloc : memref<!tpu.dma_semaphore, #tpu.memory_space<semaphore_mem>>
      %dma_start3A_113 = tpu.memref_slice %arg4[%mul3A_48] : memref<320000xi32, #tpu.memory_space<hbm>> -> memref<80xi32, #tpu.memory_space<hbm>>
      %dma_start3A_114 = tpu.memref_slice %arg4[%mul3A_48] : memref<320000xi32, #tpu.memory_space<hbm>> -> memref<80xi32, #tpu.memory_space<hbm>>
      tpu.enqueue_dma source(%dma_start3A_114 : memref<80xi32, #tpu.memory_space<hbm>>) target(%arg12 : memref<80xi32, #tpu.memory_space<vmem>>) target_semaphore(%run_scoped3A : memref<!tpu.dma_semaphore, #tpu.memory_space<semaphore_mem>>)
      %dma_wait3A_115 = tpu.memref_slice %arg4[%mul3A_48] : memref<320000xi32, #tpu.memory_space<hbm>> -> memref<80xi32, #tpu.memory_space<hbm>>
      %dma_wait3A_116 = tpu.memref_slice %arg4[%mul3A_48] : memref<320000xi32, #tpu.memory_space<hbm>> -> memref<80xi32, #tpu.memory_space<hbm>>
      tpu.wait_dma2 semaphore(%run_scoped3A : memref<!tpu.dma_semaphore, #tpu.memory_space<semaphore_mem>>) src(%dma_wait3A_116 : memref<80xi32, #tpu.memory_space<hbm>>) dst(%arg12 : memref<80xi32, #tpu.memory_space<vmem>>)
      tpu.yield
    }) : () -> ()
    "tpu.region"() ({
      %run_scoped3A = tpu.sem_alloc : memref<!tpu.dma_semaphore, #tpu.memory_space<semaphore_mem>>
      %dma_start3A_113 = tpu.memref_slice %arg5[%mul3A_48] : memref<327680xf32, #tpu.memory_space<hbm>> -> memref<80xf32, #tpu.memory_space<hbm>>
      %dma_start3A_114 = tpu.memref_slice %arg5[%mul3A_48] : memref<327680xf32, #tpu.memory_space<hbm>> -> memref<80xf32, #tpu.memory_space<hbm>>
      tpu.enqueue_dma source(%dma_start3A_114 : memref<80xf32, #tpu.memory_space<hbm>>) target(%arg16 : memref<80xf32, #tpu.memory_space<vmem>>) target_semaphore(%run_scoped3A : memref<!tpu.dma_semaphore, #tpu.memory_space<semaphore_mem>>)
      %dma_wait3A_115 = tpu.memref_slice %arg5[%mul3A_48] : memref<327680xf32, #tpu.memory_space<hbm>> -> memref<80xf32, #tpu.memory_space<hbm>>
      %dma_wait3A_116 = tpu.memref_slice %arg5[%mul3A_48] : memref<327680xf32, #tpu.memory_space<hbm>> -> memref<80xf32, #tpu.memory_space<hbm>>
      tpu.wait_dma2 semaphore(%run_scoped3A : memref<!tpu.dma_semaphore, #tpu.memory_space<semaphore_mem>>) src(%dma_wait3A_116 : memref<80xf32, #tpu.memory_space<hbm>>) dst(%arg16 : memref<80xf32, #tpu.memory_space<vmem>>)
      tpu.yield
    }) : () -> ()
    %dma_start3A_49 = arith.constant 0 : i32
    %dma_start3A_50 = arith.constant 0 : i32
    %dma_start3A_51 = tpu.memref_slice %arg2[%dma_start3A_49, %dma_start3A_50] : memref<10112x128xf32, #tpu.memory_space<hbm>> -> memref<10112x128xf32, #tpu.memory_space<hbm>>
    tpu.enqueue_indirect_dma source(%dma_start3A_51 : memref<10112x128xf32, #tpu.memory_space<hbm>>) target(%arg20 : memref<80x128xf32, #tpu.memory_space<vmem>>) offsets(%arg8 : memref<80xi32, #tpu.memory_space<vmem>>) semaphore(%arg25 : memref<!tpu.dma_semaphore, #tpu.memory_space<semaphore_mem>>)
    %scan3A_52 = arith.constant 0 : i32
    %scan3A_53 = arith.constant 0 : i32
    %scan3A_54 = arith.constant 31 : i32
    %scan3A_55 = arith.addi %scan3A_53, %scan3A_54 : i32
    %scan3A_56 = arith.constant 1 : i32
    %scan3A_57 = scf.for %scan3A_113 = %scan3A_53 to %scan3A_55 step %scan3A_56 iter_args(%scan3A_114 = %scan3A_52) -> (i32)  : i32 {
      %mul3A_115 = arith.constant 4 : i32
      %mul3A_116 = arith.muli %scan3A_113, %mul3A_115 : i32
      %add3A_117 = arith.constant 0 : i32
      %add3A_118 = arith.addi %mul3A_116, %add3A_117 : i32
      %ge3A = arith.constant 2 : i32
      %ge3A_119 = arith.cmpi sge, %add3A_118, %ge3A : i32
      %convert_element_type3A = arith.extui %ge3A_119 : i1 to i32
      %cond3A = arith.constant 0 : i32
      %cond3A_120 = arith.cmpi ne, %convert_element_type3A, %cond3A : i32
      scf.if %cond3A_120 {
        %dma_wait3A_228 = arith.constant 0 : i32
        %dma_wait3A_229 = arith.constant 0 : i32
        %dma_wait3A_230 = tpu.memref_slice %arg23[%dma_wait3A_228, %dma_wait3A_229] : memref<10112x128xf32, #tpu.memory_space<vmem_shared>> -> memref<10112x128xf32, #tpu.memory_space<vmem_shared>>
        tpu.wait_indirect_dma semaphore(%arg30 : memref<!tpu.dma_semaphore, #tpu.memory_space<semaphore_mem>>) src(%arg21 : memref<80x128xf32, #tpu.memory_space<vmem>>) dst(%dma_wait3A_230 : memref<10112x128xf32, #tpu.memory_space<vmem_shared>>)
      } else {
      }
      %add3A_121 = arith.constant 2 : i32
      %add3A_122 = arith.addi %add3A_118, %add3A_121 : i32
      %lt3A = arith.constant 125 : i32
      %lt3A_123 = arith.cmpi slt, %add3A_122, %lt3A : i32
      %convert_element_type3A_124 = arith.extui %lt3A_123 : i1 to i32
      %cond3A_125 = arith.constant 0 : i32
      %cond3A_126 = arith.cmpi ne, %convert_element_type3A_124, %cond3A_125 : i32
      scf.if %cond3A_126 {
        %add3A_228 = arith.constant 2 : i32
        %add3A_229 = arith.addi %add3A_118, %add3A_228 : i32
        %mul3A_230 = arith.constant 32 : i32
        %mul3A_231 = arith.muli %add3A_229, %mul3A_230 : i32
        %add3A_232 = arith.addi %add3A, %mul3A_231 : i32
        %mul3A_233 = arith.constant 80 : i32
        %mul3A_234 = arith.muli %add3A_232, %mul3A_233 : i32
        "tpu.region"() ({
          %run_scoped3A = tpu.sem_alloc : memref<!tpu.dma_semaphore, #tpu.memory_space<semaphore_mem>>
          %dma_start3A_238 = tpu.memref_slice %arg3[%mul3A_234] : memref<320000xi32, #tpu.memory_space<hbm>> -> memref<80xi32, #tpu.memory_space<hbm>>
          %dma_start3A_239 = tpu.memref_slice %arg3[%mul3A_234] : memref<320000xi32, #tpu.memory_space<hbm>> -> memref<80xi32, #tpu.memory_space<hbm>>
          tpu.enqueue_dma source(%dma_start3A_239 : memref<80xi32, #tpu.memory_space<hbm>>) target(%arg9 : memref<80xi32, #tpu.memory_space<vmem>>) target_semaphore(%run_scoped3A : memref<!tpu.dma_semaphore, #tpu.memory_space<semaphore_mem>>)
          %dma_wait3A_240 = tpu.memref_slice %arg3[%mul3A_234] : memref<320000xi32, #tpu.memory_space<hbm>> -> memref<80xi32, #tpu.memory_space<hbm>>
          %dma_wait3A_241 = tpu.memref_slice %arg3[%mul3A_234] : memref<320000xi32, #tpu.memory_space<hbm>> -> memref<80xi32, #tpu.memory_space<hbm>>
          tpu.wait_dma2 semaphore(%run_scoped3A : memref<!tpu.dma_semaphore, #tpu.memory_space<semaphore_mem>>) src(%dma_wait3A_241 : memref<80xi32, #tpu.memory_space<hbm>>) dst(%arg9 : memref<80xi32, #tpu.memory_space<vmem>>)
          tpu.yield
        }) : () -> ()
        "tpu.region"() ({
          %run_scoped3A = tpu.sem_alloc : memref<!tpu.dma_semaphore, #tpu.memory_space<semaphore_mem>>
          %dma_start3A_238 = tpu.memref_slice %arg4[%mul3A_234] : memref<320000xi32, #tpu.memory_space<hbm>> -> memref<80xi32, #tpu.memory_space<hbm>>
          %dma_start3A_239 = tpu.memref_slice %arg4[%mul3A_234] : memref<320000xi32, #tpu.memory_space<hbm>> -> memref<80xi32, #tpu.memory_space<hbm>>
          tpu.enqueue_dma source(%dma_start3A_239 : memref<80xi32, #tpu.memory_space<hbm>>) target(%arg13 : memref<80xi32, #tpu.memory_space<vmem>>) target_semaphore(%run_scoped3A : memref<!tpu.dma_semaphore, #tpu.memory_space<semaphore_mem>>)
          %dma_wait3A_240 = tpu.memref_slice %arg4[%mul3A_234] : memref<320000xi32, #tpu.memory_space<hbm>> -> memref<80xi32, #tpu.memory_space<hbm>>
          %dma_wait3A_241 = tpu.memref_slice %arg4[%mul3A_234] : memref<320000xi32, #tpu.memory_space<hbm>> -> memref<80xi32, #tpu.memory_space<hbm>>
          tpu.wait_dma2 semaphore(%run_scoped3A : memref<!tpu.dma_semaphore, #tpu.memory_space<semaphore_mem>>) src(%dma_wait3A_241 : memref<80xi32, #tpu.memory_space<hbm>>) dst(%arg13 : memref<80xi32, #tpu.memory_space<vmem>>)
          tpu.yield
        }) : () -> ()
        "tpu.region"() ({
          %run_scoped3A = tpu.sem_alloc : memref<!tpu.dma_semaphore, #tpu.memory_space<semaphore_mem>>
          %dma_start3A_238 = tpu.memref_slice %arg5[%mul3A_234] : memref<327680xf32, #tpu.memory_space<hbm>> -> memref<80xf32, #tpu.memory_space<hbm>>
          %dma_start3A_239 = tpu.memref_slice %arg5[%mul3A_234] : memref<327680xf32, #tpu.memory_space<hbm>> -> memref<80xf32, #tpu.memory_space<hbm>>
          tpu.enqueue_dma source(%dma_start3A_239 : memref<80xf32, #tpu.memory_space<hbm>>) target(%arg17 : memref<80xf32, #tpu.memory_space<vmem>>) target_semaphore(%run_scoped3A : memref<!tpu.dma_semaphore, #tpu.memory_space<semaphore_mem>>)
          %dma_wait3A_240 = tpu.memref_slice %arg5[%mul3A_234] : memref<327680xf32, #tpu.memory_space<hbm>> -> memref<80xf32, #tpu.memory_space<hbm>>
          %dma_wait3A_241 = tpu.memref_slice %arg5[%mul3A_234] : memref<327680xf32, #tpu.memory_space<hbm>> -> memref<80xf32, #tpu.memory_space<hbm>>
          tpu.wait_dma2 semaphore(%run_scoped3A : memref<!tpu.dma_semaphore, #tpu.memory_space<semaphore_mem>>) src(%dma_wait3A_241 : memref<80xf32, #tpu.memory_space<hbm>>) dst(%arg17 : memref<80xf32, #tpu.memory_space<vmem>>)
          tpu.yield
        }) : () -> ()
        %dma_start3A_235 = arith.constant 0 : i32
        %dma_start3A_236 = arith.constant 0 : i32
        %dma_start3A_237 = tpu.memref_slice %arg2[%dma_start3A_235, %dma_start3A_236] : memref<10112x128xf32, #tpu.memory_space<hbm>> -> memref<10112x128xf32, #tpu.memory_space<hbm>>
        tpu.enqueue_indirect_dma source(%dma_start3A_237 : memref<10112x128xf32, #tpu.memory_space<hbm>>) target(%arg21 : memref<80x128xf32, #tpu.memory_space<vmem>>) offsets(%arg9 : memref<80xi32, #tpu.memory_space<vmem>>) semaphore(%arg26 : memref<!tpu.dma_semaphore, #tpu.memory_space<semaphore_mem>>)
      } else {
      }
      %dma_wait3A_127 = arith.constant 0 : i32
      %dma_wait3A_128 = arith.constant 0 : i32
      %dma_wait3A_129 = tpu.memref_slice %arg2[%dma_wait3A_127, %dma_wait3A_128] : memref<10112x128xf32, #tpu.memory_space<hbm>> -> memref<10112x128xf32, #tpu.memory_space<hbm>>
      tpu.wait_indirect_dma semaphore(%arg24 : memref<!tpu.dma_semaphore, #tpu.memory_space<semaphore_mem>>) src(%dma_wait3A_129 : memref<10112x128xf32, #tpu.memory_space<hbm>>) dst(%arg19 : memref<80x128xf32, #tpu.memory_space<vmem>>)
      %scan3A_130 = arith.constant 0 : i32
      %scan3A_131 = arith.constant 0 : i32
      %scan3A_132 = arith.constant 80 : i32
      %scan3A_133 = arith.addi %scan3A_131, %scan3A_132 : i32
      %scan3A_134 = arith.constant 1 : i32
      %scan3A_135 = scf.for %scan3A_228 = %scan3A_131 to %scan3A_133 step %scan3A_134 iter_args(%scan3A_229 = %scan3A_130) -> (i32)  : i32 {
        %jit3A = arith.constant 16 : i32
        %div3A = arith.divsi %scan3A_228, %jit3A : i32
        %sign3A = arith.constant 0 : i32
        %sign3A_230 = arith.cmpi sgt, %scan3A_228, %sign3A : i32
        %sign3A_231 = arith.extui %sign3A_230 : i1 to i32
        %sign3A_232 = arith.constant 0 : i32
        %sign3A_233 = arith.cmpi slt, %scan3A_228, %sign3A_232 : i32
        %sign3A_234 = arith.extui %sign3A_233 : i1 to i32
        %sign3A_235 = arith.subi %sign3A_231, %sign3A_234 : i32
        %sign3A_236 = arith.constant 0 : i32
        %sign3A_237 = arith.cmpi sgt, %jit3A, %sign3A_236 : i32
        %sign3A_238 = arith.extui %sign3A_237 : i1 to i32
        %sign3A_239 = arith.constant 0 : i32
        %sign3A_240 = arith.cmpi slt, %jit3A, %sign3A_239 : i32
        %sign3A_241 = arith.extui %sign3A_240 : i1 to i32
        %sign3A_242 = arith.subi %sign3A_238, %sign3A_241 : i32
        %ne3A = arith.cmpi ne, %sign3A_235, %sign3A_242 : i32
        %rem3A = arith.remsi %scan3A_228, %jit3A : i32
        %ne3A_243 = arith.constant 0 : i32
        %ne3A_244 = arith.cmpi ne, %rem3A, %ne3A_243 : i32
        %and3A = arith.andi %ne3A, %ne3A_244 : i1
        %sub3A = arith.constant 1 : i32
        %sub3A_245 = arith.subi %div3A, %sub3A : i32
        %select_n3A = arith.select %and3A, %sub3A_245, %div3A : i32
        %mul3A_246 = arith.constant 16 : i32
        %mul3A_247 = arith.muli %select_n3A, %mul3A_246 : i32
        %get3A = arith.index_cast %mul3A_247 : i32 to index
        %get3A_248 = tpu.vector_load %arg15[%get3A] {strides = array<i32>} : memref<80xf32, #tpu.memory_space<vmem>>, vector<16xf32>,
        %get3A_249 = vector.shape_cast %get3A_248 : vector<16xf32> to vector<16xf32>
        %jit3A_250 = arith.constant 16 : i32
        %eq3A = arith.constant 0 : i32
        %eq3A_251 = arith.cmpi eq, %jit3A_250, %eq3A : i32
        %jit3A_252 = arith.constant 1 : i32
        %select_n3A_253 = arith.select %eq3A_251, %jit3A_252, %jit3A_250 : i32
        %rem3A_254 = arith.remsi %scan3A_228, %select_n3A_253 : i32
        %ne3A_255 = arith.constant 0 : i32
        %ne3A_256 = arith.cmpi ne, %rem3A_254, %ne3A_255 : i32
        %lt3A_257 = arith.constant 0 : i32
        %lt3A_258 = arith.cmpi slt, %rem3A_254, %lt3A_257 : i32
        %lt3A_259 = arith.constant 0 : i32
        %lt3A_260 = arith.cmpi slt, %select_n3A_253, %lt3A_259 : i32
        %ne3A_261 = arith.xori %lt3A_258, %lt3A_260 : i1
        %and3A_262 = arith.andi %ne3A_261, %ne3A_256 : i1
        %add3A_263 = arith.addi %rem3A_254, %select_n3A_253 : i32
        %select_n3A_264 = arith.select %and3A_262, %add3A_263, %rem3A_254 : i32
        %broadcast_in_dim3A = vector.broadcast %select_n3A_264 : i32 to vector<16xi32>
        %broadcast_in_dim3A_265 = vector.shape_cast %broadcast_in_dim3A : vector<16xi32> to vector<16x1xi32>
        %gather3A = vector.shape_cast %broadcast_in_dim3A_265 : vector<16x1xi32> to vector<16xi32>
        %gather3A_266 = tpu.dynamic_gather %get3A_249[%gather3A] in [0] : vector<16xf32>, vector<16xi32> -> vector<16xf32>
        %get3A_267 = arith.index_cast %scan3A_228 : i32 to index
        %get3A_268 = arith.constant 0 : index
        %get3A_269 = tpu.vector_load %arg19[%get3A_267, %get3A_268] {strides = array<i32>} : memref<80x128xf32, #tpu.memory_space<vmem>>, vector<1x16xf32>,
        %get3A_270 = vector.shape_cast %get3A_269 : vector<1x16xf32> to vector<16xf32>
        %mul3A_271 = arith.mulf %get3A_270, %gather3A_266 : vector<16xf32>
        %swap3A = arith.index_cast %scan3A_228 : i32 to index
        %swap3A_272 = arith.constant 0 : index
        %swap3A_273 = tpu.vector_load %arg19[%swap3A, %swap3A_272] {strides = array<i32>} : memref<80x128xf32, #tpu.memory_space<vmem>>, vector<1x16xf32>,
        %swap3A_274 = vector.shape_cast %swap3A_273 : vector<1x16xf32> to vector<16xf32>
        %swap3A_275 = vector.shape_cast %mul3A_271 : vector<16xf32> to vector<1x16xf32>
        tpu.vector_store %arg19[%swap3A, %swap3A_272], %swap3A_275 {strides = array<i32>} : memref<80x128xf32, #tpu.memory_space<vmem>>, vector<1x16xf32>,
        %get3A_276 = arith.index_cast %scan3A_228 : i32 to index
        %get3A_277 = arith.constant 16 : index
        %get3A_278 = tpu.vector_load %arg19[%get3A_276, %get3A_277] {strides = array<i32>} : memref<80x128xf32, #tpu.memory_space<vmem>>, vector<1x16xf32>,
        %get3A_279 = vector.shape_cast %get3A_278 : vector<1x16xf32> to vector<16xf32>
        %mul3A_280 = arith.mulf %get3A_279, %gather3A_266 : vector<16xf32>
        %swap3A_281 = arith.index_cast %scan3A_228 : i32 to index
        %swap3A_282 = arith.constant 16 : index
        %swap3A_283 = tpu.vector_load %arg19[%swap3A_281, %swap3A_282] {strides = array<i32>} : memref<80x128xf32, #tpu.memory_space<vmem>>, vector<1x16xf32>,
        %swap3A_284 = vector.shape_cast %swap3A_283 : vector<1x16xf32> to vector<16xf32>
        %swap3A_285 = vector.shape_cast %mul3A_280 : vector<16xf32> to vector<1x16xf32>
        tpu.vector_store %arg19[%swap3A_281, %swap3A_282], %swap3A_285 {strides = array<i32>} : memref<80x128xf32, #tpu.memory_space<vmem>>, vector<1x16xf32>,
        %get3A_286 = arith.index_cast %scan3A_228 : i32 to index
        %get3A_287 = arith.constant 32 : index
        %get3A_288 = tpu.vector_load %arg19[%get3A_286, %get3A_287] {strides = array<i32>} : memref<80x128xf32, #tpu.memory_space<vmem>>, vector<1x16xf32>,
        %get3A_289 = vector.shape_cast %get3A_288 : vector<1x16xf32> to vector<16xf32>
        %mul3A_290 = arith.mulf %get3A_289, %gather3A_266 : vector<16xf32>
        %swap3A_291 = arith.index_cast %scan3A_228 : i32 to index
        %swap3A_292 = arith.constant 32 : index
        %swap3A_293 = tpu.vector_load %arg19[%swap3A_291, %swap3A_292] {strides = array<i32>} : memref<80x128xf32, #tpu.memory_space<vmem>>, vector<1x16xf32>,
        %swap3A_294 = vector.shape_cast %swap3A_293 : vector<1x16xf32> to vector<16xf32>
        %swap3A_295 = vector.shape_cast %mul3A_290 : vector<16xf32> to vector<1x16xf32>
        tpu.vector_store %arg19[%swap3A_291, %swap3A_292], %swap3A_295 {strides = array<i32>} : memref<80x128xf32, #tpu.memory_space<vmem>>, vector<1x16xf32>,
        %get3A_296 = arith.index_cast %scan3A_228 : i32 to index
        %get3A_297 = arith.constant 48 : index
        %get3A_298 = tpu.vector_load %arg19[%get3A_296, %get3A_297] {strides = array<i32>} : memref<80x128xf32, #tpu.memory_space<vmem>>, vector<1x16xf32>,
        %get3A_299 = vector.shape_cast %get3A_298 : vector<1x16xf32> to vector<16xf32>
        %mul3A_300 = arith.mulf %get3A_299, %gather3A_266 : vector<16xf32>
        %swap3A_301 = arith.index_cast %scan3A_228 : i32 to index
        %swap3A_302 = arith.constant 48 : index
        %swap3A_303 = tpu.vector_load %arg19[%swap3A_301, %swap3A_302] {strides = array<i32>} : memref<80x128xf32, #tpu.memory_space<vmem>>, vector<1x16xf32>,
        %swap3A_304 = vector.shape_cast %swap3A_303 : vector<1x16xf32> to vector<16xf32>
        %swap3A_305 = vector.shape_cast %mul3A_300 : vector<16xf32> to vector<1x16xf32>
        tpu.vector_store %arg19[%swap3A_301, %swap3A_302], %swap3A_305 {strides = array<i32>} : memref<80x128xf32, #tpu.memory_space<vmem>>, vector<1x16xf32>,
        %get3A_306 = arith.index_cast %scan3A_228 : i32 to index
        %get3A_307 = arith.constant 64 : index
        %get3A_308 = tpu.vector_load %arg19[%get3A_306, %get3A_307] {strides = array<i32>} : memref<80x128xf32, #tpu.memory_space<vmem>>, vector<1x16xf32>,
        %get3A_309 = vector.shape_cast %get3A_308 : vector<1x16xf32> to vector<16xf32>
        %mul3A_310 = arith.mulf %get3A_309, %gather3A_266 : vector<16xf32>
        %swap3A_311 = arith.index_cast %scan3A_228 : i32 to index
        %swap3A_312 = arith.constant 64 : index
        %swap3A_313 = tpu.vector_load %arg19[%swap3A_311, %swap3A_312] {strides = array<i32>} : memref<80x128xf32, #tpu.memory_space<vmem>>, vector<1x16xf32>,
        %swap3A_314 = vector.shape_cast %swap3A_313 : vector<1x16xf32> to vector<16xf32>
        %swap3A_315 = vector.shape_cast %mul3A_310 : vector<16xf32> to vector<1x16xf32>
        tpu.vector_store %arg19[%swap3A_311, %swap3A_312], %swap3A_315 {strides = array<i32>} : memref<80x128xf32, #tpu.memory_space<vmem>>, vector<1x16xf32>,
        %get3A_316 = arith.index_cast %scan3A_228 : i32 to index
        %get3A_317 = arith.constant 80 : index
        %get3A_318 = tpu.vector_load %arg19[%get3A_316, %get3A_317] {strides = array<i32>} : memref<80x128xf32, #tpu.memory_space<vmem>>, vector<1x16xf32>,
        %get3A_319 = vector.shape_cast %get3A_318 : vector<1x16xf32> to vector<16xf32>
        %mul3A_320 = arith.mulf %get3A_319, %gather3A_266 : vector<16xf32>
        %swap3A_321 = arith.index_cast %scan3A_228 : i32 to index
        %swap3A_322 = arith.constant 80 : index
        %swap3A_323 = tpu.vector_load %arg19[%swap3A_321, %swap3A_322] {strides = array<i32>} : memref<80x128xf32, #tpu.memory_space<vmem>>, vector<1x16xf32>,
        %swap3A_324 = vector.shape_cast %swap3A_323 : vector<1x16xf32> to vector<16xf32>
        %swap3A_325 = vector.shape_cast %mul3A_320 : vector<16xf32> to vector<1x16xf32>
        tpu.vector_store %arg19[%swap3A_321, %swap3A_322], %swap3A_325 {strides = array<i32>} : memref<80x128xf32, #tpu.memory_space<vmem>>, vector<1x16xf32>,
        %get3A_326 = arith.index_cast %scan3A_228 : i32 to index
        %get3A_327 = arith.constant 96 : index
        %get3A_328 = tpu.vector_load %arg19[%get3A_326, %get3A_327] {strides = array<i32>} : memref<80x128xf32, #tpu.memory_space<vmem>>, vector<1x16xf32>,
        %get3A_329 = vector.shape_cast %get3A_328 : vector<1x16xf32> to vector<16xf32>
        %mul3A_330 = arith.mulf %get3A_329, %gather3A_266 : vector<16xf32>
        %swap3A_331 = arith.index_cast %scan3A_228 : i32 to index
        %swap3A_332 = arith.constant 96 : index
        %swap3A_333 = tpu.vector_load %arg19[%swap3A_331, %swap3A_332] {strides = array<i32>} : memref<80x128xf32, #tpu.memory_space<vmem>>, vector<1x16xf32>,
        %swap3A_334 = vector.shape_cast %swap3A_333 : vector<1x16xf32> to vector<16xf32>
        %swap3A_335 = vector.shape_cast %mul3A_330 : vector<16xf32> to vector<1x16xf32>
        tpu.vector_store %arg19[%swap3A_331, %swap3A_332], %swap3A_335 {strides = array<i32>} : memref<80x128xf32, #tpu.memory_space<vmem>>, vector<1x16xf32>,
        %get3A_336 = arith.index_cast %scan3A_228 : i32 to index
        %get3A_337 = arith.constant 112 : index
        %get3A_338 = tpu.vector_load %arg19[%get3A_336, %get3A_337] {strides = array<i32>} : memref<80x128xf32, #tpu.memory_space<vmem>>, vector<1x16xf32>,
        %get3A_339 = vector.shape_cast %get3A_338 : vector<1x16xf32> to vector<16xf32>
        %mul3A_340 = arith.mulf %get3A_339, %gather3A_266 : vector<16xf32>
        %swap3A_341 = arith.index_cast %scan3A_228 : i32 to index
        %swap3A_342 = arith.constant 112 : index
        %swap3A_343 = tpu.vector_load %arg19[%swap3A_341, %swap3A_342] {strides = array<i32>} : memref<80x128xf32, #tpu.memory_space<vmem>>, vector<1x16xf32>,
        %swap3A_344 = vector.shape_cast %swap3A_343 : vector<1x16xf32> to vector<16xf32>
        %swap3A_345 = vector.shape_cast %mul3A_340 : vector<16xf32> to vector<1x16xf32>
        tpu.vector_store %arg19[%swap3A_341, %swap3A_342], %swap3A_345 {strides = array<i32>} : memref<80x128xf32, #tpu.memory_space<vmem>>, vector<1x16xf32>,
        %scan3A_346 = arith.constant 0 : i32
        scf.yield %scan3A_346 : i32
      }
      %scan3A_136 = arith.constant 80 : i32
      %dma_start3A_137 = arith.constant 0 : i32
      %dma_start3A_138 = arith.constant 0 : i32
      %dma_start3A_139 = tpu.memref_slice %arg23[%dma_start3A_137, %dma_start3A_138] : memref<10112x128xf32, #tpu.memory_space<vmem_shared>> -> memref<10112x128xf32, #tpu.memory_space<vmem_shared>>
      tpu.enqueue_indirect_dma source(%arg19 : memref<80x128xf32, #tpu.memory_space<vmem>>) target(%dma_start3A_139 : memref<10112x128xf32, #tpu.memory_space<vmem_shared>>) offsets(%arg11 : memref<80xi32, #tpu.memory_space<vmem>>) semaphore(%arg28 : memref<!tpu.dma_semaphore, #tpu.memory_space<semaphore_mem>>) {add = true}
      %mul3A_140 = arith.constant 4 : i32
      %mul3A_141 = arith.muli %scan3A_113, %mul3A_140 : i32
      %add3A_142 = arith.constant 1 : i32
      %add3A_143 = arith.addi %mul3A_141, %add3A_142 : i32
      %ge3A_144 = arith.constant 2 : i32
      %ge3A_145 = arith.cmpi sge, %add3A_143, %ge3A_144 : i32
      %convert_element_type3A_146 = arith.extui %ge3A_145 : i1 to i32
      %cond3A_147 = arith.constant 0 : i32
      %cond3A_148 = arith.cmpi ne, %convert_element_type3A_146, %cond3A_147 : i32
      scf.if %cond3A_148 {
        %dma_wait3A_228 = arith.constant 0 : i32
        %dma_wait3A_229 = arith.constant 0 : i32
        %dma_wait3A_230 = tpu.memref_slice %arg23[%dma_wait3A_228, %dma_wait3A_229] : memref<10112x128xf32, #tpu.memory_space<vmem_shared>> -> memref<10112x128xf32, #tpu.memory_space<vmem_shared>>
        tpu.wait_indirect_dma semaphore(%arg31 : memref<!tpu.dma_semaphore, #tpu.memory_space<semaphore_mem>>) src(%arg22 : memref<80x128xf32, #tpu.memory_space<vmem>>) dst(%dma_wait3A_230 : memref<10112x128xf32, #tpu.memory_space<vmem_shared>>)
      } else {
      }
      %add3A_149 = arith.constant 2 : i32
      %add3A_150 = arith.addi %add3A_143, %add3A_149 : i32
      %lt3A_151 = arith.constant 125 : i32
      %lt3A_152 = arith.cmpi slt, %add3A_150, %lt3A_151 : i32
      %convert_element_type3A_153 = arith.extui %lt3A_152 : i1 to i32
      %cond3A_154 = arith.constant 0 : i32
      %cond3A_155 = arith.cmpi ne, %convert_element_type3A_153, %cond3A_154 : i32
      scf.if %cond3A_155 {
        %add3A_228 = arith.constant 2 : i32
        %add3A_229 = arith.addi %add3A_143, %add3A_228 : i32
        %mul3A_230 = arith.constant 32 : i32
        %mul3A_231 = arith.muli %add3A_229, %mul3A_230 : i32
        %add3A_232 = arith.addi %add3A, %mul3A_231 : i32
        %mul3A_233 = arith.constant 80 : i32
        %mul3A_234 = arith.muli %add3A_232, %mul3A_233 : i32
        "tpu.region"() ({
          %run_scoped3A = tpu.sem_alloc : memref<!tpu.dma_semaphore, #tpu.memory_space<semaphore_mem>>
          %dma_start3A_238 = tpu.memref_slice %arg3[%mul3A_234] : memref<320000xi32, #tpu.memory_space<hbm>> -> memref<80xi32, #tpu.memory_space<hbm>>
          %dma_start3A_239 = tpu.memref_slice %arg3[%mul3A_234] : memref<320000xi32, #tpu.memory_space<hbm>> -> memref<80xi32, #tpu.memory_space<hbm>>
          tpu.enqueue_dma source(%dma_start3A_239 : memref<80xi32, #tpu.memory_space<hbm>>) target(%arg10 : memref<80xi32, #tpu.memory_space<vmem>>) target_semaphore(%run_scoped3A : memref<!tpu.dma_semaphore, #tpu.memory_space<semaphore_mem>>)
          %dma_wait3A_240 = tpu.memref_slice %arg3[%mul3A_234] : memref<320000xi32, #tpu.memory_space<hbm>> -> memref<80xi32, #tpu.memory_space<hbm>>
          %dma_wait3A_241 = tpu.memref_slice %arg3[%mul3A_234] : memref<320000xi32, #tpu.memory_space<hbm>> -> memref<80xi32, #tpu.memory_space<hbm>>
          tpu.wait_dma2 semaphore(%run_scoped3A : memref<!tpu.dma_semaphore, #tpu.memory_space<semaphore_mem>>) src(%dma_wait3A_241 : memref<80xi32, #tpu.memory_space<hbm>>) dst(%arg10 : memref<80xi32, #tpu.memory_space<vmem>>)
          tpu.yield
        }) : () -> ()
        "tpu.region"() ({
          %run_scoped3A = tpu.sem_alloc : memref<!tpu.dma_semaphore, #tpu.memory_space<semaphore_mem>>
          %dma_start3A_238 = tpu.memref_slice %arg4[%mul3A_234] : memref<320000xi32, #tpu.memory_space<hbm>> -> memref<80xi32, #tpu.memory_space<hbm>>
          %dma_start3A_239 = tpu.memref_slice %arg4[%mul3A_234] : memref<320000xi32, #tpu.memory_space<hbm>> -> memref<80xi32, #tpu.memory_space<hbm>>
          tpu.enqueue_dma source(%dma_start3A_239 : memref<80xi32, #tpu.memory_space<hbm>>) target(%arg14 : memref<80xi32, #tpu.memory_space<vmem>>) target_semaphore(%run_scoped3A : memref<!tpu.dma_semaphore, #tpu.memory_space<semaphore_mem>>)
          %dma_wait3A_240 = tpu.memref_slice %arg4[%mul3A_234] : memref<320000xi32, #tpu.memory_space<hbm>> -> memref<80xi32, #tpu.memory_space<hbm>>
          %dma_wait3A_241 = tpu.memref_slice %arg4[%mul3A_234] : memref<320000xi32, #tpu.memory_space<hbm>> -> memref<80xi32, #tpu.memory_space<hbm>>
          tpu.wait_dma2 semaphore(%run_scoped3A : memref<!tpu.dma_semaphore, #tpu.memory_space<semaphore_mem>>) src(%dma_wait3A_241 : memref<80xi32, #tpu.memory_space<hbm>>) dst(%arg14 : memref<80xi32, #tpu.memory_space<vmem>>)
          tpu.yield
        }) : () -> ()
        "tpu.region"() ({
          %run_scoped3A = tpu.sem_alloc : memref<!tpu.dma_semaphore, #tpu.memory_space<semaphore_mem>>
          %dma_start3A_238 = tpu.memref_slice %arg5[%mul3A_234] : memref<327680xf32, #tpu.memory_space<hbm>> -> memref<80xf32, #tpu.memory_space<hbm>>
          %dma_start3A_239 = tpu.memref_slice %arg5[%mul3A_234] : memref<327680xf32, #tpu.memory_space<hbm>> -> memref<80xf32, #tpu.memory_space<hbm>>
          tpu.enqueue_dma source(%dma_start3A_239 : memref<80xf32, #tpu.memory_space<hbm>>) target(%arg18 : memref<80xf32, #tpu.memory_space<vmem>>) target_semaphore(%run_scoped3A : memref<!tpu.dma_semaphore, #tpu.memory_space<semaphore_mem>>)
          %dma_wait3A_240 = tpu.memref_slice %arg5[%mul3A_234] : memref<327680xf32, #tpu.memory_space<hbm>> -> memref<80xf32, #tpu.memory_space<hbm>>
          %dma_wait3A_241 = tpu.memref_slice %arg5[%mul3A_234] : memref<327680xf32, #tpu.memory_space<hbm>> -> memref<80xf32, #tpu.memory_space<hbm>>
          tpu.wait_dma2 semaphore(%run_scoped3A : memref<!tpu.dma_semaphore, #tpu.memory_space<semaphore_mem>>) src(%dma_wait3A_241 : memref<80xf32, #tpu.memory_space<hbm>>) dst(%arg18 : memref<80xf32, #tpu.memory_space<vmem>>)
          tpu.yield
        }) : () -> ()
        %dma_start3A_235 = arith.constant 0 : i32
        %dma_start3A_236 = arith.constant 0 : i32
        %dma_start3A_237 = tpu.memref_slice %arg2[%dma_start3A_235, %dma_start3A_236] : memref<10112x128xf32, #tpu.memory_space<hbm>> -> memref<10112x128xf32, #tpu.memory_space<hbm>>
        tpu.enqueue_indirect_dma source(%dma_start3A_237 : memref<10112x128xf32, #tpu.memory_space<hbm>>) target(%arg22 : memref<80x128xf32, #tpu.memory_space<vmem>>) offsets(%arg10 : memref<80xi32, #tpu.memory_space<vmem>>) semaphore(%arg27 : memref<!tpu.dma_semaphore, #tpu.memory_space<semaphore_mem>>)
      } else {
      }
      %dma_wait3A_156 = arith.constant 0 : i32
      %dma_wait3A_157 = arith.constant 0 : i32
      %dma_wait3A_158 = tpu.memref_slice %arg2[%dma_wait3A_156, %dma_wait3A_157] : memref<10112x128xf32, #tpu.memory_space<hbm>> -> memref<10112x128xf32, #tpu.memory_space<hbm>>
      tpu.wait_indirect_dma semaphore(%arg25 : memref<!tpu.dma_semaphore, #tpu.memory_space<semaphore_mem>>) src(%dma_wait3A_158 : memref<10112x128xf32, #tpu.memory_space<hbm>>) dst(%arg20 : memref<80x128xf32, #tpu.memory_space<vmem>>)
      %scan3A_159 = arith.constant 0 : i32
      %scan3A_160 = arith.constant 0 : i32
      %scan3A_161 = arith.constant 80 : i32
      %scan3A_162 = arith.addi %scan3A_160, %scan3A_161 : i32
      %scan3A_163 = arith.constant 1 : i32
      %scan3A_164 = scf.for %scan3A_228 = %scan3A_160 to %scan3A_162 step %scan3A_163 iter_args(%scan3A_229 = %scan3A_159) -> (i32)  : i32 {
        %jit3A = arith.constant 16 : i32
        %div3A = arith.divsi %scan3A_228, %jit3A : i32
        %sign3A = arith.constant 0 : i32
        %sign3A_230 = arith.cmpi sgt, %scan3A_228, %sign3A : i32
        %sign3A_231 = arith.extui %sign3A_230 : i1 to i32
        %sign3A_232 = arith.constant 0 : i32
        %sign3A_233 = arith.cmpi slt, %scan3A_228, %sign3A_232 : i32
        %sign3A_234 = arith.extui %sign3A_233 : i1 to i32
        %sign3A_235 = arith.subi %sign3A_231, %sign3A_234 : i32
        %sign3A_236 = arith.constant 0 : i32
        %sign3A_237 = arith.cmpi sgt, %jit3A, %sign3A_236 : i32
        %sign3A_238 = arith.extui %sign3A_237 : i1 to i32
        %sign3A_239 = arith.constant 0 : i32
        %sign3A_240 = arith.cmpi slt, %jit3A, %sign3A_239 : i32
        %sign3A_241 = arith.extui %sign3A_240 : i1 to i32
        %sign3A_242 = arith.subi %sign3A_238, %sign3A_241 : i32
        %ne3A = arith.cmpi ne, %sign3A_235, %sign3A_242 : i32
        %rem3A = arith.remsi %scan3A_228, %jit3A : i32
        %ne3A_243 = arith.constant 0 : i32
        %ne3A_244 = arith.cmpi ne, %rem3A, %ne3A_243 : i32
        %and3A = arith.andi %ne3A, %ne3A_244 : i1
        %sub3A = arith.constant 1 : i32
        %sub3A_245 = arith.subi %div3A, %sub3A : i32
        %select_n3A = arith.select %and3A, %sub3A_245, %div3A : i32
        %mul3A_246 = arith.constant 16 : i32
        %mul3A_247 = arith.muli %select_n3A, %mul3A_246 : i32
        %get3A = arith.index_cast %mul3A_247 : i32 to index
        %get3A_248 = tpu.vector_load %arg16[%get3A] {strides = array<i32>} : memref<80xf32, #tpu.memory_space<vmem>>, vector<16xf32>,
        %get3A_249 = vector.shape_cast %get3A_248 : vector<16xf32> to vector<16xf32>
        %jit3A_250 = arith.constant 16 : i32
        %eq3A = arith.constant 0 : i32
        %eq3A_251 = arith.cmpi eq, %jit3A_250, %eq3A : i32
        %jit3A_252 = arith.constant 1 : i32
        %select_n3A_253 = arith.select %eq3A_251, %jit3A_252, %jit3A_250 : i32
        %rem3A_254 = arith.remsi %scan3A_228, %select_n3A_253 : i32
        %ne3A_255 = arith.constant 0 : i32
        %ne3A_256 = arith.cmpi ne, %rem3A_254, %ne3A_255 : i32
        %lt3A_257 = arith.constant 0 : i32
        %lt3A_258 = arith.cmpi slt, %rem3A_254, %lt3A_257 : i32
        %lt3A_259 = arith.constant 0 : i32
        %lt3A_260 = arith.cmpi slt, %select_n3A_253, %lt3A_259 : i32
        %ne3A_261 = arith.xori %lt3A_258, %lt3A_260 : i1
        %and3A_262 = arith.andi %ne3A_261, %ne3A_256 : i1
        %add3A_263 = arith.addi %rem3A_254, %select_n3A_253 : i32
        %select_n3A_264 = arith.select %and3A_262, %add3A_263, %rem3A_254 : i32
        %broadcast_in_dim3A = vector.broadcast %select_n3A_264 : i32 to vector<16xi32>
        %broadcast_in_dim3A_265 = vector.shape_cast %broadcast_in_dim3A : vector<16xi32> to vector<16x1xi32>
        %gather3A = vector.shape_cast %broadcast_in_dim3A_265 : vector<16x1xi32> to vector<16xi32>
        %gather3A_266 = tpu.dynamic_gather %get3A_249[%gather3A] in [0] : vector<16xf32>, vector<16xi32> -> vector<16xf32>
        %get3A_267 = arith.index_cast %scan3A_228 : i32 to index
        %get3A_268 = arith.constant 0 : index
        %get3A_269 = tpu.vector_load %arg20[%get3A_267, %get3A_268] {strides = array<i32>} : memref<80x128xf32, #tpu.memory_space<vmem>>, vector<1x16xf32>,
        %get3A_270 = vector.shape_cast %get3A_269 : vector<1x16xf32> to vector<16xf32>
        %mul3A_271 = arith.mulf %get3A_270, %gather3A_266 : vector<16xf32>
        %swap3A = arith.index_cast %scan3A_228 : i32 to index
        %swap3A_272 = arith.constant 0 : index
        %swap3A_273 = tpu.vector_load %arg20[%swap3A, %swap3A_272] {strides = array<i32>} : memref<80x128xf32, #tpu.memory_space<vmem>>, vector<1x16xf32>,
        %swap3A_274 = vector.shape_cast %swap3A_273 : vector<1x16xf32> to vector<16xf32>
        %swap3A_275 = vector.shape_cast %mul3A_271 : vector<16xf32> to vector<1x16xf32>
        tpu.vector_store %arg20[%swap3A, %swap3A_272], %swap3A_275 {strides = array<i32>} : memref<80x128xf32, #tpu.memory_space<vmem>>, vector<1x16xf32>,
        %get3A_276 = arith.index_cast %scan3A_228 : i32 to index
        %get3A_277 = arith.constant 16 : index
        %get3A_278 = tpu.vector_load %arg20[%get3A_276, %get3A_277] {strides = array<i32>} : memref<80x128xf32, #tpu.memory_space<vmem>>, vector<1x16xf32>,
        %get3A_279 = vector.shape_cast %get3A_278 : vector<1x16xf32> to vector<16xf32>
        %mul3A_280 = arith.mulf %get3A_279, %gather3A_266 : vector<16xf32>
        %swap3A_281 = arith.index_cast %scan3A_228 : i32 to index
        %swap3A_282 = arith.constant 16 : index
        %swap3A_283 = tpu.vector_load %arg20[%swap3A_281, %swap3A_282] {strides = array<i32>} : memref<80x128xf32, #tpu.memory_space<vmem>>, vector<1x16xf32>,
        %swap3A_284 = vector.shape_cast %swap3A_283 : vector<1x16xf32> to vector<16xf32>
        %swap3A_285 = vector.shape_cast %mul3A_280 : vector<16xf32> to vector<1x16xf32>
        tpu.vector_store %arg20[%swap3A_281, %swap3A_282], %swap3A_285 {strides = array<i32>} : memref<80x128xf32, #tpu.memory_space<vmem>>, vector<1x16xf32>,
        %get3A_286 = arith.index_cast %scan3A_228 : i32 to index
        %get3A_287 = arith.constant 32 : index
        %get3A_288 = tpu.vector_load %arg20[%get3A_286, %get3A_287] {strides = array<i32>} : memref<80x128xf32, #tpu.memory_space<vmem>>, vector<1x16xf32>,
        %get3A_289 = vector.shape_cast %get3A_288 : vector<1x16xf32> to vector<16xf32>
        %mul3A_290 = arith.mulf %get3A_289, %gather3A_266 : vector<16xf32>
        %swap3A_291 = arith.index_cast %scan3A_228 : i32 to index
        %swap3A_292 = arith.constant 32 : index
        %swap3A_293 = tpu.vector_load %arg20[%swap3A_291, %swap3A_292] {strides = array<i32>} : memref<80x128xf32, #tpu.memory_space<vmem>>, vector<1x16xf32>,
        %swap3A_294 = vector.shape_cast %swap3A_293 : vector<1x16xf32> to vector<16xf32>
        %swap3A_295 = vector.shape_cast %mul3A_290 : vector<16xf32> to vector<1x16xf32>
        tpu.vector_store %arg20[%swap3A_291, %swap3A_292], %swap3A_295 {strides = array<i32>} : memref<80x128xf32, #tpu.memory_space<vmem>>, vector<1x16xf32>,
        %get3A_296 = arith.index_cast %scan3A_228 : i32 to index
        %get3A_297 = arith.constant 48 : index
        %get3A_298 = tpu.vector_load %arg20[%get3A_296, %get3A_297] {strides = array<i32>} : memref<80x128xf32, #tpu.memory_space<vmem>>, vector<1x16xf32>,
        %get3A_299 = vector.shape_cast %get3A_298 : vector<1x16xf32> to vector<16xf32>
        %mul3A_300 = arith.mulf %get3A_299, %gather3A_266 : vector<16xf32>
        %swap3A_301 = arith.index_cast %scan3A_228 : i32 to index
        %swap3A_302 = arith.constant 48 : index
        %swap3A_303 = tpu.vector_load %arg20[%swap3A_301, %swap3A_302] {strides = array<i32>} : memref<80x128xf32, #tpu.memory_space<vmem>>, vector<1x16xf32>,
        %swap3A_304 = vector.shape_cast %swap3A_303 : vector<1x16xf32> to vector<16xf32>
        %swap3A_305 = vector.shape_cast %mul3A_300 : vector<16xf32> to vector<1x16xf32>
        tpu.vector_store %arg20[%swap3A_301, %swap3A_302], %swap3A_305 {strides = array<i32>} : memref<80x128xf32, #tpu.memory_space<vmem>>, vector<1x16xf32>,
        %get3A_306 = arith.index_cast %scan3A_228 : i32 to index
        %get3A_307 = arith.constant 64 : index
        %get3A_308 = tpu.vector_load %arg20[%get3A_306, %get3A_307] {strides = array<i32>} : memref<80x128xf32, #tpu.memory_space<vmem>>, vector<1x16xf32>,
        %get3A_309 = vector.shape_cast %get3A_308 : vector<1x16xf32> to vector<16xf32>
        %mul3A_310 = arith.mulf %get3A_309, %gather3A_266 : vector<16xf32>
        %swap3A_311 = arith.index_cast %scan3A_228 : i32 to index
        %swap3A_312 = arith.constant 64 : index
        %swap3A_313 = tpu.vector_load %arg20[%swap3A_311, %swap3A_312] {strides = array<i32>} : memref<80x128xf32, #tpu.memory_space<vmem>>, vector<1x16xf32>,
        %swap3A_314 = vector.shape_cast %swap3A_313 : vector<1x16xf32> to vector<16xf32>
        %swap3A_315 = vector.shape_cast %mul3A_310 : vector<16xf32> to vector<1x16xf32>
        tpu.vector_store %arg20[%swap3A_311, %swap3A_312], %swap3A_315 {strides = array<i32>} : memref<80x128xf32, #tpu.memory_space<vmem>>, vector<1x16xf32>,
        %get3A_316 = arith.index_cast %scan3A_228 : i32 to index
        %get3A_317 = arith.constant 80 : index
        %get3A_318 = tpu.vector_load %arg20[%get3A_316, %get3A_317] {strides = array<i32>} : memref<80x128xf32, #tpu.memory_space<vmem>>, vector<1x16xf32>,
        %get3A_319 = vector.shape_cast %get3A_318 : vector<1x16xf32> to vector<16xf32>
        %mul3A_320 = arith.mulf %get3A_319, %gather3A_266 : vector<16xf32>
        %swap3A_321 = arith.index_cast %scan3A_228 : i32 to index
        %swap3A_322 = arith.constant 80 : index
        %swap3A_323 = tpu.vector_load %arg20[%swap3A_321, %swap3A_322] {strides = array<i32>} : memref<80x128xf32, #tpu.memory_space<vmem>>, vector<1x16xf32>,
        %swap3A_324 = vector.shape_cast %swap3A_323 : vector<1x16xf32> to vector<16xf32>
        %swap3A_325 = vector.shape_cast %mul3A_320 : vector<16xf32> to vector<1x16xf32>
        tpu.vector_store %arg20[%swap3A_321, %swap3A_322], %swap3A_325 {strides = array<i32>} : memref<80x128xf32, #tpu.memory_space<vmem>>, vector<1x16xf32>,
        %get3A_326 = arith.index_cast %scan3A_228 : i32 to index
        %get3A_327 = arith.constant 96 : index
        %get3A_328 = tpu.vector_load %arg20[%get3A_326, %get3A_327] {strides = array<i32>} : memref<80x128xf32, #tpu.memory_space<vmem>>, vector<1x16xf32>,
        %get3A_329 = vector.shape_cast %get3A_328 : vector<1x16xf32> to vector<16xf32>
        %mul3A_330 = arith.mulf %get3A_329, %gather3A_266 : vector<16xf32>
        %swap3A_331 = arith.index_cast %scan3A_228 : i32 to index
        %swap3A_332 = arith.constant 96 : index
        %swap3A_333 = tpu.vector_load %arg20[%swap3A_331, %swap3A_332] {strides = array<i32>} : memref<80x128xf32, #tpu.memory_space<vmem>>, vector<1x16xf32>,
        %swap3A_334 = vector.shape_cast %swap3A_333 : vector<1x16xf32> to vector<16xf32>
        %swap3A_335 = vector.shape_cast %mul3A_330 : vector<16xf32> to vector<1x16xf32>
        tpu.vector_store %arg20[%swap3A_331, %swap3A_332], %swap3A_335 {strides = array<i32>} : memref<80x128xf32, #tpu.memory_space<vmem>>, vector<1x16xf32>,
        %get3A_336 = arith.index_cast %scan3A_228 : i32 to index
        %get3A_337 = arith.constant 112 : index
        %get3A_338 = tpu.vector_load %arg20[%get3A_336, %get3A_337] {strides = array<i32>} : memref<80x128xf32, #tpu.memory_space<vmem>>, vector<1x16xf32>,
        %get3A_339 = vector.shape_cast %get3A_338 : vector<1x16xf32> to vector<16xf32>
        %mul3A_340 = arith.mulf %get3A_339, %gather3A_266 : vector<16xf32>
        %swap3A_341 = arith.index_cast %scan3A_228 : i32 to index
        %swap3A_342 = arith.constant 112 : index
        %swap3A_343 = tpu.vector_load %arg20[%swap3A_341, %swap3A_342] {strides = array<i32>} : memref<80x128xf32, #tpu.memory_space<vmem>>, vector<1x16xf32>,
        %swap3A_344 = vector.shape_cast %swap3A_343 : vector<1x16xf32> to vector<16xf32>
        %swap3A_345 = vector.shape_cast %mul3A_340 : vector<16xf32> to vector<1x16xf32>
        tpu.vector_store %arg20[%swap3A_341, %swap3A_342], %swap3A_345 {strides = array<i32>} : memref<80x128xf32, #tpu.memory_space<vmem>>, vector<1x16xf32>,
        %scan3A_346 = arith.constant 0 : i32
        scf.yield %scan3A_346 : i32
      }
      %scan3A_165 = arith.constant 80 : i32
      %dma_start3A_166 = arith.constant 0 : i32
      %dma_start3A_167 = arith.constant 0 : i32
      %dma_start3A_168 = tpu.memref_slice %arg23[%dma_start3A_166, %dma_start3A_167] : memref<10112x128xf32, #tpu.memory_space<vmem_shared>> -> memref<10112x128xf32, #tpu.memory_space<vmem_shared>>
      tpu.enqueue_indirect_dma source(%arg20 : memref<80x128xf32, #tpu.memory_space<vmem>>) target(%dma_start3A_168 : memref<10112x128xf32, #tpu.memory_space<vmem_shared>>) offsets(%arg12 : memref<80xi32, #tpu.memory_space<vmem>>) semaphore(%arg29 : memref<!tpu.dma_semaphore, #tpu.memory_space<semaphore_mem>>) {add = true}
      %mul3A_169 = arith.constant 4 : i32
      %mul3A_170 = arith.muli %scan3A_113, %mul3A_169 : i32
      %add3A_171 = arith.constant 2 : i32
      %add3A_172 = arith.addi %mul3A_170, %add3A_171 : i32
      %ge3A_173 = arith.constant 2 : i32
      %ge3A_174 = arith.cmpi sge, %add3A_172, %ge3A_173 : i32
      %convert_element_type3A_175 = arith.extui %ge3A_174 : i1 to i32
      %cond3A_176 = arith.constant 0 : i32
      %cond3A_177 = arith.cmpi ne, %convert_element_type3A_175, %cond3A_176 : i32
      scf.if %cond3A_177 {
        %dma_wait3A_228 = arith.constant 0 : i32
        %dma_wait3A_229 = arith.constant 0 : i32
        %dma_wait3A_230 = tpu.memref_slice %arg23[%dma_wait3A_228, %dma_wait3A_229] : memref<10112x128xf32, #tpu.memory_space<vmem_shared>> -> memref<10112x128xf32, #tpu.memory_space<vmem_shared>>
        tpu.wait_indirect_dma semaphore(%arg28 : memref<!tpu.dma_semaphore, #tpu.memory_space<semaphore_mem>>) src(%arg19 : memref<80x128xf32, #tpu.memory_space<vmem>>) dst(%dma_wait3A_230 : memref<10112x128xf32, #tpu.memory_space<vmem_shared>>)
      } else {
      }
      %add3A_178 = arith.constant 2 : i32
      %add3A_179 = arith.addi %add3A_172, %add3A_178 : i32
      %lt3A_180 = arith.constant 125 : i32
      %lt3A_181 = arith.cmpi slt, %add3A_179, %lt3A_180 : i32
      %convert_element_type3A_182 = arith.extui %lt3A_181 : i1 to i32
      %cond3A_183 = arith.constant 0 : i32
      %cond3A_184 = arith.cmpi ne, %convert_element_type3A_182, %cond3A_183 : i32
      scf.if %cond3A_184 {
        %add3A_228 = arith.constant 2 : i32
        %add3A_229 = arith.addi %add3A_172, %add3A_228 : i32
        %mul3A_230 = arith.constant 32 : i32
        %mul3A_231 = arith.muli %add3A_229, %mul3A_230 : i32
        %add3A_232 = arith.addi %add3A, %mul3A_231 : i32
        %mul3A_233 = arith.constant 80 : i32
        %mul3A_234 = arith.muli %add3A_232, %mul3A_233 : i32
        "tpu.region"() ({
          %run_scoped3A = tpu.sem_alloc : memref<!tpu.dma_semaphore, #tpu.memory_space<semaphore_mem>>
          %dma_start3A_238 = tpu.memref_slice %arg3[%mul3A_234] : memref<320000xi32, #tpu.memory_space<hbm>> -> memref<80xi32, #tpu.memory_space<hbm>>
          %dma_start3A_239 = tpu.memref_slice %arg3[%mul3A_234] : memref<320000xi32, #tpu.memory_space<hbm>> -> memref<80xi32, #tpu.memory_space<hbm>>
          tpu.enqueue_dma source(%dma_start3A_239 : memref<80xi32, #tpu.memory_space<hbm>>) target(%arg7 : memref<80xi32, #tpu.memory_space<vmem>>) target_semaphore(%run_scoped3A : memref<!tpu.dma_semaphore, #tpu.memory_space<semaphore_mem>>)
          %dma_wait3A_240 = tpu.memref_slice %arg3[%mul3A_234] : memref<320000xi32, #tpu.memory_space<hbm>> -> memref<80xi32, #tpu.memory_space<hbm>>
          %dma_wait3A_241 = tpu.memref_slice %arg3[%mul3A_234] : memref<320000xi32, #tpu.memory_space<hbm>> -> memref<80xi32, #tpu.memory_space<hbm>>
          tpu.wait_dma2 semaphore(%run_scoped3A : memref<!tpu.dma_semaphore, #tpu.memory_space<semaphore_mem>>) src(%dma_wait3A_241 : memref<80xi32, #tpu.memory_space<hbm>>) dst(%arg7 : memref<80xi32, #tpu.memory_space<vmem>>)
          tpu.yield
        }) : () -> ()
        "tpu.region"() ({
          %run_scoped3A = tpu.sem_alloc : memref<!tpu.dma_semaphore, #tpu.memory_space<semaphore_mem>>
          %dma_start3A_238 = tpu.memref_slice %arg4[%mul3A_234] : memref<320000xi32, #tpu.memory_space<hbm>> -> memref<80xi32, #tpu.memory_space<hbm>>
          %dma_start3A_239 = tpu.memref_slice %arg4[%mul3A_234] : memref<320000xi32, #tpu.memory_space<hbm>> -> memref<80xi32, #tpu.memory_space<hbm>>
          tpu.enqueue_dma source(%dma_start3A_239 : memref<80xi32, #tpu.memory_space<hbm>>) target(%arg11 : memref<80xi32, #tpu.memory_space<vmem>>) target_semaphore(%run_scoped3A : memref<!tpu.dma_semaphore, #tpu.memory_space<semaphore_mem>>)
          %dma_wait3A_240 = tpu.memref_slice %arg4[%mul3A_234] : memref<320000xi32, #tpu.memory_space<hbm>> -> memref<80xi32, #tpu.memory_space<hbm>>
          %dma_wait3A_241 = tpu.memref_slice %arg4[%mul3A_234] : memref<320000xi32, #tpu.memory_space<hbm>> -> memref<80xi32, #tpu.memory_space<hbm>>
          tpu.wait_dma2 semaphore(%run_scoped3A : memref<!tpu.dma_semaphore, #tpu.memory_space<semaphore_mem>>) src(%dma_wait3A_241 : memref<80xi32, #tpu.memory_space<hbm>>) dst(%arg11 : memref<80xi32, #tpu.memory_space<vmem>>)
          tpu.yield
        }) : () -> ()
        "tpu.region"() ({
          %run_scoped3A = tpu.sem_alloc : memref<!tpu.dma_semaphore, #tpu.memory_space<semaphore_mem>>
          %dma_start3A_238 = tpu.memref_slice %arg5[%mul3A_234] : memref<327680xf32, #tpu.memory_space<hbm>> -> memref<80xf32, #tpu.memory_space<hbm>>
          %dma_start3A_239 = tpu.memref_slice %arg5[%mul3A_234] : memref<327680xf32, #tpu.memory_space<hbm>> -> memref<80xf32, #tpu.memory_space<hbm>>
          tpu.enqueue_dma source(%dma_start3A_239 : memref<80xf32, #tpu.memory_space<hbm>>) target(%arg15 : memref<80xf32, #tpu.memory_space<vmem>>) target_semaphore(%run_scoped3A : memref<!tpu.dma_semaphore, #tpu.memory_space<semaphore_mem>>)
          %dma_wait3A_240 = tpu.memref_slice %arg5[%mul3A_234] : memref<327680xf32, #tpu.memory_space<hbm>> -> memref<80xf32, #tpu.memory_space<hbm>>
          %dma_wait3A_241 = tpu.memref_slice %arg5[%mul3A_234] : memref<327680xf32, #tpu.memory_space<hbm>> -> memref<80xf32, #tpu.memory_space<hbm>>
          tpu.wait_dma2 semaphore(%run_scoped3A : memref<!tpu.dma_semaphore, #tpu.memory_space<semaphore_mem>>) src(%dma_wait3A_241 : memref<80xf32, #tpu.memory_space<hbm>>) dst(%arg15 : memref<80xf32, #tpu.memory_space<vmem>>)
          tpu.yield
        }) : () -> ()
        %dma_start3A_235 = arith.constant 0 : i32
        %dma_start3A_236 = arith.constant 0 : i32
        %dma_start3A_237 = tpu.memref_slice %arg2[%dma_start3A_235, %dma_start3A_236] : memref<10112x128xf32, #tpu.memory_space<hbm>> -> memref<10112x128xf32, #tpu.memory_space<hbm>>
        tpu.enqueue_indirect_dma source(%dma_start3A_237 : memref<10112x128xf32, #tpu.memory_space<hbm>>) target(%arg19 : memref<80x128xf32, #tpu.memory_space<vmem>>) offsets(%arg7 : memref<80xi32, #tpu.memory_space<vmem>>) semaphore(%arg24 : memref<!tpu.dma_semaphore, #tpu.memory_space<semaphore_mem>>)
      } else {
      }
      %dma_wait3A_185 = arith.constant 0 : i32
      %dma_wait3A_186 = arith.constant 0 : i32
      %dma_wait3A_187 = tpu.memref_slice %arg2[%dma_wait3A_185, %dma_wait3A_186] : memref<10112x128xf32, #tpu.memory_space<hbm>> -> memref<10112x128xf32, #tpu.memory_space<hbm>>
      tpu.wait_indirect_dma semaphore(%arg26 : memref<!tpu.dma_semaphore, #tpu.memory_space<semaphore_mem>>) src(%dma_wait3A_187 : memref<10112x128xf32, #tpu.memory_space<hbm>>) dst(%arg21 : memref<80x128xf32, #tpu.memory_space<vmem>>)
      %scan3A_188 = arith.constant 0 : i32
      %scan3A_189 = arith.constant 0 : i32
      %scan3A_190 = arith.constant 80 : i32
      %scan3A_191 = arith.addi %scan3A_189, %scan3A_190 : i32
      %scan3A_192 = arith.constant 1 : i32
      %scan3A_193 = scf.for %scan3A_228 = %scan3A_189 to %scan3A_191 step %scan3A_192 iter_args(%scan3A_229 = %scan3A_188) -> (i32)  : i32 {
        %jit3A = arith.constant 16 : i32
        %div3A = arith.divsi %scan3A_228, %jit3A : i32
        %sign3A = arith.constant 0 : i32
        %sign3A_230 = arith.cmpi sgt, %scan3A_228, %sign3A : i32
        %sign3A_231 = arith.extui %sign3A_230 : i1 to i32
        %sign3A_232 = arith.constant 0 : i32
        %sign3A_233 = arith.cmpi slt, %scan3A_228, %sign3A_232 : i32
        %sign3A_234 = arith.extui %sign3A_233 : i1 to i32
        %sign3A_235 = arith.subi %sign3A_231, %sign3A_234 : i32
        %sign3A_236 = arith.constant 0 : i32
        %sign3A_237 = arith.cmpi sgt, %jit3A, %sign3A_236 : i32
        %sign3A_238 = arith.extui %sign3A_237 : i1 to i32
        %sign3A_239 = arith.constant 0 : i32
        %sign3A_240 = arith.cmpi slt, %jit3A, %sign3A_239 : i32
        %sign3A_241 = arith.extui %sign3A_240 : i1 to i32
        %sign3A_242 = arith.subi %sign3A_238, %sign3A_241 : i32
        %ne3A = arith.cmpi ne, %sign3A_235, %sign3A_242 : i32
        %rem3A = arith.remsi %scan3A_228, %jit3A : i32
        %ne3A_243 = arith.constant 0 : i32
        %ne3A_244 = arith.cmpi ne, %rem3A, %ne3A_243 : i32
        %and3A = arith.andi %ne3A, %ne3A_244 : i1
        %sub3A = arith.constant 1 : i32
        %sub3A_245 = arith.subi %div3A, %sub3A : i32
        %select_n3A = arith.select %and3A, %sub3A_245, %div3A : i32
        %mul3A_246 = arith.constant 16 : i32
        %mul3A_247 = arith.muli %select_n3A, %mul3A_246 : i32
        %get3A = arith.index_cast %mul3A_247 : i32 to index
        %get3A_248 = tpu.vector_load %arg17[%get3A] {strides = array<i32>} : memref<80xf32, #tpu.memory_space<vmem>>, vector<16xf32>,
        %get3A_249 = vector.shape_cast %get3A_248 : vector<16xf32> to vector<16xf32>
        %jit3A_250 = arith.constant 16 : i32
        %eq3A = arith.constant 0 : i32
        %eq3A_251 = arith.cmpi eq, %jit3A_250, %eq3A : i32
        %jit3A_252 = arith.constant 1 : i32
        %select_n3A_253 = arith.select %eq3A_251, %jit3A_252, %jit3A_250 : i32
        %rem3A_254 = arith.remsi %scan3A_228, %select_n3A_253 : i32
        %ne3A_255 = arith.constant 0 : i32
        %ne3A_256 = arith.cmpi ne, %rem3A_254, %ne3A_255 : i32
        %lt3A_257 = arith.constant 0 : i32
        %lt3A_258 = arith.cmpi slt, %rem3A_254, %lt3A_257 : i32
        %lt3A_259 = arith.constant 0 : i32
        %lt3A_260 = arith.cmpi slt, %select_n3A_253, %lt3A_259 : i32
        %ne3A_261 = arith.xori %lt3A_258, %lt3A_260 : i1
        %and3A_262 = arith.andi %ne3A_261, %ne3A_256 : i1
        %add3A_263 = arith.addi %rem3A_254, %select_n3A_253 : i32
        %select_n3A_264 = arith.select %and3A_262, %add3A_263, %rem3A_254 : i32
        %broadcast_in_dim3A = vector.broadcast %select_n3A_264 : i32 to vector<16xi32>
        %broadcast_in_dim3A_265 = vector.shape_cast %broadcast_in_dim3A : vector<16xi32> to vector<16x1xi32>
        %gather3A = vector.shape_cast %broadcast_in_dim3A_265 : vector<16x1xi32> to vector<16xi32>
        %gather3A_266 = tpu.dynamic_gather %get3A_249[%gather3A] in [0] : vector<16xf32>, vector<16xi32> -> vector<16xf32>
        %get3A_267 = arith.index_cast %scan3A_228 : i32 to index
        %get3A_268 = arith.constant 0 : index
        %get3A_269 = tpu.vector_load %arg21[%get3A_267, %get3A_268] {strides = array<i32>} : memref<80x128xf32, #tpu.memory_space<vmem>>, vector<1x16xf32>,
        %get3A_270 = vector.shape_cast %get3A_269 : vector<1x16xf32> to vector<16xf32>
        %mul3A_271 = arith.mulf %get3A_270, %gather3A_266 : vector<16xf32>
        %swap3A = arith.index_cast %scan3A_228 : i32 to index
        %swap3A_272 = arith.constant 0 : index
        %swap3A_273 = tpu.vector_load %arg21[%swap3A, %swap3A_272] {strides = array<i32>} : memref<80x128xf32, #tpu.memory_space<vmem>>, vector<1x16xf32>,
        %swap3A_274 = vector.shape_cast %swap3A_273 : vector<1x16xf32> to vector<16xf32>
        %swap3A_275 = vector.shape_cast %mul3A_271 : vector<16xf32> to vector<1x16xf32>
        tpu.vector_store %arg21[%swap3A, %swap3A_272], %swap3A_275 {strides = array<i32>} : memref<80x128xf32, #tpu.memory_space<vmem>>, vector<1x16xf32>,
        %get3A_276 = arith.index_cast %scan3A_228 : i32 to index
        %get3A_277 = arith.constant 16 : index
        %get3A_278 = tpu.vector_load %arg21[%get3A_276, %get3A_277] {strides = array<i32>} : memref<80x128xf32, #tpu.memory_space<vmem>>, vector<1x16xf32>,
        %get3A_279 = vector.shape_cast %get3A_278 : vector<1x16xf32> to vector<16xf32>
        %mul3A_280 = arith.mulf %get3A_279, %gather3A_266 : vector<16xf32>
        %swap3A_281 = arith.index_cast %scan3A_228 : i32 to index
        %swap3A_282 = arith.constant 16 : index
        %swap3A_283 = tpu.vector_load %arg21[%swap3A_281, %swap3A_282] {strides = array<i32>} : memref<80x128xf32, #tpu.memory_space<vmem>>, vector<1x16xf32>,
        %swap3A_284 = vector.shape_cast %swap3A_283 : vector<1x16xf32> to vector<16xf32>
        %swap3A_285 = vector.shape_cast %mul3A_280 : vector<16xf32> to vector<1x16xf32>
        tpu.vector_store %arg21[%swap3A_281, %swap3A_282], %swap3A_285 {strides = array<i32>} : memref<80x128xf32, #tpu.memory_space<vmem>>, vector<1x16xf32>,
        %get3A_286 = arith.index_cast %scan3A_228 : i32 to index
        %get3A_287 = arith.constant 32 : index
        %get3A_288 = tpu.vector_load %arg21[%get3A_286, %get3A_287] {strides = array<i32>} : memref<80x128xf32, #tpu.memory_space<vmem>>, vector<1x16xf32>,
        %get3A_289 = vector.shape_cast %get3A_288 : vector<1x16xf32> to vector<16xf32>
        %mul3A_290 = arith.mulf %get3A_289, %gather3A_266 : vector<16xf32>
        %swap3A_291 = arith.index_cast %scan3A_228 : i32 to index
        %swap3A_292 = arith.constant 32 : index
        %swap3A_293 = tpu.vector_load %arg21[%swap3A_291, %swap3A_292] {strides = array<i32>} : memref<80x128xf32, #tpu.memory_space<vmem>>, vector<1x16xf32>,
        %swap3A_294 = vector.shape_cast %swap3A_293 : vector<1x16xf32> to vector<16xf32>
        %swap3A_295 = vector.shape_cast %mul3A_290 : vector<16xf32> to vector<1x16xf32>
        tpu.vector_store %arg21[%swap3A_291, %swap3A_292], %swap3A_295 {strides = array<i32>} : memref<80x128xf32, #tpu.memory_space<vmem>>, vector<1x16xf32>,
        %get3A_296 = arith.index_cast %scan3A_228 : i32 to index
        %get3A_297 = arith.constant 48 : index
        %get3A_298 = tpu.vector_load %arg21[%get3A_296, %get3A_297] {strides = array<i32>} : memref<80x128xf32, #tpu.memory_space<vmem>>, vector<1x16xf32>,
        %get3A_299 = vector.shape_cast %get3A_298 : vector<1x16xf32> to vector<16xf32>
        %mul3A_300 = arith.mulf %get3A_299, %gather3A_266 : vector<16xf32>
        %swap3A_301 = arith.index_cast %scan3A_228 : i32 to index
        %swap3A_302 = arith.constant 48 : index
        %swap3A_303 = tpu.vector_load %arg21[%swap3A_301, %swap3A_302] {strides = array<i32>} : memref<80x128xf32, #tpu.memory_space<vmem>>, vector<1x16xf32>,
        %swap3A_304 = vector.shape_cast %swap3A_303 : vector<1x16xf32> to vector<16xf32>
        %swap3A_305 = vector.shape_cast %mul3A_300 : vector<16xf32> to vector<1x16xf32>
        tpu.vector_store %arg21[%swap3A_301, %swap3A_302], %swap3A_305 {strides = array<i32>} : memref<80x128xf32, #tpu.memory_space<vmem>>, vector<1x16xf32>,
        %get3A_306 = arith.index_cast %scan3A_228 : i32 to index
        %get3A_307 = arith.constant 64 : index
        %get3A_308 = tpu.vector_load %arg21[%get3A_306, %get3A_307] {strides = array<i32>} : memref<80x128xf32, #tpu.memory_space<vmem>>, vector<1x16xf32>,
        %get3A_309 = vector.shape_cast %get3A_308 : vector<1x16xf32> to vector<16xf32>
        %mul3A_310 = arith.mulf %get3A_309, %gather3A_266 : vector<16xf32>
        %swap3A_311 = arith.index_cast %scan3A_228 : i32 to index
        %swap3A_312 = arith.constant 64 : index
        %swap3A_313 = tpu.vector_load %arg21[%swap3A_311, %swap3A_312] {strides = array<i32>} : memref<80x128xf32, #tpu.memory_space<vmem>>, vector<1x16xf32>,
        %swap3A_314 = vector.shape_cast %swap3A_313 : vector<1x16xf32> to vector<16xf32>
        %swap3A_315 = vector.shape_cast %mul3A_310 : vector<16xf32> to vector<1x16xf32>
        tpu.vector_store %arg21[%swap3A_311, %swap3A_312], %swap3A_315 {strides = array<i32>} : memref<80x128xf32, #tpu.memory_space<vmem>>, vector<1x16xf32>,
        %get3A_316 = arith.index_cast %scan3A_228 : i32 to index
        %get3A_317 = arith.constant 80 : index
        %get3A_318 = tpu.vector_load %arg21[%get3A_316, %get3A_317] {strides = array<i32>} : memref<80x128xf32, #tpu.memory_space<vmem>>, vector<1x16xf32>,
        %get3A_319 = vector.shape_cast %get3A_318 : vector<1x16xf32> to vector<16xf32>
        %mul3A_320 = arith.mulf %get3A_319, %gather3A_266 : vector<16xf32>
        %swap3A_321 = arith.index_cast %scan3A_228 : i32 to index
        %swap3A_322 = arith.constant 80 : index
        %swap3A_323 = tpu.vector_load %arg21[%swap3A_321, %swap3A_322] {strides = array<i32>} : memref<80x128xf32, #tpu.memory_space<vmem>>, vector<1x16xf32>,
        %swap3A_324 = vector.shape_cast %swap3A_323 : vector<1x16xf32> to vector<16xf32>
        %swap3A_325 = vector.shape_cast %mul3A_320 : vector<16xf32> to vector<1x16xf32>
        tpu.vector_store %arg21[%swap3A_321, %swap3A_322], %swap3A_325 {strides = array<i32>} : memref<80x128xf32, #tpu.memory_space<vmem>>, vector<1x16xf32>,
        %get3A_326 = arith.index_cast %scan3A_228 : i32 to index
        %get3A_327 = arith.constant 96 : index
        %get3A_328 = tpu.vector_load %arg21[%get3A_326, %get3A_327] {strides = array<i32>} : memref<80x128xf32, #tpu.memory_space<vmem>>, vector<1x16xf32>,
        %get3A_329 = vector.shape_cast %get3A_328 : vector<1x16xf32> to vector<16xf32>
        %mul3A_330 = arith.mulf %get3A_329, %gather3A_266 : vector<16xf32>
        %swap3A_331 = arith.index_cast %scan3A_228 : i32 to index
        %swap3A_332 = arith.constant 96 : index
        %swap3A_333 = tpu.vector_load %arg21[%swap3A_331, %swap3A_332] {strides = array<i32>} : memref<80x128xf32, #tpu.memory_space<vmem>>, vector<1x16xf32>,
        %swap3A_334 = vector.shape_cast %swap3A_333 : vector<1x16xf32> to vector<16xf32>
        %swap3A_335 = vector.shape_cast %mul3A_330 : vector<16xf32> to vector<1x16xf32>
        tpu.vector_store %arg21[%swap3A_331, %swap3A_332], %swap3A_335 {strides = array<i32>} : memref<80x128xf32, #tpu.memory_space<vmem>>, vector<1x16xf32>,
        %get3A_336 = arith.index_cast %scan3A_228 : i32 to index
        %get3A_337 = arith.constant 112 : index
        %get3A_338 = tpu.vector_load %arg21[%get3A_336, %get3A_337] {strides = array<i32>} : memref<80x128xf32, #tpu.memory_space<vmem>>, vector<1x16xf32>,
        %get3A_339 = vector.shape_cast %get3A_338 : vector<1x16xf32> to vector<16xf32>
        %mul3A_340 = arith.mulf %get3A_339, %gather3A_266 : vector<16xf32>
        %swap3A_341 = arith.index_cast %scan3A_228 : i32 to index
        %swap3A_342 = arith.constant 112 : index
        %swap3A_343 = tpu.vector_load %arg21[%swap3A_341, %swap3A_342] {strides = array<i32>} : memref<80x128xf32, #tpu.memory_space<vmem>>, vector<1x16xf32>,
        %swap3A_344 = vector.shape_cast %swap3A_343 : vector<1x16xf32> to vector<16xf32>
        %swap3A_345 = vector.shape_cast %mul3A_340 : vector<16xf32> to vector<1x16xf32>
        tpu.vector_store %arg21[%swap3A_341, %swap3A_342], %swap3A_345 {strides = array<i32>} : memref<80x128xf32, #tpu.memory_space<vmem>>, vector<1x16xf32>,
        %scan3A_346 = arith.constant 0 : i32
        scf.yield %scan3A_346 : i32
      }
      %scan3A_194 = arith.constant 80 : i32
      %dma_start3A_195 = arith.constant 0 : i32
      %dma_start3A_196 = arith.constant 0 : i32
      %dma_start3A_197 = tpu.memref_slice %arg23[%dma_start3A_195, %dma_start3A_196] : memref<10112x128xf32, #tpu.memory_space<vmem_shared>> -> memref<10112x128xf32, #tpu.memory_space<vmem_shared>>
      tpu.enqueue_indirect_dma source(%arg21 : memref<80x128xf32, #tpu.memory_space<vmem>>) target(%dma_start3A_197 : memref<10112x128xf32, #tpu.memory_space<vmem_shared>>) offsets(%arg13 : memref<80xi32, #tpu.memory_space<vmem>>) semaphore(%arg30 : memref<!tpu.dma_semaphore, #tpu.memory_space<semaphore_mem>>) {add = true}
      %mul3A_198 = arith.constant 4 : i32
      %mul3A_199 = arith.muli %scan3A_113, %mul3A_198 : i32
      %add3A_200 = arith.constant 3 : i32
      %add3A_201 = arith.addi %mul3A_199, %add3A_200 : i32
      %ge3A_202 = arith.constant 2 : i32
      %ge3A_203 = arith.cmpi sge, %add3A_201, %ge3A_202 : i32
      %convert_element_type3A_204 = arith.extui %ge3A_203 : i1 to i32
      %cond3A_205 = arith.constant 0 : i32
      %cond3A_206 = arith.cmpi ne, %convert_element_type3A_204, %cond3A_205 : i32
      scf.if %cond3A_206 {
        %dma_wait3A_228 = arith.constant 0 : i32
        %dma_wait3A_229 = arith.constant 0 : i32
        %dma_wait3A_230 = tpu.memref_slice %arg23[%dma_wait3A_228, %dma_wait3A_229] : memref<10112x128xf32, #tpu.memory_space<vmem_shared>> -> memref<10112x128xf32, #tpu.memory_space<vmem_shared>>
        tpu.wait_indirect_dma semaphore(%arg29 : memref<!tpu.dma_semaphore, #tpu.memory_space<semaphore_mem>>) src(%arg20 : memref<80x128xf32, #tpu.memory_space<vmem>>) dst(%dma_wait3A_230 : memref<10112x128xf32, #tpu.memory_space<vmem_shared>>)
      } else {
      }
      %add3A_207 = arith.constant 2 : i32
      %add3A_208 = arith.addi %add3A_201, %add3A_207 : i32
      %lt3A_209 = arith.constant 125 : i32
      %lt3A_210 = arith.cmpi slt, %add3A_208, %lt3A_209 : i32
      %convert_element_type3A_211 = arith.extui %lt3A_210 : i1 to i32
      %cond3A_212 = arith.constant 0 : i32
      %cond3A_213 = arith.cmpi ne, %convert_element_type3A_211, %cond3A_212 : i32
      scf.if %cond3A_213 {
        %add3A_228 = arith.constant 2 : i32
        %add3A_229 = arith.addi %add3A_201, %add3A_228 : i32
        %mul3A_230 = arith.constant 32 : i32
        %mul3A_231 = arith.muli %add3A_229, %mul3A_230 : i32
        %add3A_232 = arith.addi %add3A, %mul3A_231 : i32
        %mul3A_233 = arith.constant 80 : i32
        %mul3A_234 = arith.muli %add3A_232, %mul3A_233 : i32
        "tpu.region"() ({
          %run_scoped3A = tpu.sem_alloc : memref<!tpu.dma_semaphore, #tpu.memory_space<semaphore_mem>>
          %dma_start3A_238 = tpu.memref_slice %arg3[%mul3A_234] : memref<320000xi32, #tpu.memory_space<hbm>> -> memref<80xi32, #tpu.memory_space<hbm>>
          %dma_start3A_239 = tpu.memref_slice %arg3[%mul3A_234] : memref<320000xi32, #tpu.memory_space<hbm>> -> memref<80xi32, #tpu.memory_space<hbm>>
          tpu.enqueue_dma source(%dma_start3A_239 : memref<80xi32, #tpu.memory_space<hbm>>) target(%arg8 : memref<80xi32, #tpu.memory_space<vmem>>) target_semaphore(%run_scoped3A : memref<!tpu.dma_semaphore, #tpu.memory_space<semaphore_mem>>)
          %dma_wait3A_240 = tpu.memref_slice %arg3[%mul3A_234] : memref<320000xi32, #tpu.memory_space<hbm>> -> memref<80xi32, #tpu.memory_space<hbm>>
          %dma_wait3A_241 = tpu.memref_slice %arg3[%mul3A_234] : memref<320000xi32, #tpu.memory_space<hbm>> -> memref<80xi32, #tpu.memory_space<hbm>>
          tpu.wait_dma2 semaphore(%run_scoped3A : memref<!tpu.dma_semaphore, #tpu.memory_space<semaphore_mem>>) src(%dma_wait3A_241 : memref<80xi32, #tpu.memory_space<hbm>>) dst(%arg8 : memref<80xi32, #tpu.memory_space<vmem>>)
          tpu.yield
        }) : () -> ()
        "tpu.region"() ({
          %run_scoped3A = tpu.sem_alloc : memref<!tpu.dma_semaphore, #tpu.memory_space<semaphore_mem>>
          %dma_start3A_238 = tpu.memref_slice %arg4[%mul3A_234] : memref<320000xi32, #tpu.memory_space<hbm>> -> memref<80xi32, #tpu.memory_space<hbm>>
          %dma_start3A_239 = tpu.memref_slice %arg4[%mul3A_234] : memref<320000xi32, #tpu.memory_space<hbm>> -> memref<80xi32, #tpu.memory_space<hbm>>
          tpu.enqueue_dma source(%dma_start3A_239 : memref<80xi32, #tpu.memory_space<hbm>>) target(%arg12 : memref<80xi32, #tpu.memory_space<vmem>>) target_semaphore(%run_scoped3A : memref<!tpu.dma_semaphore, #tpu.memory_space<semaphore_mem>>)
          %dma_wait3A_240 = tpu.memref_slice %arg4[%mul3A_234] : memref<320000xi32, #tpu.memory_space<hbm>> -> memref<80xi32, #tpu.memory_space<hbm>>
          %dma_wait3A_241 = tpu.memref_slice %arg4[%mul3A_234] : memref<320000xi32, #tpu.memory_space<hbm>> -> memref<80xi32, #tpu.memory_space<hbm>>
          tpu.wait_dma2 semaphore(%run_scoped3A : memref<!tpu.dma_semaphore, #tpu.memory_space<semaphore_mem>>) src(%dma_wait3A_241 : memref<80xi32, #tpu.memory_space<hbm>>) dst(%arg12 : memref<80xi32, #tpu.memory_space<vmem>>)
          tpu.yield
        }) : () -> ()
        "tpu.region"() ({
          %run_scoped3A = tpu.sem_alloc : memref<!tpu.dma_semaphore, #tpu.memory_space<semaphore_mem>>
          %dma_start3A_238 = tpu.memref_slice %arg5[%mul3A_234] : memref<327680xf32, #tpu.memory_space<hbm>> -> memref<80xf32, #tpu.memory_space<hbm>>
          %dma_start3A_239 = tpu.memref_slice %arg5[%mul3A_234] : memref<327680xf32, #tpu.memory_space<hbm>> -> memref<80xf32, #tpu.memory_space<hbm>>
          tpu.enqueue_dma source(%dma_start3A_239 : memref<80xf32, #tpu.memory_space<hbm>>) target(%arg16 : memref<80xf32, #tpu.memory_space<vmem>>) target_semaphore(%run_scoped3A : memref<!tpu.dma_semaphore, #tpu.memory_space<semaphore_mem>>)
          %dma_wait3A_240 = tpu.memref_slice %arg5[%mul3A_234] : memref<327680xf32, #tpu.memory_space<hbm>> -> memref<80xf32, #tpu.memory_space<hbm>>
          %dma_wait3A_241 = tpu.memref_slice %arg5[%mul3A_234] : memref<327680xf32, #tpu.memory_space<hbm>> -> memref<80xf32, #tpu.memory_space<hbm>>
          tpu.wait_dma2 semaphore(%run_scoped3A : memref<!tpu.dma_semaphore, #tpu.memory_space<semaphore_mem>>) src(%dma_wait3A_241 : memref<80xf32, #tpu.memory_space<hbm>>) dst(%arg16 : memref<80xf32, #tpu.memory_space<vmem>>)
          tpu.yield
        }) : () -> ()
        %dma_start3A_235 = arith.constant 0 : i32
        %dma_start3A_236 = arith.constant 0 : i32
        %dma_start3A_237 = tpu.memref_slice %arg2[%dma_start3A_235, %dma_start3A_236] : memref<10112x128xf32, #tpu.memory_space<hbm>> -> memref<10112x128xf32, #tpu.memory_space<hbm>>
        tpu.enqueue_indirect_dma source(%dma_start3A_237 : memref<10112x128xf32, #tpu.memory_space<hbm>>) target(%arg20 : memref<80x128xf32, #tpu.memory_space<vmem>>) offsets(%arg8 : memref<80xi32, #tpu.memory_space<vmem>>) semaphore(%arg25 : memref<!tpu.dma_semaphore, #tpu.memory_space<semaphore_mem>>)
      } else {
      }
      %dma_wait3A_214 = arith.constant 0 : i32
      %dma_wait3A_215 = arith.constant 0 : i32
      %dma_wait3A_216 = tpu.memref_slice %arg2[%dma_wait3A_214, %dma_wait3A_215] : memref<10112x128xf32, #tpu.memory_space<hbm>> -> memref<10112x128xf32, #tpu.memory_space<hbm>>
      tpu.wait_indirect_dma semaphore(%arg27 : memref<!tpu.dma_semaphore, #tpu.memory_space<semaphore_mem>>) src(%dma_wait3A_216 : memref<10112x128xf32, #tpu.memory_space<hbm>>) dst(%arg22 : memref<80x128xf32, #tpu.memory_space<vmem>>)
      %scan3A_217 = arith.constant 0 : i32
      %scan3A_218 = arith.constant 0 : i32
      %scan3A_219 = arith.constant 80 : i32
      %scan3A_220 = arith.addi %scan3A_218, %scan3A_219 : i32
      %scan3A_221 = arith.constant 1 : i32
      %scan3A_222 = scf.for %scan3A_228 = %scan3A_218 to %scan3A_220 step %scan3A_221 iter_args(%scan3A_229 = %scan3A_217) -> (i32)  : i32 {
        %jit3A = arith.constant 16 : i32
        %div3A = arith.divsi %scan3A_228, %jit3A : i32
        %sign3A = arith.constant 0 : i32
        %sign3A_230 = arith.cmpi sgt, %scan3A_228, %sign3A : i32
        %sign3A_231 = arith.extui %sign3A_230 : i1 to i32
        %sign3A_232 = arith.constant 0 : i32
        %sign3A_233 = arith.cmpi slt, %scan3A_228, %sign3A_232 : i32
        %sign3A_234 = arith.extui %sign3A_233 : i1 to i32
        %sign3A_235 = arith.subi %sign3A_231, %sign3A_234 : i32
        %sign3A_236 = arith.constant 0 : i32
        %sign3A_237 = arith.cmpi sgt, %jit3A, %sign3A_236 : i32
        %sign3A_238 = arith.extui %sign3A_237 : i1 to i32
        %sign3A_239 = arith.constant 0 : i32
        %sign3A_240 = arith.cmpi slt, %jit3A, %sign3A_239 : i32
        %sign3A_241 = arith.extui %sign3A_240 : i1 to i32
        %sign3A_242 = arith.subi %sign3A_238, %sign3A_241 : i32
        %ne3A = arith.cmpi ne, %sign3A_235, %sign3A_242 : i32
        %rem3A = arith.remsi %scan3A_228, %jit3A : i32
        %ne3A_243 = arith.constant 0 : i32
        %ne3A_244 = arith.cmpi ne, %rem3A, %ne3A_243 : i32
        %and3A = arith.andi %ne3A, %ne3A_244 : i1
        %sub3A = arith.constant 1 : i32
        %sub3A_245 = arith.subi %div3A, %sub3A : i32
        %select_n3A = arith.select %and3A, %sub3A_245, %div3A : i32
        %mul3A_246 = arith.constant 16 : i32
        %mul3A_247 = arith.muli %select_n3A, %mul3A_246 : i32
        %get3A = arith.index_cast %mul3A_247 : i32 to index
        %get3A_248 = tpu.vector_load %arg18[%get3A] {strides = array<i32>} : memref<80xf32, #tpu.memory_space<vmem>>, vector<16xf32>,
        %get3A_249 = vector.shape_cast %get3A_248 : vector<16xf32> to vector<16xf32>
        %jit3A_250 = arith.constant 16 : i32
        %eq3A = arith.constant 0 : i32
        %eq3A_251 = arith.cmpi eq, %jit3A_250, %eq3A : i32
        %jit3A_252 = arith.constant 1 : i32
        %select_n3A_253 = arith.select %eq3A_251, %jit3A_252, %jit3A_250 : i32
        %rem3A_254 = arith.remsi %scan3A_228, %select_n3A_253 : i32
        %ne3A_255 = arith.constant 0 : i32
        %ne3A_256 = arith.cmpi ne, %rem3A_254, %ne3A_255 : i32
        %lt3A_257 = arith.constant 0 : i32
        %lt3A_258 = arith.cmpi slt, %rem3A_254, %lt3A_257 : i32
        %lt3A_259 = arith.constant 0 : i32
        %lt3A_260 = arith.cmpi slt, %select_n3A_253, %lt3A_259 : i32
        %ne3A_261 = arith.xori %lt3A_258, %lt3A_260 : i1
        %and3A_262 = arith.andi %ne3A_261, %ne3A_256 : i1
        %add3A_263 = arith.addi %rem3A_254, %select_n3A_253 : i32
        %select_n3A_264 = arith.select %and3A_262, %add3A_263, %rem3A_254 : i32
        %broadcast_in_dim3A = vector.broadcast %select_n3A_264 : i32 to vector<16xi32>
        %broadcast_in_dim3A_265 = vector.shape_cast %broadcast_in_dim3A : vector<16xi32> to vector<16x1xi32>
        %gather3A = vector.shape_cast %broadcast_in_dim3A_265 : vector<16x1xi32> to vector<16xi32>
        %gather3A_266 = tpu.dynamic_gather %get3A_249[%gather3A] in [0] : vector<16xf32>, vector<16xi32> -> vector<16xf32>
        %get3A_267 = arith.index_cast %scan3A_228 : i32 to index
        %get3A_268 = arith.constant 0 : index
        %get3A_269 = tpu.vector_load %arg22[%get3A_267, %get3A_268] {strides = array<i32>} : memref<80x128xf32, #tpu.memory_space<vmem>>, vector<1x16xf32>,
        %get3A_270 = vector.shape_cast %get3A_269 : vector<1x16xf32> to vector<16xf32>
        %mul3A_271 = arith.mulf %get3A_270, %gather3A_266 : vector<16xf32>
        %swap3A = arith.index_cast %scan3A_228 : i32 to index
        %swap3A_272 = arith.constant 0 : index
        %swap3A_273 = tpu.vector_load %arg22[%swap3A, %swap3A_272] {strides = array<i32>} : memref<80x128xf32, #tpu.memory_space<vmem>>, vector<1x16xf32>,
        %swap3A_274 = vector.shape_cast %swap3A_273 : vector<1x16xf32> to vector<16xf32>
        %swap3A_275 = vector.shape_cast %mul3A_271 : vector<16xf32> to vector<1x16xf32>
        tpu.vector_store %arg22[%swap3A, %swap3A_272], %swap3A_275 {strides = array<i32>} : memref<80x128xf32, #tpu.memory_space<vmem>>, vector<1x16xf32>,
        %get3A_276 = arith.index_cast %scan3A_228 : i32 to index
        %get3A_277 = arith.constant 16 : index
        %get3A_278 = tpu.vector_load %arg22[%get3A_276, %get3A_277] {strides = array<i32>} : memref<80x128xf32, #tpu.memory_space<vmem>>, vector<1x16xf32>,
        %get3A_279 = vector.shape_cast %get3A_278 : vector<1x16xf32> to vector<16xf32>
        %mul3A_280 = arith.mulf %get3A_279, %gather3A_266 : vector<16xf32>
        %swap3A_281 = arith.index_cast %scan3A_228 : i32 to index
        %swap3A_282 = arith.constant 16 : index
        %swap3A_283 = tpu.vector_load %arg22[%swap3A_281, %swap3A_282] {strides = array<i32>} : memref<80x128xf32, #tpu.memory_space<vmem>>, vector<1x16xf32>,
        %swap3A_284 = vector.shape_cast %swap3A_283 : vector<1x16xf32> to vector<16xf32>
        %swap3A_285 = vector.shape_cast %mul3A_280 : vector<16xf32> to vector<1x16xf32>
        tpu.vector_store %arg22[%swap3A_281, %swap3A_282], %swap3A_285 {strides = array<i32>} : memref<80x128xf32, #tpu.memory_space<vmem>>, vector<1x16xf32>,
        %get3A_286 = arith.index_cast %scan3A_228 : i32 to index
        %get3A_287 = arith.constant 32 : index
        %get3A_288 = tpu.vector_load %arg22[%get3A_286, %get3A_287] {strides = array<i32>} : memref<80x128xf32, #tpu.memory_space<vmem>>, vector<1x16xf32>,
        %get3A_289 = vector.shape_cast %get3A_288 : vector<1x16xf32> to vector<16xf32>
        %mul3A_290 = arith.mulf %get3A_289, %gather3A_266 : vector<16xf32>
        %swap3A_291 = arith.index_cast %scan3A_228 : i32 to index
        %swap3A_292 = arith.constant 32 : index
        %swap3A_293 = tpu.vector_load %arg22[%swap3A_291, %swap3A_292] {strides = array<i32>} : memref<80x128xf32, #tpu.memory_space<vmem>>, vector<1x16xf32>,
        %swap3A_294 = vector.shape_cast %swap3A_293 : vector<1x16xf32> to vector<16xf32>
        %swap3A_295 = vector.shape_cast %mul3A_290 : vector<16xf32> to vector<1x16xf32>
        tpu.vector_store %arg22[%swap3A_291, %swap3A_292], %swap3A_295 {strides = array<i32>} : memref<80x128xf32, #tpu.memory_space<vmem>>, vector<1x16xf32>,
        %get3A_296 = arith.index_cast %scan3A_228 : i32 to index
        %get3A_297 = arith.constant 48 : index
        %get3A_298 = tpu.vector_load %arg22[%get3A_296, %get3A_297] {strides = array<i32>} : memref<80x128xf32, #tpu.memory_space<vmem>>, vector<1x16xf32>,
        %get3A_299 = vector.shape_cast %get3A_298 : vector<1x16xf32> to vector<16xf32>
        %mul3A_300 = arith.mulf %get3A_299, %gather3A_266 : vector<16xf32>
        %swap3A_301 = arith.index_cast %scan3A_228 : i32 to index
        %swap3A_302 = arith.constant 48 : index
        %swap3A_303 = tpu.vector_load %arg22[%swap3A_301, %swap3A_302] {strides = array<i32>} : memref<80x128xf32, #tpu.memory_space<vmem>>, vector<1x16xf32>,
        %swap3A_304 = vector.shape_cast %swap3A_303 : vector<1x16xf32> to vector<16xf32>
        %swap3A_305 = vector.shape_cast %mul3A_300 : vector<16xf32> to vector<1x16xf32>
        tpu.vector_store %arg22[%swap3A_301, %swap3A_302], %swap3A_305 {strides = array<i32>} : memref<80x128xf32, #tpu.memory_space<vmem>>, vector<1x16xf32>,
        %get3A_306 = arith.index_cast %scan3A_228 : i32 to index
        %get3A_307 = arith.constant 64 : index
        %get3A_308 = tpu.vector_load %arg22[%get3A_306, %get3A_307] {strides = array<i32>} : memref<80x128xf32, #tpu.memory_space<vmem>>, vector<1x16xf32>,
        %get3A_309 = vector.shape_cast %get3A_308 : vector<1x16xf32> to vector<16xf32>
        %mul3A_310 = arith.mulf %get3A_309, %gather3A_266 : vector<16xf32>
        %swap3A_311 = arith.index_cast %scan3A_228 : i32 to index
        %swap3A_312 = arith.constant 64 : index
        %swap3A_313 = tpu.vector_load %arg22[%swap3A_311, %swap3A_312] {strides = array<i32>} : memref<80x128xf32, #tpu.memory_space<vmem>>, vector<1x16xf32>,
        %swap3A_314 = vector.shape_cast %swap3A_313 : vector<1x16xf32> to vector<16xf32>
        %swap3A_315 = vector.shape_cast %mul3A_310 : vector<16xf32> to vector<1x16xf32>
        tpu.vector_store %arg22[%swap3A_311, %swap3A_312], %swap3A_315 {strides = array<i32>} : memref<80x128xf32, #tpu.memory_space<vmem>>, vector<1x16xf32>,
        %get3A_316 = arith.index_cast %scan3A_228 : i32 to index
        %get3A_317 = arith.constant 80 : index
        %get3A_318 = tpu.vector_load %arg22[%get3A_316, %get3A_317] {strides = array<i32>} : memref<80x128xf32, #tpu.memory_space<vmem>>, vector<1x16xf32>,
        %get3A_319 = vector.shape_cast %get3A_318 : vector<1x16xf32> to vector<16xf32>
        %mul3A_320 = arith.mulf %get3A_319, %gather3A_266 : vector<16xf32>
        %swap3A_321 = arith.index_cast %scan3A_228 : i32 to index
        %swap3A_322 = arith.constant 80 : index
        %swap3A_323 = tpu.vector_load %arg22[%swap3A_321, %swap3A_322] {strides = array<i32>} : memref<80x128xf32, #tpu.memory_space<vmem>>, vector<1x16xf32>,
        %swap3A_324 = vector.shape_cast %swap3A_323 : vector<1x16xf32> to vector<16xf32>
        %swap3A_325 = vector.shape_cast %mul3A_320 : vector<16xf32> to vector<1x16xf32>
        tpu.vector_store %arg22[%swap3A_321, %swap3A_322], %swap3A_325 {strides = array<i32>} : memref<80x128xf32, #tpu.memory_space<vmem>>, vector<1x16xf32>,
        %get3A_326 = arith.index_cast %scan3A_228 : i32 to index
        %get3A_327 = arith.constant 96 : index
        %get3A_328 = tpu.vector_load %arg22[%get3A_326, %get3A_327] {strides = array<i32>} : memref<80x128xf32, #tpu.memory_space<vmem>>, vector<1x16xf32>,
        %get3A_329 = vector.shape_cast %get3A_328 : vector<1x16xf32> to vector<16xf32>
        %mul3A_330 = arith.mulf %get3A_329, %gather3A_266 : vector<16xf32>
        %swap3A_331 = arith.index_cast %scan3A_228 : i32 to index
        %swap3A_332 = arith.constant 96 : index
        %swap3A_333 = tpu.vector_load %arg22[%swap3A_331, %swap3A_332] {strides = array<i32>} : memref<80x128xf32, #tpu.memory_space<vmem>>, vector<1x16xf32>,
        %swap3A_334 = vector.shape_cast %swap3A_333 : vector<1x16xf32> to vector<16xf32>
        %swap3A_335 = vector.shape_cast %mul3A_330 : vector<16xf32> to vector<1x16xf32>
        tpu.vector_store %arg22[%swap3A_331, %swap3A_332], %swap3A_335 {strides = array<i32>} : memref<80x128xf32, #tpu.memory_space<vmem>>, vector<1x16xf32>,
        %get3A_336 = arith.index_cast %scan3A_228 : i32 to index
        %get3A_337 = arith.constant 112 : index
        %get3A_338 = tpu.vector_load %arg22[%get3A_336, %get3A_337] {strides = array<i32>} : memref<80x128xf32, #tpu.memory_space<vmem>>, vector<1x16xf32>,
        %get3A_339 = vector.shape_cast %get3A_338 : vector<1x16xf32> to vector<16xf32>
        %mul3A_340 = arith.mulf %get3A_339, %gather3A_266 : vector<16xf32>
        %swap3A_341 = arith.index_cast %scan3A_228 : i32 to index
        %swap3A_342 = arith.constant 112 : index
        %swap3A_343 = tpu.vector_load %arg22[%swap3A_341, %swap3A_342] {strides = array<i32>} : memref<80x128xf32, #tpu.memory_space<vmem>>, vector<1x16xf32>,
        %swap3A_344 = vector.shape_cast %swap3A_343 : vector<1x16xf32> to vector<16xf32>
        %swap3A_345 = vector.shape_cast %mul3A_340 : vector<16xf32> to vector<1x16xf32>
        tpu.vector_store %arg22[%swap3A_341, %swap3A_342], %swap3A_345 {strides = array<i32>} : memref<80x128xf32, #tpu.memory_space<vmem>>, vector<1x16xf32>,
        %scan3A_346 = arith.constant 0 : i32
        scf.yield %scan3A_346 : i32
      }
      %scan3A_223 = arith.constant 80 : i32
      %dma_start3A_224 = arith.constant 0 : i32
      %dma_start3A_225 = arith.constant 0 : i32
      %dma_start3A_226 = tpu.memref_slice %arg23[%dma_start3A_224, %dma_start3A_225] : memref<10112x128xf32, #tpu.memory_space<vmem_shared>> -> memref<10112x128xf32, #tpu.memory_space<vmem_shared>>
      tpu.enqueue_indirect_dma source(%arg22 : memref<80x128xf32, #tpu.memory_space<vmem>>) target(%dma_start3A_226 : memref<10112x128xf32, #tpu.memory_space<vmem_shared>>) offsets(%arg14 : memref<80xi32, #tpu.memory_space<vmem>>) semaphore(%arg31 : memref<!tpu.dma_semaphore, #tpu.memory_space<semaphore_mem>>) {add = true}
      %scan3A_227 = arith.constant 0 : i32
      scf.yield %scan3A_227 : i32
    }
    %scan3A_58 = arith.constant 31 : i32
    %dma_wait3A = arith.constant 0 : i32
    %dma_wait3A_59 = arith.constant 0 : i32
    %dma_wait3A_60 = tpu.memref_slice %arg23[%dma_wait3A, %dma_wait3A_59] : memref<10112x128xf32, #tpu.memory_space<vmem_shared>> -> memref<10112x128xf32, #tpu.memory_space<vmem_shared>>
    tpu.wait_indirect_dma semaphore(%arg30 : memref<!tpu.dma_semaphore, #tpu.memory_space<semaphore_mem>>) src(%arg21 : memref<80x128xf32, #tpu.memory_space<vmem>>) dst(%dma_wait3A_60 : memref<10112x128xf32, #tpu.memory_space<vmem_shared>>)
    %dma_wait3A_61 = arith.constant 0 : i32
    %dma_wait3A_62 = arith.constant 0 : i32
    %dma_wait3A_63 = tpu.memref_slice %arg2[%dma_wait3A_61, %dma_wait3A_62] : memref<10112x128xf32, #tpu.memory_space<hbm>> -> memref<10112x128xf32, #tpu.memory_space<hbm>>
    tpu.wait_indirect_dma semaphore(%arg24 : memref<!tpu.dma_semaphore, #tpu.memory_space<semaphore_mem>>) src(%dma_wait3A_63 : memref<10112x128xf32, #tpu.memory_space<hbm>>) dst(%arg19 : memref<80x128xf32, #tpu.memory_space<vmem>>)
    %scan3A_64 = arith.constant 0 : i32
    %scan3A_65 = arith.constant 0 : i32
    %scan3A_66 = arith.constant 80 : i32
    %scan3A_67 = arith.addi %scan3A_65, %scan3A_66 : i32
    %scan3A_68 = arith.constant 1 : i32
    %scan3A_69 = scf.for %scan3A_113 = %scan3A_65 to %scan3A_67 step %scan3A_68 iter_args(%scan3A_114 = %scan3A_64) -> (i32)  : i32 {
      %jit3A = arith.constant 16 : i32
      %div3A = arith.divsi %scan3A_113, %jit3A : i32
      %sign3A = arith.constant 0 : i32
      %sign3A_115 = arith.cmpi sgt, %scan3A_113, %sign3A : i32
      %sign3A_116 = arith.extui %sign3A_115 : i1 to i32
      %sign3A_117 = arith.constant 0 : i32
      %sign3A_118 = arith.cmpi slt, %scan3A_113, %sign3A_117 : i32
      %sign3A_119 = arith.extui %sign3A_118 : i1 to i32
      %sign3A_120 = arith.subi %sign3A_116, %sign3A_119 : i32
      %sign3A_121 = arith.constant 0 : i32
      %sign3A_122 = arith.cmpi sgt, %jit3A, %sign3A_121 : i32
      %sign3A_123 = arith.extui %sign3A_122 : i1 to i32
      %sign3A_124 = arith.constant 0 : i32
      %sign3A_125 = arith.cmpi slt, %jit3A, %sign3A_124 : i32
      %sign3A_126 = arith.extui %sign3A_125 : i1 to i32
      %sign3A_127 = arith.subi %sign3A_123, %sign3A_126 : i32
      %ne3A = arith.cmpi ne, %sign3A_120, %sign3A_127 : i32
      %rem3A = arith.remsi %scan3A_113, %jit3A : i32
      %ne3A_128 = arith.constant 0 : i32
      %ne3A_129 = arith.cmpi ne, %rem3A, %ne3A_128 : i32
      %and3A = arith.andi %ne3A, %ne3A_129 : i1
      %sub3A = arith.constant 1 : i32
      %sub3A_130 = arith.subi %div3A, %sub3A : i32
      %select_n3A = arith.select %and3A, %sub3A_130, %div3A : i32
      %mul3A_131 = arith.constant 16 : i32
      %mul3A_132 = arith.muli %select_n3A, %mul3A_131 : i32
      %get3A = arith.index_cast %mul3A_132 : i32 to index
      %get3A_133 = tpu.vector_load %arg15[%get3A] {strides = array<i32>} : memref<80xf32, #tpu.memory_space<vmem>>, vector<16xf32>,
      %get3A_134 = vector.shape_cast %get3A_133 : vector<16xf32> to vector<16xf32>
      %jit3A_135 = arith.constant 16 : i32
      %eq3A = arith.constant 0 : i32
      %eq3A_136 = arith.cmpi eq, %jit3A_135, %eq3A : i32
      %jit3A_137 = arith.constant 1 : i32
      %select_n3A_138 = arith.select %eq3A_136, %jit3A_137, %jit3A_135 : i32
      %rem3A_139 = arith.remsi %scan3A_113, %select_n3A_138 : i32
      %ne3A_140 = arith.constant 0 : i32
      %ne3A_141 = arith.cmpi ne, %rem3A_139, %ne3A_140 : i32
      %lt3A = arith.constant 0 : i32
      %lt3A_142 = arith.cmpi slt, %rem3A_139, %lt3A : i32
      %lt3A_143 = arith.constant 0 : i32
      %lt3A_144 = arith.cmpi slt, %select_n3A_138, %lt3A_143 : i32
      %ne3A_145 = arith.xori %lt3A_142, %lt3A_144 : i1
      %and3A_146 = arith.andi %ne3A_145, %ne3A_141 : i1
      %add3A_147 = arith.addi %rem3A_139, %select_n3A_138 : i32
      %select_n3A_148 = arith.select %and3A_146, %add3A_147, %rem3A_139 : i32
      %broadcast_in_dim3A = vector.broadcast %select_n3A_148 : i32 to vector<16xi32>
      %broadcast_in_dim3A_149 = vector.shape_cast %broadcast_in_dim3A : vector<16xi32> to vector<16x1xi32>
      %gather3A = vector.shape_cast %broadcast_in_dim3A_149 : vector<16x1xi32> to vector<16xi32>
      %gather3A_150 = tpu.dynamic_gather %get3A_134[%gather3A] in [0] : vector<16xf32>, vector<16xi32> -> vector<16xf32>
      %get3A_151 = arith.index_cast %scan3A_113 : i32 to index
      %get3A_152 = arith.constant 0 : index
      %get3A_153 = tpu.vector_load %arg19[%get3A_151, %get3A_152] {strides = array<i32>} : memref<80x128xf32, #tpu.memory_space<vmem>>, vector<1x16xf32>,
      %get3A_154 = vector.shape_cast %get3A_153 : vector<1x16xf32> to vector<16xf32>
      %mul3A_155 = arith.mulf %get3A_154, %gather3A_150 : vector<16xf32>
      %swap3A = arith.index_cast %scan3A_113 : i32 to index
      %swap3A_156 = arith.constant 0 : index
      %swap3A_157 = tpu.vector_load %arg19[%swap3A, %swap3A_156] {strides = array<i32>} : memref<80x128xf32, #tpu.memory_space<vmem>>, vector<1x16xf32>,
      %swap3A_158 = vector.shape_cast %swap3A_157 : vector<1x16xf32> to vector<16xf32>
      %swap3A_159 = vector.shape_cast %mul3A_155 : vector<16xf32> to vector<1x16xf32>
      tpu.vector_store %arg19[%swap3A, %swap3A_156], %swap3A_159 {strides = array<i32>} : memref<80x128xf32, #tpu.memory_space<vmem>>, vector<1x16xf32>,
      %get3A_160 = arith.index_cast %scan3A_113 : i32 to index
      %get3A_161 = arith.constant 16 : index
      %get3A_162 = tpu.vector_load %arg19[%get3A_160, %get3A_161] {strides = array<i32>} : memref<80x128xf32, #tpu.memory_space<vmem>>, vector<1x16xf32>,
      %get3A_163 = vector.shape_cast %get3A_162 : vector<1x16xf32> to vector<16xf32>
      %mul3A_164 = arith.mulf %get3A_163, %gather3A_150 : vector<16xf32>
      %swap3A_165 = arith.index_cast %scan3A_113 : i32 to index
      %swap3A_166 = arith.constant 16 : index
      %swap3A_167 = tpu.vector_load %arg19[%swap3A_165, %swap3A_166] {strides = array<i32>} : memref<80x128xf32, #tpu.memory_space<vmem>>, vector<1x16xf32>,
      %swap3A_168 = vector.shape_cast %swap3A_167 : vector<1x16xf32> to vector<16xf32>
      %swap3A_169 = vector.shape_cast %mul3A_164 : vector<16xf32> to vector<1x16xf32>
      tpu.vector_store %arg19[%swap3A_165, %swap3A_166], %swap3A_169 {strides = array<i32>} : memref<80x128xf32, #tpu.memory_space<vmem>>, vector<1x16xf32>,
      %get3A_170 = arith.index_cast %scan3A_113 : i32 to index
      %get3A_171 = arith.constant 32 : index
      %get3A_172 = tpu.vector_load %arg19[%get3A_170, %get3A_171] {strides = array<i32>} : memref<80x128xf32, #tpu.memory_space<vmem>>, vector<1x16xf32>,
      %get3A_173 = vector.shape_cast %get3A_172 : vector<1x16xf32> to vector<16xf32>
      %mul3A_174 = arith.mulf %get3A_173, %gather3A_150 : vector<16xf32>
      %swap3A_175 = arith.index_cast %scan3A_113 : i32 to index
      %swap3A_176 = arith.constant 32 : index
      %swap3A_177 = tpu.vector_load %arg19[%swap3A_175, %swap3A_176] {strides = array<i32>} : memref<80x128xf32, #tpu.memory_space<vmem>>, vector<1x16xf32>,
      %swap3A_178 = vector.shape_cast %swap3A_177 : vector<1x16xf32> to vector<16xf32>
      %swap3A_179 = vector.shape_cast %mul3A_174 : vector<16xf32> to vector<1x16xf32>
      tpu.vector_store %arg19[%swap3A_175, %swap3A_176], %swap3A_179 {strides = array<i32>} : memref<80x128xf32, #tpu.memory_space<vmem>>, vector<1x16xf32>,
      %get3A_180 = arith.index_cast %scan3A_113 : i32 to index
      %get3A_181 = arith.constant 48 : index
      %get3A_182 = tpu.vector_load %arg19[%get3A_180, %get3A_181] {strides = array<i32>} : memref<80x128xf32, #tpu.memory_space<vmem>>, vector<1x16xf32>,
      %get3A_183 = vector.shape_cast %get3A_182 : vector<1x16xf32> to vector<16xf32>
      %mul3A_184 = arith.mulf %get3A_183, %gather3A_150 : vector<16xf32>
      %swap3A_185 = arith.index_cast %scan3A_113 : i32 to index
      %swap3A_186 = arith.constant 48 : index
      %swap3A_187 = tpu.vector_load %arg19[%swap3A_185, %swap3A_186] {strides = array<i32>} : memref<80x128xf32, #tpu.memory_space<vmem>>, vector<1x16xf32>,
      %swap3A_188 = vector.shape_cast %swap3A_187 : vector<1x16xf32> to vector<16xf32>
      %swap3A_189 = vector.shape_cast %mul3A_184 : vector<16xf32> to vector<1x16xf32>
      tpu.vector_store %arg19[%swap3A_185, %swap3A_186], %swap3A_189 {strides = array<i32>} : memref<80x128xf32, #tpu.memory_space<vmem>>, vector<1x16xf32>,
      %get3A_190 = arith.index_cast %scan3A_113 : i32 to index
      %get3A_191 = arith.constant 64 : index
      %get3A_192 = tpu.vector_load %arg19[%get3A_190, %get3A_191] {strides = array<i32>} : memref<80x128xf32, #tpu.memory_space<vmem>>, vector<1x16xf32>,
      %get3A_193 = vector.shape_cast %get3A_192 : vector<1x16xf32> to vector<16xf32>
      %mul3A_194 = arith.mulf %get3A_193, %gather3A_150 : vector<16xf32>
      %swap3A_195 = arith.index_cast %scan3A_113 : i32 to index
      %swap3A_196 = arith.constant 64 : index
      %swap3A_197 = tpu.vector_load %arg19[%swap3A_195, %swap3A_196] {strides = array<i32>} : memref<80x128xf32, #tpu.memory_space<vmem>>, vector<1x16xf32>,
      %swap3A_198 = vector.shape_cast %swap3A_197 : vector<1x16xf32> to vector<16xf32>
      %swap3A_199 = vector.shape_cast %mul3A_194 : vector<16xf32> to vector<1x16xf32>
      tpu.vector_store %arg19[%swap3A_195, %swap3A_196], %swap3A_199 {strides = array<i32>} : memref<80x128xf32, #tpu.memory_space<vmem>>, vector<1x16xf32>,
      %get3A_200 = arith.index_cast %scan3A_113 : i32 to index
      %get3A_201 = arith.constant 80 : index
      %get3A_202 = tpu.vector_load %arg19[%get3A_200, %get3A_201] {strides = array<i32>} : memref<80x128xf32, #tpu.memory_space<vmem>>, vector<1x16xf32>,
      %get3A_203 = vector.shape_cast %get3A_202 : vector<1x16xf32> to vector<16xf32>
      %mul3A_204 = arith.mulf %get3A_203, %gather3A_150 : vector<16xf32>
      %swap3A_205 = arith.index_cast %scan3A_113 : i32 to index
      %swap3A_206 = arith.constant 80 : index
      %swap3A_207 = tpu.vector_load %arg19[%swap3A_205, %swap3A_206] {strides = array<i32>} : memref<80x128xf32, #tpu.memory_space<vmem>>, vector<1x16xf32>,
      %swap3A_208 = vector.shape_cast %swap3A_207 : vector<1x16xf32> to vector<16xf32>
      %swap3A_209 = vector.shape_cast %mul3A_204 : vector<16xf32> to vector<1x16xf32>
      tpu.vector_store %arg19[%swap3A_205, %swap3A_206], %swap3A_209 {strides = array<i32>} : memref<80x128xf32, #tpu.memory_space<vmem>>, vector<1x16xf32>,
      %get3A_210 = arith.index_cast %scan3A_113 : i32 to index
      %get3A_211 = arith.constant 96 : index
      %get3A_212 = tpu.vector_load %arg19[%get3A_210, %get3A_211] {strides = array<i32>} : memref<80x128xf32, #tpu.memory_space<vmem>>, vector<1x16xf32>,
      %get3A_213 = vector.shape_cast %get3A_212 : vector<1x16xf32> to vector<16xf32>
      %mul3A_214 = arith.mulf %get3A_213, %gather3A_150 : vector<16xf32>
      %swap3A_215 = arith.index_cast %scan3A_113 : i32 to index
      %swap3A_216 = arith.constant 96 : index
      %swap3A_217 = tpu.vector_load %arg19[%swap3A_215, %swap3A_216] {strides = array<i32>} : memref<80x128xf32, #tpu.memory_space<vmem>>, vector<1x16xf32>,
      %swap3A_218 = vector.shape_cast %swap3A_217 : vector<1x16xf32> to vector<16xf32>
      %swap3A_219 = vector.shape_cast %mul3A_214 : vector<16xf32> to vector<1x16xf32>
      tpu.vector_store %arg19[%swap3A_215, %swap3A_216], %swap3A_219 {strides = array<i32>} : memref<80x128xf32, #tpu.memory_space<vmem>>, vector<1x16xf32>,
      %get3A_220 = arith.index_cast %scan3A_113 : i32 to index
      %get3A_221 = arith.constant 112 : index
      %get3A_222 = tpu.vector_load %arg19[%get3A_220, %get3A_221] {strides = array<i32>} : memref<80x128xf32, #tpu.memory_space<vmem>>, vector<1x16xf32>,
      %get3A_223 = vector.shape_cast %get3A_222 : vector<1x16xf32> to vector<16xf32>
      %mul3A_224 = arith.mulf %get3A_223, %gather3A_150 : vector<16xf32>
      %swap3A_225 = arith.index_cast %scan3A_113 : i32 to index
      %swap3A_226 = arith.constant 112 : index
      %swap3A_227 = tpu.vector_load %arg19[%swap3A_225, %swap3A_226] {strides = array<i32>} : memref<80x128xf32, #tpu.memory_space<vmem>>, vector<1x16xf32>,
      %swap3A_228 = vector.shape_cast %swap3A_227 : vector<1x16xf32> to vector<16xf32>
      %swap3A_229 = vector.shape_cast %mul3A_224 : vector<16xf32> to vector<1x16xf32>
      tpu.vector_store %arg19[%swap3A_225, %swap3A_226], %swap3A_229 {strides = array<i32>} : memref<80x128xf32, #tpu.memory_space<vmem>>, vector<1x16xf32>,
      %scan3A_230 = arith.constant 0 : i32
      scf.yield %scan3A_230 : i32
    }
    %scan3A_70 = arith.constant 80 : i32
    %dma_start3A_71 = arith.constant 0 : i32
    %dma_start3A_72 = arith.constant 0 : i32
    %dma_start3A_73 = tpu.memref_slice %arg23[%dma_start3A_71, %dma_start3A_72] : memref<10112x128xf32, #tpu.memory_space<vmem_shared>> -> memref<10112x128xf32, #tpu.memory_space<vmem_shared>>
    tpu.enqueue_indirect_dma source(%arg19 : memref<80x128xf32, #tpu.memory_space<vmem>>) target(%dma_start3A_73 : memref<10112x128xf32, #tpu.memory_space<vmem_shared>>) offsets(%arg11 : memref<80xi32, #tpu.memory_space<vmem>>) semaphore(%arg28 : memref<!tpu.dma_semaphore, #tpu.memory_space<semaphore_mem>>) {add = true}
    %dma_wait3A_74 = arith.constant 0 : i32
    %dma_wait3A_75 = arith.constant 0 : i32
    %dma_wait3A_76 = tpu.memref_slice %arg23[%dma_wait3A_74, %dma_wait3A_75] : memref<10112x128xf32, #tpu.memory_space<vmem_shared>> -> memref<10112x128xf32, #tpu.memory_space<vmem_shared>>
    tpu.wait_indirect_dma semaphore(%arg31 : memref<!tpu.dma_semaphore, #tpu.memory_space<semaphore_mem>>) src(%arg22 : memref<80x128xf32, #tpu.memory_space<vmem>>) dst(%dma_wait3A_76 : memref<10112x128xf32, #tpu.memory_space<vmem_shared>>)
    %dma_wait3A_77 = arith.constant 0 : i32
    %dma_wait3A_78 = arith.constant 0 : i32
    %dma_wait3A_79 = tpu.memref_slice %arg23[%dma_wait3A_77, %dma_wait3A_78] : memref<10112x128xf32, #tpu.memory_space<vmem_shared>> -> memref<10112x128xf32, #tpu.memory_space<vmem_shared>>
    tpu.wait_indirect_dma semaphore(%arg28 : memref<!tpu.dma_semaphore, #tpu.memory_space<semaphore_mem>>) src(%arg19 : memref<80x128xf32, #tpu.memory_space<vmem>>) dst(%dma_wait3A_79 : memref<10112x128xf32, #tpu.memory_space<vmem_shared>>)
    %barrier3A_80 = arith.constant 0 : index
    tpu.barrier barrier_id(%barrier3A_80)
    %mul3A_81 = arith.constant 632 : i32
    %mul3A_82 = arith.muli %arg1, %mul3A_81 : i32
    %add3A_83 = arith.constant 0 : i32
    %add3A_84 = arith.addi %mul3A_82, %add3A_83 : i32
    "tpu.region"() ({
      %run_scoped3A = tpu.sem_alloc : memref<!tpu.dma_semaphore, #tpu.memory_space<semaphore_mem>>
      %dma_start3A_113 = arith.constant 0 : i32
      %dma_start3A_114 = tpu.memref_slice %arg6[%arg0, %add3A_84, %dma_start3A_113] : memref<2x10112x128xf32, #tpu.memory_space<hbm>> -> memref<1x80x128xf32, #tpu.memory_space<hbm>>
      %dma_start3A_115 = tpu.memref_squeeze %dma_start3A_114 : memref<1x80x128xf32, #tpu.memory_space<hbm>> -> memref<80x128xf32, #tpu.memory_space<hbm>>
      %dma_start3A_116 = arith.constant 0 : i32
      %dma_start3A_117 = tpu.memref_slice %arg23[%add3A_84, %dma_start3A_116] : memref<10112x128xf32, #tpu.memory_space<vmem_shared>> -> memref<80x128xf32, #tpu.memory_space<vmem_shared>>
      tpu.enqueue_dma source(%dma_start3A_117 : memref<80x128xf32, #tpu.memory_space<vmem_shared>>) target(%dma_start3A_115 : memref<80x128xf32, #tpu.memory_space<hbm>>) target_semaphore(%run_scoped3A : memref<!tpu.dma_semaphore, #tpu.memory_space<semaphore_mem>>)
      %dma_wait3A_118 = arith.constant 0 : i32
      %dma_wait3A_119 = tpu.memref_slice %arg6[%arg0, %add3A_84, %dma_wait3A_118] : memref<2x10112x128xf32, #tpu.memory_space<hbm>> -> memref<1x80x128xf32, #tpu.memory_space<hbm>>
      %dma_wait3A_120 = tpu.memref_squeeze %dma_wait3A_119 : memref<1x80x128xf32, #tpu.memory_space<hbm>> -> memref<80x128xf32, #tpu.memory_space<hbm>>
      %dma_wait3A_121 = arith.constant 0 : i32
      %dma_wait3A_122 = tpu.memref_slice %arg23[%add3A_84, %dma_wait3A_121] : memref<10112x128xf32, #tpu.memory_space<vmem_shared>> -> memref<80x128xf32, #tpu.memory_space<vmem_shared>>
      tpu.wait_dma2 semaphore(%run_scoped3A : memref<!tpu.dma_semaphore, #tpu.memory_space<semaphore_mem>>) src(%dma_wait3A_122 : memref<80x128xf32, #tpu.memory_space<vmem_shared>>) dst(%dma_wait3A_120 : memref<80x128xf32, #tpu.memory_space<hbm>>)
      tpu.yield
    }) : () -> ()
    %mul3A_85 = arith.constant 632 : i32
    %mul3A_86 = arith.muli %arg1, %mul3A_85 : i32
    %add3A_87 = arith.constant 80 : i32
    %add3A_88 = arith.addi %mul3A_86, %add3A_87 : i32
    "tpu.region"() ({
      %run_scoped3A = tpu.sem_alloc : memref<!tpu.dma_semaphore, #tpu.memory_space<semaphore_mem>>
      %dma_start3A_113 = arith.constant 0 : i32
      %dma_start3A_114 = tpu.memref_slice %arg6[%arg0, %add3A_88, %dma_start3A_113] : memref<2x10112x128xf32, #tpu.memory_space<hbm>> -> memref<1x80x128xf32, #tpu.memory_space<hbm>>
      %dma_start3A_115 = tpu.memref_squeeze %dma_start3A_114 : memref<1x80x128xf32, #tpu.memory_space<hbm>> -> memref<80x128xf32, #tpu.memory_space<hbm>>
      %dma_start3A_116 = arith.constant 0 : i32
      %dma_start3A_117 = tpu.memref_slice %arg23[%add3A_88, %dma_start3A_116] : memref<10112x128xf32, #tpu.memory_space<vmem_shared>> -> memref<80x128xf32, #tpu.memory_space<vmem_shared>>
      tpu.enqueue_dma source(%dma_start3A_117 : memref<80x128xf32, #tpu.memory_space<vmem_shared>>) target(%dma_start3A_115 : memref<80x128xf32, #tpu.memory_space<hbm>>) target_semaphore(%run_scoped3A : memref<!tpu.dma_semaphore, #tpu.memory_space<semaphore_mem>>)
      %dma_wait3A_118 = arith.constant 0 : i32
      %dma_wait3A_119 = tpu.memref_slice %arg6[%arg0, %add3A_88, %dma_wait3A_118] : memref<2x10112x128xf32, #tpu.memory_space<hbm>> -> memref<1x80x128xf32, #tpu.memory_space<hbm>>
      %dma_wait3A_120 = tpu.memref_squeeze %dma_wait3A_119 : memref<1x80x128xf32, #tpu.memory_space<hbm>> -> memref<80x128xf32, #tpu.memory_space<hbm>>
      %dma_wait3A_121 = arith.constant 0 : i32
      %dma_wait3A_122 = tpu.memref_slice %arg23[%add3A_88, %dma_wait3A_121] : memref<10112x128xf32, #tpu.memory_space<vmem_shared>> -> memref<80x128xf32, #tpu.memory_space<vmem_shared>>
      tpu.wait_dma2 semaphore(%run_scoped3A : memref<!tpu.dma_semaphore, #tpu.memory_space<semaphore_mem>>) src(%dma_wait3A_122 : memref<80x128xf32, #tpu.memory_space<vmem_shared>>) dst(%dma_wait3A_120 : memref<80x128xf32, #tpu.memory_space<hbm>>)
      tpu.yield
    }) : () -> ()
    %mul3A_89 = arith.constant 632 : i32
    %mul3A_90 = arith.muli %arg1, %mul3A_89 : i32
    %add3A_91 = arith.constant 160 : i32
    %add3A_92 = arith.addi %mul3A_90, %add3A_91 : i32
    "tpu.region"() ({
      %run_scoped3A = tpu.sem_alloc : memref<!tpu.dma_semaphore, #tpu.memory_space<semaphore_mem>>
      %dma_start3A_113 = arith.constant 0 : i32
      %dma_start3A_114 = tpu.memref_slice %arg6[%arg0, %add3A_92, %dma_start3A_113] : memref<2x10112x128xf32, #tpu.memory_space<hbm>> -> memref<1x80x128xf32, #tpu.memory_space<hbm>>
      %dma_start3A_115 = tpu.memref_squeeze %dma_start3A_114 : memref<1x80x128xf32, #tpu.memory_space<hbm>> -> memref<80x128xf32, #tpu.memory_space<hbm>>
      %dma_start3A_116 = arith.constant 0 : i32
      %dma_start3A_117 = tpu.memref_slice %arg23[%add3A_92, %dma_start3A_116] : memref<10112x128xf32, #tpu.memory_space<vmem_shared>> -> memref<80x128xf32, #tpu.memory_space<vmem_shared>>
      tpu.enqueue_dma source(%dma_start3A_117 : memref<80x128xf32, #tpu.memory_space<vmem_shared>>) target(%dma_start3A_115 : memref<80x128xf32, #tpu.memory_space<hbm>>) target_semaphore(%run_scoped3A : memref<!tpu.dma_semaphore, #tpu.memory_space<semaphore_mem>>)
      %dma_wait3A_118 = arith.constant 0 : i32
      %dma_wait3A_119 = tpu.memref_slice %arg6[%arg0, %add3A_92, %dma_wait3A_118] : memref<2x10112x128xf32, #tpu.memory_space<hbm>> -> memref<1x80x128xf32, #tpu.memory_space<hbm>>
      %dma_wait3A_120 = tpu.memref_squeeze %dma_wait3A_119 : memref<1x80x128xf32, #tpu.memory_space<hbm>> -> memref<80x128xf32, #tpu.memory_space<hbm>>
      %dma_wait3A_121 = arith.constant 0 : i32
      %dma_wait3A_122 = tpu.memref_slice %arg23[%add3A_92, %dma_wait3A_121] : memref<10112x128xf32, #tpu.memory_space<vmem_shared>> -> memref<80x128xf32, #tpu.memory_space<vmem_shared>>
      tpu.wait_dma2 semaphore(%run_scoped3A : memref<!tpu.dma_semaphore, #tpu.memory_space<semaphore_mem>>) src(%dma_wait3A_122 : memref<80x128xf32, #tpu.memory_space<vmem_shared>>) dst(%dma_wait3A_120 : memref<80x128xf32, #tpu.memory_space<hbm>>)
      tpu.yield
    }) : () -> ()
    %mul3A_93 = arith.constant 632 : i32
    %mul3A_94 = arith.muli %arg1, %mul3A_93 : i32
    %add3A_95 = arith.constant 240 : i32
    %add3A_96 = arith.addi %mul3A_94, %add3A_95 : i32
    "tpu.region"() ({
      %run_scoped3A = tpu.sem_alloc : memref<!tpu.dma_semaphore, #tpu.memory_space<semaphore_mem>>
      %dma_start3A_113 = arith.constant 0 : i32
      %dma_start3A_114 = tpu.memref_slice %arg6[%arg0, %add3A_96, %dma_start3A_113] : memref<2x10112x128xf32, #tpu.memory_space<hbm>> -> memref<1x80x128xf32, #tpu.memory_space<hbm>>
      %dma_start3A_115 = tpu.memref_squeeze %dma_start3A_114 : memref<1x80x128xf32, #tpu.memory_space<hbm>> -> memref<80x128xf32, #tpu.memory_space<hbm>>
      %dma_start3A_116 = arith.constant 0 : i32
      %dma_start3A_117 = tpu.memref_slice %arg23[%add3A_96, %dma_start3A_116] : memref<10112x128xf32, #tpu.memory_space<vmem_shared>> -> memref<80x128xf32, #tpu.memory_space<vmem_shared>>
      tpu.enqueue_dma source(%dma_start3A_117 : memref<80x128xf32, #tpu.memory_space<vmem_shared>>) target(%dma_start3A_115 : memref<80x128xf32, #tpu.memory_space<hbm>>) target_semaphore(%run_scoped3A : memref<!tpu.dma_semaphore, #tpu.memory_space<semaphore_mem>>)
      %dma_wait3A_118 = arith.constant 0 : i32
      %dma_wait3A_119 = tpu.memref_slice %arg6[%arg0, %add3A_96, %dma_wait3A_118] : memref<2x10112x128xf32, #tpu.memory_space<hbm>> -> memref<1x80x128xf32, #tpu.memory_space<hbm>>
      %dma_wait3A_120 = tpu.memref_squeeze %dma_wait3A_119 : memref<1x80x128xf32, #tpu.memory_space<hbm>> -> memref<80x128xf32, #tpu.memory_space<hbm>>
      %dma_wait3A_121 = arith.constant 0 : i32
      %dma_wait3A_122 = tpu.memref_slice %arg23[%add3A_96, %dma_wait3A_121] : memref<10112x128xf32, #tpu.memory_space<vmem_shared>> -> memref<80x128xf32, #tpu.memory_space<vmem_shared>>
      tpu.wait_dma2 semaphore(%run_scoped3A : memref<!tpu.dma_semaphore, #tpu.memory_space<semaphore_mem>>) src(%dma_wait3A_122 : memref<80x128xf32, #tpu.memory_space<vmem_shared>>) dst(%dma_wait3A_120 : memref<80x128xf32, #tpu.memory_space<hbm>>)
      tpu.yield
    }) : () -> ()
    %mul3A_97 = arith.constant 632 : i32
    %mul3A_98 = arith.muli %arg1, %mul3A_97 : i32
    %add3A_99 = arith.constant 320 : i32
    %add3A_100 = arith.addi %mul3A_98, %add3A_99 : i32
    "tpu.region"() ({
      %run_scoped3A = tpu.sem_alloc : memref<!tpu.dma_semaphore, #tpu.memory_space<semaphore_mem>>
      %dma_start3A_113 = arith.constant 0 : i32
      %dma_start3A_114 = tpu.memref_slice %arg6[%arg0, %add3A_100, %dma_start3A_113] : memref<2x10112x128xf32, #tpu.memory_space<hbm>> -> memref<1x80x128xf32, #tpu.memory_space<hbm>>
      %dma_start3A_115 = tpu.memref_squeeze %dma_start3A_114 : memref<1x80x128xf32, #tpu.memory_space<hbm>> -> memref<80x128xf32, #tpu.memory_space<hbm>>
      %dma_start3A_116 = arith.constant 0 : i32
      %dma_start3A_117 = tpu.memref_slice %arg23[%add3A_100, %dma_start3A_116] : memref<10112x128xf32, #tpu.memory_space<vmem_shared>> -> memref<80x128xf32, #tpu.memory_space<vmem_shared>>
      tpu.enqueue_dma source(%dma_start3A_117 : memref<80x128xf32, #tpu.memory_space<vmem_shared>>) target(%dma_start3A_115 : memref<80x128xf32, #tpu.memory_space<hbm>>) target_semaphore(%run_scoped3A : memref<!tpu.dma_semaphore, #tpu.memory_space<semaphore_mem>>)
      %dma_wait3A_118 = arith.constant 0 : i32
      %dma_wait3A_119 = tpu.memref_slice %arg6[%arg0, %add3A_100, %dma_wait3A_118] : memref<2x10112x128xf32, #tpu.memory_space<hbm>> -> memref<1x80x128xf32, #tpu.memory_space<hbm>>
      %dma_wait3A_120 = tpu.memref_squeeze %dma_wait3A_119 : memref<1x80x128xf32, #tpu.memory_space<hbm>> -> memref<80x128xf32, #tpu.memory_space<hbm>>
      %dma_wait3A_121 = arith.constant 0 : i32
      %dma_wait3A_122 = tpu.memref_slice %arg23[%add3A_100, %dma_wait3A_121] : memref<10112x128xf32, #tpu.memory_space<vmem_shared>> -> memref<80x128xf32, #tpu.memory_space<vmem_shared>>
      tpu.wait_dma2 semaphore(%run_scoped3A : memref<!tpu.dma_semaphore, #tpu.memory_space<semaphore_mem>>) src(%dma_wait3A_122 : memref<80x128xf32, #tpu.memory_space<vmem_shared>>) dst(%dma_wait3A_120 : memref<80x128xf32, #tpu.memory_space<hbm>>)
      tpu.yield
    }) : () -> ()
    %mul3A_101 = arith.constant 632 : i32
    %mul3A_102 = arith.muli %arg1, %mul3A_101 : i32
    %add3A_103 = arith.constant 400 : i32
    %add3A_104 = arith.addi %mul3A_102, %add3A_103 : i32
    "tpu.region"() ({
      %run_scoped3A = tpu.sem_alloc : memref<!tpu.dma_semaphore, #tpu.memory_space<semaphore_mem>>
      %dma_start3A_113 = arith.constant 0 : i32
      %dma_start3A_114 = tpu.memref_slice %arg6[%arg0, %add3A_104, %dma_start3A_113] : memref<2x10112x128xf32, #tpu.memory_space<hbm>> -> memref<1x80x128xf32, #tpu.memory_space<hbm>>
      %dma_start3A_115 = tpu.memref_squeeze %dma_start3A_114 : memref<1x80x128xf32, #tpu.memory_space<hbm>> -> memref<80x128xf32, #tpu.memory_space<hbm>>
      %dma_start3A_116 = arith.constant 0 : i32
      %dma_start3A_117 = tpu.memref_slice %arg23[%add3A_104, %dma_start3A_116] : memref<10112x128xf32, #tpu.memory_space<vmem_shared>> -> memref<80x128xf32, #tpu.memory_space<vmem_shared>>
      tpu.enqueue_dma source(%dma_start3A_117 : memref<80x128xf32, #tpu.memory_space<vmem_shared>>) target(%dma_start3A_115 : memref<80x128xf32, #tpu.memory_space<hbm>>) target_semaphore(%run_scoped3A : memref<!tpu.dma_semaphore, #tpu.memory_space<semaphore_mem>>)
      %dma_wait3A_118 = arith.constant 0 : i32
      %dma_wait3A_119 = tpu.memref_slice %arg6[%arg0, %add3A_104, %dma_wait3A_118] : memref<2x10112x128xf32, #tpu.memory_space<hbm>> -> memref<1x80x128xf32, #tpu.memory_space<hbm>>
      %dma_wait3A_120 = tpu.memref_squeeze %dma_wait3A_119 : memref<1x80x128xf32, #tpu.memory_space<hbm>> -> memref<80x128xf32, #tpu.memory_space<hbm>>
      %dma_wait3A_121 = arith.constant 0 : i32
      %dma_wait3A_122 = tpu.memref_slice %arg23[%add3A_104, %dma_wait3A_121] : memref<10112x128xf32, #tpu.memory_space<vmem_shared>> -> memref<80x128xf32, #tpu.memory_space<vmem_shared>>
      tpu.wait_dma2 semaphore(%run_scoped3A : memref<!tpu.dma_semaphore, #tpu.memory_space<semaphore_mem>>) src(%dma_wait3A_122 : memref<80x128xf32, #tpu.memory_space<vmem_shared>>) dst(%dma_wait3A_120 : memref<80x128xf32, #tpu.memory_space<hbm>>)
      tpu.yield
    }) : () -> ()
    %mul3A_105 = arith.constant 632 : i32
    %mul3A_106 = arith.muli %arg1, %mul3A_105 : i32
    %add3A_107 = arith.constant 480 : i32
    %add3A_108 = arith.addi %mul3A_106, %add3A_107 : i32
    "tpu.region"() ({
      %run_scoped3A = tpu.sem_alloc : memref<!tpu.dma_semaphore, #tpu.memory_space<semaphore_mem>>
      %dma_start3A_113 = arith.constant 0 : i32
      %dma_start3A_114 = tpu.memref_slice %arg6[%arg0, %add3A_108, %dma_start3A_113] : memref<2x10112x128xf32, #tpu.memory_space<hbm>> -> memref<1x80x128xf32, #tpu.memory_space<hbm>>
      %dma_start3A_115 = tpu.memref_squeeze %dma_start3A_114 : memref<1x80x128xf32, #tpu.memory_space<hbm>> -> memref<80x128xf32, #tpu.memory_space<hbm>>
      %dma_start3A_116 = arith.constant 0 : i32
      %dma_start3A_117 = tpu.memref_slice %arg23[%add3A_108, %dma_start3A_116] : memref<10112x128xf32, #tpu.memory_space<vmem_shared>> -> memref<80x128xf32, #tpu.memory_space<vmem_shared>>
      tpu.enqueue_dma source(%dma_start3A_117 : memref<80x128xf32, #tpu.memory_space<vmem_shared>>) target(%dma_start3A_115 : memref<80x128xf32, #tpu.memory_space<hbm>>) target_semaphore(%run_scoped3A : memref<!tpu.dma_semaphore, #tpu.memory_space<semaphore_mem>>)
      %dma_wait3A_118 = arith.constant 0 : i32
      %dma_wait3A_119 = tpu.memref_slice %arg6[%arg0, %add3A_108, %dma_wait3A_118] : memref<2x10112x128xf32, #tpu.memory_space<hbm>> -> memref<1x80x128xf32, #tpu.memory_space<hbm>>
      %dma_wait3A_120 = tpu.memref_squeeze %dma_wait3A_119 : memref<1x80x128xf32, #tpu.memory_space<hbm>> -> memref<80x128xf32, #tpu.memory_space<hbm>>
      %dma_wait3A_121 = arith.constant 0 : i32
      %dma_wait3A_122 = tpu.memref_slice %arg23[%add3A_108, %dma_wait3A_121] : memref<10112x128xf32, #tpu.memory_space<vmem_shared>> -> memref<80x128xf32, #tpu.memory_space<vmem_shared>>
      tpu.wait_dma2 semaphore(%run_scoped3A : memref<!tpu.dma_semaphore, #tpu.memory_space<semaphore_mem>>) src(%dma_wait3A_122 : memref<80x128xf32, #tpu.memory_space<vmem_shared>>) dst(%dma_wait3A_120 : memref<80x128xf32, #tpu.memory_space<hbm>>)
      tpu.yield
    }) : () -> ()
    %mul3A_109 = arith.constant 632 : i32
    %mul3A_110 = arith.muli %arg1, %mul3A_109 : i32
    %add3A_111 = arith.constant 560 : i32
    %add3A_112 = arith.addi %mul3A_110, %add3A_111 : i32
    "tpu.region"() ({
      %run_scoped3A = tpu.sem_alloc : memref<!tpu.dma_semaphore, #tpu.memory_space<semaphore_mem>>
      %dma_start3A_113 = arith.constant 0 : i32
      %dma_start3A_114 = tpu.memref_slice %arg6[%arg0, %add3A_112, %dma_start3A_113] : memref<2x10112x128xf32, #tpu.memory_space<hbm>> -> memref<1x72x128xf32, #tpu.memory_space<hbm>>
      %dma_start3A_115 = tpu.memref_squeeze %dma_start3A_114 : memref<1x72x128xf32, #tpu.memory_space<hbm>> -> memref<72x128xf32, #tpu.memory_space<hbm>>
      %dma_start3A_116 = arith.constant 0 : i32
      %dma_start3A_117 = tpu.memref_slice %arg23[%add3A_112, %dma_start3A_116] : memref<10112x128xf32, #tpu.memory_space<vmem_shared>> -> memref<72x128xf32, #tpu.memory_space<vmem_shared>>
      tpu.enqueue_dma source(%dma_start3A_117 : memref<72x128xf32, #tpu.memory_space<vmem_shared>>) target(%dma_start3A_115 : memref<72x128xf32, #tpu.memory_space<hbm>>) target_semaphore(%run_scoped3A : memref<!tpu.dma_semaphore, #tpu.memory_space<semaphore_mem>>)
      %dma_wait3A_118 = arith.constant 0 : i32
      %dma_wait3A_119 = tpu.memref_slice %arg6[%arg0, %add3A_112, %dma_wait3A_118] : memref<2x10112x128xf32, #tpu.memory_space<hbm>> -> memref<1x72x128xf32, #tpu.memory_space<hbm>>
      %dma_wait3A_120 = tpu.memref_squeeze %dma_wait3A_119 : memref<1x72x128xf32, #tpu.memory_space<hbm>> -> memref<72x128xf32, #tpu.memory_space<hbm>>
      %dma_wait3A_121 = arith.constant 0 : i32
      %dma_wait3A_122 = tpu.memref_slice %arg23[%add3A_112, %dma_wait3A_121] : memref<10112x128xf32, #tpu.memory_space<vmem_shared>> -> memref<72x128xf32, #tpu.memory_space<vmem_shared>>
      tpu.wait_dma2 semaphore(%run_scoped3A : memref<!tpu.dma_semaphore, #tpu.memory_space<semaphore_mem>>) src(%dma_wait3A_122 : memref<72x128xf32, #tpu.memory_space<vmem_shared>>) dst(%dma_wait3A_120 : memref<72x128xf32, #tpu.memory_space<hbm>>)
      tpu.yield
    }) : () -> ()
    return
  }
}

#map = affine_map<(d0, d1) -> (0, 0)>
#map1 = affine_map<(d0, d1) -> (0)>
#map2 = affine_map<(d0, d1) -> (0, 0, 0)>
module attributes {stable_mosaic.version = 14 : i64} {
  func.func @k1_gather_prod_segsum(%arg0: i32, %arg1: i32, %arg2: memref<10000x128xf32, #tpu.memory_space<hbm>>, %arg3: memref<320000xi32, #tpu.memory_space<hbm>>, %arg4: memref<320000xi32, #tpu.memory_space<hbm>>, %arg5: memref<327680x128xf32, #tpu.memory_space<hbm>>, %arg6: memref<2x10112x128xf32, #tpu.memory_space<hbm>>, %arg7: memref<2x32x16xf32, #tpu.memory_space<hbm>>, %arg8: memref<80xi32, #tpu.memory_space<vmem>>, %arg9: memref<80xi32, #tpu.memory_space<vmem>>, %arg10: memref<80xi32, #tpu.memory_space<vmem>>, %arg11: memref<80xi32, #tpu.memory_space<vmem>>, %arg12: memref<80x128xf32, #tpu.memory_space<vmem>>, %arg13: memref<80x128xf32, #tpu.memory_space<vmem>>, %arg14: memref<80x128xf32, #tpu.memory_space<vmem>>, %arg15: memref<80x128xf32, #tpu.memory_space<vmem>>, %arg16: memref<2x16xf32, #tpu.memory_space<vmem>>, %arg17: memref<10112x128xf32, #tpu.memory_space<vmem_shared>>, %arg18: memref<!tpu.dma_semaphore, #tpu.memory_space<semaphore_mem>>, %arg19: memref<!tpu.dma_semaphore, #tpu.memory_space<semaphore_mem>>, %arg20: memref<!tpu.dma_semaphore, #tpu.memory_space<semaphore_mem>>, %arg21: memref<!tpu.dma_semaphore, #tpu.memory_space<semaphore_mem>>) attributes {dimension_semantics = [#tpu.dimension_semantics<core_parallel>, #tpu.dimension_semantics<subcore_parallel>], iteration_bounds = array<i64: 2, 16>, scalar_prefetch = 0 : i64, scratch_operands = 14 : i64, tpu.core_type = #tpu.core_type<sc_vector_subcore>, window_params = [{transform_indices = #map}, {transform_indices = #map1}, {transform_indices = #map1}, {transform_indices = #map}, {transform_indices = #map2}, {transform_indices = #map2}]} {
    %mul3A = arith.constant 2 : i32
    %mul3A_0 = arith.muli %arg1, %mul3A : i32
    %add3A = arith.addi %mul3A_0, %arg0 : i32
    %scan3A = arith.constant 0 : i32
    %scan3A_1 = arith.constant 0 : i32
    %scan3A_2 = arith.constant 80 : i32
    %scan3A_3 = arith.addi %scan3A_1, %scan3A_2 : i32
    %scan3A_4 = arith.constant 1 : i32
    %scan3A_5 = scf.for %scan3A_152 = %scan3A_1 to %scan3A_3 step %scan3A_4 iter_args(%scan3A_153 = %scan3A) -> (i32)  : i32 {
      %broadcast_in_dim3A_154 = arith.constant 0.000000e+00 : f32
      %broadcast_in_dim3A_155 = vector.broadcast %broadcast_in_dim3A_154 : f32 to vector<16xf32>
      %swap3A_156 = arith.index_cast %scan3A_152 : i32 to index
      %swap3A_157 = arith.constant 0 : index
      %swap3A_158 = tpu.vector_load %arg12[%swap3A_156, %swap3A_157] {strides = array<i32>} : memref<80x128xf32, #tpu.memory_space<vmem>>, vector<1x16xf32>,
      %swap3A_159 = vector.shape_cast %swap3A_158 : vector<1x16xf32> to vector<16xf32>
      %swap3A_160 = vector.shape_cast %broadcast_in_dim3A_155 : vector<16xf32> to vector<1x16xf32>
      tpu.vector_store %arg12[%swap3A_156, %swap3A_157], %swap3A_160 {strides = array<i32>} : memref<80x128xf32, #tpu.memory_space<vmem>>, vector<1x16xf32>,
      %broadcast_in_dim3A_161 = arith.constant 0.000000e+00 : f32
      %broadcast_in_dim3A_162 = vector.broadcast %broadcast_in_dim3A_161 : f32 to vector<16xf32>
      %swap3A_163 = arith.index_cast %scan3A_152 : i32 to index
      %swap3A_164 = arith.constant 16 : index
      %swap3A_165 = tpu.vector_load %arg12[%swap3A_163, %swap3A_164] {strides = array<i32>} : memref<80x128xf32, #tpu.memory_space<vmem>>, vector<1x16xf32>,
      %swap3A_166 = vector.shape_cast %swap3A_165 : vector<1x16xf32> to vector<16xf32>
      %swap3A_167 = vector.shape_cast %broadcast_in_dim3A_162 : vector<16xf32> to vector<1x16xf32>
      tpu.vector_store %arg12[%swap3A_163, %swap3A_164], %swap3A_167 {strides = array<i32>} : memref<80x128xf32, #tpu.memory_space<vmem>>, vector<1x16xf32>,
      %broadcast_in_dim3A_168 = arith.constant 0.000000e+00 : f32
      %broadcast_in_dim3A_169 = vector.broadcast %broadcast_in_dim3A_168 : f32 to vector<16xf32>
      %swap3A_170 = arith.index_cast %scan3A_152 : i32 to index
      %swap3A_171 = arith.constant 32 : index
      %swap3A_172 = tpu.vector_load %arg12[%swap3A_170, %swap3A_171] {strides = array<i32>} : memref<80x128xf32, #tpu.memory_space<vmem>>, vector<1x16xf32>,
      %swap3A_173 = vector.shape_cast %swap3A_172 : vector<1x16xf32> to vector<16xf32>
      %swap3A_174 = vector.shape_cast %broadcast_in_dim3A_169 : vector<16xf32> to vector<1x16xf32>
      tpu.vector_store %arg12[%swap3A_170, %swap3A_171], %swap3A_174 {strides = array<i32>} : memref<80x128xf32, #tpu.memory_space<vmem>>, vector<1x16xf32>,
      %broadcast_in_dim3A_175 = arith.constant 0.000000e+00 : f32
      %broadcast_in_dim3A_176 = vector.broadcast %broadcast_in_dim3A_175 : f32 to vector<16xf32>
      %swap3A_177 = arith.index_cast %scan3A_152 : i32 to index
      %swap3A_178 = arith.constant 48 : index
      %swap3A_179 = tpu.vector_load %arg12[%swap3A_177, %swap3A_178] {strides = array<i32>} : memref<80x128xf32, #tpu.memory_space<vmem>>, vector<1x16xf32>,
      %swap3A_180 = vector.shape_cast %swap3A_179 : vector<1x16xf32> to vector<16xf32>
      %swap3A_181 = vector.shape_cast %broadcast_in_dim3A_176 : vector<16xf32> to vector<1x16xf32>
      tpu.vector_store %arg12[%swap3A_177, %swap3A_178], %swap3A_181 {strides = array<i32>} : memref<80x128xf32, #tpu.memory_space<vmem>>, vector<1x16xf32>,
      %broadcast_in_dim3A_182 = arith.constant 0.000000e+00 : f32
      %broadcast_in_dim3A_183 = vector.broadcast %broadcast_in_dim3A_182 : f32 to vector<16xf32>
      %swap3A_184 = arith.index_cast %scan3A_152 : i32 to index
      %swap3A_185 = arith.constant 64 : index
      %swap3A_186 = tpu.vector_load %arg12[%swap3A_184, %swap3A_185] {strides = array<i32>} : memref<80x128xf32, #tpu.memory_space<vmem>>, vector<1x16xf32>,
      %swap3A_187 = vector.shape_cast %swap3A_186 : vector<1x16xf32> to vector<16xf32>
      %swap3A_188 = vector.shape_cast %broadcast_in_dim3A_183 : vector<16xf32> to vector<1x16xf32>
      tpu.vector_store %arg12[%swap3A_184, %swap3A_185], %swap3A_188 {strides = array<i32>} : memref<80x128xf32, #tpu.memory_space<vmem>>, vector<1x16xf32>,
      %broadcast_in_dim3A_189 = arith.constant 0.000000e+00 : f32
      %broadcast_in_dim3A_190 = vector.broadcast %broadcast_in_dim3A_189 : f32 to vector<16xf32>
      %swap3A_191 = arith.index_cast %scan3A_152 : i32 to index
      %swap3A_192 = arith.constant 80 : index
      %swap3A_193 = tpu.vector_load %arg12[%swap3A_191, %swap3A_192] {strides = array<i32>} : memref<80x128xf32, #tpu.memory_space<vmem>>, vector<1x16xf32>,
      %swap3A_194 = vector.shape_cast %swap3A_193 : vector<1x16xf32> to vector<16xf32>
      %swap3A_195 = vector.shape_cast %broadcast_in_dim3A_190 : vector<16xf32> to vector<1x16xf32>
      tpu.vector_store %arg12[%swap3A_191, %swap3A_192], %swap3A_195 {strides = array<i32>} : memref<80x128xf32, #tpu.memory_space<vmem>>, vector<1x16xf32>,
      %broadcast_in_dim3A_196 = arith.constant 0.000000e+00 : f32
      %broadcast_in_dim3A_197 = vector.broadcast %broadcast_in_dim3A_196 : f32 to vector<16xf32>
      %swap3A_198 = arith.index_cast %scan3A_152 : i32 to index
      %swap3A_199 = arith.constant 96 : index
      %swap3A_200 = tpu.vector_load %arg12[%swap3A_198, %swap3A_199] {strides = array<i32>} : memref<80x128xf32, #tpu.memory_space<vmem>>, vector<1x16xf32>,
      %swap3A_201 = vector.shape_cast %swap3A_200 : vector<1x16xf32> to vector<16xf32>
      %swap3A_202 = vector.shape_cast %broadcast_in_dim3A_197 : vector<16xf32> to vector<1x16xf32>
      tpu.vector_store %arg12[%swap3A_198, %swap3A_199], %swap3A_202 {strides = array<i32>} : memref<80x128xf32, #tpu.memory_space<vmem>>, vector<1x16xf32>,
      %broadcast_in_dim3A_203 = arith.constant 0.000000e+00 : f32
      %broadcast_in_dim3A_204 = vector.broadcast %broadcast_in_dim3A_203 : f32 to vector<16xf32>
      %swap3A_205 = arith.index_cast %scan3A_152 : i32 to index
      %swap3A_206 = arith.constant 112 : index
      %swap3A_207 = tpu.vector_load %arg12[%swap3A_205, %swap3A_206] {strides = array<i32>} : memref<80x128xf32, #tpu.memory_space<vmem>>, vector<1x16xf32>,
      %swap3A_208 = vector.shape_cast %swap3A_207 : vector<1x16xf32> to vector<16xf32>
      %swap3A_209 = vector.shape_cast %broadcast_in_dim3A_204 : vector<16xf32> to vector<1x16xf32>
      tpu.vector_store %arg12[%swap3A_205, %swap3A_206], %swap3A_209 {strides = array<i32>} : memref<80x128xf32, #tpu.memory_space<vmem>>, vector<1x16xf32>,
      %scan3A_210 = arith.constant 0 : i32
      scf.yield %scan3A_210 : i32
    }
    %scan3A_6 = arith.constant 80 : i32
    %mul3A_7 = arith.constant 632 : i32
    %mul3A_8 = arith.muli %arg1, %mul3A_7 : i32
    %add3A_9 = arith.constant 0 : i32
    %add3A_10 = arith.addi %mul3A_8, %add3A_9 : i32
    "tpu.region"() ({
      %run_scoped3A = tpu.sem_alloc : memref<!tpu.dma_semaphore, #tpu.memory_space<semaphore_mem>>
      %dma_start3A_152 = arith.constant 0 : i32
      %dma_start3A_153 = arith.constant 0 : i32
      %dma_start3A_154 = tpu.memref_slice %arg12[%dma_start3A_152, %dma_start3A_153] : memref<80x128xf32, #tpu.memory_space<vmem>> -> memref<80x128xf32, #tpu.memory_space<vmem>>
      %dma_start3A_155 = arith.constant 0 : i32
      %dma_start3A_156 = tpu.memref_slice %arg17[%add3A_10, %dma_start3A_155] : memref<10112x128xf32, #tpu.memory_space<vmem_shared>> -> memref<80x128xf32, #tpu.memory_space<vmem_shared>>
      %dma_start3A_157 = arith.constant 0 : i32
      %dma_start3A_158 = tpu.memref_slice %arg17[%add3A_10, %dma_start3A_157] : memref<10112x128xf32, #tpu.memory_space<vmem_shared>> -> memref<80x128xf32, #tpu.memory_space<vmem_shared>>
      %dma_start3A_159 = arith.constant 0 : i32
      %dma_start3A_160 = arith.constant 0 : i32
      %dma_start3A_161 = tpu.memref_slice %arg12[%dma_start3A_159, %dma_start3A_160] : memref<80x128xf32, #tpu.memory_space<vmem>> -> memref<80x128xf32, #tpu.memory_space<vmem>>
      tpu.enqueue_dma source(%dma_start3A_161 : memref<80x128xf32, #tpu.memory_space<vmem>>) target(%dma_start3A_158 : memref<80x128xf32, #tpu.memory_space<vmem_shared>>) target_semaphore(%run_scoped3A : memref<!tpu.dma_semaphore, #tpu.memory_space<semaphore_mem>>)
      %dma_wait3A_162 = arith.constant 0 : i32
      %dma_wait3A_163 = arith.constant 0 : i32
      %dma_wait3A_164 = tpu.memref_slice %arg12[%dma_wait3A_162, %dma_wait3A_163] : memref<80x128xf32, #tpu.memory_space<vmem>> -> memref<80x128xf32, #tpu.memory_space<vmem>>
      %dma_wait3A_165 = arith.constant 0 : i32
      %dma_wait3A_166 = tpu.memref_slice %arg17[%add3A_10, %dma_wait3A_165] : memref<10112x128xf32, #tpu.memory_space<vmem_shared>> -> memref<80x128xf32, #tpu.memory_space<vmem_shared>>
      %dma_wait3A_167 = arith.constant 0 : i32
      %dma_wait3A_168 = tpu.memref_slice %arg17[%add3A_10, %dma_wait3A_167] : memref<10112x128xf32, #tpu.memory_space<vmem_shared>> -> memref<80x128xf32, #tpu.memory_space<vmem_shared>>
      %dma_wait3A_169 = arith.constant 0 : i32
      %dma_wait3A_170 = arith.constant 0 : i32
      %dma_wait3A_171 = tpu.memref_slice %arg12[%dma_wait3A_169, %dma_wait3A_170] : memref<80x128xf32, #tpu.memory_space<vmem>> -> memref<80x128xf32, #tpu.memory_space<vmem>>
      tpu.wait_dma2 semaphore(%run_scoped3A : memref<!tpu.dma_semaphore, #tpu.memory_space<semaphore_mem>>) src(%dma_wait3A_171 : memref<80x128xf32, #tpu.memory_space<vmem>>) dst(%dma_wait3A_168 : memref<80x128xf32, #tpu.memory_space<vmem_shared>>)
      tpu.yield
    }) : () -> ()
    %mul3A_11 = arith.constant 632 : i32
    %mul3A_12 = arith.muli %arg1, %mul3A_11 : i32
    %add3A_13 = arith.constant 80 : i32
    %add3A_14 = arith.addi %mul3A_12, %add3A_13 : i32
    "tpu.region"() ({
      %run_scoped3A = tpu.sem_alloc : memref<!tpu.dma_semaphore, #tpu.memory_space<semaphore_mem>>
      %dma_start3A_152 = arith.constant 0 : i32
      %dma_start3A_153 = arith.constant 0 : i32
      %dma_start3A_154 = tpu.memref_slice %arg12[%dma_start3A_152, %dma_start3A_153] : memref<80x128xf32, #tpu.memory_space<vmem>> -> memref<80x128xf32, #tpu.memory_space<vmem>>
      %dma_start3A_155 = arith.constant 0 : i32
      %dma_start3A_156 = tpu.memref_slice %arg17[%add3A_14, %dma_start3A_155] : memref<10112x128xf32, #tpu.memory_space<vmem_shared>> -> memref<80x128xf32, #tpu.memory_space<vmem_shared>>
      %dma_start3A_157 = arith.constant 0 : i32
      %dma_start3A_158 = tpu.memref_slice %arg17[%add3A_14, %dma_start3A_157] : memref<10112x128xf32, #tpu.memory_space<vmem_shared>> -> memref<80x128xf32, #tpu.memory_space<vmem_shared>>
      %dma_start3A_159 = arith.constant 0 : i32
      %dma_start3A_160 = arith.constant 0 : i32
      %dma_start3A_161 = tpu.memref_slice %arg12[%dma_start3A_159, %dma_start3A_160] : memref<80x128xf32, #tpu.memory_space<vmem>> -> memref<80x128xf32, #tpu.memory_space<vmem>>
      tpu.enqueue_dma source(%dma_start3A_161 : memref<80x128xf32, #tpu.memory_space<vmem>>) target(%dma_start3A_158 : memref<80x128xf32, #tpu.memory_space<vmem_shared>>) target_semaphore(%run_scoped3A : memref<!tpu.dma_semaphore, #tpu.memory_space<semaphore_mem>>)
      %dma_wait3A_162 = arith.constant 0 : i32
      %dma_wait3A_163 = arith.constant 0 : i32
      %dma_wait3A_164 = tpu.memref_slice %arg12[%dma_wait3A_162, %dma_wait3A_163] : memref<80x128xf32, #tpu.memory_space<vmem>> -> memref<80x128xf32, #tpu.memory_space<vmem>>
      %dma_wait3A_165 = arith.constant 0 : i32
      %dma_wait3A_166 = tpu.memref_slice %arg17[%add3A_14, %dma_wait3A_165] : memref<10112x128xf32, #tpu.memory_space<vmem_shared>> -> memref<80x128xf32, #tpu.memory_space<vmem_shared>>
      %dma_wait3A_167 = arith.constant 0 : i32
      %dma_wait3A_168 = tpu.memref_slice %arg17[%add3A_14, %dma_wait3A_167] : memref<10112x128xf32, #tpu.memory_space<vmem_shared>> -> memref<80x128xf32, #tpu.memory_space<vmem_shared>>
      %dma_wait3A_169 = arith.constant 0 : i32
      %dma_wait3A_170 = arith.constant 0 : i32
      %dma_wait3A_171 = tpu.memref_slice %arg12[%dma_wait3A_169, %dma_wait3A_170] : memref<80x128xf32, #tpu.memory_space<vmem>> -> memref<80x128xf32, #tpu.memory_space<vmem>>
      tpu.wait_dma2 semaphore(%run_scoped3A : memref<!tpu.dma_semaphore, #tpu.memory_space<semaphore_mem>>) src(%dma_wait3A_171 : memref<80x128xf32, #tpu.memory_space<vmem>>) dst(%dma_wait3A_168 : memref<80x128xf32, #tpu.memory_space<vmem_shared>>)
      tpu.yield
    }) : () -> ()
    %mul3A_15 = arith.constant 632 : i32
    %mul3A_16 = arith.muli %arg1, %mul3A_15 : i32
    %add3A_17 = arith.constant 160 : i32
    %add3A_18 = arith.addi %mul3A_16, %add3A_17 : i32
    "tpu.region"() ({
      %run_scoped3A = tpu.sem_alloc : memref<!tpu.dma_semaphore, #tpu.memory_space<semaphore_mem>>
      %dma_start3A_152 = arith.constant 0 : i32
      %dma_start3A_153 = arith.constant 0 : i32
      %dma_start3A_154 = tpu.memref_slice %arg12[%dma_start3A_152, %dma_start3A_153] : memref<80x128xf32, #tpu.memory_space<vmem>> -> memref<80x128xf32, #tpu.memory_space<vmem>>
      %dma_start3A_155 = arith.constant 0 : i32
      %dma_start3A_156 = tpu.memref_slice %arg17[%add3A_18, %dma_start3A_155] : memref<10112x128xf32, #tpu.memory_space<vmem_shared>> -> memref<80x128xf32, #tpu.memory_space<vmem_shared>>
      %dma_start3A_157 = arith.constant 0 : i32
      %dma_start3A_158 = tpu.memref_slice %arg17[%add3A_18, %dma_start3A_157] : memref<10112x128xf32, #tpu.memory_space<vmem_shared>> -> memref<80x128xf32, #tpu.memory_space<vmem_shared>>
      %dma_start3A_159 = arith.constant 0 : i32
      %dma_start3A_160 = arith.constant 0 : i32
      %dma_start3A_161 = tpu.memref_slice %arg12[%dma_start3A_159, %dma_start3A_160] : memref<80x128xf32, #tpu.memory_space<vmem>> -> memref<80x128xf32, #tpu.memory_space<vmem>>
      tpu.enqueue_dma source(%dma_start3A_161 : memref<80x128xf32, #tpu.memory_space<vmem>>) target(%dma_start3A_158 : memref<80x128xf32, #tpu.memory_space<vmem_shared>>) target_semaphore(%run_scoped3A : memref<!tpu.dma_semaphore, #tpu.memory_space<semaphore_mem>>)
      %dma_wait3A_162 = arith.constant 0 : i32
      %dma_wait3A_163 = arith.constant 0 : i32
      %dma_wait3A_164 = tpu.memref_slice %arg12[%dma_wait3A_162, %dma_wait3A_163] : memref<80x128xf32, #tpu.memory_space<vmem>> -> memref<80x128xf32, #tpu.memory_space<vmem>>
      %dma_wait3A_165 = arith.constant 0 : i32
      %dma_wait3A_166 = tpu.memref_slice %arg17[%add3A_18, %dma_wait3A_165] : memref<10112x128xf32, #tpu.memory_space<vmem_shared>> -> memref<80x128xf32, #tpu.memory_space<vmem_shared>>
      %dma_wait3A_167 = arith.constant 0 : i32
      %dma_wait3A_168 = tpu.memref_slice %arg17[%add3A_18, %dma_wait3A_167] : memref<10112x128xf32, #tpu.memory_space<vmem_shared>> -> memref<80x128xf32, #tpu.memory_space<vmem_shared>>
      %dma_wait3A_169 = arith.constant 0 : i32
      %dma_wait3A_170 = arith.constant 0 : i32
      %dma_wait3A_171 = tpu.memref_slice %arg12[%dma_wait3A_169, %dma_wait3A_170] : memref<80x128xf32, #tpu.memory_space<vmem>> -> memref<80x128xf32, #tpu.memory_space<vmem>>
      tpu.wait_dma2 semaphore(%run_scoped3A : memref<!tpu.dma_semaphore, #tpu.memory_space<semaphore_mem>>) src(%dma_wait3A_171 : memref<80x128xf32, #tpu.memory_space<vmem>>) dst(%dma_wait3A_168 : memref<80x128xf32, #tpu.memory_space<vmem_shared>>)
      tpu.yield
    }) : () -> ()
    %mul3A_19 = arith.constant 632 : i32
    %mul3A_20 = arith.muli %arg1, %mul3A_19 : i32
    %add3A_21 = arith.constant 240 : i32
    %add3A_22 = arith.addi %mul3A_20, %add3A_21 : i32
    "tpu.region"() ({
      %run_scoped3A = tpu.sem_alloc : memref<!tpu.dma_semaphore, #tpu.memory_space<semaphore_mem>>
      %dma_start3A_152 = arith.constant 0 : i32
      %dma_start3A_153 = arith.constant 0 : i32
      %dma_start3A_154 = tpu.memref_slice %arg12[%dma_start3A_152, %dma_start3A_153] : memref<80x128xf32, #tpu.memory_space<vmem>> -> memref<80x128xf32, #tpu.memory_space<vmem>>
      %dma_start3A_155 = arith.constant 0 : i32
      %dma_start3A_156 = tpu.memref_slice %arg17[%add3A_22, %dma_start3A_155] : memref<10112x128xf32, #tpu.memory_space<vmem_shared>> -> memref<80x128xf32, #tpu.memory_space<vmem_shared>>
      %dma_start3A_157 = arith.constant 0 : i32
      %dma_start3A_158 = tpu.memref_slice %arg17[%add3A_22, %dma_start3A_157] : memref<10112x128xf32, #tpu.memory_space<vmem_shared>> -> memref<80x128xf32, #tpu.memory_space<vmem_shared>>
      %dma_start3A_159 = arith.constant 0 : i32
      %dma_start3A_160 = arith.constant 0 : i32
      %dma_start3A_161 = tpu.memref_slice %arg12[%dma_start3A_159, %dma_start3A_160] : memref<80x128xf32, #tpu.memory_space<vmem>> -> memref<80x128xf32, #tpu.memory_space<vmem>>
      tpu.enqueue_dma source(%dma_start3A_161 : memref<80x128xf32, #tpu.memory_space<vmem>>) target(%dma_start3A_158 : memref<80x128xf32, #tpu.memory_space<vmem_shared>>) target_semaphore(%run_scoped3A : memref<!tpu.dma_semaphore, #tpu.memory_space<semaphore_mem>>)
      %dma_wait3A_162 = arith.constant 0 : i32
      %dma_wait3A_163 = arith.constant 0 : i32
      %dma_wait3A_164 = tpu.memref_slice %arg12[%dma_wait3A_162, %dma_wait3A_163] : memref<80x128xf32, #tpu.memory_space<vmem>> -> memref<80x128xf32, #tpu.memory_space<vmem>>
      %dma_wait3A_165 = arith.constant 0 : i32
      %dma_wait3A_166 = tpu.memref_slice %arg17[%add3A_22, %dma_wait3A_165] : memref<10112x128xf32, #tpu.memory_space<vmem_shared>> -> memref<80x128xf32, #tpu.memory_space<vmem_shared>>
      %dma_wait3A_167 = arith.constant 0 : i32
      %dma_wait3A_168 = tpu.memref_slice %arg17[%add3A_22, %dma_wait3A_167] : memref<10112x128xf32, #tpu.memory_space<vmem_shared>> -> memref<80x128xf32, #tpu.memory_space<vmem_shared>>
      %dma_wait3A_169 = arith.constant 0 : i32
      %dma_wait3A_170 = arith.constant 0 : i32
      %dma_wait3A_171 = tpu.memref_slice %arg12[%dma_wait3A_169, %dma_wait3A_170] : memref<80x128xf32, #tpu.memory_space<vmem>> -> memref<80x128xf32, #tpu.memory_space<vmem>>
      tpu.wait_dma2 semaphore(%run_scoped3A : memref<!tpu.dma_semaphore, #tpu.memory_space<semaphore_mem>>) src(%dma_wait3A_171 : memref<80x128xf32, #tpu.memory_space<vmem>>) dst(%dma_wait3A_168 : memref<80x128xf32, #tpu.memory_space<vmem_shared>>)
      tpu.yield
    }) : () -> ()
    %mul3A_23 = arith.constant 632 : i32
    %mul3A_24 = arith.muli %arg1, %mul3A_23 : i32
    %add3A_25 = arith.constant 320 : i32
    %add3A_26 = arith.addi %mul3A_24, %add3A_25 : i32
    "tpu.region"() ({
      %run_scoped3A = tpu.sem_alloc : memref<!tpu.dma_semaphore, #tpu.memory_space<semaphore_mem>>
      %dma_start3A_152 = arith.constant 0 : i32
      %dma_start3A_153 = arith.constant 0 : i32
      %dma_start3A_154 = tpu.memref_slice %arg12[%dma_start3A_152, %dma_start3A_153] : memref<80x128xf32, #tpu.memory_space<vmem>> -> memref<80x128xf32, #tpu.memory_space<vmem>>
      %dma_start3A_155 = arith.constant 0 : i32
      %dma_start3A_156 = tpu.memref_slice %arg17[%add3A_26, %dma_start3A_155] : memref<10112x128xf32, #tpu.memory_space<vmem_shared>> -> memref<80x128xf32, #tpu.memory_space<vmem_shared>>
      %dma_start3A_157 = arith.constant 0 : i32
      %dma_start3A_158 = tpu.memref_slice %arg17[%add3A_26, %dma_start3A_157] : memref<10112x128xf32, #tpu.memory_space<vmem_shared>> -> memref<80x128xf32, #tpu.memory_space<vmem_shared>>
      %dma_start3A_159 = arith.constant 0 : i32
      %dma_start3A_160 = arith.constant 0 : i32
      %dma_start3A_161 = tpu.memref_slice %arg12[%dma_start3A_159, %dma_start3A_160] : memref<80x128xf32, #tpu.memory_space<vmem>> -> memref<80x128xf32, #tpu.memory_space<vmem>>
      tpu.enqueue_dma source(%dma_start3A_161 : memref<80x128xf32, #tpu.memory_space<vmem>>) target(%dma_start3A_158 : memref<80x128xf32, #tpu.memory_space<vmem_shared>>) target_semaphore(%run_scoped3A : memref<!tpu.dma_semaphore, #tpu.memory_space<semaphore_mem>>)
      %dma_wait3A_162 = arith.constant 0 : i32
      %dma_wait3A_163 = arith.constant 0 : i32
      %dma_wait3A_164 = tpu.memref_slice %arg12[%dma_wait3A_162, %dma_wait3A_163] : memref<80x128xf32, #tpu.memory_space<vmem>> -> memref<80x128xf32, #tpu.memory_space<vmem>>
      %dma_wait3A_165 = arith.constant 0 : i32
      %dma_wait3A_166 = tpu.memref_slice %arg17[%add3A_26, %dma_wait3A_165] : memref<10112x128xf32, #tpu.memory_space<vmem_shared>> -> memref<80x128xf32, #tpu.memory_space<vmem_shared>>
      %dma_wait3A_167 = arith.constant 0 : i32
      %dma_wait3A_168 = tpu.memref_slice %arg17[%add3A_26, %dma_wait3A_167] : memref<10112x128xf32, #tpu.memory_space<vmem_shared>> -> memref<80x128xf32, #tpu.memory_space<vmem_shared>>
      %dma_wait3A_169 = arith.constant 0 : i32
      %dma_wait3A_170 = arith.constant 0 : i32
      %dma_wait3A_171 = tpu.memref_slice %arg12[%dma_wait3A_169, %dma_wait3A_170] : memref<80x128xf32, #tpu.memory_space<vmem>> -> memref<80x128xf32, #tpu.memory_space<vmem>>
      tpu.wait_dma2 semaphore(%run_scoped3A : memref<!tpu.dma_semaphore, #tpu.memory_space<semaphore_mem>>) src(%dma_wait3A_171 : memref<80x128xf32, #tpu.memory_space<vmem>>) dst(%dma_wait3A_168 : memref<80x128xf32, #tpu.memory_space<vmem_shared>>)
      tpu.yield
    }) : () -> ()
    %mul3A_27 = arith.constant 632 : i32
    %mul3A_28 = arith.muli %arg1, %mul3A_27 : i32
    %add3A_29 = arith.constant 400 : i32
    %add3A_30 = arith.addi %mul3A_28, %add3A_29 : i32
    "tpu.region"() ({
      %run_scoped3A = tpu.sem_alloc : memref<!tpu.dma_semaphore, #tpu.memory_space<semaphore_mem>>
      %dma_start3A_152 = arith.constant 0 : i32
      %dma_start3A_153 = arith.constant 0 : i32
      %dma_start3A_154 = tpu.memref_slice %arg12[%dma_start3A_152, %dma_start3A_153] : memref<80x128xf32, #tpu.memory_space<vmem>> -> memref<80x128xf32, #tpu.memory_space<vmem>>
      %dma_start3A_155 = arith.constant 0 : i32
      %dma_start3A_156 = tpu.memref_slice %arg17[%add3A_30, %dma_start3A_155] : memref<10112x128xf32, #tpu.memory_space<vmem_shared>> -> memref<80x128xf32, #tpu.memory_space<vmem_shared>>
      %dma_start3A_157 = arith.constant 0 : i32
      %dma_start3A_158 = tpu.memref_slice %arg17[%add3A_30, %dma_start3A_157] : memref<10112x128xf32, #tpu.memory_space<vmem_shared>> -> memref<80x128xf32, #tpu.memory_space<vmem_shared>>
      %dma_start3A_159 = arith.constant 0 : i32
      %dma_start3A_160 = arith.constant 0 : i32
      %dma_start3A_161 = tpu.memref_slice %arg12[%dma_start3A_159, %dma_start3A_160] : memref<80x128xf32, #tpu.memory_space<vmem>> -> memref<80x128xf32, #tpu.memory_space<vmem>>
      tpu.enqueue_dma source(%dma_start3A_161 : memref<80x128xf32, #tpu.memory_space<vmem>>) target(%dma_start3A_158 : memref<80x128xf32, #tpu.memory_space<vmem_shared>>) target_semaphore(%run_scoped3A : memref<!tpu.dma_semaphore, #tpu.memory_space<semaphore_mem>>)
      %dma_wait3A_162 = arith.constant 0 : i32
      %dma_wait3A_163 = arith.constant 0 : i32
      %dma_wait3A_164 = tpu.memref_slice %arg12[%dma_wait3A_162, %dma_wait3A_163] : memref<80x128xf32, #tpu.memory_space<vmem>> -> memref<80x128xf32, #tpu.memory_space<vmem>>
      %dma_wait3A_165 = arith.constant 0 : i32
      %dma_wait3A_166 = tpu.memref_slice %arg17[%add3A_30, %dma_wait3A_165] : memref<10112x128xf32, #tpu.memory_space<vmem_shared>> -> memref<80x128xf32, #tpu.memory_space<vmem_shared>>
      %dma_wait3A_167 = arith.constant 0 : i32
      %dma_wait3A_168 = tpu.memref_slice %arg17[%add3A_30, %dma_wait3A_167] : memref<10112x128xf32, #tpu.memory_space<vmem_shared>> -> memref<80x128xf32, #tpu.memory_space<vmem_shared>>
      %dma_wait3A_169 = arith.constant 0 : i32
      %dma_wait3A_170 = arith.constant 0 : i32
      %dma_wait3A_171 = tpu.memref_slice %arg12[%dma_wait3A_169, %dma_wait3A_170] : memref<80x128xf32, #tpu.memory_space<vmem>> -> memref<80x128xf32, #tpu.memory_space<vmem>>
      tpu.wait_dma2 semaphore(%run_scoped3A : memref<!tpu.dma_semaphore, #tpu.memory_space<semaphore_mem>>) src(%dma_wait3A_171 : memref<80x128xf32, #tpu.memory_space<vmem>>) dst(%dma_wait3A_168 : memref<80x128xf32, #tpu.memory_space<vmem_shared>>)
      tpu.yield
    }) : () -> ()
    %mul3A_31 = arith.constant 632 : i32
    %mul3A_32 = arith.muli %arg1, %mul3A_31 : i32
    %add3A_33 = arith.constant 480 : i32
    %add3A_34 = arith.addi %mul3A_32, %add3A_33 : i32
    "tpu.region"() ({
      %run_scoped3A = tpu.sem_alloc : memref<!tpu.dma_semaphore, #tpu.memory_space<semaphore_mem>>
      %dma_start3A_152 = arith.constant 0 : i32
      %dma_start3A_153 = arith.constant 0 : i32
      %dma_start3A_154 = tpu.memref_slice %arg12[%dma_start3A_152, %dma_start3A_153] : memref<80x128xf32, #tpu.memory_space<vmem>> -> memref<80x128xf32, #tpu.memory_space<vmem>>
      %dma_start3A_155 = arith.constant 0 : i32
      %dma_start3A_156 = tpu.memref_slice %arg17[%add3A_34, %dma_start3A_155] : memref<10112x128xf32, #tpu.memory_space<vmem_shared>> -> memref<80x128xf32, #tpu.memory_space<vmem_shared>>
      %dma_start3A_157 = arith.constant 0 : i32
      %dma_start3A_158 = tpu.memref_slice %arg17[%add3A_34, %dma_start3A_157] : memref<10112x128xf32, #tpu.memory_space<vmem_shared>> -> memref<80x128xf32, #tpu.memory_space<vmem_shared>>
      %dma_start3A_159 = arith.constant 0 : i32
      %dma_start3A_160 = arith.constant 0 : i32
      %dma_start3A_161 = tpu.memref_slice %arg12[%dma_start3A_159, %dma_start3A_160] : memref<80x128xf32, #tpu.memory_space<vmem>> -> memref<80x128xf32, #tpu.memory_space<vmem>>
      tpu.enqueue_dma source(%dma_start3A_161 : memref<80x128xf32, #tpu.memory_space<vmem>>) target(%dma_start3A_158 : memref<80x128xf32, #tpu.memory_space<vmem_shared>>) target_semaphore(%run_scoped3A : memref<!tpu.dma_semaphore, #tpu.memory_space<semaphore_mem>>)
      %dma_wait3A_162 = arith.constant 0 : i32
      %dma_wait3A_163 = arith.constant 0 : i32
      %dma_wait3A_164 = tpu.memref_slice %arg12[%dma_wait3A_162, %dma_wait3A_163] : memref<80x128xf32, #tpu.memory_space<vmem>> -> memref<80x128xf32, #tpu.memory_space<vmem>>
      %dma_wait3A_165 = arith.constant 0 : i32
      %dma_wait3A_166 = tpu.memref_slice %arg17[%add3A_34, %dma_wait3A_165] : memref<10112x128xf32, #tpu.memory_space<vmem_shared>> -> memref<80x128xf32, #tpu.memory_space<vmem_shared>>
      %dma_wait3A_167 = arith.constant 0 : i32
      %dma_wait3A_168 = tpu.memref_slice %arg17[%add3A_34, %dma_wait3A_167] : memref<10112x128xf32, #tpu.memory_space<vmem_shared>> -> memref<80x128xf32, #tpu.memory_space<vmem_shared>>
      %dma_wait3A_169 = arith.constant 0 : i32
      %dma_wait3A_170 = arith.constant 0 : i32
      %dma_wait3A_171 = tpu.memref_slice %arg12[%dma_wait3A_169, %dma_wait3A_170] : memref<80x128xf32, #tpu.memory_space<vmem>> -> memref<80x128xf32, #tpu.memory_space<vmem>>
      tpu.wait_dma2 semaphore(%run_scoped3A : memref<!tpu.dma_semaphore, #tpu.memory_space<semaphore_mem>>) src(%dma_wait3A_171 : memref<80x128xf32, #tpu.memory_space<vmem>>) dst(%dma_wait3A_168 : memref<80x128xf32, #tpu.memory_space<vmem_shared>>)
      tpu.yield
    }) : () -> ()
    %mul3A_35 = arith.constant 632 : i32
    %mul3A_36 = arith.muli %arg1, %mul3A_35 : i32
    %add3A_37 = arith.constant 560 : i32
    %add3A_38 = arith.addi %mul3A_36, %add3A_37 : i32
    "tpu.region"() ({
      %run_scoped3A = tpu.sem_alloc : memref<!tpu.dma_semaphore, #tpu.memory_space<semaphore_mem>>
      %dma_start3A_152 = arith.constant 0 : i32
      %dma_start3A_153 = arith.constant 0 : i32
      %dma_start3A_154 = tpu.memref_slice %arg12[%dma_start3A_152, %dma_start3A_153] : memref<80x128xf32, #tpu.memory_space<vmem>> -> memref<72x128xf32, #tpu.memory_space<vmem>>
      %dma_start3A_155 = arith.constant 0 : i32
      %dma_start3A_156 = tpu.memref_slice %arg17[%add3A_38, %dma_start3A_155] : memref<10112x128xf32, #tpu.memory_space<vmem_shared>> -> memref<72x128xf32, #tpu.memory_space<vmem_shared>>
      %dma_start3A_157 = arith.constant 0 : i32
      %dma_start3A_158 = tpu.memref_slice %arg17[%add3A_38, %dma_start3A_157] : memref<10112x128xf32, #tpu.memory_space<vmem_shared>> -> memref<72x128xf32, #tpu.memory_space<vmem_shared>>
      %dma_start3A_159 = arith.constant 0 : i32
      %dma_start3A_160 = arith.constant 0 : i32
      %dma_start3A_161 = tpu.memref_slice %arg12[%dma_start3A_159, %dma_start3A_160] : memref<80x128xf32, #tpu.memory_space<vmem>> -> memref<72x128xf32, #tpu.memory_space<vmem>>
      tpu.enqueue_dma source(%dma_start3A_161 : memref<72x128xf32, #tpu.memory_space<vmem>>) target(%dma_start3A_158 : memref<72x128xf32, #tpu.memory_space<vmem_shared>>) target_semaphore(%run_scoped3A : memref<!tpu.dma_semaphore, #tpu.memory_space<semaphore_mem>>)
      %dma_wait3A_162 = arith.constant 0 : i32
      %dma_wait3A_163 = arith.constant 0 : i32
      %dma_wait3A_164 = tpu.memref_slice %arg12[%dma_wait3A_162, %dma_wait3A_163] : memref<80x128xf32, #tpu.memory_space<vmem>> -> memref<72x128xf32, #tpu.memory_space<vmem>>
      %dma_wait3A_165 = arith.constant 0 : i32
      %dma_wait3A_166 = tpu.memref_slice %arg17[%add3A_38, %dma_wait3A_165] : memref<10112x128xf32, #tpu.memory_space<vmem_shared>> -> memref<72x128xf32, #tpu.memory_space<vmem_shared>>
      %dma_wait3A_167 = arith.constant 0 : i32
      %dma_wait3A_168 = tpu.memref_slice %arg17[%add3A_38, %dma_wait3A_167] : memref<10112x128xf32, #tpu.memory_space<vmem_shared>> -> memref<72x128xf32, #tpu.memory_space<vmem_shared>>
      %dma_wait3A_169 = arith.constant 0 : i32
      %dma_wait3A_170 = arith.constant 0 : i32
      %dma_wait3A_171 = tpu.memref_slice %arg12[%dma_wait3A_169, %dma_wait3A_170] : memref<80x128xf32, #tpu.memory_space<vmem>> -> memref<72x128xf32, #tpu.memory_space<vmem>>
      tpu.wait_dma2 semaphore(%run_scoped3A : memref<!tpu.dma_semaphore, #tpu.memory_space<semaphore_mem>>) src(%dma_wait3A_171 : memref<72x128xf32, #tpu.memory_space<vmem>>) dst(%dma_wait3A_168 : memref<72x128xf32, #tpu.memory_space<vmem_shared>>)
      tpu.yield
    }) : () -> ()
    %broadcast_in_dim3A = arith.constant 0.000000e+00 : f32
    %broadcast_in_dim3A_39 = vector.broadcast %broadcast_in_dim3A : f32 to vector<16xf32>
    %swap3A = arith.constant 0 : i32
    %swap3A_40 = arith.index_cast %swap3A : i32 to index
    %swap3A_41 = arith.constant 0 : index
    %swap3A_42 = tpu.vector_load %arg16[%swap3A_40, %swap3A_41] {strides = array<i32>} : memref<2x16xf32, #tpu.memory_space<vmem>>, vector<1x16xf32>,
    %swap3A_43 = vector.shape_cast %swap3A_42 : vector<1x16xf32> to vector<16xf32>
    %swap3A_44 = vector.shape_cast %broadcast_in_dim3A_39 : vector<16xf32> to vector<1x16xf32>
    tpu.vector_store %arg16[%swap3A_40, %swap3A_41], %swap3A_44 {strides = array<i32>} : memref<2x16xf32, #tpu.memory_space<vmem>>, vector<1x16xf32>,
    %broadcast_in_dim3A_45 = arith.constant 0.000000e+00 : f32
    %broadcast_in_dim3A_46 = vector.broadcast %broadcast_in_dim3A_45 : f32 to vector<16xf32>
    %swap3A_47 = arith.constant 1 : i32
    %swap3A_48 = arith.index_cast %swap3A_47 : i32 to index
    %swap3A_49 = arith.constant 0 : index
    %swap3A_50 = tpu.vector_load %arg16[%swap3A_48, %swap3A_49] {strides = array<i32>} : memref<2x16xf32, #tpu.memory_space<vmem>>, vector<1x16xf32>,
    %swap3A_51 = vector.shape_cast %swap3A_50 : vector<1x16xf32> to vector<16xf32>
    %swap3A_52 = vector.shape_cast %broadcast_in_dim3A_46 : vector<16xf32> to vector<1x16xf32>
    tpu.vector_store %arg16[%swap3A_48, %swap3A_49], %swap3A_52 {strides = array<i32>} : memref<2x16xf32, #tpu.memory_space<vmem>>, vector<1x16xf32>,
    %barrier3A = arith.constant 0 : index
    tpu.barrier barrier_id(%barrier3A)
    %add3A_53 = arith.constant 0 : i32
    %add3A_54 = arith.addi %add3A, %add3A_53 : i32
    %mul3A_55 = arith.constant 80 : i32
    %mul3A_56 = arith.muli %add3A_54, %mul3A_55 : i32
    "tpu.region"() ({
      %run_scoped3A = tpu.sem_alloc : memref<!tpu.dma_semaphore, #tpu.memory_space<semaphore_mem>>
      %dma_start3A_152 = tpu.memref_slice %arg3[%mul3A_56] : memref<320000xi32, #tpu.memory_space<hbm>> -> memref<80xi32, #tpu.memory_space<hbm>>
      %dma_start3A_153 = tpu.memref_slice %arg3[%mul3A_56] : memref<320000xi32, #tpu.memory_space<hbm>> -> memref<80xi32, #tpu.memory_space<hbm>>
      tpu.enqueue_dma source(%dma_start3A_153 : memref<80xi32, #tpu.memory_space<hbm>>) target(%arg8 : memref<80xi32, #tpu.memory_space<vmem>>) target_semaphore(%run_scoped3A : memref<!tpu.dma_semaphore, #tpu.memory_space<semaphore_mem>>)
      %dma_wait3A_154 = tpu.memref_slice %arg3[%mul3A_56] : memref<320000xi32, #tpu.memory_space<hbm>> -> memref<80xi32, #tpu.memory_space<hbm>>
      %dma_wait3A_155 = tpu.memref_slice %arg3[%mul3A_56] : memref<320000xi32, #tpu.memory_space<hbm>> -> memref<80xi32, #tpu.memory_space<hbm>>
      tpu.wait_dma2 semaphore(%run_scoped3A : memref<!tpu.dma_semaphore, #tpu.memory_space<semaphore_mem>>) src(%dma_wait3A_155 : memref<80xi32, #tpu.memory_space<hbm>>) dst(%arg8 : memref<80xi32, #tpu.memory_space<vmem>>)
      tpu.yield
    }) : () -> ()
    "tpu.region"() ({
      %run_scoped3A = tpu.sem_alloc : memref<!tpu.dma_semaphore, #tpu.memory_space<semaphore_mem>>
      %dma_start3A_152 = tpu.memref_slice %arg4[%mul3A_56] : memref<320000xi32, #tpu.memory_space<hbm>> -> memref<80xi32, #tpu.memory_space<hbm>>
      %dma_start3A_153 = tpu.memref_slice %arg4[%mul3A_56] : memref<320000xi32, #tpu.memory_space<hbm>> -> memref<80xi32, #tpu.memory_space<hbm>>
      tpu.enqueue_dma source(%dma_start3A_153 : memref<80xi32, #tpu.memory_space<hbm>>) target(%arg9 : memref<80xi32, #tpu.memory_space<vmem>>) target_semaphore(%run_scoped3A : memref<!tpu.dma_semaphore, #tpu.memory_space<semaphore_mem>>)
      %dma_wait3A_154 = tpu.memref_slice %arg4[%mul3A_56] : memref<320000xi32, #tpu.memory_space<hbm>> -> memref<80xi32, #tpu.memory_space<hbm>>
      %dma_wait3A_155 = tpu.memref_slice %arg4[%mul3A_56] : memref<320000xi32, #tpu.memory_space<hbm>> -> memref<80xi32, #tpu.memory_space<hbm>>
      tpu.wait_dma2 semaphore(%run_scoped3A : memref<!tpu.dma_semaphore, #tpu.memory_space<semaphore_mem>>) src(%dma_wait3A_155 : memref<80xi32, #tpu.memory_space<hbm>>) dst(%arg9 : memref<80xi32, #tpu.memory_space<vmem>>)
      tpu.yield
    }) : () -> ()
    %dma_start3A = arith.constant 0 : i32
    %dma_start3A_57 = arith.constant 0 : i32
    %dma_start3A_58 = tpu.memref_slice %arg2[%dma_start3A, %dma_start3A_57] : memref<10000x128xf32, #tpu.memory_space<hbm>> -> memref<10000x128xf32, #tpu.memory_space<hbm>>
    tpu.enqueue_indirect_dma source(%dma_start3A_58 : memref<10000x128xf32, #tpu.memory_space<hbm>>) target(%arg12 : memref<80x128xf32, #tpu.memory_space<vmem>>) offsets(%arg8 : memref<80xi32, #tpu.memory_space<vmem>>) semaphore(%arg18 : memref<!tpu.dma_semaphore, #tpu.memory_space<semaphore_mem>>)
    %dma_start3A_59 = arith.constant 0 : i32
    %dma_start3A_60 = arith.constant 0 : i32
    %dma_start3A_61 = tpu.memref_slice %arg2[%dma_start3A_59, %dma_start3A_60] : memref<10000x128xf32, #tpu.memory_space<hbm>> -> memref<10000x128xf32, #tpu.memory_space<hbm>>
    tpu.enqueue_indirect_dma source(%dma_start3A_61 : memref<10000x128xf32, #tpu.memory_space<hbm>>) target(%arg13 : memref<80x128xf32, #tpu.memory_space<vmem>>) offsets(%arg9 : memref<80xi32, #tpu.memory_space<vmem>>) semaphore(%arg19 : memref<!tpu.dma_semaphore, #tpu.memory_space<semaphore_mem>>)
    %add3A_62 = arith.constant 32 : i32
    %add3A_63 = arith.addi %add3A, %add3A_62 : i32
    %mul3A_64 = arith.constant 80 : i32
    %mul3A_65 = arith.muli %add3A_63, %mul3A_64 : i32
    "tpu.region"() ({
      %run_scoped3A = tpu.sem_alloc : memref<!tpu.dma_semaphore, #tpu.memory_space<semaphore_mem>>
      %dma_start3A_152 = tpu.memref_slice %arg3[%mul3A_65] : memref<320000xi32, #tpu.memory_space<hbm>> -> memref<80xi32, #tpu.memory_space<hbm>>
      %dma_start3A_153 = tpu.memref_slice %arg3[%mul3A_65] : memref<320000xi32, #tpu.memory_space<hbm>> -> memref<80xi32, #tpu.memory_space<hbm>>
      tpu.enqueue_dma source(%dma_start3A_153 : memref<80xi32, #tpu.memory_space<hbm>>) target(%arg10 : memref<80xi32, #tpu.memory_space<vmem>>) target_semaphore(%run_scoped3A : memref<!tpu.dma_semaphore, #tpu.memory_space<semaphore_mem>>)
      %dma_wait3A_154 = tpu.memref_slice %arg3[%mul3A_65] : memref<320000xi32, #tpu.memory_space<hbm>> -> memref<80xi32, #tpu.memory_space<hbm>>
      %dma_wait3A_155 = tpu.memref_slice %arg3[%mul3A_65] : memref<320000xi32, #tpu.memory_space<hbm>> -> memref<80xi32, #tpu.memory_space<hbm>>
      tpu.wait_dma2 semaphore(%run_scoped3A : memref<!tpu.dma_semaphore, #tpu.memory_space<semaphore_mem>>) src(%dma_wait3A_155 : memref<80xi32, #tpu.memory_space<hbm>>) dst(%arg10 : memref<80xi32, #tpu.memory_space<vmem>>)
      tpu.yield
    }) : () -> ()
    "tpu.region"() ({
      %run_scoped3A = tpu.sem_alloc : memref<!tpu.dma_semaphore, #tpu.memory_space<semaphore_mem>>
      %dma_start3A_152 = tpu.memref_slice %arg4[%mul3A_65] : memref<320000xi32, #tpu.memory_space<hbm>> -> memref<80xi32, #tpu.memory_space<hbm>>
      %dma_start3A_153 = tpu.memref_slice %arg4[%mul3A_65] : memref<320000xi32, #tpu.memory_space<hbm>> -> memref<80xi32, #tpu.memory_space<hbm>>
      tpu.enqueue_dma source(%dma_start3A_153 : memref<80xi32, #tpu.memory_space<hbm>>) target(%arg11 : memref<80xi32, #tpu.memory_space<vmem>>) target_semaphore(%run_scoped3A : memref<!tpu.dma_semaphore, #tpu.memory_space<semaphore_mem>>)
      %dma_wait3A_154 = tpu.memref_slice %arg4[%mul3A_65] : memref<320000xi32, #tpu.memory_space<hbm>> -> memref<80xi32, #tpu.memory_space<hbm>>
      %dma_wait3A_155 = tpu.memref_slice %arg4[%mul3A_65] : memref<320000xi32, #tpu.memory_space<hbm>> -> memref<80xi32, #tpu.memory_space<hbm>>
      tpu.wait_dma2 semaphore(%run_scoped3A : memref<!tpu.dma_semaphore, #tpu.memory_space<semaphore_mem>>) src(%dma_wait3A_155 : memref<80xi32, #tpu.memory_space<hbm>>) dst(%arg11 : memref<80xi32, #tpu.memory_space<vmem>>)
      tpu.yield
    }) : () -> ()
    %dma_start3A_66 = arith.constant 0 : i32
    %dma_start3A_67 = arith.constant 0 : i32
    %dma_start3A_68 = tpu.memref_slice %arg2[%dma_start3A_66, %dma_start3A_67] : memref<10000x128xf32, #tpu.memory_space<hbm>> -> memref<10000x128xf32, #tpu.memory_space<hbm>>
    tpu.enqueue_indirect_dma source(%dma_start3A_68 : memref<10000x128xf32, #tpu.memory_space<hbm>>) target(%arg14 : memref<80x128xf32, #tpu.memory_space<vmem>>) offsets(%arg10 : memref<80xi32, #tpu.memory_space<vmem>>) semaphore(%arg20 : memref<!tpu.dma_semaphore, #tpu.memory_space<semaphore_mem>>)
    %dma_start3A_69 = arith.constant 0 : i32
    %dma_start3A_70 = arith.constant 0 : i32
    %dma_start3A_71 = tpu.memref_slice %arg2[%dma_start3A_69, %dma_start3A_70] : memref<10000x128xf32, #tpu.memory_space<hbm>> -> memref<10000x128xf32, #tpu.memory_space<hbm>>
    tpu.enqueue_indirect_dma source(%dma_start3A_71 : memref<10000x128xf32, #tpu.memory_space<hbm>>) target(%arg15 : memref<80x128xf32, #tpu.memory_space<vmem>>) offsets(%arg11 : memref<80xi32, #tpu.memory_space<vmem>>) semaphore(%arg21 : memref<!tpu.dma_semaphore, #tpu.memory_space<semaphore_mem>>)
    %scan3A_72 = arith.constant 0 : i32
    %scan3A_73 = arith.constant 0 : i32
    %scan3A_74 = arith.constant 62 : i32
    %scan3A_75 = arith.addi %scan3A_73, %scan3A_74 : i32
    %scan3A_76 = arith.constant 1 : i32
    %scan3A_77 = scf.for %scan3A_152 = %scan3A_73 to %scan3A_75 step %scan3A_76 iter_args(%scan3A_153 = %scan3A_72) -> (i32)  : i32 {
      %mul3A_154 = arith.constant 2 : i32
      %mul3A_155 = arith.muli %scan3A_152, %mul3A_154 : i32
      %add3A_156 = arith.constant 0 : i32
      %add3A_157 = arith.addi %mul3A_155, %add3A_156 : i32
      %add3A_158 = arith.constant 2 : i32
      %add3A_159 = arith.addi %add3A_157, %add3A_158 : i32
      %lt3A = arith.constant 125 : i32
      %lt3A_160 = arith.cmpi slt, %add3A_159, %lt3A : i32
      %convert_element_type3A = arith.extui %lt3A_160 : i1 to i32
      %cond3A = arith.constant 0 : i32
      %cond3A_161 = arith.cmpi ne, %convert_element_type3A, %cond3A : i32
      scf.if %cond3A_161 {
        %mul3A_187 = arith.constant 32 : i32
        %mul3A_188 = arith.muli %add3A_157, %mul3A_187 : i32
        %add3A_189 = arith.addi %add3A, %mul3A_188 : i32
        %mul3A_190 = arith.constant 80 : i32
        %mul3A_191 = arith.muli %add3A_189, %mul3A_190 : i32
        %dma_wait3A_192 = arith.constant 0 : i32
        %dma_wait3A_193 = arith.constant 0 : i32
        %dma_wait3A_194 = tpu.memref_slice %arg2[%dma_wait3A_192, %dma_wait3A_193] : memref<10000x128xf32, #tpu.memory_space<hbm>> -> memref<10000x128xf32, #tpu.memory_space<hbm>>
        tpu.wait_indirect_dma semaphore(%arg18 : memref<!tpu.dma_semaphore, #tpu.memory_space<semaphore_mem>>) src(%dma_wait3A_194 : memref<10000x128xf32, #tpu.memory_space<hbm>>) dst(%arg12 : memref<80x128xf32, #tpu.memory_space<vmem>>)
        %dma_wait3A_195 = arith.constant 0 : i32
        %dma_wait3A_196 = arith.constant 0 : i32
        %dma_wait3A_197 = tpu.memref_slice %arg2[%dma_wait3A_195, %dma_wait3A_196] : memref<10000x128xf32, #tpu.memory_space<hbm>> -> memref<10000x128xf32, #tpu.memory_space<hbm>>
        tpu.wait_indirect_dma semaphore(%arg19 : memref<!tpu.dma_semaphore, #tpu.memory_space<semaphore_mem>>) src(%dma_wait3A_197 : memref<10000x128xf32, #tpu.memory_space<hbm>>) dst(%arg13 : memref<80x128xf32, #tpu.memory_space<vmem>>)
        %broadcast_in_dim3A_198 = arith.constant 0.000000e+00 : f32
        %broadcast_in_dim3A_199 = vector.broadcast %broadcast_in_dim3A_198 : f32 to vector<16xf32>
        %scan3A_200 = arith.constant 0 : i32
        %scan3A_201 = arith.constant 80 : i32
        %scan3A_202 = arith.addi %scan3A_200, %scan3A_201 : i32
        %scan3A_203 = arith.constant 1 : i32
        %scan3A_204:2 = scf.for %scan3A_243 = %scan3A_200 to %scan3A_202 step %scan3A_203 iter_args(%scan3A_244 = %broadcast_in_dim3A_199, %scan3A_245 = %broadcast_in_dim3A_199) -> (vector<16xf32>, vector<16xf32>)  : i32 {
          %get3A_246 = arith.index_cast %scan3A_243 : i32 to index
          %get3A_247 = arith.constant 0 : index
          %get3A_248 = tpu.vector_load %arg12[%get3A_246, %get3A_247] {strides = array<i32>} : memref<80x128xf32, #tpu.memory_space<vmem>>, vector<1x16xf32>,
          %get3A_249 = vector.shape_cast %get3A_248 : vector<1x16xf32> to vector<16xf32>
          %get3A_250 = arith.index_cast %scan3A_243 : i32 to index
          %get3A_251 = arith.constant 0 : index
          %get3A_252 = tpu.vector_load %arg13[%get3A_250, %get3A_251] {strides = array<i32>} : memref<80x128xf32, #tpu.memory_space<vmem>>, vector<1x16xf32>,
          %get3A_253 = vector.shape_cast %get3A_252 : vector<1x16xf32> to vector<16xf32>
          %mul3A_254 = arith.mulf %get3A_249, %get3A_253 : vector<16xf32>
          %swap3A_255 = arith.index_cast %scan3A_243 : i32 to index
          %swap3A_256 = arith.constant 0 : index
          %swap3A_257 = tpu.vector_load %arg13[%swap3A_255, %swap3A_256] {strides = array<i32>} : memref<80x128xf32, #tpu.memory_space<vmem>>, vector<1x16xf32>,
          %swap3A_258 = vector.shape_cast %swap3A_257 : vector<1x16xf32> to vector<16xf32>
          %swap3A_259 = vector.shape_cast %mul3A_254 : vector<16xf32> to vector<1x16xf32>
          tpu.vector_store %arg13[%swap3A_255, %swap3A_256], %swap3A_259 {strides = array<i32>} : memref<80x128xf32, #tpu.memory_space<vmem>>, vector<1x16xf32>,
          %sub3A = arith.subf %get3A_249, %get3A_253 : vector<16xf32>
          %swap3A_260 = arith.index_cast %scan3A_243 : i32 to index
          %swap3A_261 = arith.constant 0 : index
          %swap3A_262 = tpu.vector_load %arg12[%swap3A_260, %swap3A_261] {strides = array<i32>} : memref<80x128xf32, #tpu.memory_space<vmem>>, vector<1x16xf32>,
          %swap3A_263 = vector.shape_cast %swap3A_262 : vector<1x16xf32> to vector<16xf32>
          %swap3A_264 = vector.shape_cast %sub3A : vector<16xf32> to vector<1x16xf32>
          tpu.vector_store %arg12[%swap3A_260, %swap3A_261], %swap3A_264 {strides = array<i32>} : memref<80x128xf32, #tpu.memory_space<vmem>>, vector<1x16xf32>,
          %mul3A_265 = arith.mulf %get3A_249, %get3A_249 : vector<16xf32>
          %add3A_266 = arith.addf %scan3A_244, %mul3A_265 : vector<16xf32>
          %mul3A_267 = arith.mulf %get3A_253, %get3A_253 : vector<16xf32>
          %add3A_268 = arith.addf %scan3A_245, %mul3A_267 : vector<16xf32>
          %get3A_269 = arith.index_cast %scan3A_243 : i32 to index
          %get3A_270 = arith.constant 16 : index
          %get3A_271 = tpu.vector_load %arg12[%get3A_269, %get3A_270] {strides = array<i32>} : memref<80x128xf32, #tpu.memory_space<vmem>>, vector<1x16xf32>,
          %get3A_272 = vector.shape_cast %get3A_271 : vector<1x16xf32> to vector<16xf32>
          %get3A_273 = arith.index_cast %scan3A_243 : i32 to index
          %get3A_274 = arith.constant 16 : index
          %get3A_275 = tpu.vector_load %arg13[%get3A_273, %get3A_274] {strides = array<i32>} : memref<80x128xf32, #tpu.memory_space<vmem>>, vector<1x16xf32>,
          %get3A_276 = vector.shape_cast %get3A_275 : vector<1x16xf32> to vector<16xf32>
          %mul3A_277 = arith.mulf %get3A_272, %get3A_276 : vector<16xf32>
          %swap3A_278 = arith.index_cast %scan3A_243 : i32 to index
          %swap3A_279 = arith.constant 16 : index
          %swap3A_280 = tpu.vector_load %arg13[%swap3A_278, %swap3A_279] {strides = array<i32>} : memref<80x128xf32, #tpu.memory_space<vmem>>, vector<1x16xf32>,
          %swap3A_281 = vector.shape_cast %swap3A_280 : vector<1x16xf32> to vector<16xf32>
          %swap3A_282 = vector.shape_cast %mul3A_277 : vector<16xf32> to vector<1x16xf32>
          tpu.vector_store %arg13[%swap3A_278, %swap3A_279], %swap3A_282 {strides = array<i32>} : memref<80x128xf32, #tpu.memory_space<vmem>>, vector<1x16xf32>,
          %sub3A_283 = arith.subf %get3A_272, %get3A_276 : vector<16xf32>
          %swap3A_284 = arith.index_cast %scan3A_243 : i32 to index
          %swap3A_285 = arith.constant 16 : index
          %swap3A_286 = tpu.vector_load %arg12[%swap3A_284, %swap3A_285] {strides = array<i32>} : memref<80x128xf32, #tpu.memory_space<vmem>>, vector<1x16xf32>,
          %swap3A_287 = vector.shape_cast %swap3A_286 : vector<1x16xf32> to vector<16xf32>
          %swap3A_288 = vector.shape_cast %sub3A_283 : vector<16xf32> to vector<1x16xf32>
          tpu.vector_store %arg12[%swap3A_284, %swap3A_285], %swap3A_288 {strides = array<i32>} : memref<80x128xf32, #tpu.memory_space<vmem>>, vector<1x16xf32>,
          %mul3A_289 = arith.mulf %get3A_272, %get3A_272 : vector<16xf32>
          %add3A_290 = arith.addf %add3A_266, %mul3A_289 : vector<16xf32>
          %mul3A_291 = arith.mulf %get3A_276, %get3A_276 : vector<16xf32>
          %add3A_292 = arith.addf %add3A_268, %mul3A_291 : vector<16xf32>
          %get3A_293 = arith.index_cast %scan3A_243 : i32 to index
          %get3A_294 = arith.constant 32 : index
          %get3A_295 = tpu.vector_load %arg12[%get3A_293, %get3A_294] {strides = array<i32>} : memref<80x128xf32, #tpu.memory_space<vmem>>, vector<1x16xf32>,
          %get3A_296 = vector.shape_cast %get3A_295 : vector<1x16xf32> to vector<16xf32>
          %get3A_297 = arith.index_cast %scan3A_243 : i32 to index
          %get3A_298 = arith.constant 32 : index
          %get3A_299 = tpu.vector_load %arg13[%get3A_297, %get3A_298] {strides = array<i32>} : memref<80x128xf32, #tpu.memory_space<vmem>>, vector<1x16xf32>,
          %get3A_300 = vector.shape_cast %get3A_299 : vector<1x16xf32> to vector<16xf32>
          %mul3A_301 = arith.mulf %get3A_296, %get3A_300 : vector<16xf32>
          %swap3A_302 = arith.index_cast %scan3A_243 : i32 to index
          %swap3A_303 = arith.constant 32 : index
          %swap3A_304 = tpu.vector_load %arg13[%swap3A_302, %swap3A_303] {strides = array<i32>} : memref<80x128xf32, #tpu.memory_space<vmem>>, vector<1x16xf32>,
          %swap3A_305 = vector.shape_cast %swap3A_304 : vector<1x16xf32> to vector<16xf32>
          %swap3A_306 = vector.shape_cast %mul3A_301 : vector<16xf32> to vector<1x16xf32>
          tpu.vector_store %arg13[%swap3A_302, %swap3A_303], %swap3A_306 {strides = array<i32>} : memref<80x128xf32, #tpu.memory_space<vmem>>, vector<1x16xf32>,
          %sub3A_307 = arith.subf %get3A_296, %get3A_300 : vector<16xf32>
          %swap3A_308 = arith.index_cast %scan3A_243 : i32 to index
          %swap3A_309 = arith.constant 32 : index
          %swap3A_310 = tpu.vector_load %arg12[%swap3A_308, %swap3A_309] {strides = array<i32>} : memref<80x128xf32, #tpu.memory_space<vmem>>, vector<1x16xf32>,
          %swap3A_311 = vector.shape_cast %swap3A_310 : vector<1x16xf32> to vector<16xf32>
          %swap3A_312 = vector.shape_cast %sub3A_307 : vector<16xf32> to vector<1x16xf32>
          tpu.vector_store %arg12[%swap3A_308, %swap3A_309], %swap3A_312 {strides = array<i32>} : memref<80x128xf32, #tpu.memory_space<vmem>>, vector<1x16xf32>,
          %mul3A_313 = arith.mulf %get3A_296, %get3A_296 : vector<16xf32>
          %add3A_314 = arith.addf %add3A_290, %mul3A_313 : vector<16xf32>
          %mul3A_315 = arith.mulf %get3A_300, %get3A_300 : vector<16xf32>
          %add3A_316 = arith.addf %add3A_292, %mul3A_315 : vector<16xf32>
          %get3A_317 = arith.index_cast %scan3A_243 : i32 to index
          %get3A_318 = arith.constant 48 : index
          %get3A_319 = tpu.vector_load %arg12[%get3A_317, %get3A_318] {strides = array<i32>} : memref<80x128xf32, #tpu.memory_space<vmem>>, vector<1x16xf32>,
          %get3A_320 = vector.shape_cast %get3A_319 : vector<1x16xf32> to vector<16xf32>
          %get3A_321 = arith.index_cast %scan3A_243 : i32 to index
          %get3A_322 = arith.constant 48 : index
          %get3A_323 = tpu.vector_load %arg13[%get3A_321, %get3A_322] {strides = array<i32>} : memref<80x128xf32, #tpu.memory_space<vmem>>, vector<1x16xf32>,
          %get3A_324 = vector.shape_cast %get3A_323 : vector<1x16xf32> to vector<16xf32>
          %mul3A_325 = arith.mulf %get3A_320, %get3A_324 : vector<16xf32>
          %swap3A_326 = arith.index_cast %scan3A_243 : i32 to index
          %swap3A_327 = arith.constant 48 : index
          %swap3A_328 = tpu.vector_load %arg13[%swap3A_326, %swap3A_327] {strides = array<i32>} : memref<80x128xf32, #tpu.memory_space<vmem>>, vector<1x16xf32>,
          %swap3A_329 = vector.shape_cast %swap3A_328 : vector<1x16xf32> to vector<16xf32>
          %swap3A_330 = vector.shape_cast %mul3A_325 : vector<16xf32> to vector<1x16xf32>
          tpu.vector_store %arg13[%swap3A_326, %swap3A_327], %swap3A_330 {strides = array<i32>} : memref<80x128xf32, #tpu.memory_space<vmem>>, vector<1x16xf32>,
          %sub3A_331 = arith.subf %get3A_320, %get3A_324 : vector<16xf32>
          %swap3A_332 = arith.index_cast %scan3A_243 : i32 to index
          %swap3A_333 = arith.constant 48 : index
          %swap3A_334 = tpu.vector_load %arg12[%swap3A_332, %swap3A_333] {strides = array<i32>} : memref<80x128xf32, #tpu.memory_space<vmem>>, vector<1x16xf32>,
          %swap3A_335 = vector.shape_cast %swap3A_334 : vector<1x16xf32> to vector<16xf32>
          %swap3A_336 = vector.shape_cast %sub3A_331 : vector<16xf32> to vector<1x16xf32>
          tpu.vector_store %arg12[%swap3A_332, %swap3A_333], %swap3A_336 {strides = array<i32>} : memref<80x128xf32, #tpu.memory_space<vmem>>, vector<1x16xf32>,
          %mul3A_337 = arith.mulf %get3A_320, %get3A_320 : vector<16xf32>
          %add3A_338 = arith.addf %add3A_314, %mul3A_337 : vector<16xf32>
          %mul3A_339 = arith.mulf %get3A_324, %get3A_324 : vector<16xf32>
          %add3A_340 = arith.addf %add3A_316, %mul3A_339 : vector<16xf32>
          %get3A_341 = arith.index_cast %scan3A_243 : i32 to index
          %get3A_342 = arith.constant 64 : index
          %get3A_343 = tpu.vector_load %arg12[%get3A_341, %get3A_342] {strides = array<i32>} : memref<80x128xf32, #tpu.memory_space<vmem>>, vector<1x16xf32>,
          %get3A_344 = vector.shape_cast %get3A_343 : vector<1x16xf32> to vector<16xf32>
          %get3A_345 = arith.index_cast %scan3A_243 : i32 to index
          %get3A_346 = arith.constant 64 : index
          %get3A_347 = tpu.vector_load %arg13[%get3A_345, %get3A_346] {strides = array<i32>} : memref<80x128xf32, #tpu.memory_space<vmem>>, vector<1x16xf32>,
          %get3A_348 = vector.shape_cast %get3A_347 : vector<1x16xf32> to vector<16xf32>
          %mul3A_349 = arith.mulf %get3A_344, %get3A_348 : vector<16xf32>
          %swap3A_350 = arith.index_cast %scan3A_243 : i32 to index
          %swap3A_351 = arith.constant 64 : index
          %swap3A_352 = tpu.vector_load %arg13[%swap3A_350, %swap3A_351] {strides = array<i32>} : memref<80x128xf32, #tpu.memory_space<vmem>>, vector<1x16xf32>,
          %swap3A_353 = vector.shape_cast %swap3A_352 : vector<1x16xf32> to vector<16xf32>
          %swap3A_354 = vector.shape_cast %mul3A_349 : vector<16xf32> to vector<1x16xf32>
          tpu.vector_store %arg13[%swap3A_350, %swap3A_351], %swap3A_354 {strides = array<i32>} : memref<80x128xf32, #tpu.memory_space<vmem>>, vector<1x16xf32>,
          %sub3A_355 = arith.subf %get3A_344, %get3A_348 : vector<16xf32>
          %swap3A_356 = arith.index_cast %scan3A_243 : i32 to index
          %swap3A_357 = arith.constant 64 : index
          %swap3A_358 = tpu.vector_load %arg12[%swap3A_356, %swap3A_357] {strides = array<i32>} : memref<80x128xf32, #tpu.memory_space<vmem>>, vector<1x16xf32>,
          %swap3A_359 = vector.shape_cast %swap3A_358 : vector<1x16xf32> to vector<16xf32>
          %swap3A_360 = vector.shape_cast %sub3A_355 : vector<16xf32> to vector<1x16xf32>
          tpu.vector_store %arg12[%swap3A_356, %swap3A_357], %swap3A_360 {strides = array<i32>} : memref<80x128xf32, #tpu.memory_space<vmem>>, vector<1x16xf32>,
          %mul3A_361 = arith.mulf %get3A_344, %get3A_344 : vector<16xf32>
          %add3A_362 = arith.addf %add3A_338, %mul3A_361 : vector<16xf32>
          %mul3A_363 = arith.mulf %get3A_348, %get3A_348 : vector<16xf32>
          %add3A_364 = arith.addf %add3A_340, %mul3A_363 : vector<16xf32>
          %get3A_365 = arith.index_cast %scan3A_243 : i32 to index
          %get3A_366 = arith.constant 80 : index
          %get3A_367 = tpu.vector_load %arg12[%get3A_365, %get3A_366] {strides = array<i32>} : memref<80x128xf32, #tpu.memory_space<vmem>>, vector<1x16xf32>,
          %get3A_368 = vector.shape_cast %get3A_367 : vector<1x16xf32> to vector<16xf32>
          %get3A_369 = arith.index_cast %scan3A_243 : i32 to index
          %get3A_370 = arith.constant 80 : index
          %get3A_371 = tpu.vector_load %arg13[%get3A_369, %get3A_370] {strides = array<i32>} : memref<80x128xf32, #tpu.memory_space<vmem>>, vector<1x16xf32>,
          %get3A_372 = vector.shape_cast %get3A_371 : vector<1x16xf32> to vector<16xf32>
          %mul3A_373 = arith.mulf %get3A_368, %get3A_372 : vector<16xf32>
          %swap3A_374 = arith.index_cast %scan3A_243 : i32 to index
          %swap3A_375 = arith.constant 80 : index
          %swap3A_376 = tpu.vector_load %arg13[%swap3A_374, %swap3A_375] {strides = array<i32>} : memref<80x128xf32, #tpu.memory_space<vmem>>, vector<1x16xf32>,
          %swap3A_377 = vector.shape_cast %swap3A_376 : vector<1x16xf32> to vector<16xf32>
          %swap3A_378 = vector.shape_cast %mul3A_373 : vector<16xf32> to vector<1x16xf32>
          tpu.vector_store %arg13[%swap3A_374, %swap3A_375], %swap3A_378 {strides = array<i32>} : memref<80x128xf32, #tpu.memory_space<vmem>>, vector<1x16xf32>,
          %sub3A_379 = arith.subf %get3A_368, %get3A_372 : vector<16xf32>
          %swap3A_380 = arith.index_cast %scan3A_243 : i32 to index
          %swap3A_381 = arith.constant 80 : index
          %swap3A_382 = tpu.vector_load %arg12[%swap3A_380, %swap3A_381] {strides = array<i32>} : memref<80x128xf32, #tpu.memory_space<vmem>>, vector<1x16xf32>,
          %swap3A_383 = vector.shape_cast %swap3A_382 : vector<1x16xf32> to vector<16xf32>
          %swap3A_384 = vector.shape_cast %sub3A_379 : vector<16xf32> to vector<1x16xf32>
          tpu.vector_store %arg12[%swap3A_380, %swap3A_381], %swap3A_384 {strides = array<i32>} : memref<80x128xf32, #tpu.memory_space<vmem>>, vector<1x16xf32>,
          %mul3A_385 = arith.mulf %get3A_368, %get3A_368 : vector<16xf32>
          %add3A_386 = arith.addf %add3A_362, %mul3A_385 : vector<16xf32>
          %mul3A_387 = arith.mulf %get3A_372, %get3A_372 : vector<16xf32>
          %add3A_388 = arith.addf %add3A_364, %mul3A_387 : vector<16xf32>
          %get3A_389 = arith.index_cast %scan3A_243 : i32 to index
          %get3A_390 = arith.constant 96 : index
          %get3A_391 = tpu.vector_load %arg12[%get3A_389, %get3A_390] {strides = array<i32>} : memref<80x128xf32, #tpu.memory_space<vmem>>, vector<1x16xf32>,
          %get3A_392 = vector.shape_cast %get3A_391 : vector<1x16xf32> to vector<16xf32>
          %get3A_393 = arith.index_cast %scan3A_243 : i32 to index
          %get3A_394 = arith.constant 96 : index
          %get3A_395 = tpu.vector_load %arg13[%get3A_393, %get3A_394] {strides = array<i32>} : memref<80x128xf32, #tpu.memory_space<vmem>>, vector<1x16xf32>,
          %get3A_396 = vector.shape_cast %get3A_395 : vector<1x16xf32> to vector<16xf32>
          %mul3A_397 = arith.mulf %get3A_392, %get3A_396 : vector<16xf32>
          %swap3A_398 = arith.index_cast %scan3A_243 : i32 to index
          %swap3A_399 = arith.constant 96 : index
          %swap3A_400 = tpu.vector_load %arg13[%swap3A_398, %swap3A_399] {strides = array<i32>} : memref<80x128xf32, #tpu.memory_space<vmem>>, vector<1x16xf32>,
          %swap3A_401 = vector.shape_cast %swap3A_400 : vector<1x16xf32> to vector<16xf32>
          %swap3A_402 = vector.shape_cast %mul3A_397 : vector<16xf32> to vector<1x16xf32>
          tpu.vector_store %arg13[%swap3A_398, %swap3A_399], %swap3A_402 {strides = array<i32>} : memref<80x128xf32, #tpu.memory_space<vmem>>, vector<1x16xf32>,
          %sub3A_403 = arith.subf %get3A_392, %get3A_396 : vector<16xf32>
          %swap3A_404 = arith.index_cast %scan3A_243 : i32 to index
          %swap3A_405 = arith.constant 96 : index
          %swap3A_406 = tpu.vector_load %arg12[%swap3A_404, %swap3A_405] {strides = array<i32>} : memref<80x128xf32, #tpu.memory_space<vmem>>, vector<1x16xf32>,
          %swap3A_407 = vector.shape_cast %swap3A_406 : vector<1x16xf32> to vector<16xf32>
          %swap3A_408 = vector.shape_cast %sub3A_403 : vector<16xf32> to vector<1x16xf32>
          tpu.vector_store %arg12[%swap3A_404, %swap3A_405], %swap3A_408 {strides = array<i32>} : memref<80x128xf32, #tpu.memory_space<vmem>>, vector<1x16xf32>,
          %mul3A_409 = arith.mulf %get3A_392, %get3A_392 : vector<16xf32>
          %add3A_410 = arith.addf %add3A_386, %mul3A_409 : vector<16xf32>
          %mul3A_411 = arith.mulf %get3A_396, %get3A_396 : vector<16xf32>
          %add3A_412 = arith.addf %add3A_388, %mul3A_411 : vector<16xf32>
          %get3A_413 = arith.index_cast %scan3A_243 : i32 to index
          %get3A_414 = arith.constant 112 : index
          %get3A_415 = tpu.vector_load %arg12[%get3A_413, %get3A_414] {strides = array<i32>} : memref<80x128xf32, #tpu.memory_space<vmem>>, vector<1x16xf32>,
          %get3A_416 = vector.shape_cast %get3A_415 : vector<1x16xf32> to vector<16xf32>
          %get3A_417 = arith.index_cast %scan3A_243 : i32 to index
          %get3A_418 = arith.constant 112 : index
          %get3A_419 = tpu.vector_load %arg13[%get3A_417, %get3A_418] {strides = array<i32>} : memref<80x128xf32, #tpu.memory_space<vmem>>, vector<1x16xf32>,
          %get3A_420 = vector.shape_cast %get3A_419 : vector<1x16xf32> to vector<16xf32>
          %mul3A_421 = arith.mulf %get3A_416, %get3A_420 : vector<16xf32>
          %swap3A_422 = arith.index_cast %scan3A_243 : i32 to index
          %swap3A_423 = arith.constant 112 : index
          %swap3A_424 = tpu.vector_load %arg13[%swap3A_422, %swap3A_423] {strides = array<i32>} : memref<80x128xf32, #tpu.memory_space<vmem>>, vector<1x16xf32>,
          %swap3A_425 = vector.shape_cast %swap3A_424 : vector<1x16xf32> to vector<16xf32>
          %swap3A_426 = vector.shape_cast %mul3A_421 : vector<16xf32> to vector<1x16xf32>
          tpu.vector_store %arg13[%swap3A_422, %swap3A_423], %swap3A_426 {strides = array<i32>} : memref<80x128xf32, #tpu.memory_space<vmem>>, vector<1x16xf32>,
          %sub3A_427 = arith.subf %get3A_416, %get3A_420 : vector<16xf32>
          %swap3A_428 = arith.index_cast %scan3A_243 : i32 to index
          %swap3A_429 = arith.constant 112 : index
          %swap3A_430 = tpu.vector_load %arg12[%swap3A_428, %swap3A_429] {strides = array<i32>} : memref<80x128xf32, #tpu.memory_space<vmem>>, vector<1x16xf32>,
          %swap3A_431 = vector.shape_cast %swap3A_430 : vector<1x16xf32> to vector<16xf32>
          %swap3A_432 = vector.shape_cast %sub3A_427 : vector<16xf32> to vector<1x16xf32>
          tpu.vector_store %arg12[%swap3A_428, %swap3A_429], %swap3A_432 {strides = array<i32>} : memref<80x128xf32, #tpu.memory_space<vmem>>, vector<1x16xf32>,
          %mul3A_433 = arith.mulf %get3A_416, %get3A_416 : vector<16xf32>
          %add3A_434 = arith.addf %add3A_410, %mul3A_433 : vector<16xf32>
          %mul3A_435 = arith.mulf %get3A_420, %get3A_420 : vector<16xf32>
          %add3A_436 = arith.addf %add3A_412, %mul3A_435 : vector<16xf32>
          scf.yield %add3A_434, %add3A_436 : vector<16xf32>, vector<16xf32>
        }
        %scan3A_205 = arith.constant 80 : i32
        %get3A_206 = arith.constant 0 : i32
        %get3A_207 = arith.index_cast %get3A_206 : i32 to index
        %get3A_208 = arith.constant 0 : index
        %get3A_209 = tpu.vector_load %arg16[%get3A_207, %get3A_208] {strides = array<i32>} : memref<2x16xf32, #tpu.memory_space<vmem>>, vector<1x16xf32>,
        %get3A_210 = vector.shape_cast %get3A_209 : vector<1x16xf32> to vector<16xf32>
        %add3A_211 = arith.addf %get3A_210, %scan3A_204#0 : vector<16xf32>
        %swap3A_212 = arith.constant 0 : i32
        %swap3A_213 = arith.index_cast %swap3A_212 : i32 to index
        %swap3A_214 = arith.constant 0 : index
        %swap3A_215 = tpu.vector_load %arg16[%swap3A_213, %swap3A_214] {strides = array<i32>} : memref<2x16xf32, #tpu.memory_space<vmem>>, vector<1x16xf32>,
        %swap3A_216 = vector.shape_cast %swap3A_215 : vector<1x16xf32> to vector<16xf32>
        %swap3A_217 = vector.shape_cast %add3A_211 : vector<16xf32> to vector<1x16xf32>
        tpu.vector_store %arg16[%swap3A_213, %swap3A_214], %swap3A_217 {strides = array<i32>} : memref<2x16xf32, #tpu.memory_space<vmem>>, vector<1x16xf32>,
        %get3A_218 = arith.constant 1 : i32
        %get3A_219 = arith.index_cast %get3A_218 : i32 to index
        %get3A_220 = arith.constant 0 : index
        %get3A_221 = tpu.vector_load %arg16[%get3A_219, %get3A_220] {strides = array<i32>} : memref<2x16xf32, #tpu.memory_space<vmem>>, vector<1x16xf32>,
        %get3A_222 = vector.shape_cast %get3A_221 : vector<1x16xf32> to vector<16xf32>
        %add3A_223 = arith.addf %get3A_222, %scan3A_204#1 : vector<16xf32>
        %swap3A_224 = arith.constant 1 : i32
        %swap3A_225 = arith.index_cast %swap3A_224 : i32 to index
        %swap3A_226 = arith.constant 0 : index
        %swap3A_227 = tpu.vector_load %arg16[%swap3A_225, %swap3A_226] {strides = array<i32>} : memref<2x16xf32, #tpu.memory_space<vmem>>, vector<1x16xf32>,
        %swap3A_228 = vector.shape_cast %swap3A_227 : vector<1x16xf32> to vector<16xf32>
        %swap3A_229 = vector.shape_cast %add3A_223 : vector<16xf32> to vector<1x16xf32>
        tpu.vector_store %arg16[%swap3A_225, %swap3A_226], %swap3A_229 {strides = array<i32>} : memref<2x16xf32, #tpu.memory_space<vmem>>, vector<1x16xf32>,
        "tpu.region"() ({
          %run_scoped3A = tpu.sem_alloc : memref<!tpu.dma_semaphore, #tpu.memory_space<semaphore_mem>>
          %dma_start3A_243 = arith.constant 0 : i32
          %dma_start3A_244 = tpu.memref_slice %arg5[%mul3A_191, %dma_start3A_243] : memref<327680x128xf32, #tpu.memory_space<hbm>> -> memref<80x128xf32, #tpu.memory_space<hbm>>
          %dma_start3A_245 = arith.constant 0 : i32
          %dma_start3A_246 = tpu.memref_slice %arg5[%mul3A_191, %dma_start3A_245] : memref<327680x128xf32, #tpu.memory_space<hbm>> -> memref<80x128xf32, #tpu.memory_space<hbm>>
          tpu.enqueue_dma source(%arg13 : memref<80x128xf32, #tpu.memory_space<vmem>>) target(%dma_start3A_246 : memref<80x128xf32, #tpu.memory_space<hbm>>) target_semaphore(%run_scoped3A : memref<!tpu.dma_semaphore, #tpu.memory_space<semaphore_mem>>)
          %dma_wait3A_247 = arith.constant 0 : i32
          %dma_wait3A_248 = tpu.memref_slice %arg5[%mul3A_191, %dma_wait3A_247] : memref<327680x128xf32, #tpu.memory_space<hbm>> -> memref<80x128xf32, #tpu.memory_space<hbm>>
          %dma_wait3A_249 = arith.constant 0 : i32
          %dma_wait3A_250 = tpu.memref_slice %arg5[%mul3A_191, %dma_wait3A_249] : memref<327680x128xf32, #tpu.memory_space<hbm>> -> memref<80x128xf32, #tpu.memory_space<hbm>>
          tpu.wait_dma2 semaphore(%run_scoped3A : memref<!tpu.dma_semaphore, #tpu.memory_space<semaphore_mem>>) src(%arg13 : memref<80x128xf32, #tpu.memory_space<vmem>>) dst(%dma_wait3A_250 : memref<80x128xf32, #tpu.memory_space<hbm>>)
          tpu.yield
        }) : () -> ()
        "tpu.region"() ({
          %run_scoped3A = tpu.sem_alloc : memref<!tpu.dma_semaphore, #tpu.memory_space<semaphore_mem>>
          %dma_start3A_243 = arith.constant 0 : i32
          %dma_start3A_244 = arith.constant 0 : i32
          %dma_start3A_245 = tpu.memref_slice %arg17[%dma_start3A_243, %dma_start3A_244] : memref<10112x128xf32, #tpu.memory_space<vmem_shared>> -> memref<10112x128xf32, #tpu.memory_space<vmem_shared>>
          tpu.enqueue_indirect_dma source(%arg12 : memref<80x128xf32, #tpu.memory_space<vmem>>) target(%dma_start3A_245 : memref<10112x128xf32, #tpu.memory_space<vmem_shared>>) offsets(%arg9 : memref<80xi32, #tpu.memory_space<vmem>>) semaphore(%run_scoped3A : memref<!tpu.dma_semaphore, #tpu.memory_space<semaphore_mem>>) {add = true}
          %dma_wait3A_246 = arith.constant 0 : i32
          %dma_wait3A_247 = arith.constant 0 : i32
          %dma_wait3A_248 = tpu.memref_slice %arg17[%dma_wait3A_246, %dma_wait3A_247] : memref<10112x128xf32, #tpu.memory_space<vmem_shared>> -> memref<10112x128xf32, #tpu.memory_space<vmem_shared>>
          tpu.wait_indirect_dma semaphore(%run_scoped3A : memref<!tpu.dma_semaphore, #tpu.memory_space<semaphore_mem>>) src(%arg12 : memref<80x128xf32, #tpu.memory_space<vmem>>) dst(%dma_wait3A_248 : memref<10112x128xf32, #tpu.memory_space<vmem_shared>>)
          tpu.yield
        }) : () -> ()
        %add3A_230 = arith.constant 2 : i32
        %add3A_231 = arith.addi %add3A_157, %add3A_230 : i32
        %mul3A_232 = arith.constant 32 : i32
        %mul3A_233 = arith.muli %add3A_231, %mul3A_232 : i32
        %add3A_234 = arith.addi %add3A, %mul3A_233 : i32
        %mul3A_235 = arith.constant 80 : i32
        %mul3A_236 = arith.muli %add3A_234, %mul3A_235 : i32
        "tpu.region"() ({
          %run_scoped3A = tpu.sem_alloc : memref<!tpu.dma_semaphore, #tpu.memory_space<semaphore_mem>>
          %dma_start3A_243 = tpu.memref_slice %arg3[%mul3A_236] : memref<320000xi32, #tpu.memory_space<hbm>> -> memref<80xi32, #tpu.memory_space<hbm>>
          %dma_start3A_244 = tpu.memref_slice %arg3[%mul3A_236] : memref<320000xi32, #tpu.memory_space<hbm>> -> memref<80xi32, #tpu.memory_space<hbm>>
          tpu.enqueue_dma source(%dma_start3A_244 : memref<80xi32, #tpu.memory_space<hbm>>) target(%arg8 : memref<80xi32, #tpu.memory_space<vmem>>) target_semaphore(%run_scoped3A : memref<!tpu.dma_semaphore, #tpu.memory_space<semaphore_mem>>)
          %dma_wait3A_245 = tpu.memref_slice %arg3[%mul3A_236] : memref<320000xi32, #tpu.memory_space<hbm>> -> memref<80xi32, #tpu.memory_space<hbm>>
          %dma_wait3A_246 = tpu.memref_slice %arg3[%mul3A_236] : memref<320000xi32, #tpu.memory_space<hbm>> -> memref<80xi32, #tpu.memory_space<hbm>>
          tpu.wait_dma2 semaphore(%run_scoped3A : memref<!tpu.dma_semaphore, #tpu.memory_space<semaphore_mem>>) src(%dma_wait3A_246 : memref<80xi32, #tpu.memory_space<hbm>>) dst(%arg8 : memref<80xi32, #tpu.memory_space<vmem>>)
          tpu.yield
        }) : () -> ()
        "tpu.region"() ({
          %run_scoped3A = tpu.sem_alloc : memref<!tpu.dma_semaphore, #tpu.memory_space<semaphore_mem>>
          %dma_start3A_243 = tpu.memref_slice %arg4[%mul3A_236] : memref<320000xi32, #tpu.memory_space<hbm>> -> memref<80xi32, #tpu.memory_space<hbm>>
          %dma_start3A_244 = tpu.memref_slice %arg4[%mul3A_236] : memref<320000xi32, #tpu.memory_space<hbm>> -> memref<80xi32, #tpu.memory_space<hbm>>
          tpu.enqueue_dma source(%dma_start3A_244 : memref<80xi32, #tpu.memory_space<hbm>>) target(%arg9 : memref<80xi32, #tpu.memory_space<vmem>>) target_semaphore(%run_scoped3A : memref<!tpu.dma_semaphore, #tpu.memory_space<semaphore_mem>>)
          %dma_wait3A_245 = tpu.memref_slice %arg4[%mul3A_236] : memref<320000xi32, #tpu.memory_space<hbm>> -> memref<80xi32, #tpu.memory_space<hbm>>
          %dma_wait3A_246 = tpu.memref_slice %arg4[%mul3A_236] : memref<320000xi32, #tpu.memory_space<hbm>> -> memref<80xi32, #tpu.memory_space<hbm>>
          tpu.wait_dma2 semaphore(%run_scoped3A : memref<!tpu.dma_semaphore, #tpu.memory_space<semaphore_mem>>) src(%dma_wait3A_246 : memref<80xi32, #tpu.memory_space<hbm>>) dst(%arg9 : memref<80xi32, #tpu.memory_space<vmem>>)
          tpu.yield
        }) : () -> ()
        %dma_start3A_237 = arith.constant 0 : i32
        %dma_start3A_238 = arith.constant 0 : i32
        %dma_start3A_239 = tpu.memref_slice %arg2[%dma_start3A_237, %dma_start3A_238] : memref<10000x128xf32, #tpu.memory_space<hbm>> -> memref<10000x128xf32, #tpu.memory_space<hbm>>
        tpu.enqueue_indirect_dma source(%dma_start3A_239 : memref<10000x128xf32, #tpu.memory_space<hbm>>) target(%arg12 : memref<80x128xf32, #tpu.memory_space<vmem>>) offsets(%arg8 : memref<80xi32, #tpu.memory_space<vmem>>) semaphore(%arg18 : memref<!tpu.dma_semaphore, #tpu.memory_space<semaphore_mem>>)
        %dma_start3A_240 = arith.constant 0 : i32
        %dma_start3A_241 = arith.constant 0 : i32
        %dma_start3A_242 = tpu.memref_slice %arg2[%dma_start3A_240, %dma_start3A_241] : memref<10000x128xf32, #tpu.memory_space<hbm>> -> memref<10000x128xf32, #tpu.memory_space<hbm>>
        tpu.enqueue_indirect_dma source(%dma_start3A_242 : memref<10000x128xf32, #tpu.memory_space<hbm>>) target(%arg13 : memref<80x128xf32, #tpu.memory_space<vmem>>) offsets(%arg9 : memref<80xi32, #tpu.memory_space<vmem>>) semaphore(%arg19 : memref<!tpu.dma_semaphore, #tpu.memory_space<semaphore_mem>>)
      } else {
      }
      %add3A_162 = arith.constant 2 : i32
      %add3A_163 = arith.addi %add3A_157, %add3A_162 : i32
      %ge3A = arith.constant 125 : i32
      %ge3A_164 = arith.cmpi sge, %add3A_163, %ge3A : i32
      %convert_element_type3A_165 = arith.extui %ge3A_164 : i1 to i32
      %cond3A_166 = arith.constant 0 : i32
      %cond3A_167 = arith.cmpi ne, %convert_element_type3A_165, %cond3A_166 : i32
      scf.if %cond3A_167 {
        %mul3A_187 = arith.constant 32 : i32
        %mul3A_188 = arith.muli %add3A_157, %mul3A_187 : i32
        %add3A_189 = arith.addi %add3A, %mul3A_188 : i32
        %mul3A_190 = arith.constant 80 : i32
        %mul3A_191 = arith.muli %add3A_189, %mul3A_190 : i32
        %dma_wait3A_192 = arith.constant 0 : i32
        %dma_wait3A_193 = arith.constant 0 : i32
        %dma_wait3A_194 = tpu.memref_slice %arg2[%dma_wait3A_192, %dma_wait3A_193] : memref<10000x128xf32, #tpu.memory_space<hbm>> -> memref<10000x128xf32, #tpu.memory_space<hbm>>
        tpu.wait_indirect_dma semaphore(%arg18 : memref<!tpu.dma_semaphore, #tpu.memory_space<semaphore_mem>>) src(%dma_wait3A_194 : memref<10000x128xf32, #tpu.memory_space<hbm>>) dst(%arg12 : memref<80x128xf32, #tpu.memory_space<vmem>>)
        %dma_wait3A_195 = arith.constant 0 : i32
        %dma_wait3A_196 = arith.constant 0 : i32
        %dma_wait3A_197 = tpu.memref_slice %arg2[%dma_wait3A_195, %dma_wait3A_196] : memref<10000x128xf32, #tpu.memory_space<hbm>> -> memref<10000x128xf32, #tpu.memory_space<hbm>>
        tpu.wait_indirect_dma semaphore(%arg19 : memref<!tpu.dma_semaphore, #tpu.memory_space<semaphore_mem>>) src(%dma_wait3A_197 : memref<10000x128xf32, #tpu.memory_space<hbm>>) dst(%arg13 : memref<80x128xf32, #tpu.memory_space<vmem>>)
        %broadcast_in_dim3A_198 = arith.constant 0.000000e+00 : f32
        %broadcast_in_dim3A_199 = vector.broadcast %broadcast_in_dim3A_198 : f32 to vector<16xf32>
        %scan3A_200 = arith.constant 0 : i32
        %scan3A_201 = arith.constant 80 : i32
        %scan3A_202 = arith.addi %scan3A_200, %scan3A_201 : i32
        %scan3A_203 = arith.constant 1 : i32
        %scan3A_204:2 = scf.for %scan3A_230 = %scan3A_200 to %scan3A_202 step %scan3A_203 iter_args(%scan3A_231 = %broadcast_in_dim3A_199, %scan3A_232 = %broadcast_in_dim3A_199) -> (vector<16xf32>, vector<16xf32>)  : i32 {
          %get3A_233 = arith.index_cast %scan3A_230 : i32 to index
          %get3A_234 = arith.constant 0 : index
          %get3A_235 = tpu.vector_load %arg12[%get3A_233, %get3A_234] {strides = array<i32>} : memref<80x128xf32, #tpu.memory_space<vmem>>, vector<1x16xf32>,
          %get3A_236 = vector.shape_cast %get3A_235 : vector<1x16xf32> to vector<16xf32>
          %get3A_237 = arith.index_cast %scan3A_230 : i32 to index
          %get3A_238 = arith.constant 0 : index
          %get3A_239 = tpu.vector_load %arg13[%get3A_237, %get3A_238] {strides = array<i32>} : memref<80x128xf32, #tpu.memory_space<vmem>>, vector<1x16xf32>,
          %get3A_240 = vector.shape_cast %get3A_239 : vector<1x16xf32> to vector<16xf32>
          %mul3A_241 = arith.mulf %get3A_236, %get3A_240 : vector<16xf32>
          %swap3A_242 = arith.index_cast %scan3A_230 : i32 to index
          %swap3A_243 = arith.constant 0 : index
          %swap3A_244 = tpu.vector_load %arg13[%swap3A_242, %swap3A_243] {strides = array<i32>} : memref<80x128xf32, #tpu.memory_space<vmem>>, vector<1x16xf32>,
          %swap3A_245 = vector.shape_cast %swap3A_244 : vector<1x16xf32> to vector<16xf32>
          %swap3A_246 = vector.shape_cast %mul3A_241 : vector<16xf32> to vector<1x16xf32>
          tpu.vector_store %arg13[%swap3A_242, %swap3A_243], %swap3A_246 {strides = array<i32>} : memref<80x128xf32, #tpu.memory_space<vmem>>, vector<1x16xf32>,
          %sub3A = arith.subf %get3A_236, %get3A_240 : vector<16xf32>
          %swap3A_247 = arith.index_cast %scan3A_230 : i32 to index
          %swap3A_248 = arith.constant 0 : index
          %swap3A_249 = tpu.vector_load %arg12[%swap3A_247, %swap3A_248] {strides = array<i32>} : memref<80x128xf32, #tpu.memory_space<vmem>>, vector<1x16xf32>,
          %swap3A_250 = vector.shape_cast %swap3A_249 : vector<1x16xf32> to vector<16xf32>
          %swap3A_251 = vector.shape_cast %sub3A : vector<16xf32> to vector<1x16xf32>
          tpu.vector_store %arg12[%swap3A_247, %swap3A_248], %swap3A_251 {strides = array<i32>} : memref<80x128xf32, #tpu.memory_space<vmem>>, vector<1x16xf32>,
          %mul3A_252 = arith.mulf %get3A_236, %get3A_236 : vector<16xf32>
          %add3A_253 = arith.addf %scan3A_231, %mul3A_252 : vector<16xf32>
          %mul3A_254 = arith.mulf %get3A_240, %get3A_240 : vector<16xf32>
          %add3A_255 = arith.addf %scan3A_232, %mul3A_254 : vector<16xf32>
          %get3A_256 = arith.index_cast %scan3A_230 : i32 to index
          %get3A_257 = arith.constant 16 : index
          %get3A_258 = tpu.vector_load %arg12[%get3A_256, %get3A_257] {strides = array<i32>} : memref<80x128xf32, #tpu.memory_space<vmem>>, vector<1x16xf32>,
          %get3A_259 = vector.shape_cast %get3A_258 : vector<1x16xf32> to vector<16xf32>
          %get3A_260 = arith.index_cast %scan3A_230 : i32 to index
          %get3A_261 = arith.constant 16 : index
          %get3A_262 = tpu.vector_load %arg13[%get3A_260, %get3A_261] {strides = array<i32>} : memref<80x128xf32, #tpu.memory_space<vmem>>, vector<1x16xf32>,
          %get3A_263 = vector.shape_cast %get3A_262 : vector<1x16xf32> to vector<16xf32>
          %mul3A_264 = arith.mulf %get3A_259, %get3A_263 : vector<16xf32>
          %swap3A_265 = arith.index_cast %scan3A_230 : i32 to index
          %swap3A_266 = arith.constant 16 : index
          %swap3A_267 = tpu.vector_load %arg13[%swap3A_265, %swap3A_266] {strides = array<i32>} : memref<80x128xf32, #tpu.memory_space<vmem>>, vector<1x16xf32>,
          %swap3A_268 = vector.shape_cast %swap3A_267 : vector<1x16xf32> to vector<16xf32>
          %swap3A_269 = vector.shape_cast %mul3A_264 : vector<16xf32> to vector<1x16xf32>
          tpu.vector_store %arg13[%swap3A_265, %swap3A_266], %swap3A_269 {strides = array<i32>} : memref<80x128xf32, #tpu.memory_space<vmem>>, vector<1x16xf32>,
          %sub3A_270 = arith.subf %get3A_259, %get3A_263 : vector<16xf32>
          %swap3A_271 = arith.index_cast %scan3A_230 : i32 to index
          %swap3A_272 = arith.constant 16 : index
          %swap3A_273 = tpu.vector_load %arg12[%swap3A_271, %swap3A_272] {strides = array<i32>} : memref<80x128xf32, #tpu.memory_space<vmem>>, vector<1x16xf32>,
          %swap3A_274 = vector.shape_cast %swap3A_273 : vector<1x16xf32> to vector<16xf32>
          %swap3A_275 = vector.shape_cast %sub3A_270 : vector<16xf32> to vector<1x16xf32>
          tpu.vector_store %arg12[%swap3A_271, %swap3A_272], %swap3A_275 {strides = array<i32>} : memref<80x128xf32, #tpu.memory_space<vmem>>, vector<1x16xf32>,
          %mul3A_276 = arith.mulf %get3A_259, %get3A_259 : vector<16xf32>
          %add3A_277 = arith.addf %add3A_253, %mul3A_276 : vector<16xf32>
          %mul3A_278 = arith.mulf %get3A_263, %get3A_263 : vector<16xf32>
          %add3A_279 = arith.addf %add3A_255, %mul3A_278 : vector<16xf32>
          %get3A_280 = arith.index_cast %scan3A_230 : i32 to index
          %get3A_281 = arith.constant 32 : index
          %get3A_282 = tpu.vector_load %arg12[%get3A_280, %get3A_281] {strides = array<i32>} : memref<80x128xf32, #tpu.memory_space<vmem>>, vector<1x16xf32>,
          %get3A_283 = vector.shape_cast %get3A_282 : vector<1x16xf32> to vector<16xf32>
          %get3A_284 = arith.index_cast %scan3A_230 : i32 to index
          %get3A_285 = arith.constant 32 : index
          %get3A_286 = tpu.vector_load %arg13[%get3A_284, %get3A_285] {strides = array<i32>} : memref<80x128xf32, #tpu.memory_space<vmem>>, vector<1x16xf32>,
          %get3A_287 = vector.shape_cast %get3A_286 : vector<1x16xf32> to vector<16xf32>
          %mul3A_288 = arith.mulf %get3A_283, %get3A_287 : vector<16xf32>
          %swap3A_289 = arith.index_cast %scan3A_230 : i32 to index
          %swap3A_290 = arith.constant 32 : index
          %swap3A_291 = tpu.vector_load %arg13[%swap3A_289, %swap3A_290] {strides = array<i32>} : memref<80x128xf32, #tpu.memory_space<vmem>>, vector<1x16xf32>,
          %swap3A_292 = vector.shape_cast %swap3A_291 : vector<1x16xf32> to vector<16xf32>
          %swap3A_293 = vector.shape_cast %mul3A_288 : vector<16xf32> to vector<1x16xf32>
          tpu.vector_store %arg13[%swap3A_289, %swap3A_290], %swap3A_293 {strides = array<i32>} : memref<80x128xf32, #tpu.memory_space<vmem>>, vector<1x16xf32>,
          %sub3A_294 = arith.subf %get3A_283, %get3A_287 : vector<16xf32>
          %swap3A_295 = arith.index_cast %scan3A_230 : i32 to index
          %swap3A_296 = arith.constant 32 : index
          %swap3A_297 = tpu.vector_load %arg12[%swap3A_295, %swap3A_296] {strides = array<i32>} : memref<80x128xf32, #tpu.memory_space<vmem>>, vector<1x16xf32>,
          %swap3A_298 = vector.shape_cast %swap3A_297 : vector<1x16xf32> to vector<16xf32>
          %swap3A_299 = vector.shape_cast %sub3A_294 : vector<16xf32> to vector<1x16xf32>
          tpu.vector_store %arg12[%swap3A_295, %swap3A_296], %swap3A_299 {strides = array<i32>} : memref<80x128xf32, #tpu.memory_space<vmem>>, vector<1x16xf32>,
          %mul3A_300 = arith.mulf %get3A_283, %get3A_283 : vector<16xf32>
          %add3A_301 = arith.addf %add3A_277, %mul3A_300 : vector<16xf32>
          %mul3A_302 = arith.mulf %get3A_287, %get3A_287 : vector<16xf32>
          %add3A_303 = arith.addf %add3A_279, %mul3A_302 : vector<16xf32>
          %get3A_304 = arith.index_cast %scan3A_230 : i32 to index
          %get3A_305 = arith.constant 48 : index
          %get3A_306 = tpu.vector_load %arg12[%get3A_304, %get3A_305] {strides = array<i32>} : memref<80x128xf32, #tpu.memory_space<vmem>>, vector<1x16xf32>,
          %get3A_307 = vector.shape_cast %get3A_306 : vector<1x16xf32> to vector<16xf32>
          %get3A_308 = arith.index_cast %scan3A_230 : i32 to index
          %get3A_309 = arith.constant 48 : index
          %get3A_310 = tpu.vector_load %arg13[%get3A_308, %get3A_309] {strides = array<i32>} : memref<80x128xf32, #tpu.memory_space<vmem>>, vector<1x16xf32>,
          %get3A_311 = vector.shape_cast %get3A_310 : vector<1x16xf32> to vector<16xf32>
          %mul3A_312 = arith.mulf %get3A_307, %get3A_311 : vector<16xf32>
          %swap3A_313 = arith.index_cast %scan3A_230 : i32 to index
          %swap3A_314 = arith.constant 48 : index
          %swap3A_315 = tpu.vector_load %arg13[%swap3A_313, %swap3A_314] {strides = array<i32>} : memref<80x128xf32, #tpu.memory_space<vmem>>, vector<1x16xf32>,
          %swap3A_316 = vector.shape_cast %swap3A_315 : vector<1x16xf32> to vector<16xf32>
          %swap3A_317 = vector.shape_cast %mul3A_312 : vector<16xf32> to vector<1x16xf32>
          tpu.vector_store %arg13[%swap3A_313, %swap3A_314], %swap3A_317 {strides = array<i32>} : memref<80x128xf32, #tpu.memory_space<vmem>>, vector<1x16xf32>,
          %sub3A_318 = arith.subf %get3A_307, %get3A_311 : vector<16xf32>
          %swap3A_319 = arith.index_cast %scan3A_230 : i32 to index
          %swap3A_320 = arith.constant 48 : index
          %swap3A_321 = tpu.vector_load %arg12[%swap3A_319, %swap3A_320] {strides = array<i32>} : memref<80x128xf32, #tpu.memory_space<vmem>>, vector<1x16xf32>,
          %swap3A_322 = vector.shape_cast %swap3A_321 : vector<1x16xf32> to vector<16xf32>
          %swap3A_323 = vector.shape_cast %sub3A_318 : vector<16xf32> to vector<1x16xf32>
          tpu.vector_store %arg12[%swap3A_319, %swap3A_320], %swap3A_323 {strides = array<i32>} : memref<80x128xf32, #tpu.memory_space<vmem>>, vector<1x16xf32>,
          %mul3A_324 = arith.mulf %get3A_307, %get3A_307 : vector<16xf32>
          %add3A_325 = arith.addf %add3A_301, %mul3A_324 : vector<16xf32>
          %mul3A_326 = arith.mulf %get3A_311, %get3A_311 : vector<16xf32>
          %add3A_327 = arith.addf %add3A_303, %mul3A_326 : vector<16xf32>
          %get3A_328 = arith.index_cast %scan3A_230 : i32 to index
          %get3A_329 = arith.constant 64 : index
          %get3A_330 = tpu.vector_load %arg12[%get3A_328, %get3A_329] {strides = array<i32>} : memref<80x128xf32, #tpu.memory_space<vmem>>, vector<1x16xf32>,
          %get3A_331 = vector.shape_cast %get3A_330 : vector<1x16xf32> to vector<16xf32>
          %get3A_332 = arith.index_cast %scan3A_230 : i32 to index
          %get3A_333 = arith.constant 64 : index
          %get3A_334 = tpu.vector_load %arg13[%get3A_332, %get3A_333] {strides = array<i32>} : memref<80x128xf32, #tpu.memory_space<vmem>>, vector<1x16xf32>,
          %get3A_335 = vector.shape_cast %get3A_334 : vector<1x16xf32> to vector<16xf32>
          %mul3A_336 = arith.mulf %get3A_331, %get3A_335 : vector<16xf32>
          %swap3A_337 = arith.index_cast %scan3A_230 : i32 to index
          %swap3A_338 = arith.constant 64 : index
          %swap3A_339 = tpu.vector_load %arg13[%swap3A_337, %swap3A_338] {strides = array<i32>} : memref<80x128xf32, #tpu.memory_space<vmem>>, vector<1x16xf32>,
          %swap3A_340 = vector.shape_cast %swap3A_339 : vector<1x16xf32> to vector<16xf32>
          %swap3A_341 = vector.shape_cast %mul3A_336 : vector<16xf32> to vector<1x16xf32>
          tpu.vector_store %arg13[%swap3A_337, %swap3A_338], %swap3A_341 {strides = array<i32>} : memref<80x128xf32, #tpu.memory_space<vmem>>, vector<1x16xf32>,
          %sub3A_342 = arith.subf %get3A_331, %get3A_335 : vector<16xf32>
          %swap3A_343 = arith.index_cast %scan3A_230 : i32 to index
          %swap3A_344 = arith.constant 64 : index
          %swap3A_345 = tpu.vector_load %arg12[%swap3A_343, %swap3A_344] {strides = array<i32>} : memref<80x128xf32, #tpu.memory_space<vmem>>, vector<1x16xf32>,
          %swap3A_346 = vector.shape_cast %swap3A_345 : vector<1x16xf32> to vector<16xf32>
          %swap3A_347 = vector.shape_cast %sub3A_342 : vector<16xf32> to vector<1x16xf32>
          tpu.vector_store %arg12[%swap3A_343, %swap3A_344], %swap3A_347 {strides = array<i32>} : memref<80x128xf32, #tpu.memory_space<vmem>>, vector<1x16xf32>,
          %mul3A_348 = arith.mulf %get3A_331, %get3A_331 : vector<16xf32>
          %add3A_349 = arith.addf %add3A_325, %mul3A_348 : vector<16xf32>
          %mul3A_350 = arith.mulf %get3A_335, %get3A_335 : vector<16xf32>
          %add3A_351 = arith.addf %add3A_327, %mul3A_350 : vector<16xf32>
          %get3A_352 = arith.index_cast %scan3A_230 : i32 to index
          %get3A_353 = arith.constant 80 : index
          %get3A_354 = tpu.vector_load %arg12[%get3A_352, %get3A_353] {strides = array<i32>} : memref<80x128xf32, #tpu.memory_space<vmem>>, vector<1x16xf32>,
          %get3A_355 = vector.shape_cast %get3A_354 : vector<1x16xf32> to vector<16xf32>
          %get3A_356 = arith.index_cast %scan3A_230 : i32 to index
          %get3A_357 = arith.constant 80 : index
          %get3A_358 = tpu.vector_load %arg13[%get3A_356, %get3A_357] {strides = array<i32>} : memref<80x128xf32, #tpu.memory_space<vmem>>, vector<1x16xf32>,
          %get3A_359 = vector.shape_cast %get3A_358 : vector<1x16xf32> to vector<16xf32>
          %mul3A_360 = arith.mulf %get3A_355, %get3A_359 : vector<16xf32>
          %swap3A_361 = arith.index_cast %scan3A_230 : i32 to index
          %swap3A_362 = arith.constant 80 : index
          %swap3A_363 = tpu.vector_load %arg13[%swap3A_361, %swap3A_362] {strides = array<i32>} : memref<80x128xf32, #tpu.memory_space<vmem>>, vector<1x16xf32>,
          %swap3A_364 = vector.shape_cast %swap3A_363 : vector<1x16xf32> to vector<16xf32>
          %swap3A_365 = vector.shape_cast %mul3A_360 : vector<16xf32> to vector<1x16xf32>
          tpu.vector_store %arg13[%swap3A_361, %swap3A_362], %swap3A_365 {strides = array<i32>} : memref<80x128xf32, #tpu.memory_space<vmem>>, vector<1x16xf32>,
          %sub3A_366 = arith.subf %get3A_355, %get3A_359 : vector<16xf32>
          %swap3A_367 = arith.index_cast %scan3A_230 : i32 to index
          %swap3A_368 = arith.constant 80 : index
          %swap3A_369 = tpu.vector_load %arg12[%swap3A_367, %swap3A_368] {strides = array<i32>} : memref<80x128xf32, #tpu.memory_space<vmem>>, vector<1x16xf32>,
          %swap3A_370 = vector.shape_cast %swap3A_369 : vector<1x16xf32> to vector<16xf32>
          %swap3A_371 = vector.shape_cast %sub3A_366 : vector<16xf32> to vector<1x16xf32>
          tpu.vector_store %arg12[%swap3A_367, %swap3A_368], %swap3A_371 {strides = array<i32>} : memref<80x128xf32, #tpu.memory_space<vmem>>, vector<1x16xf32>,
          %mul3A_372 = arith.mulf %get3A_355, %get3A_355 : vector<16xf32>
          %add3A_373 = arith.addf %add3A_349, %mul3A_372 : vector<16xf32>
          %mul3A_374 = arith.mulf %get3A_359, %get3A_359 : vector<16xf32>
          %add3A_375 = arith.addf %add3A_351, %mul3A_374 : vector<16xf32>
          %get3A_376 = arith.index_cast %scan3A_230 : i32 to index
          %get3A_377 = arith.constant 96 : index
          %get3A_378 = tpu.vector_load %arg12[%get3A_376, %get3A_377] {strides = array<i32>} : memref<80x128xf32, #tpu.memory_space<vmem>>, vector<1x16xf32>,
          %get3A_379 = vector.shape_cast %get3A_378 : vector<1x16xf32> to vector<16xf32>
          %get3A_380 = arith.index_cast %scan3A_230 : i32 to index
          %get3A_381 = arith.constant 96 : index
          %get3A_382 = tpu.vector_load %arg13[%get3A_380, %get3A_381] {strides = array<i32>} : memref<80x128xf32, #tpu.memory_space<vmem>>, vector<1x16xf32>,
          %get3A_383 = vector.shape_cast %get3A_382 : vector<1x16xf32> to vector<16xf32>
          %mul3A_384 = arith.mulf %get3A_379, %get3A_383 : vector<16xf32>
          %swap3A_385 = arith.index_cast %scan3A_230 : i32 to index
          %swap3A_386 = arith.constant 96 : index
          %swap3A_387 = tpu.vector_load %arg13[%swap3A_385, %swap3A_386] {strides = array<i32>} : memref<80x128xf32, #tpu.memory_space<vmem>>, vector<1x16xf32>,
          %swap3A_388 = vector.shape_cast %swap3A_387 : vector<1x16xf32> to vector<16xf32>
          %swap3A_389 = vector.shape_cast %mul3A_384 : vector<16xf32> to vector<1x16xf32>
          tpu.vector_store %arg13[%swap3A_385, %swap3A_386], %swap3A_389 {strides = array<i32>} : memref<80x128xf32, #tpu.memory_space<vmem>>, vector<1x16xf32>,
          %sub3A_390 = arith.subf %get3A_379, %get3A_383 : vector<16xf32>
          %swap3A_391 = arith.index_cast %scan3A_230 : i32 to index
          %swap3A_392 = arith.constant 96 : index
          %swap3A_393 = tpu.vector_load %arg12[%swap3A_391, %swap3A_392] {strides = array<i32>} : memref<80x128xf32, #tpu.memory_space<vmem>>, vector<1x16xf32>,
          %swap3A_394 = vector.shape_cast %swap3A_393 : vector<1x16xf32> to vector<16xf32>
          %swap3A_395 = vector.shape_cast %sub3A_390 : vector<16xf32> to vector<1x16xf32>
          tpu.vector_store %arg12[%swap3A_391, %swap3A_392], %swap3A_395 {strides = array<i32>} : memref<80x128xf32, #tpu.memory_space<vmem>>, vector<1x16xf32>,
          %mul3A_396 = arith.mulf %get3A_379, %get3A_379 : vector<16xf32>
          %add3A_397 = arith.addf %add3A_373, %mul3A_396 : vector<16xf32>
          %mul3A_398 = arith.mulf %get3A_383, %get3A_383 : vector<16xf32>
          %add3A_399 = arith.addf %add3A_375, %mul3A_398 : vector<16xf32>
          %get3A_400 = arith.index_cast %scan3A_230 : i32 to index
          %get3A_401 = arith.constant 112 : index
          %get3A_402 = tpu.vector_load %arg12[%get3A_400, %get3A_401] {strides = array<i32>} : memref<80x128xf32, #tpu.memory_space<vmem>>, vector<1x16xf32>,
          %get3A_403 = vector.shape_cast %get3A_402 : vector<1x16xf32> to vector<16xf32>
          %get3A_404 = arith.index_cast %scan3A_230 : i32 to index
          %get3A_405 = arith.constant 112 : index
          %get3A_406 = tpu.vector_load %arg13[%get3A_404, %get3A_405] {strides = array<i32>} : memref<80x128xf32, #tpu.memory_space<vmem>>, vector<1x16xf32>,
          %get3A_407 = vector.shape_cast %get3A_406 : vector<1x16xf32> to vector<16xf32>
          %mul3A_408 = arith.mulf %get3A_403, %get3A_407 : vector<16xf32>
          %swap3A_409 = arith.index_cast %scan3A_230 : i32 to index
          %swap3A_410 = arith.constant 112 : index
          %swap3A_411 = tpu.vector_load %arg13[%swap3A_409, %swap3A_410] {strides = array<i32>} : memref<80x128xf32, #tpu.memory_space<vmem>>, vector<1x16xf32>,
          %swap3A_412 = vector.shape_cast %swap3A_411 : vector<1x16xf32> to vector<16xf32>
          %swap3A_413 = vector.shape_cast %mul3A_408 : vector<16xf32> to vector<1x16xf32>
          tpu.vector_store %arg13[%swap3A_409, %swap3A_410], %swap3A_413 {strides = array<i32>} : memref<80x128xf32, #tpu.memory_space<vmem>>, vector<1x16xf32>,
          %sub3A_414 = arith.subf %get3A_403, %get3A_407 : vector<16xf32>
          %swap3A_415 = arith.index_cast %scan3A_230 : i32 to index
          %swap3A_416 = arith.constant 112 : index
          %swap3A_417 = tpu.vector_load %arg12[%swap3A_415, %swap3A_416] {strides = array<i32>} : memref<80x128xf32, #tpu.memory_space<vmem>>, vector<1x16xf32>,
          %swap3A_418 = vector.shape_cast %swap3A_417 : vector<1x16xf32> to vector<16xf32>
          %swap3A_419 = vector.shape_cast %sub3A_414 : vector<16xf32> to vector<1x16xf32>
          tpu.vector_store %arg12[%swap3A_415, %swap3A_416], %swap3A_419 {strides = array<i32>} : memref<80x128xf32, #tpu.memory_space<vmem>>, vector<1x16xf32>,
          %mul3A_420 = arith.mulf %get3A_403, %get3A_403 : vector<16xf32>
          %add3A_421 = arith.addf %add3A_397, %mul3A_420 : vector<16xf32>
          %mul3A_422 = arith.mulf %get3A_407, %get3A_407 : vector<16xf32>
          %add3A_423 = arith.addf %add3A_399, %mul3A_422 : vector<16xf32>
          scf.yield %add3A_421, %add3A_423 : vector<16xf32>, vector<16xf32>
        }
        %scan3A_205 = arith.constant 80 : i32
        %get3A_206 = arith.constant 0 : i32
        %get3A_207 = arith.index_cast %get3A_206 : i32 to index
        %get3A_208 = arith.constant 0 : index
        %get3A_209 = tpu.vector_load %arg16[%get3A_207, %get3A_208] {strides = array<i32>} : memref<2x16xf32, #tpu.memory_space<vmem>>, vector<1x16xf32>,
        %get3A_210 = vector.shape_cast %get3A_209 : vector<1x16xf32> to vector<16xf32>
        %add3A_211 = arith.addf %get3A_210, %scan3A_204#0 : vector<16xf32>
        %swap3A_212 = arith.constant 0 : i32
        %swap3A_213 = arith.index_cast %swap3A_212 : i32 to index
        %swap3A_214 = arith.constant 0 : index
        %swap3A_215 = tpu.vector_load %arg16[%swap3A_213, %swap3A_214] {strides = array<i32>} : memref<2x16xf32, #tpu.memory_space<vmem>>, vector<1x16xf32>,
        %swap3A_216 = vector.shape_cast %swap3A_215 : vector<1x16xf32> to vector<16xf32>
        %swap3A_217 = vector.shape_cast %add3A_211 : vector<16xf32> to vector<1x16xf32>
        tpu.vector_store %arg16[%swap3A_213, %swap3A_214], %swap3A_217 {strides = array<i32>} : memref<2x16xf32, #tpu.memory_space<vmem>>, vector<1x16xf32>,
        %get3A_218 = arith.constant 1 : i32
        %get3A_219 = arith.index_cast %get3A_218 : i32 to index
        %get3A_220 = arith.constant 0 : index
        %get3A_221 = tpu.vector_load %arg16[%get3A_219, %get3A_220] {strides = array<i32>} : memref<2x16xf32, #tpu.memory_space<vmem>>, vector<1x16xf32>,
        %get3A_222 = vector.shape_cast %get3A_221 : vector<1x16xf32> to vector<16xf32>
        %add3A_223 = arith.addf %get3A_222, %scan3A_204#1 : vector<16xf32>
        %swap3A_224 = arith.constant 1 : i32
        %swap3A_225 = arith.index_cast %swap3A_224 : i32 to index
        %swap3A_226 = arith.constant 0 : index
        %swap3A_227 = tpu.vector_load %arg16[%swap3A_225, %swap3A_226] {strides = array<i32>} : memref<2x16xf32, #tpu.memory_space<vmem>>, vector<1x16xf32>,
        %swap3A_228 = vector.shape_cast %swap3A_227 : vector<1x16xf32> to vector<16xf32>
        %swap3A_229 = vector.shape_cast %add3A_223 : vector<16xf32> to vector<1x16xf32>
        tpu.vector_store %arg16[%swap3A_225, %swap3A_226], %swap3A_229 {strides = array<i32>} : memref<2x16xf32, #tpu.memory_space<vmem>>, vector<1x16xf32>,
        "tpu.region"() ({
          %run_scoped3A = tpu.sem_alloc : memref<!tpu.dma_semaphore, #tpu.memory_space<semaphore_mem>>
          %dma_start3A_230 = arith.constant 0 : i32
          %dma_start3A_231 = tpu.memref_slice %arg5[%mul3A_191, %dma_start3A_230] : memref<327680x128xf32, #tpu.memory_space<hbm>> -> memref<80x128xf32, #tpu.memory_space<hbm>>
          %dma_start3A_232 = arith.constant 0 : i32
          %dma_start3A_233 = tpu.memref_slice %arg5[%mul3A_191, %dma_start3A_232] : memref<327680x128xf32, #tpu.memory_space<hbm>> -> memref<80x128xf32, #tpu.memory_space<hbm>>
          tpu.enqueue_dma source(%arg13 : memref<80x128xf32, #tpu.memory_space<vmem>>) target(%dma_start3A_233 : memref<80x128xf32, #tpu.memory_space<hbm>>) target_semaphore(%run_scoped3A : memref<!tpu.dma_semaphore, #tpu.memory_space<semaphore_mem>>)
          %dma_wait3A_234 = arith.constant 0 : i32
          %dma_wait3A_235 = tpu.memref_slice %arg5[%mul3A_191, %dma_wait3A_234] : memref<327680x128xf32, #tpu.memory_space<hbm>> -> memref<80x128xf32, #tpu.memory_space<hbm>>
          %dma_wait3A_236 = arith.constant 0 : i32
          %dma_wait3A_237 = tpu.memref_slice %arg5[%mul3A_191, %dma_wait3A_236] : memref<327680x128xf32, #tpu.memory_space<hbm>> -> memref<80x128xf32, #tpu.memory_space<hbm>>
          tpu.wait_dma2 semaphore(%run_scoped3A : memref<!tpu.dma_semaphore, #tpu.memory_space<semaphore_mem>>) src(%arg13 : memref<80x128xf32, #tpu.memory_space<vmem>>) dst(%dma_wait3A_237 : memref<80x128xf32, #tpu.memory_space<hbm>>)
          tpu.yield
        }) : () -> ()
        "tpu.region"() ({
          %run_scoped3A = tpu.sem_alloc : memref<!tpu.dma_semaphore, #tpu.memory_space<semaphore_mem>>
          %dma_start3A_230 = arith.constant 0 : i32
          %dma_start3A_231 = arith.constant 0 : i32
          %dma_start3A_232 = tpu.memref_slice %arg17[%dma_start3A_230, %dma_start3A_231] : memref<10112x128xf32, #tpu.memory_space<vmem_shared>> -> memref<10112x128xf32, #tpu.memory_space<vmem_shared>>
          tpu.enqueue_indirect_dma source(%arg12 : memref<80x128xf32, #tpu.memory_space<vmem>>) target(%dma_start3A_232 : memref<10112x128xf32, #tpu.memory_space<vmem_shared>>) offsets(%arg9 : memref<80xi32, #tpu.memory_space<vmem>>) semaphore(%run_scoped3A : memref<!tpu.dma_semaphore, #tpu.memory_space<semaphore_mem>>) {add = true}
          %dma_wait3A_233 = arith.constant 0 : i32
          %dma_wait3A_234 = arith.constant 0 : i32
          %dma_wait3A_235 = tpu.memref_slice %arg17[%dma_wait3A_233, %dma_wait3A_234] : memref<10112x128xf32, #tpu.memory_space<vmem_shared>> -> memref<10112x128xf32, #tpu.memory_space<vmem_shared>>
          tpu.wait_indirect_dma semaphore(%run_scoped3A : memref<!tpu.dma_semaphore, #tpu.memory_space<semaphore_mem>>) src(%arg12 : memref<80x128xf32, #tpu.memory_space<vmem>>) dst(%dma_wait3A_235 : memref<10112x128xf32, #tpu.memory_space<vmem_shared>>)
          tpu.yield
        }) : () -> ()
      } else {
      }
      %mul3A_168 = arith.constant 2 : i32
      %mul3A_169 = arith.muli %scan3A_152, %mul3A_168 : i32
      %add3A_170 = arith.constant 1 : i32
      %add3A_171 = arith.addi %mul3A_169, %add3A_170 : i32
      %add3A_172 = arith.constant 2 : i32
      %add3A_173 = arith.addi %add3A_171, %add3A_172 : i32
      %lt3A_174 = arith.constant 125 : i32
      %lt3A_175 = arith.cmpi slt, %add3A_173, %lt3A_174 : i32
      %convert_element_type3A_176 = arith.extui %lt3A_175 : i1 to i32
      %cond3A_177 = arith.constant 0 : i32
      %cond3A_178 = arith.cmpi ne, %convert_element_type3A_176, %cond3A_177 : i32
      scf.if %cond3A_178 {
        %mul3A_187 = arith.constant 32 : i32
        %mul3A_188 = arith.muli %add3A_171, %mul3A_187 : i32
        %add3A_189 = arith.addi %add3A, %mul3A_188 : i32
        %mul3A_190 = arith.constant 80 : i32
        %mul3A_191 = arith.muli %add3A_189, %mul3A_190 : i32
        %dma_wait3A_192 = arith.constant 0 : i32
        %dma_wait3A_193 = arith.constant 0 : i32
        %dma_wait3A_194 = tpu.memref_slice %arg2[%dma_wait3A_192, %dma_wait3A_193] : memref<10000x128xf32, #tpu.memory_space<hbm>> -> memref<10000x128xf32, #tpu.memory_space<hbm>>
        tpu.wait_indirect_dma semaphore(%arg20 : memref<!tpu.dma_semaphore, #tpu.memory_space<semaphore_mem>>) src(%dma_wait3A_194 : memref<10000x128xf32, #tpu.memory_space<hbm>>) dst(%arg14 : memref<80x128xf32, #tpu.memory_space<vmem>>)
        %dma_wait3A_195 = arith.constant 0 : i32
        %dma_wait3A_196 = arith.constant 0 : i32
        %dma_wait3A_197 = tpu.memref_slice %arg2[%dma_wait3A_195, %dma_wait3A_196] : memref<10000x128xf32, #tpu.memory_space<hbm>> -> memref<10000x128xf32, #tpu.memory_space<hbm>>
        tpu.wait_indirect_dma semaphore(%arg21 : memref<!tpu.dma_semaphore, #tpu.memory_space<semaphore_mem>>) src(%dma_wait3A_197 : memref<10000x128xf32, #tpu.memory_space<hbm>>) dst(%arg15 : memref<80x128xf32, #tpu.memory_space<vmem>>)
        %broadcast_in_dim3A_198 = arith.constant 0.000000e+00 : f32
        %broadcast_in_dim3A_199 = vector.broadcast %broadcast_in_dim3A_198 : f32 to vector<16xf32>
        %scan3A_200 = arith.constant 0 : i32
        %scan3A_201 = arith.constant 80 : i32
        %scan3A_202 = arith.addi %scan3A_200, %scan3A_201 : i32
        %scan3A_203 = arith.constant 1 : i32
        %scan3A_204:2 = scf.for %scan3A_243 = %scan3A_200 to %scan3A_202 step %scan3A_203 iter_args(%scan3A_244 = %broadcast_in_dim3A_199, %scan3A_245 = %broadcast_in_dim3A_199) -> (vector<16xf32>, vector<16xf32>)  : i32 {
          %get3A_246 = arith.index_cast %scan3A_243 : i32 to index
          %get3A_247 = arith.constant 0 : index
          %get3A_248 = tpu.vector_load %arg14[%get3A_246, %get3A_247] {strides = array<i32>} : memref<80x128xf32, #tpu.memory_space<vmem>>, vector<1x16xf32>,
          %get3A_249 = vector.shape_cast %get3A_248 : vector<1x16xf32> to vector<16xf32>
          %get3A_250 = arith.index_cast %scan3A_243 : i32 to index
          %get3A_251 = arith.constant 0 : index
          %get3A_252 = tpu.vector_load %arg15[%get3A_250, %get3A_251] {strides = array<i32>} : memref<80x128xf32, #tpu.memory_space<vmem>>, vector<1x16xf32>,
          %get3A_253 = vector.shape_cast %get3A_252 : vector<1x16xf32> to vector<16xf32>
          %mul3A_254 = arith.mulf %get3A_249, %get3A_253 : vector<16xf32>
          %swap3A_255 = arith.index_cast %scan3A_243 : i32 to index
          %swap3A_256 = arith.constant 0 : index
          %swap3A_257 = tpu.vector_load %arg15[%swap3A_255, %swap3A_256] {strides = array<i32>} : memref<80x128xf32, #tpu.memory_space<vmem>>, vector<1x16xf32>,
          %swap3A_258 = vector.shape_cast %swap3A_257 : vector<1x16xf32> to vector<16xf32>
          %swap3A_259 = vector.shape_cast %mul3A_254 : vector<16xf32> to vector<1x16xf32>
          tpu.vector_store %arg15[%swap3A_255, %swap3A_256], %swap3A_259 {strides = array<i32>} : memref<80x128xf32, #tpu.memory_space<vmem>>, vector<1x16xf32>,
          %sub3A = arith.subf %get3A_249, %get3A_253 : vector<16xf32>
          %swap3A_260 = arith.index_cast %scan3A_243 : i32 to index
          %swap3A_261 = arith.constant 0 : index
          %swap3A_262 = tpu.vector_load %arg14[%swap3A_260, %swap3A_261] {strides = array<i32>} : memref<80x128xf32, #tpu.memory_space<vmem>>, vector<1x16xf32>,
          %swap3A_263 = vector.shape_cast %swap3A_262 : vector<1x16xf32> to vector<16xf32>
          %swap3A_264 = vector.shape_cast %sub3A : vector<16xf32> to vector<1x16xf32>
          tpu.vector_store %arg14[%swap3A_260, %swap3A_261], %swap3A_264 {strides = array<i32>} : memref<80x128xf32, #tpu.memory_space<vmem>>, vector<1x16xf32>,
          %mul3A_265 = arith.mulf %get3A_249, %get3A_249 : vector<16xf32>
          %add3A_266 = arith.addf %scan3A_244, %mul3A_265 : vector<16xf32>
          %mul3A_267 = arith.mulf %get3A_253, %get3A_253 : vector<16xf32>
          %add3A_268 = arith.addf %scan3A_245, %mul3A_267 : vector<16xf32>
          %get3A_269 = arith.index_cast %scan3A_243 : i32 to index
          %get3A_270 = arith.constant 16 : index
          %get3A_271 = tpu.vector_load %arg14[%get3A_269, %get3A_270] {strides = array<i32>} : memref<80x128xf32, #tpu.memory_space<vmem>>, vector<1x16xf32>,
          %get3A_272 = vector.shape_cast %get3A_271 : vector<1x16xf32> to vector<16xf32>
          %get3A_273 = arith.index_cast %scan3A_243 : i32 to index
          %get3A_274 = arith.constant 16 : index
          %get3A_275 = tpu.vector_load %arg15[%get3A_273, %get3A_274] {strides = array<i32>} : memref<80x128xf32, #tpu.memory_space<vmem>>, vector<1x16xf32>,
          %get3A_276 = vector.shape_cast %get3A_275 : vector<1x16xf32> to vector<16xf32>
          %mul3A_277 = arith.mulf %get3A_272, %get3A_276 : vector<16xf32>
          %swap3A_278 = arith.index_cast %scan3A_243 : i32 to index
          %swap3A_279 = arith.constant 16 : index
          %swap3A_280 = tpu.vector_load %arg15[%swap3A_278, %swap3A_279] {strides = array<i32>} : memref<80x128xf32, #tpu.memory_space<vmem>>, vector<1x16xf32>,
          %swap3A_281 = vector.shape_cast %swap3A_280 : vector<1x16xf32> to vector<16xf32>
          %swap3A_282 = vector.shape_cast %mul3A_277 : vector<16xf32> to vector<1x16xf32>
          tpu.vector_store %arg15[%swap3A_278, %swap3A_279], %swap3A_282 {strides = array<i32>} : memref<80x128xf32, #tpu.memory_space<vmem>>, vector<1x16xf32>,
          %sub3A_283 = arith.subf %get3A_272, %get3A_276 : vector<16xf32>
          %swap3A_284 = arith.index_cast %scan3A_243 : i32 to index
          %swap3A_285 = arith.constant 16 : index
          %swap3A_286 = tpu.vector_load %arg14[%swap3A_284, %swap3A_285] {strides = array<i32>} : memref<80x128xf32, #tpu.memory_space<vmem>>, vector<1x16xf32>,
          %swap3A_287 = vector.shape_cast %swap3A_286 : vector<1x16xf32> to vector<16xf32>
          %swap3A_288 = vector.shape_cast %sub3A_283 : vector<16xf32> to vector<1x16xf32>
          tpu.vector_store %arg14[%swap3A_284, %swap3A_285], %swap3A_288 {strides = array<i32>} : memref<80x128xf32, #tpu.memory_space<vmem>>, vector<1x16xf32>,
          %mul3A_289 = arith.mulf %get3A_272, %get3A_272 : vector<16xf32>
          %add3A_290 = arith.addf %add3A_266, %mul3A_289 : vector<16xf32>
          %mul3A_291 = arith.mulf %get3A_276, %get3A_276 : vector<16xf32>
          %add3A_292 = arith.addf %add3A_268, %mul3A_291 : vector<16xf32>
          %get3A_293 = arith.index_cast %scan3A_243 : i32 to index
          %get3A_294 = arith.constant 32 : index
          %get3A_295 = tpu.vector_load %arg14[%get3A_293, %get3A_294] {strides = array<i32>} : memref<80x128xf32, #tpu.memory_space<vmem>>, vector<1x16xf32>,
          %get3A_296 = vector.shape_cast %get3A_295 : vector<1x16xf32> to vector<16xf32>
          %get3A_297 = arith.index_cast %scan3A_243 : i32 to index
          %get3A_298 = arith.constant 32 : index
          %get3A_299 = tpu.vector_load %arg15[%get3A_297, %get3A_298] {strides = array<i32>} : memref<80x128xf32, #tpu.memory_space<vmem>>, vector<1x16xf32>,
          %get3A_300 = vector.shape_cast %get3A_299 : vector<1x16xf32> to vector<16xf32>
          %mul3A_301 = arith.mulf %get3A_296, %get3A_300 : vector<16xf32>
          %swap3A_302 = arith.index_cast %scan3A_243 : i32 to index
          %swap3A_303 = arith.constant 32 : index
          %swap3A_304 = tpu.vector_load %arg15[%swap3A_302, %swap3A_303] {strides = array<i32>} : memref<80x128xf32, #tpu.memory_space<vmem>>, vector<1x16xf32>,
          %swap3A_305 = vector.shape_cast %swap3A_304 : vector<1x16xf32> to vector<16xf32>
          %swap3A_306 = vector.shape_cast %mul3A_301 : vector<16xf32> to vector<1x16xf32>
          tpu.vector_store %arg15[%swap3A_302, %swap3A_303], %swap3A_306 {strides = array<i32>} : memref<80x128xf32, #tpu.memory_space<vmem>>, vector<1x16xf32>,
          %sub3A_307 = arith.subf %get3A_296, %get3A_300 : vector<16xf32>
          %swap3A_308 = arith.index_cast %scan3A_243 : i32 to index
          %swap3A_309 = arith.constant 32 : index
          %swap3A_310 = tpu.vector_load %arg14[%swap3A_308, %swap3A_309] {strides = array<i32>} : memref<80x128xf32, #tpu.memory_space<vmem>>, vector<1x16xf32>,
          %swap3A_311 = vector.shape_cast %swap3A_310 : vector<1x16xf32> to vector<16xf32>
          %swap3A_312 = vector.shape_cast %sub3A_307 : vector<16xf32> to vector<1x16xf32>
          tpu.vector_store %arg14[%swap3A_308, %swap3A_309], %swap3A_312 {strides = array<i32>} : memref<80x128xf32, #tpu.memory_space<vmem>>, vector<1x16xf32>,
          %mul3A_313 = arith.mulf %get3A_296, %get3A_296 : vector<16xf32>
          %add3A_314 = arith.addf %add3A_290, %mul3A_313 : vector<16xf32>
          %mul3A_315 = arith.mulf %get3A_300, %get3A_300 : vector<16xf32>
          %add3A_316 = arith.addf %add3A_292, %mul3A_315 : vector<16xf32>
          %get3A_317 = arith.index_cast %scan3A_243 : i32 to index
          %get3A_318 = arith.constant 48 : index
          %get3A_319 = tpu.vector_load %arg14[%get3A_317, %get3A_318] {strides = array<i32>} : memref<80x128xf32, #tpu.memory_space<vmem>>, vector<1x16xf32>,
          %get3A_320 = vector.shape_cast %get3A_319 : vector<1x16xf32> to vector<16xf32>
          %get3A_321 = arith.index_cast %scan3A_243 : i32 to index
          %get3A_322 = arith.constant 48 : index
          %get3A_323 = tpu.vector_load %arg15[%get3A_321, %get3A_322] {strides = array<i32>} : memref<80x128xf32, #tpu.memory_space<vmem>>, vector<1x16xf32>,
          %get3A_324 = vector.shape_cast %get3A_323 : vector<1x16xf32> to vector<16xf32>
          %mul3A_325 = arith.mulf %get3A_320, %get3A_324 : vector<16xf32>
          %swap3A_326 = arith.index_cast %scan3A_243 : i32 to index
          %swap3A_327 = arith.constant 48 : index
          %swap3A_328 = tpu.vector_load %arg15[%swap3A_326, %swap3A_327] {strides = array<i32>} : memref<80x128xf32, #tpu.memory_space<vmem>>, vector<1x16xf32>,
          %swap3A_329 = vector.shape_cast %swap3A_328 : vector<1x16xf32> to vector<16xf32>
          %swap3A_330 = vector.shape_cast %mul3A_325 : vector<16xf32> to vector<1x16xf32>
          tpu.vector_store %arg15[%swap3A_326, %swap3A_327], %swap3A_330 {strides = array<i32>} : memref<80x128xf32, #tpu.memory_space<vmem>>, vector<1x16xf32>,
          %sub3A_331 = arith.subf %get3A_320, %get3A_324 : vector<16xf32>
          %swap3A_332 = arith.index_cast %scan3A_243 : i32 to index
          %swap3A_333 = arith.constant 48 : index
          %swap3A_334 = tpu.vector_load %arg14[%swap3A_332, %swap3A_333] {strides = array<i32>} : memref<80x128xf32, #tpu.memory_space<vmem>>, vector<1x16xf32>,
          %swap3A_335 = vector.shape_cast %swap3A_334 : vector<1x16xf32> to vector<16xf32>
          %swap3A_336 = vector.shape_cast %sub3A_331 : vector<16xf32> to vector<1x16xf32>
          tpu.vector_store %arg14[%swap3A_332, %swap3A_333], %swap3A_336 {strides = array<i32>} : memref<80x128xf32, #tpu.memory_space<vmem>>, vector<1x16xf32>,
          %mul3A_337 = arith.mulf %get3A_320, %get3A_320 : vector<16xf32>
          %add3A_338 = arith.addf %add3A_314, %mul3A_337 : vector<16xf32>
          %mul3A_339 = arith.mulf %get3A_324, %get3A_324 : vector<16xf32>
          %add3A_340 = arith.addf %add3A_316, %mul3A_339 : vector<16xf32>
          %get3A_341 = arith.index_cast %scan3A_243 : i32 to index
          %get3A_342 = arith.constant 64 : index
          %get3A_343 = tpu.vector_load %arg14[%get3A_341, %get3A_342] {strides = array<i32>} : memref<80x128xf32, #tpu.memory_space<vmem>>, vector<1x16xf32>,
          %get3A_344 = vector.shape_cast %get3A_343 : vector<1x16xf32> to vector<16xf32>
          %get3A_345 = arith.index_cast %scan3A_243 : i32 to index
          %get3A_346 = arith.constant 64 : index
          %get3A_347 = tpu.vector_load %arg15[%get3A_345, %get3A_346] {strides = array<i32>} : memref<80x128xf32, #tpu.memory_space<vmem>>, vector<1x16xf32>,
          %get3A_348 = vector.shape_cast %get3A_347 : vector<1x16xf32> to vector<16xf32>
          %mul3A_349 = arith.mulf %get3A_344, %get3A_348 : vector<16xf32>
          %swap3A_350 = arith.index_cast %scan3A_243 : i32 to index
          %swap3A_351 = arith.constant 64 : index
          %swap3A_352 = tpu.vector_load %arg15[%swap3A_350, %swap3A_351] {strides = array<i32>} : memref<80x128xf32, #tpu.memory_space<vmem>>, vector<1x16xf32>,
          %swap3A_353 = vector.shape_cast %swap3A_352 : vector<1x16xf32> to vector<16xf32>
          %swap3A_354 = vector.shape_cast %mul3A_349 : vector<16xf32> to vector<1x16xf32>
          tpu.vector_store %arg15[%swap3A_350, %swap3A_351], %swap3A_354 {strides = array<i32>} : memref<80x128xf32, #tpu.memory_space<vmem>>, vector<1x16xf32>,
          %sub3A_355 = arith.subf %get3A_344, %get3A_348 : vector<16xf32>
          %swap3A_356 = arith.index_cast %scan3A_243 : i32 to index
          %swap3A_357 = arith.constant 64 : index
          %swap3A_358 = tpu.vector_load %arg14[%swap3A_356, %swap3A_357] {strides = array<i32>} : memref<80x128xf32, #tpu.memory_space<vmem>>, vector<1x16xf32>,
          %swap3A_359 = vector.shape_cast %swap3A_358 : vector<1x16xf32> to vector<16xf32>
          %swap3A_360 = vector.shape_cast %sub3A_355 : vector<16xf32> to vector<1x16xf32>
          tpu.vector_store %arg14[%swap3A_356, %swap3A_357], %swap3A_360 {strides = array<i32>} : memref<80x128xf32, #tpu.memory_space<vmem>>, vector<1x16xf32>,
          %mul3A_361 = arith.mulf %get3A_344, %get3A_344 : vector<16xf32>
          %add3A_362 = arith.addf %add3A_338, %mul3A_361 : vector<16xf32>
          %mul3A_363 = arith.mulf %get3A_348, %get3A_348 : vector<16xf32>
          %add3A_364 = arith.addf %add3A_340, %mul3A_363 : vector<16xf32>
          %get3A_365 = arith.index_cast %scan3A_243 : i32 to index
          %get3A_366 = arith.constant 80 : index
          %get3A_367 = tpu.vector_load %arg14[%get3A_365, %get3A_366] {strides = array<i32>} : memref<80x128xf32, #tpu.memory_space<vmem>>, vector<1x16xf32>,
          %get3A_368 = vector.shape_cast %get3A_367 : vector<1x16xf32> to vector<16xf32>
          %get3A_369 = arith.index_cast %scan3A_243 : i32 to index
          %get3A_370 = arith.constant 80 : index
          %get3A_371 = tpu.vector_load %arg15[%get3A_369, %get3A_370] {strides = array<i32>} : memref<80x128xf32, #tpu.memory_space<vmem>>, vector<1x16xf32>,
          %get3A_372 = vector.shape_cast %get3A_371 : vector<1x16xf32> to vector<16xf32>
          %mul3A_373 = arith.mulf %get3A_368, %get3A_372 : vector<16xf32>
          %swap3A_374 = arith.index_cast %scan3A_243 : i32 to index
          %swap3A_375 = arith.constant 80 : index
          %swap3A_376 = tpu.vector_load %arg15[%swap3A_374, %swap3A_375] {strides = array<i32>} : memref<80x128xf32, #tpu.memory_space<vmem>>, vector<1x16xf32>,
          %swap3A_377 = vector.shape_cast %swap3A_376 : vector<1x16xf32> to vector<16xf32>
          %swap3A_378 = vector.shape_cast %mul3A_373 : vector<16xf32> to vector<1x16xf32>
          tpu.vector_store %arg15[%swap3A_374, %swap3A_375], %swap3A_378 {strides = array<i32>} : memref<80x128xf32, #tpu.memory_space<vmem>>, vector<1x16xf32>,
          %sub3A_379 = arith.subf %get3A_368, %get3A_372 : vector<16xf32>
          %swap3A_380 = arith.index_cast %scan3A_243 : i32 to index
          %swap3A_381 = arith.constant 80 : index
          %swap3A_382 = tpu.vector_load %arg14[%swap3A_380, %swap3A_381] {strides = array<i32>} : memref<80x128xf32, #tpu.memory_space<vmem>>, vector<1x16xf32>,
          %swap3A_383 = vector.shape_cast %swap3A_382 : vector<1x16xf32> to vector<16xf32>
          %swap3A_384 = vector.shape_cast %sub3A_379 : vector<16xf32> to vector<1x16xf32>
          tpu.vector_store %arg14[%swap3A_380, %swap3A_381], %swap3A_384 {strides = array<i32>} : memref<80x128xf32, #tpu.memory_space<vmem>>, vector<1x16xf32>,
          %mul3A_385 = arith.mulf %get3A_368, %get3A_368 : vector<16xf32>
          %add3A_386 = arith.addf %add3A_362, %mul3A_385 : vector<16xf32>
          %mul3A_387 = arith.mulf %get3A_372, %get3A_372 : vector<16xf32>
          %add3A_388 = arith.addf %add3A_364, %mul3A_387 : vector<16xf32>
          %get3A_389 = arith.index_cast %scan3A_243 : i32 to index
          %get3A_390 = arith.constant 96 : index
          %get3A_391 = tpu.vector_load %arg14[%get3A_389, %get3A_390] {strides = array<i32>} : memref<80x128xf32, #tpu.memory_space<vmem>>, vector<1x16xf32>,
          %get3A_392 = vector.shape_cast %get3A_391 : vector<1x16xf32> to vector<16xf32>
          %get3A_393 = arith.index_cast %scan3A_243 : i32 to index
          %get3A_394 = arith.constant 96 : index
          %get3A_395 = tpu.vector_load %arg15[%get3A_393, %get3A_394] {strides = array<i32>} : memref<80x128xf32, #tpu.memory_space<vmem>>, vector<1x16xf32>,
          %get3A_396 = vector.shape_cast %get3A_395 : vector<1x16xf32> to vector<16xf32>
          %mul3A_397 = arith.mulf %get3A_392, %get3A_396 : vector<16xf32>
          %swap3A_398 = arith.index_cast %scan3A_243 : i32 to index
          %swap3A_399 = arith.constant 96 : index
          %swap3A_400 = tpu.vector_load %arg15[%swap3A_398, %swap3A_399] {strides = array<i32>} : memref<80x128xf32, #tpu.memory_space<vmem>>, vector<1x16xf32>,
          %swap3A_401 = vector.shape_cast %swap3A_400 : vector<1x16xf32> to vector<16xf32>
          %swap3A_402 = vector.shape_cast %mul3A_397 : vector<16xf32> to vector<1x16xf32>
          tpu.vector_store %arg15[%swap3A_398, %swap3A_399], %swap3A_402 {strides = array<i32>} : memref<80x128xf32, #tpu.memory_space<vmem>>, vector<1x16xf32>,
          %sub3A_403 = arith.subf %get3A_392, %get3A_396 : vector<16xf32>
          %swap3A_404 = arith.index_cast %scan3A_243 : i32 to index
          %swap3A_405 = arith.constant 96 : index
          %swap3A_406 = tpu.vector_load %arg14[%swap3A_404, %swap3A_405] {strides = array<i32>} : memref<80x128xf32, #tpu.memory_space<vmem>>, vector<1x16xf32>,
          %swap3A_407 = vector.shape_cast %swap3A_406 : vector<1x16xf32> to vector<16xf32>
          %swap3A_408 = vector.shape_cast %sub3A_403 : vector<16xf32> to vector<1x16xf32>
          tpu.vector_store %arg14[%swap3A_404, %swap3A_405], %swap3A_408 {strides = array<i32>} : memref<80x128xf32, #tpu.memory_space<vmem>>, vector<1x16xf32>,
          %mul3A_409 = arith.mulf %get3A_392, %get3A_392 : vector<16xf32>
          %add3A_410 = arith.addf %add3A_386, %mul3A_409 : vector<16xf32>
          %mul3A_411 = arith.mulf %get3A_396, %get3A_396 : vector<16xf32>
          %add3A_412 = arith.addf %add3A_388, %mul3A_411 : vector<16xf32>
          %get3A_413 = arith.index_cast %scan3A_243 : i32 to index
          %get3A_414 = arith.constant 112 : index
          %get3A_415 = tpu.vector_load %arg14[%get3A_413, %get3A_414] {strides = array<i32>} : memref<80x128xf32, #tpu.memory_space<vmem>>, vector<1x16xf32>,
          %get3A_416 = vector.shape_cast %get3A_415 : vector<1x16xf32> to vector<16xf32>
          %get3A_417 = arith.index_cast %scan3A_243 : i32 to index
          %get3A_418 = arith.constant 112 : index
          %get3A_419 = tpu.vector_load %arg15[%get3A_417, %get3A_418] {strides = array<i32>} : memref<80x128xf32, #tpu.memory_space<vmem>>, vector<1x16xf32>,
          %get3A_420 = vector.shape_cast %get3A_419 : vector<1x16xf32> to vector<16xf32>
          %mul3A_421 = arith.mulf %get3A_416, %get3A_420 : vector<16xf32>
          %swap3A_422 = arith.index_cast %scan3A_243 : i32 to index
          %swap3A_423 = arith.constant 112 : index
          %swap3A_424 = tpu.vector_load %arg15[%swap3A_422, %swap3A_423] {strides = array<i32>} : memref<80x128xf32, #tpu.memory_space<vmem>>, vector<1x16xf32>,
          %swap3A_425 = vector.shape_cast %swap3A_424 : vector<1x16xf32> to vector<16xf32>
          %swap3A_426 = vector.shape_cast %mul3A_421 : vector<16xf32> to vector<1x16xf32>
          tpu.vector_store %arg15[%swap3A_422, %swap3A_423], %swap3A_426 {strides = array<i32>} : memref<80x128xf32, #tpu.memory_space<vmem>>, vector<1x16xf32>,
          %sub3A_427 = arith.subf %get3A_416, %get3A_420 : vector<16xf32>
          %swap3A_428 = arith.index_cast %scan3A_243 : i32 to index
          %swap3A_429 = arith.constant 112 : index
          %swap3A_430 = tpu.vector_load %arg14[%swap3A_428, %swap3A_429] {strides = array<i32>} : memref<80x128xf32, #tpu.memory_space<vmem>>, vector<1x16xf32>,
          %swap3A_431 = vector.shape_cast %swap3A_430 : vector<1x16xf32> to vector<16xf32>
          %swap3A_432 = vector.shape_cast %sub3A_427 : vector<16xf32> to vector<1x16xf32>
          tpu.vector_store %arg14[%swap3A_428, %swap3A_429], %swap3A_432 {strides = array<i32>} : memref<80x128xf32, #tpu.memory_space<vmem>>, vector<1x16xf32>,
          %mul3A_433 = arith.mulf %get3A_416, %get3A_416 : vector<16xf32>
          %add3A_434 = arith.addf %add3A_410, %mul3A_433 : vector<16xf32>
          %mul3A_435 = arith.mulf %get3A_420, %get3A_420 : vector<16xf32>
          %add3A_436 = arith.addf %add3A_412, %mul3A_435 : vector<16xf32>
          scf.yield %add3A_434, %add3A_436 : vector<16xf32>, vector<16xf32>
        }
        %scan3A_205 = arith.constant 80 : i32
        %get3A_206 = arith.constant 0 : i32
        %get3A_207 = arith.index_cast %get3A_206 : i32 to index
        %get3A_208 = arith.constant 0 : index
        %get3A_209 = tpu.vector_load %arg16[%get3A_207, %get3A_208] {strides = array<i32>} : memref<2x16xf32, #tpu.memory_space<vmem>>, vector<1x16xf32>,
        %get3A_210 = vector.shape_cast %get3A_209 : vector<1x16xf32> to vector<16xf32>
        %add3A_211 = arith.addf %get3A_210, %scan3A_204#0 : vector<16xf32>
        %swap3A_212 = arith.constant 0 : i32
        %swap3A_213 = arith.index_cast %swap3A_212 : i32 to index
        %swap3A_214 = arith.constant 0 : index
        %swap3A_215 = tpu.vector_load %arg16[%swap3A_213, %swap3A_214] {strides = array<i32>} : memref<2x16xf32, #tpu.memory_space<vmem>>, vector<1x16xf32>,
        %swap3A_216 = vector.shape_cast %swap3A_215 : vector<1x16xf32> to vector<16xf32>
        %swap3A_217 = vector.shape_cast %add3A_211 : vector<16xf32> to vector<1x16xf32>
        tpu.vector_store %arg16[%swap3A_213, %swap3A_214], %swap3A_217 {strides = array<i32>} : memref<2x16xf32, #tpu.memory_space<vmem>>, vector<1x16xf32>,
        %get3A_218 = arith.constant 1 : i32
        %get3A_219 = arith.index_cast %get3A_218 : i32 to index
        %get3A_220 = arith.constant 0 : index
        %get3A_221 = tpu.vector_load %arg16[%get3A_219, %get3A_220] {strides = array<i32>} : memref<2x16xf32, #tpu.memory_space<vmem>>, vector<1x16xf32>,
        %get3A_222 = vector.shape_cast %get3A_221 : vector<1x16xf32> to vector<16xf32>
        %add3A_223 = arith.addf %get3A_222, %scan3A_204#1 : vector<16xf32>
        %swap3A_224 = arith.constant 1 : i32
        %swap3A_225 = arith.index_cast %swap3A_224 : i32 to index
        %swap3A_226 = arith.constant 0 : index
        %swap3A_227 = tpu.vector_load %arg16[%swap3A_225, %swap3A_226] {strides = array<i32>} : memref<2x16xf32, #tpu.memory_space<vmem>>, vector<1x16xf32>,
        %swap3A_228 = vector.shape_cast %swap3A_227 : vector<1x16xf32> to vector<16xf32>
        %swap3A_229 = vector.shape_cast %add3A_223 : vector<16xf32> to vector<1x16xf32>
        tpu.vector_store %arg16[%swap3A_225, %swap3A_226], %swap3A_229 {strides = array<i32>} : memref<2x16xf32, #tpu.memory_space<vmem>>, vector<1x16xf32>,
        "tpu.region"() ({
          %run_scoped3A = tpu.sem_alloc : memref<!tpu.dma_semaphore, #tpu.memory_space<semaphore_mem>>
          %dma_start3A_243 = arith.constant 0 : i32
          %dma_start3A_244 = tpu.memref_slice %arg5[%mul3A_191, %dma_start3A_243] : memref<327680x128xf32, #tpu.memory_space<hbm>> -> memref<80x128xf32, #tpu.memory_space<hbm>>
          %dma_start3A_245 = arith.constant 0 : i32
          %dma_start3A_246 = tpu.memref_slice %arg5[%mul3A_191, %dma_start3A_245] : memref<327680x128xf32, #tpu.memory_space<hbm>> -> memref<80x128xf32, #tpu.memory_space<hbm>>
          tpu.enqueue_dma source(%arg15 : memref<80x128xf32, #tpu.memory_space<vmem>>) target(%dma_start3A_246 : memref<80x128xf32, #tpu.memory_space<hbm>>) target_semaphore(%run_scoped3A : memref<!tpu.dma_semaphore, #tpu.memory_space<semaphore_mem>>)
          %dma_wait3A_247 = arith.constant 0 : i32
          %dma_wait3A_248 = tpu.memref_slice %arg5[%mul3A_191, %dma_wait3A_247] : memref<327680x128xf32, #tpu.memory_space<hbm>> -> memref<80x128xf32, #tpu.memory_space<hbm>>
          %dma_wait3A_249 = arith.constant 0 : i32
          %dma_wait3A_250 = tpu.memref_slice %arg5[%mul3A_191, %dma_wait3A_249] : memref<327680x128xf32, #tpu.memory_space<hbm>> -> memref<80x128xf32, #tpu.memory_space<hbm>>
          tpu.wait_dma2 semaphore(%run_scoped3A : memref<!tpu.dma_semaphore, #tpu.memory_space<semaphore_mem>>) src(%arg15 : memref<80x128xf32, #tpu.memory_space<vmem>>) dst(%dma_wait3A_250 : memref<80x128xf32, #tpu.memory_space<hbm>>)
          tpu.yield
        }) : () -> ()
        "tpu.region"() ({
          %run_scoped3A = tpu.sem_alloc : memref<!tpu.dma_semaphore, #tpu.memory_space<semaphore_mem>>
          %dma_start3A_243 = arith.constant 0 : i32
          %dma_start3A_244 = arith.constant 0 : i32
          %dma_start3A_245 = tpu.memref_slice %arg17[%dma_start3A_243, %dma_start3A_244] : memref<10112x128xf32, #tpu.memory_space<vmem_shared>> -> memref<10112x128xf32, #tpu.memory_space<vmem_shared>>
          tpu.enqueue_indirect_dma source(%arg14 : memref<80x128xf32, #tpu.memory_space<vmem>>) target(%dma_start3A_245 : memref<10112x128xf32, #tpu.memory_space<vmem_shared>>) offsets(%arg11 : memref<80xi32, #tpu.memory_space<vmem>>) semaphore(%run_scoped3A : memref<!tpu.dma_semaphore, #tpu.memory_space<semaphore_mem>>) {add = true}
          %dma_wait3A_246 = arith.constant 0 : i32
          %dma_wait3A_247 = arith.constant 0 : i32
          %dma_wait3A_248 = tpu.memref_slice %arg17[%dma_wait3A_246, %dma_wait3A_247] : memref<10112x128xf32, #tpu.memory_space<vmem_shared>> -> memref<10112x128xf32, #tpu.memory_space<vmem_shared>>
          tpu.wait_indirect_dma semaphore(%run_scoped3A : memref<!tpu.dma_semaphore, #tpu.memory_space<semaphore_mem>>) src(%arg14 : memref<80x128xf32, #tpu.memory_space<vmem>>) dst(%dma_wait3A_248 : memref<10112x128xf32, #tpu.memory_space<vmem_shared>>)
          tpu.yield
        }) : () -> ()
        %add3A_230 = arith.constant 2 : i32
        %add3A_231 = arith.addi %add3A_171, %add3A_230 : i32
        %mul3A_232 = arith.constant 32 : i32
        %mul3A_233 = arith.muli %add3A_231, %mul3A_232 : i32
        %add3A_234 = arith.addi %add3A, %mul3A_233 : i32
        %mul3A_235 = arith.constant 80 : i32
        %mul3A_236 = arith.muli %add3A_234, %mul3A_235 : i32
        "tpu.region"() ({
          %run_scoped3A = tpu.sem_alloc : memref<!tpu.dma_semaphore, #tpu.memory_space<semaphore_mem>>
          %dma_start3A_243 = tpu.memref_slice %arg3[%mul3A_236] : memref<320000xi32, #tpu.memory_space<hbm>> -> memref<80xi32, #tpu.memory_space<hbm>>
          %dma_start3A_244 = tpu.memref_slice %arg3[%mul3A_236] : memref<320000xi32, #tpu.memory_space<hbm>> -> memref<80xi32, #tpu.memory_space<hbm>>
          tpu.enqueue_dma source(%dma_start3A_244 : memref<80xi32, #tpu.memory_space<hbm>>) target(%arg10 : memref<80xi32, #tpu.memory_space<vmem>>) target_semaphore(%run_scoped3A : memref<!tpu.dma_semaphore, #tpu.memory_space<semaphore_mem>>)
          %dma_wait3A_245 = tpu.memref_slice %arg3[%mul3A_236] : memref<320000xi32, #tpu.memory_space<hbm>> -> memref<80xi32, #tpu.memory_space<hbm>>
          %dma_wait3A_246 = tpu.memref_slice %arg3[%mul3A_236] : memref<320000xi32, #tpu.memory_space<hbm>> -> memref<80xi32, #tpu.memory_space<hbm>>
          tpu.wait_dma2 semaphore(%run_scoped3A : memref<!tpu.dma_semaphore, #tpu.memory_space<semaphore_mem>>) src(%dma_wait3A_246 : memref<80xi32, #tpu.memory_space<hbm>>) dst(%arg10 : memref<80xi32, #tpu.memory_space<vmem>>)
          tpu.yield
        }) : () -> ()
        "tpu.region"() ({
          %run_scoped3A = tpu.sem_alloc : memref<!tpu.dma_semaphore, #tpu.memory_space<semaphore_mem>>
          %dma_start3A_243 = tpu.memref_slice %arg4[%mul3A_236] : memref<320000xi32, #tpu.memory_space<hbm>> -> memref<80xi32, #tpu.memory_space<hbm>>
          %dma_start3A_244 = tpu.memref_slice %arg4[%mul3A_236] : memref<320000xi32, #tpu.memory_space<hbm>> -> memref<80xi32, #tpu.memory_space<hbm>>
          tpu.enqueue_dma source(%dma_start3A_244 : memref<80xi32, #tpu.memory_space<hbm>>) target(%arg11 : memref<80xi32, #tpu.memory_space<vmem>>) target_semaphore(%run_scoped3A : memref<!tpu.dma_semaphore, #tpu.memory_space<semaphore_mem>>)
          %dma_wait3A_245 = tpu.memref_slice %arg4[%mul3A_236] : memref<320000xi32, #tpu.memory_space<hbm>> -> memref<80xi32, #tpu.memory_space<hbm>>
          %dma_wait3A_246 = tpu.memref_slice %arg4[%mul3A_236] : memref<320000xi32, #tpu.memory_space<hbm>> -> memref<80xi32, #tpu.memory_space<hbm>>
          tpu.wait_dma2 semaphore(%run_scoped3A : memref<!tpu.dma_semaphore, #tpu.memory_space<semaphore_mem>>) src(%dma_wait3A_246 : memref<80xi32, #tpu.memory_space<hbm>>) dst(%arg11 : memref<80xi32, #tpu.memory_space<vmem>>)
          tpu.yield
        }) : () -> ()
        %dma_start3A_237 = arith.constant 0 : i32
        %dma_start3A_238 = arith.constant 0 : i32
        %dma_start3A_239 = tpu.memref_slice %arg2[%dma_start3A_237, %dma_start3A_238] : memref<10000x128xf32, #tpu.memory_space<hbm>> -> memref<10000x128xf32, #tpu.memory_space<hbm>>
        tpu.enqueue_indirect_dma source(%dma_start3A_239 : memref<10000x128xf32, #tpu.memory_space<hbm>>) target(%arg14 : memref<80x128xf32, #tpu.memory_space<vmem>>) offsets(%arg10 : memref<80xi32, #tpu.memory_space<vmem>>) semaphore(%arg20 : memref<!tpu.dma_semaphore, #tpu.memory_space<semaphore_mem>>)
        %dma_start3A_240 = arith.constant 0 : i32
        %dma_start3A_241 = arith.constant 0 : i32
        %dma_start3A_242 = tpu.memref_slice %arg2[%dma_start3A_240, %dma_start3A_241] : memref<10000x128xf32, #tpu.memory_space<hbm>> -> memref<10000x128xf32, #tpu.memory_space<hbm>>
        tpu.enqueue_indirect_dma source(%dma_start3A_242 : memref<10000x128xf32, #tpu.memory_space<hbm>>) target(%arg15 : memref<80x128xf32, #tpu.memory_space<vmem>>) offsets(%arg11 : memref<80xi32, #tpu.memory_space<vmem>>) semaphore(%arg21 : memref<!tpu.dma_semaphore, #tpu.memory_space<semaphore_mem>>)
      } else {
      }
      %add3A_179 = arith.constant 2 : i32
      %add3A_180 = arith.addi %add3A_171, %add3A_179 : i32
      %ge3A_181 = arith.constant 125 : i32
      %ge3A_182 = arith.cmpi sge, %add3A_180, %ge3A_181 : i32
      %convert_element_type3A_183 = arith.extui %ge3A_182 : i1 to i32
      %cond3A_184 = arith.constant 0 : i32
      %cond3A_185 = arith.cmpi ne, %convert_element_type3A_183, %cond3A_184 : i32
      scf.if %cond3A_185 {
        %mul3A_187 = arith.constant 32 : i32
        %mul3A_188 = arith.muli %add3A_171, %mul3A_187 : i32
        %add3A_189 = arith.addi %add3A, %mul3A_188 : i32
        %mul3A_190 = arith.constant 80 : i32
        %mul3A_191 = arith.muli %add3A_189, %mul3A_190 : i32
        %dma_wait3A_192 = arith.constant 0 : i32
        %dma_wait3A_193 = arith.constant 0 : i32
        %dma_wait3A_194 = tpu.memref_slice %arg2[%dma_wait3A_192, %dma_wait3A_193] : memref<10000x128xf32, #tpu.memory_space<hbm>> -> memref<10000x128xf32, #tpu.memory_space<hbm>>
        tpu.wait_indirect_dma semaphore(%arg20 : memref<!tpu.dma_semaphore, #tpu.memory_space<semaphore_mem>>) src(%dma_wait3A_194 : memref<10000x128xf32, #tpu.memory_space<hbm>>) dst(%arg14 : memref<80x128xf32, #tpu.memory_space<vmem>>)
        %dma_wait3A_195 = arith.constant 0 : i32
        %dma_wait3A_196 = arith.constant 0 : i32
        %dma_wait3A_197 = tpu.memref_slice %arg2[%dma_wait3A_195, %dma_wait3A_196] : memref<10000x128xf32, #tpu.memory_space<hbm>> -> memref<10000x128xf32, #tpu.memory_space<hbm>>
        tpu.wait_indirect_dma semaphore(%arg21 : memref<!tpu.dma_semaphore, #tpu.memory_space<semaphore_mem>>) src(%dma_wait3A_197 : memref<10000x128xf32, #tpu.memory_space<hbm>>) dst(%arg15 : memref<80x128xf32, #tpu.memory_space<vmem>>)
        %broadcast_in_dim3A_198 = arith.constant 0.000000e+00 : f32
        %broadcast_in_dim3A_199 = vector.broadcast %broadcast_in_dim3A_198 : f32 to vector<16xf32>
        %scan3A_200 = arith.constant 0 : i32
        %scan3A_201 = arith.constant 80 : i32
        %scan3A_202 = arith.addi %scan3A_200, %scan3A_201 : i32
        %scan3A_203 = arith.constant 1 : i32
        %scan3A_204:2 = scf.for %scan3A_230 = %scan3A_200 to %scan3A_202 step %scan3A_203 iter_args(%scan3A_231 = %broadcast_in_dim3A_199, %scan3A_232 = %broadcast_in_dim3A_199) -> (vector<16xf32>, vector<16xf32>)  : i32 {
          %get3A_233 = arith.index_cast %scan3A_230 : i32 to index
          %get3A_234 = arith.constant 0 : index
          %get3A_235 = tpu.vector_load %arg14[%get3A_233, %get3A_234] {strides = array<i32>} : memref<80x128xf32, #tpu.memory_space<vmem>>, vector<1x16xf32>,
          %get3A_236 = vector.shape_cast %get3A_235 : vector<1x16xf32> to vector<16xf32>
          %get3A_237 = arith.index_cast %scan3A_230 : i32 to index
          %get3A_238 = arith.constant 0 : index
          %get3A_239 = tpu.vector_load %arg15[%get3A_237, %get3A_238] {strides = array<i32>} : memref<80x128xf32, #tpu.memory_space<vmem>>, vector<1x16xf32>,
          %get3A_240 = vector.shape_cast %get3A_239 : vector<1x16xf32> to vector<16xf32>
          %mul3A_241 = arith.mulf %get3A_236, %get3A_240 : vector<16xf32>
          %swap3A_242 = arith.index_cast %scan3A_230 : i32 to index
          %swap3A_243 = arith.constant 0 : index
          %swap3A_244 = tpu.vector_load %arg15[%swap3A_242, %swap3A_243] {strides = array<i32>} : memref<80x128xf32, #tpu.memory_space<vmem>>, vector<1x16xf32>,
          %swap3A_245 = vector.shape_cast %swap3A_244 : vector<1x16xf32> to vector<16xf32>
          %swap3A_246 = vector.shape_cast %mul3A_241 : vector<16xf32> to vector<1x16xf32>
          tpu.vector_store %arg15[%swap3A_242, %swap3A_243], %swap3A_246 {strides = array<i32>} : memref<80x128xf32, #tpu.memory_space<vmem>>, vector<1x16xf32>,
          %sub3A = arith.subf %get3A_236, %get3A_240 : vector<16xf32>
          %swap3A_247 = arith.index_cast %scan3A_230 : i32 to index
          %swap3A_248 = arith.constant 0 : index
          %swap3A_249 = tpu.vector_load %arg14[%swap3A_247, %swap3A_248] {strides = array<i32>} : memref<80x128xf32, #tpu.memory_space<vmem>>, vector<1x16xf32>,
          %swap3A_250 = vector.shape_cast %swap3A_249 : vector<1x16xf32> to vector<16xf32>
          %swap3A_251 = vector.shape_cast %sub3A : vector<16xf32> to vector<1x16xf32>
          tpu.vector_store %arg14[%swap3A_247, %swap3A_248], %swap3A_251 {strides = array<i32>} : memref<80x128xf32, #tpu.memory_space<vmem>>, vector<1x16xf32>,
          %mul3A_252 = arith.mulf %get3A_236, %get3A_236 : vector<16xf32>
          %add3A_253 = arith.addf %scan3A_231, %mul3A_252 : vector<16xf32>
          %mul3A_254 = arith.mulf %get3A_240, %get3A_240 : vector<16xf32>
          %add3A_255 = arith.addf %scan3A_232, %mul3A_254 : vector<16xf32>
          %get3A_256 = arith.index_cast %scan3A_230 : i32 to index
          %get3A_257 = arith.constant 16 : index
          %get3A_258 = tpu.vector_load %arg14[%get3A_256, %get3A_257] {strides = array<i32>} : memref<80x128xf32, #tpu.memory_space<vmem>>, vector<1x16xf32>,
          %get3A_259 = vector.shape_cast %get3A_258 : vector<1x16xf32> to vector<16xf32>
          %get3A_260 = arith.index_cast %scan3A_230 : i32 to index
          %get3A_261 = arith.constant 16 : index
          %get3A_262 = tpu.vector_load %arg15[%get3A_260, %get3A_261] {strides = array<i32>} : memref<80x128xf32, #tpu.memory_space<vmem>>, vector<1x16xf32>,
          %get3A_263 = vector.shape_cast %get3A_262 : vector<1x16xf32> to vector<16xf32>
          %mul3A_264 = arith.mulf %get3A_259, %get3A_263 : vector<16xf32>
          %swap3A_265 = arith.index_cast %scan3A_230 : i32 to index
          %swap3A_266 = arith.constant 16 : index
          %swap3A_267 = tpu.vector_load %arg15[%swap3A_265, %swap3A_266] {strides = array<i32>} : memref<80x128xf32, #tpu.memory_space<vmem>>, vector<1x16xf32>,
          %swap3A_268 = vector.shape_cast %swap3A_267 : vector<1x16xf32> to vector<16xf32>
          %swap3A_269 = vector.shape_cast %mul3A_264 : vector<16xf32> to vector<1x16xf32>
          tpu.vector_store %arg15[%swap3A_265, %swap3A_266], %swap3A_269 {strides = array<i32>} : memref<80x128xf32, #tpu.memory_space<vmem>>, vector<1x16xf32>,
          %sub3A_270 = arith.subf %get3A_259, %get3A_263 : vector<16xf32>
          %swap3A_271 = arith.index_cast %scan3A_230 : i32 to index
          %swap3A_272 = arith.constant 16 : index
          %swap3A_273 = tpu.vector_load %arg14[%swap3A_271, %swap3A_272] {strides = array<i32>} : memref<80x128xf32, #tpu.memory_space<vmem>>, vector<1x16xf32>,
          %swap3A_274 = vector.shape_cast %swap3A_273 : vector<1x16xf32> to vector<16xf32>
          %swap3A_275 = vector.shape_cast %sub3A_270 : vector<16xf32> to vector<1x16xf32>
          tpu.vector_store %arg14[%swap3A_271, %swap3A_272], %swap3A_275 {strides = array<i32>} : memref<80x128xf32, #tpu.memory_space<vmem>>, vector<1x16xf32>,
          %mul3A_276 = arith.mulf %get3A_259, %get3A_259 : vector<16xf32>
          %add3A_277 = arith.addf %add3A_253, %mul3A_276 : vector<16xf32>
          %mul3A_278 = arith.mulf %get3A_263, %get3A_263 : vector<16xf32>
          %add3A_279 = arith.addf %add3A_255, %mul3A_278 : vector<16xf32>
          %get3A_280 = arith.index_cast %scan3A_230 : i32 to index
          %get3A_281 = arith.constant 32 : index
          %get3A_282 = tpu.vector_load %arg14[%get3A_280, %get3A_281] {strides = array<i32>} : memref<80x128xf32, #tpu.memory_space<vmem>>, vector<1x16xf32>,
          %get3A_283 = vector.shape_cast %get3A_282 : vector<1x16xf32> to vector<16xf32>
          %get3A_284 = arith.index_cast %scan3A_230 : i32 to index
          %get3A_285 = arith.constant 32 : index
          %get3A_286 = tpu.vector_load %arg15[%get3A_284, %get3A_285] {strides = array<i32>} : memref<80x128xf32, #tpu.memory_space<vmem>>, vector<1x16xf32>,
          %get3A_287 = vector.shape_cast %get3A_286 : vector<1x16xf32> to vector<16xf32>
          %mul3A_288 = arith.mulf %get3A_283, %get3A_287 : vector<16xf32>
          %swap3A_289 = arith.index_cast %scan3A_230 : i32 to index
          %swap3A_290 = arith.constant 32 : index
          %swap3A_291 = tpu.vector_load %arg15[%swap3A_289, %swap3A_290] {strides = array<i32>} : memref<80x128xf32, #tpu.memory_space<vmem>>, vector<1x16xf32>,
          %swap3A_292 = vector.shape_cast %swap3A_291 : vector<1x16xf32> to vector<16xf32>
          %swap3A_293 = vector.shape_cast %mul3A_288 : vector<16xf32> to vector<1x16xf32>
          tpu.vector_store %arg15[%swap3A_289, %swap3A_290], %swap3A_293 {strides = array<i32>} : memref<80x128xf32, #tpu.memory_space<vmem>>, vector<1x16xf32>,
          %sub3A_294 = arith.subf %get3A_283, %get3A_287 : vector<16xf32>
          %swap3A_295 = arith.index_cast %scan3A_230 : i32 to index
          %swap3A_296 = arith.constant 32 : index
          %swap3A_297 = tpu.vector_load %arg14[%swap3A_295, %swap3A_296] {strides = array<i32>} : memref<80x128xf32, #tpu.memory_space<vmem>>, vector<1x16xf32>,
          %swap3A_298 = vector.shape_cast %swap3A_297 : vector<1x16xf32> to vector<16xf32>
          %swap3A_299 = vector.shape_cast %sub3A_294 : vector<16xf32> to vector<1x16xf32>
          tpu.vector_store %arg14[%swap3A_295, %swap3A_296], %swap3A_299 {strides = array<i32>} : memref<80x128xf32, #tpu.memory_space<vmem>>, vector<1x16xf32>,
          %mul3A_300 = arith.mulf %get3A_283, %get3A_283 : vector<16xf32>
          %add3A_301 = arith.addf %add3A_277, %mul3A_300 : vector<16xf32>
          %mul3A_302 = arith.mulf %get3A_287, %get3A_287 : vector<16xf32>
          %add3A_303 = arith.addf %add3A_279, %mul3A_302 : vector<16xf32>
          %get3A_304 = arith.index_cast %scan3A_230 : i32 to index
          %get3A_305 = arith.constant 48 : index
          %get3A_306 = tpu.vector_load %arg14[%get3A_304, %get3A_305] {strides = array<i32>} : memref<80x128xf32, #tpu.memory_space<vmem>>, vector<1x16xf32>,
          %get3A_307 = vector.shape_cast %get3A_306 : vector<1x16xf32> to vector<16xf32>
          %get3A_308 = arith.index_cast %scan3A_230 : i32 to index
          %get3A_309 = arith.constant 48 : index
          %get3A_310 = tpu.vector_load %arg15[%get3A_308, %get3A_309] {strides = array<i32>} : memref<80x128xf32, #tpu.memory_space<vmem>>, vector<1x16xf32>,
          %get3A_311 = vector.shape_cast %get3A_310 : vector<1x16xf32> to vector<16xf32>
          %mul3A_312 = arith.mulf %get3A_307, %get3A_311 : vector<16xf32>
          %swap3A_313 = arith.index_cast %scan3A_230 : i32 to index
          %swap3A_314 = arith.constant 48 : index
          %swap3A_315 = tpu.vector_load %arg15[%swap3A_313, %swap3A_314] {strides = array<i32>} : memref<80x128xf32, #tpu.memory_space<vmem>>, vector<1x16xf32>,
          %swap3A_316 = vector.shape_cast %swap3A_315 : vector<1x16xf32> to vector<16xf32>
          %swap3A_317 = vector.shape_cast %mul3A_312 : vector<16xf32> to vector<1x16xf32>
          tpu.vector_store %arg15[%swap3A_313, %swap3A_314], %swap3A_317 {strides = array<i32>} : memref<80x128xf32, #tpu.memory_space<vmem>>, vector<1x16xf32>,
          %sub3A_318 = arith.subf %get3A_307, %get3A_311 : vector<16xf32>
          %swap3A_319 = arith.index_cast %scan3A_230 : i32 to index
          %swap3A_320 = arith.constant 48 : index
          %swap3A_321 = tpu.vector_load %arg14[%swap3A_319, %swap3A_320] {strides = array<i32>} : memref<80x128xf32, #tpu.memory_space<vmem>>, vector<1x16xf32>,
          %swap3A_322 = vector.shape_cast %swap3A_321 : vector<1x16xf32> to vector<16xf32>
          %swap3A_323 = vector.shape_cast %sub3A_318 : vector<16xf32> to vector<1x16xf32>
          tpu.vector_store %arg14[%swap3A_319, %swap3A_320], %swap3A_323 {strides = array<i32>} : memref<80x128xf32, #tpu.memory_space<vmem>>, vector<1x16xf32>,
          %mul3A_324 = arith.mulf %get3A_307, %get3A_307 : vector<16xf32>
          %add3A_325 = arith.addf %add3A_301, %mul3A_324 : vector<16xf32>
          %mul3A_326 = arith.mulf %get3A_311, %get3A_311 : vector<16xf32>
          %add3A_327 = arith.addf %add3A_303, %mul3A_326 : vector<16xf32>
          %get3A_328 = arith.index_cast %scan3A_230 : i32 to index
          %get3A_329 = arith.constant 64 : index
          %get3A_330 = tpu.vector_load %arg14[%get3A_328, %get3A_329] {strides = array<i32>} : memref<80x128xf32, #tpu.memory_space<vmem>>, vector<1x16xf32>,
          %get3A_331 = vector.shape_cast %get3A_330 : vector<1x16xf32> to vector<16xf32>
          %get3A_332 = arith.index_cast %scan3A_230 : i32 to index
          %get3A_333 = arith.constant 64 : index
          %get3A_334 = tpu.vector_load %arg15[%get3A_332, %get3A_333] {strides = array<i32>} : memref<80x128xf32, #tpu.memory_space<vmem>>, vector<1x16xf32>,
          %get3A_335 = vector.shape_cast %get3A_334 : vector<1x16xf32> to vector<16xf32>
          %mul3A_336 = arith.mulf %get3A_331, %get3A_335 : vector<16xf32>
          %swap3A_337 = arith.index_cast %scan3A_230 : i32 to index
          %swap3A_338 = arith.constant 64 : index
          %swap3A_339 = tpu.vector_load %arg15[%swap3A_337, %swap3A_338] {strides = array<i32>} : memref<80x128xf32, #tpu.memory_space<vmem>>, vector<1x16xf32>,
          %swap3A_340 = vector.shape_cast %swap3A_339 : vector<1x16xf32> to vector<16xf32>
          %swap3A_341 = vector.shape_cast %mul3A_336 : vector<16xf32> to vector<1x16xf32>
          tpu.vector_store %arg15[%swap3A_337, %swap3A_338], %swap3A_341 {strides = array<i32>} : memref<80x128xf32, #tpu.memory_space<vmem>>, vector<1x16xf32>,
          %sub3A_342 = arith.subf %get3A_331, %get3A_335 : vector<16xf32>
          %swap3A_343 = arith.index_cast %scan3A_230 : i32 to index
          %swap3A_344 = arith.constant 64 : index
          %swap3A_345 = tpu.vector_load %arg14[%swap3A_343, %swap3A_344] {strides = array<i32>} : memref<80x128xf32, #tpu.memory_space<vmem>>, vector<1x16xf32>,
          %swap3A_346 = vector.shape_cast %swap3A_345 : vector<1x16xf32> to vector<16xf32>
          %swap3A_347 = vector.shape_cast %sub3A_342 : vector<16xf32> to vector<1x16xf32>
          tpu.vector_store %arg14[%swap3A_343, %swap3A_344], %swap3A_347 {strides = array<i32>} : memref<80x128xf32, #tpu.memory_space<vmem>>, vector<1x16xf32>,
          %mul3A_348 = arith.mulf %get3A_331, %get3A_331 : vector<16xf32>
          %add3A_349 = arith.addf %add3A_325, %mul3A_348 : vector<16xf32>
          %mul3A_350 = arith.mulf %get3A_335, %get3A_335 : vector<16xf32>
          %add3A_351 = arith.addf %add3A_327, %mul3A_350 : vector<16xf32>
          %get3A_352 = arith.index_cast %scan3A_230 : i32 to index
          %get3A_353 = arith.constant 80 : index
          %get3A_354 = tpu.vector_load %arg14[%get3A_352, %get3A_353] {strides = array<i32>} : memref<80x128xf32, #tpu.memory_space<vmem>>, vector<1x16xf32>,
          %get3A_355 = vector.shape_cast %get3A_354 : vector<1x16xf32> to vector<16xf32>
          %get3A_356 = arith.index_cast %scan3A_230 : i32 to index
          %get3A_357 = arith.constant 80 : index
          %get3A_358 = tpu.vector_load %arg15[%get3A_356, %get3A_357] {strides = array<i32>} : memref<80x128xf32, #tpu.memory_space<vmem>>, vector<1x16xf32>,
          %get3A_359 = vector.shape_cast %get3A_358 : vector<1x16xf32> to vector<16xf32>
          %mul3A_360 = arith.mulf %get3A_355, %get3A_359 : vector<16xf32>
          %swap3A_361 = arith.index_cast %scan3A_230 : i32 to index
          %swap3A_362 = arith.constant 80 : index
          %swap3A_363 = tpu.vector_load %arg15[%swap3A_361, %swap3A_362] {strides = array<i32>} : memref<80x128xf32, #tpu.memory_space<vmem>>, vector<1x16xf32>,
          %swap3A_364 = vector.shape_cast %swap3A_363 : vector<1x16xf32> to vector<16xf32>
          %swap3A_365 = vector.shape_cast %mul3A_360 : vector<16xf32> to vector<1x16xf32>
          tpu.vector_store %arg15[%swap3A_361, %swap3A_362], %swap3A_365 {strides = array<i32>} : memref<80x128xf32, #tpu.memory_space<vmem>>, vector<1x16xf32>,
          %sub3A_366 = arith.subf %get3A_355, %get3A_359 : vector<16xf32>
          %swap3A_367 = arith.index_cast %scan3A_230 : i32 to index
          %swap3A_368 = arith.constant 80 : index
          %swap3A_369 = tpu.vector_load %arg14[%swap3A_367, %swap3A_368] {strides = array<i32>} : memref<80x128xf32, #tpu.memory_space<vmem>>, vector<1x16xf32>,
          %swap3A_370 = vector.shape_cast %swap3A_369 : vector<1x16xf32> to vector<16xf32>
          %swap3A_371 = vector.shape_cast %sub3A_366 : vector<16xf32> to vector<1x16xf32>
          tpu.vector_store %arg14[%swap3A_367, %swap3A_368], %swap3A_371 {strides = array<i32>} : memref<80x128xf32, #tpu.memory_space<vmem>>, vector<1x16xf32>,
          %mul3A_372 = arith.mulf %get3A_355, %get3A_355 : vector<16xf32>
          %add3A_373 = arith.addf %add3A_349, %mul3A_372 : vector<16xf32>
          %mul3A_374 = arith.mulf %get3A_359, %get3A_359 : vector<16xf32>
          %add3A_375 = arith.addf %add3A_351, %mul3A_374 : vector<16xf32>
          %get3A_376 = arith.index_cast %scan3A_230 : i32 to index
          %get3A_377 = arith.constant 96 : index
          %get3A_378 = tpu.vector_load %arg14[%get3A_376, %get3A_377] {strides = array<i32>} : memref<80x128xf32, #tpu.memory_space<vmem>>, vector<1x16xf32>,
          %get3A_379 = vector.shape_cast %get3A_378 : vector<1x16xf32> to vector<16xf32>
          %get3A_380 = arith.index_cast %scan3A_230 : i32 to index
          %get3A_381 = arith.constant 96 : index
          %get3A_382 = tpu.vector_load %arg15[%get3A_380, %get3A_381] {strides = array<i32>} : memref<80x128xf32, #tpu.memory_space<vmem>>, vector<1x16xf32>,
          %get3A_383 = vector.shape_cast %get3A_382 : vector<1x16xf32> to vector<16xf32>
          %mul3A_384 = arith.mulf %get3A_379, %get3A_383 : vector<16xf32>
          %swap3A_385 = arith.index_cast %scan3A_230 : i32 to index
          %swap3A_386 = arith.constant 96 : index
          %swap3A_387 = tpu.vector_load %arg15[%swap3A_385, %swap3A_386] {strides = array<i32>} : memref<80x128xf32, #tpu.memory_space<vmem>>, vector<1x16xf32>,
          %swap3A_388 = vector.shape_cast %swap3A_387 : vector<1x16xf32> to vector<16xf32>
          %swap3A_389 = vector.shape_cast %mul3A_384 : vector<16xf32> to vector<1x16xf32>
          tpu.vector_store %arg15[%swap3A_385, %swap3A_386], %swap3A_389 {strides = array<i32>} : memref<80x128xf32, #tpu.memory_space<vmem>>, vector<1x16xf32>,
          %sub3A_390 = arith.subf %get3A_379, %get3A_383 : vector<16xf32>
          %swap3A_391 = arith.index_cast %scan3A_230 : i32 to index
          %swap3A_392 = arith.constant 96 : index
          %swap3A_393 = tpu.vector_load %arg14[%swap3A_391, %swap3A_392] {strides = array<i32>} : memref<80x128xf32, #tpu.memory_space<vmem>>, vector<1x16xf32>,
          %swap3A_394 = vector.shape_cast %swap3A_393 : vector<1x16xf32> to vector<16xf32>
          %swap3A_395 = vector.shape_cast %sub3A_390 : vector<16xf32> to vector<1x16xf32>
          tpu.vector_store %arg14[%swap3A_391, %swap3A_392], %swap3A_395 {strides = array<i32>} : memref<80x128xf32, #tpu.memory_space<vmem>>, vector<1x16xf32>,
          %mul3A_396 = arith.mulf %get3A_379, %get3A_379 : vector<16xf32>
          %add3A_397 = arith.addf %add3A_373, %mul3A_396 : vector<16xf32>
          %mul3A_398 = arith.mulf %get3A_383, %get3A_383 : vector<16xf32>
          %add3A_399 = arith.addf %add3A_375, %mul3A_398 : vector<16xf32>
          %get3A_400 = arith.index_cast %scan3A_230 : i32 to index
          %get3A_401 = arith.constant 112 : index
          %get3A_402 = tpu.vector_load %arg14[%get3A_400, %get3A_401] {strides = array<i32>} : memref<80x128xf32, #tpu.memory_space<vmem>>, vector<1x16xf32>,
          %get3A_403 = vector.shape_cast %get3A_402 : vector<1x16xf32> to vector<16xf32>
          %get3A_404 = arith.index_cast %scan3A_230 : i32 to index
          %get3A_405 = arith.constant 112 : index
          %get3A_406 = tpu.vector_load %arg15[%get3A_404, %get3A_405] {strides = array<i32>} : memref<80x128xf32, #tpu.memory_space<vmem>>, vector<1x16xf32>,
          %get3A_407 = vector.shape_cast %get3A_406 : vector<1x16xf32> to vector<16xf32>
          %mul3A_408 = arith.mulf %get3A_403, %get3A_407 : vector<16xf32>
          %swap3A_409 = arith.index_cast %scan3A_230 : i32 to index
          %swap3A_410 = arith.constant 112 : index
          %swap3A_411 = tpu.vector_load %arg15[%swap3A_409, %swap3A_410] {strides = array<i32>} : memref<80x128xf32, #tpu.memory_space<vmem>>, vector<1x16xf32>,
          %swap3A_412 = vector.shape_cast %swap3A_411 : vector<1x16xf32> to vector<16xf32>
          %swap3A_413 = vector.shape_cast %mul3A_408 : vector<16xf32> to vector<1x16xf32>
          tpu.vector_store %arg15[%swap3A_409, %swap3A_410], %swap3A_413 {strides = array<i32>} : memref<80x128xf32, #tpu.memory_space<vmem>>, vector<1x16xf32>,
          %sub3A_414 = arith.subf %get3A_403, %get3A_407 : vector<16xf32>
          %swap3A_415 = arith.index_cast %scan3A_230 : i32 to index
          %swap3A_416 = arith.constant 112 : index
          %swap3A_417 = tpu.vector_load %arg14[%swap3A_415, %swap3A_416] {strides = array<i32>} : memref<80x128xf32, #tpu.memory_space<vmem>>, vector<1x16xf32>,
          %swap3A_418 = vector.shape_cast %swap3A_417 : vector<1x16xf32> to vector<16xf32>
          %swap3A_419 = vector.shape_cast %sub3A_414 : vector<16xf32> to vector<1x16xf32>
          tpu.vector_store %arg14[%swap3A_415, %swap3A_416], %swap3A_419 {strides = array<i32>} : memref<80x128xf32, #tpu.memory_space<vmem>>, vector<1x16xf32>,
          %mul3A_420 = arith.mulf %get3A_403, %get3A_403 : vector<16xf32>
          %add3A_421 = arith.addf %add3A_397, %mul3A_420 : vector<16xf32>
          %mul3A_422 = arith.mulf %get3A_407, %get3A_407 : vector<16xf32>
          %add3A_423 = arith.addf %add3A_399, %mul3A_422 : vector<16xf32>
          scf.yield %add3A_421, %add3A_423 : vector<16xf32>, vector<16xf32>
        }
        %scan3A_205 = arith.constant 80 : i32
        %get3A_206 = arith.constant 0 : i32
        %get3A_207 = arith.index_cast %get3A_206 : i32 to index
        %get3A_208 = arith.constant 0 : index
        %get3A_209 = tpu.vector_load %arg16[%get3A_207, %get3A_208] {strides = array<i32>} : memref<2x16xf32, #tpu.memory_space<vmem>>, vector<1x16xf32>,
        %get3A_210 = vector.shape_cast %get3A_209 : vector<1x16xf32> to vector<16xf32>
        %add3A_211 = arith.addf %get3A_210, %scan3A_204#0 : vector<16xf32>
        %swap3A_212 = arith.constant 0 : i32
        %swap3A_213 = arith.index_cast %swap3A_212 : i32 to index
        %swap3A_214 = arith.constant 0 : index
        %swap3A_215 = tpu.vector_load %arg16[%swap3A_213, %swap3A_214] {strides = array<i32>} : memref<2x16xf32, #tpu.memory_space<vmem>>, vector<1x16xf32>,
        %swap3A_216 = vector.shape_cast %swap3A_215 : vector<1x16xf32> to vector<16xf32>
        %swap3A_217 = vector.shape_cast %add3A_211 : vector<16xf32> to vector<1x16xf32>
        tpu.vector_store %arg16[%swap3A_213, %swap3A_214], %swap3A_217 {strides = array<i32>} : memref<2x16xf32, #tpu.memory_space<vmem>>, vector<1x16xf32>,
        %get3A_218 = arith.constant 1 : i32
        %get3A_219 = arith.index_cast %get3A_218 : i32 to index
        %get3A_220 = arith.constant 0 : index
        %get3A_221 = tpu.vector_load %arg16[%get3A_219, %get3A_220] {strides = array<i32>} : memref<2x16xf32, #tpu.memory_space<vmem>>, vector<1x16xf32>,
        %get3A_222 = vector.shape_cast %get3A_221 : vector<1x16xf32> to vector<16xf32>
        %add3A_223 = arith.addf %get3A_222, %scan3A_204#1 : vector<16xf32>
        %swap3A_224 = arith.constant 1 : i32
        %swap3A_225 = arith.index_cast %swap3A_224 : i32 to index
        %swap3A_226 = arith.constant 0 : index
        %swap3A_227 = tpu.vector_load %arg16[%swap3A_225, %swap3A_226] {strides = array<i32>} : memref<2x16xf32, #tpu.memory_space<vmem>>, vector<1x16xf32>,
        %swap3A_228 = vector.shape_cast %swap3A_227 : vector<1x16xf32> to vector<16xf32>
        %swap3A_229 = vector.shape_cast %add3A_223 : vector<16xf32> to vector<1x16xf32>
        tpu.vector_store %arg16[%swap3A_225, %swap3A_226], %swap3A_229 {strides = array<i32>} : memref<2x16xf32, #tpu.memory_space<vmem>>, vector<1x16xf32>,
        "tpu.region"() ({
          %run_scoped3A = tpu.sem_alloc : memref<!tpu.dma_semaphore, #tpu.memory_space<semaphore_mem>>
          %dma_start3A_230 = arith.constant 0 : i32
          %dma_start3A_231 = tpu.memref_slice %arg5[%mul3A_191, %dma_start3A_230] : memref<327680x128xf32, #tpu.memory_space<hbm>> -> memref<80x128xf32, #tpu.memory_space<hbm>>
          %dma_start3A_232 = arith.constant 0 : i32
          %dma_start3A_233 = tpu.memref_slice %arg5[%mul3A_191, %dma_start3A_232] : memref<327680x128xf32, #tpu.memory_space<hbm>> -> memref<80x128xf32, #tpu.memory_space<hbm>>
          tpu.enqueue_dma source(%arg15 : memref<80x128xf32, #tpu.memory_space<vmem>>) target(%dma_start3A_233 : memref<80x128xf32, #tpu.memory_space<hbm>>) target_semaphore(%run_scoped3A : memref<!tpu.dma_semaphore, #tpu.memory_space<semaphore_mem>>)
          %dma_wait3A_234 = arith.constant 0 : i32
          %dma_wait3A_235 = tpu.memref_slice %arg5[%mul3A_191, %dma_wait3A_234] : memref<327680x128xf32, #tpu.memory_space<hbm>> -> memref<80x128xf32, #tpu.memory_space<hbm>>
          %dma_wait3A_236 = arith.constant 0 : i32
          %dma_wait3A_237 = tpu.memref_slice %arg5[%mul3A_191, %dma_wait3A_236] : memref<327680x128xf32, #tpu.memory_space<hbm>> -> memref<80x128xf32, #tpu.memory_space<hbm>>
          tpu.wait_dma2 semaphore(%run_scoped3A : memref<!tpu.dma_semaphore, #tpu.memory_space<semaphore_mem>>) src(%arg15 : memref<80x128xf32, #tpu.memory_space<vmem>>) dst(%dma_wait3A_237 : memref<80x128xf32, #tpu.memory_space<hbm>>)
          tpu.yield
        }) : () -> ()
        "tpu.region"() ({
          %run_scoped3A = tpu.sem_alloc : memref<!tpu.dma_semaphore, #tpu.memory_space<semaphore_mem>>
          %dma_start3A_230 = arith.constant 0 : i32
          %dma_start3A_231 = arith.constant 0 : i32
          %dma_start3A_232 = tpu.memref_slice %arg17[%dma_start3A_230, %dma_start3A_231] : memref<10112x128xf32, #tpu.memory_space<vmem_shared>> -> memref<10112x128xf32, #tpu.memory_space<vmem_shared>>
          tpu.enqueue_indirect_dma source(%arg14 : memref<80x128xf32, #tpu.memory_space<vmem>>) target(%dma_start3A_232 : memref<10112x128xf32, #tpu.memory_space<vmem_shared>>) offsets(%arg11 : memref<80xi32, #tpu.memory_space<vmem>>) semaphore(%run_scoped3A : memref<!tpu.dma_semaphore, #tpu.memory_space<semaphore_mem>>) {add = true}
          %dma_wait3A_233 = arith.constant 0 : i32
          %dma_wait3A_234 = arith.constant 0 : i32
          %dma_wait3A_235 = tpu.memref_slice %arg17[%dma_wait3A_233, %dma_wait3A_234] : memref<10112x128xf32, #tpu.memory_space<vmem_shared>> -> memref<10112x128xf32, #tpu.memory_space<vmem_shared>>
          tpu.wait_indirect_dma semaphore(%run_scoped3A : memref<!tpu.dma_semaphore, #tpu.memory_space<semaphore_mem>>) src(%arg14 : memref<80x128xf32, #tpu.memory_space<vmem>>) dst(%dma_wait3A_235 : memref<10112x128xf32, #tpu.memory_space<vmem_shared>>)
          tpu.yield
        }) : () -> ()
      } else {
      }
      %scan3A_186 = arith.constant 0 : i32
      scf.yield %scan3A_186 : i32
    }
    %scan3A_78 = arith.constant 62 : i32
    %add3A_79 = arith.constant 3968 : i32
    %add3A_80 = arith.addi %add3A, %add3A_79 : i32
    %mul3A_81 = arith.constant 80 : i32
    %mul3A_82 = arith.muli %add3A_80, %mul3A_81 : i32
    %dma_wait3A = arith.constant 0 : i32
    %dma_wait3A_83 = arith.constant 0 : i32
    %dma_wait3A_84 = tpu.memref_slice %arg2[%dma_wait3A, %dma_wait3A_83] : memref<10000x128xf32, #tpu.memory_space<hbm>> -> memref<10000x128xf32, #tpu.memory_space<hbm>>
    tpu.wait_indirect_dma semaphore(%arg18 : memref<!tpu.dma_semaphore, #tpu.memory_space<semaphore_mem>>) src(%dma_wait3A_84 : memref<10000x128xf32, #tpu.memory_space<hbm>>) dst(%arg12 : memref<80x128xf32, #tpu.memory_space<vmem>>)
    %dma_wait3A_85 = arith.constant 0 : i32
    %dma_wait3A_86 = arith.constant 0 : i32
    %dma_wait3A_87 = tpu.memref_slice %arg2[%dma_wait3A_85, %dma_wait3A_86] : memref<10000x128xf32, #tpu.memory_space<hbm>> -> memref<10000x128xf32, #tpu.memory_space<hbm>>
    tpu.wait_indirect_dma semaphore(%arg19 : memref<!tpu.dma_semaphore, #tpu.memory_space<semaphore_mem>>) src(%dma_wait3A_87 : memref<10000x128xf32, #tpu.memory_space<hbm>>) dst(%arg13 : memref<80x128xf32, #tpu.memory_space<vmem>>)
    %broadcast_in_dim3A_88 = arith.constant 0.000000e+00 : f32
    %broadcast_in_dim3A_89 = vector.broadcast %broadcast_in_dim3A_88 : f32 to vector<16xf32>
    %scan3A_90 = arith.constant 0 : i32
    %scan3A_91 = arith.constant 80 : i32
    %scan3A_92 = arith.addi %scan3A_90, %scan3A_91 : i32
    %scan3A_93 = arith.constant 1 : i32
    %scan3A_94:2 = scf.for %scan3A_152 = %scan3A_90 to %scan3A_92 step %scan3A_93 iter_args(%scan3A_153 = %broadcast_in_dim3A_89, %scan3A_154 = %broadcast_in_dim3A_89) -> (vector<16xf32>, vector<16xf32>)  : i32 {
      %get3A_155 = arith.index_cast %scan3A_152 : i32 to index
      %get3A_156 = arith.constant 0 : index
      %get3A_157 = tpu.vector_load %arg12[%get3A_155, %get3A_156] {strides = array<i32>} : memref<80x128xf32, #tpu.memory_space<vmem>>, vector<1x16xf32>,
      %get3A_158 = vector.shape_cast %get3A_157 : vector<1x16xf32> to vector<16xf32>
      %get3A_159 = arith.index_cast %scan3A_152 : i32 to index
      %get3A_160 = arith.constant 0 : index
      %get3A_161 = tpu.vector_load %arg13[%get3A_159, %get3A_160] {strides = array<i32>} : memref<80x128xf32, #tpu.memory_space<vmem>>, vector<1x16xf32>,
      %get3A_162 = vector.shape_cast %get3A_161 : vector<1x16xf32> to vector<16xf32>
      %mul3A_163 = arith.mulf %get3A_158, %get3A_162 : vector<16xf32>
      %swap3A_164 = arith.index_cast %scan3A_152 : i32 to index
      %swap3A_165 = arith.constant 0 : index
      %swap3A_166 = tpu.vector_load %arg13[%swap3A_164, %swap3A_165] {strides = array<i32>} : memref<80x128xf32, #tpu.memory_space<vmem>>, vector<1x16xf32>,
      %swap3A_167 = vector.shape_cast %swap3A_166 : vector<1x16xf32> to vector<16xf32>
      %swap3A_168 = vector.shape_cast %mul3A_163 : vector<16xf32> to vector<1x16xf32>
      tpu.vector_store %arg13[%swap3A_164, %swap3A_165], %swap3A_168 {strides = array<i32>} : memref<80x128xf32, #tpu.memory_space<vmem>>, vector<1x16xf32>,
      %sub3A = arith.subf %get3A_158, %get3A_162 : vector<16xf32>
      %swap3A_169 = arith.index_cast %scan3A_152 : i32 to index
      %swap3A_170 = arith.constant 0 : index
      %swap3A_171 = tpu.vector_load %arg12[%swap3A_169, %swap3A_170] {strides = array<i32>} : memref<80x128xf32, #tpu.memory_space<vmem>>, vector<1x16xf32>,
      %swap3A_172 = vector.shape_cast %swap3A_171 : vector<1x16xf32> to vector<16xf32>
      %swap3A_173 = vector.shape_cast %sub3A : vector<16xf32> to vector<1x16xf32>
      tpu.vector_store %arg12[%swap3A_169, %swap3A_170], %swap3A_173 {strides = array<i32>} : memref<80x128xf32, #tpu.memory_space<vmem>>, vector<1x16xf32>,
      %mul3A_174 = arith.mulf %get3A_158, %get3A_158 : vector<16xf32>
      %add3A_175 = arith.addf %scan3A_153, %mul3A_174 : vector<16xf32>
      %mul3A_176 = arith.mulf %get3A_162, %get3A_162 : vector<16xf32>
      %add3A_177 = arith.addf %scan3A_154, %mul3A_176 : vector<16xf32>
      %get3A_178 = arith.index_cast %scan3A_152 : i32 to index
      %get3A_179 = arith.constant 16 : index
      %get3A_180 = tpu.vector_load %arg12[%get3A_178, %get3A_179] {strides = array<i32>} : memref<80x128xf32, #tpu.memory_space<vmem>>, vector<1x16xf32>,
      %get3A_181 = vector.shape_cast %get3A_180 : vector<1x16xf32> to vector<16xf32>
      %get3A_182 = arith.index_cast %scan3A_152 : i32 to index
      %get3A_183 = arith.constant 16 : index
      %get3A_184 = tpu.vector_load %arg13[%get3A_182, %get3A_183] {strides = array<i32>} : memref<80x128xf32, #tpu.memory_space<vmem>>, vector<1x16xf32>,
      %get3A_185 = vector.shape_cast %get3A_184 : vector<1x16xf32> to vector<16xf32>
      %mul3A_186 = arith.mulf %get3A_181, %get3A_185 : vector<16xf32>
      %swap3A_187 = arith.index_cast %scan3A_152 : i32 to index
      %swap3A_188 = arith.constant 16 : index
      %swap3A_189 = tpu.vector_load %arg13[%swap3A_187, %swap3A_188] {strides = array<i32>} : memref<80x128xf32, #tpu.memory_space<vmem>>, vector<1x16xf32>,
      %swap3A_190 = vector.shape_cast %swap3A_189 : vector<1x16xf32> to vector<16xf32>
      %swap3A_191 = vector.shape_cast %mul3A_186 : vector<16xf32> to vector<1x16xf32>
      tpu.vector_store %arg13[%swap3A_187, %swap3A_188], %swap3A_191 {strides = array<i32>} : memref<80x128xf32, #tpu.memory_space<vmem>>, vector<1x16xf32>,
      %sub3A_192 = arith.subf %get3A_181, %get3A_185 : vector<16xf32>
      %swap3A_193 = arith.index_cast %scan3A_152 : i32 to index
      %swap3A_194 = arith.constant 16 : index
      %swap3A_195 = tpu.vector_load %arg12[%swap3A_193, %swap3A_194] {strides = array<i32>} : memref<80x128xf32, #tpu.memory_space<vmem>>, vector<1x16xf32>,
      %swap3A_196 = vector.shape_cast %swap3A_195 : vector<1x16xf32> to vector<16xf32>
      %swap3A_197 = vector.shape_cast %sub3A_192 : vector<16xf32> to vector<1x16xf32>
      tpu.vector_store %arg12[%swap3A_193, %swap3A_194], %swap3A_197 {strides = array<i32>} : memref<80x128xf32, #tpu.memory_space<vmem>>, vector<1x16xf32>,
      %mul3A_198 = arith.mulf %get3A_181, %get3A_181 : vector<16xf32>
      %add3A_199 = arith.addf %add3A_175, %mul3A_198 : vector<16xf32>
      %mul3A_200 = arith.mulf %get3A_185, %get3A_185 : vector<16xf32>
      %add3A_201 = arith.addf %add3A_177, %mul3A_200 : vector<16xf32>
      %get3A_202 = arith.index_cast %scan3A_152 : i32 to index
      %get3A_203 = arith.constant 32 : index
      %get3A_204 = tpu.vector_load %arg12[%get3A_202, %get3A_203] {strides = array<i32>} : memref<80x128xf32, #tpu.memory_space<vmem>>, vector<1x16xf32>,
      %get3A_205 = vector.shape_cast %get3A_204 : vector<1x16xf32> to vector<16xf32>
      %get3A_206 = arith.index_cast %scan3A_152 : i32 to index
      %get3A_207 = arith.constant 32 : index
      %get3A_208 = tpu.vector_load %arg13[%get3A_206, %get3A_207] {strides = array<i32>} : memref<80x128xf32, #tpu.memory_space<vmem>>, vector<1x16xf32>,
      %get3A_209 = vector.shape_cast %get3A_208 : vector<1x16xf32> to vector<16xf32>
      %mul3A_210 = arith.mulf %get3A_205, %get3A_209 : vector<16xf32>
      %swap3A_211 = arith.index_cast %scan3A_152 : i32 to index
      %swap3A_212 = arith.constant 32 : index
      %swap3A_213 = tpu.vector_load %arg13[%swap3A_211, %swap3A_212] {strides = array<i32>} : memref<80x128xf32, #tpu.memory_space<vmem>>, vector<1x16xf32>,
      %swap3A_214 = vector.shape_cast %swap3A_213 : vector<1x16xf32> to vector<16xf32>
      %swap3A_215 = vector.shape_cast %mul3A_210 : vector<16xf32> to vector<1x16xf32>
      tpu.vector_store %arg13[%swap3A_211, %swap3A_212], %swap3A_215 {strides = array<i32>} : memref<80x128xf32, #tpu.memory_space<vmem>>, vector<1x16xf32>,
      %sub3A_216 = arith.subf %get3A_205, %get3A_209 : vector<16xf32>
      %swap3A_217 = arith.index_cast %scan3A_152 : i32 to index
      %swap3A_218 = arith.constant 32 : index
      %swap3A_219 = tpu.vector_load %arg12[%swap3A_217, %swap3A_218] {strides = array<i32>} : memref<80x128xf32, #tpu.memory_space<vmem>>, vector<1x16xf32>,
      %swap3A_220 = vector.shape_cast %swap3A_219 : vector<1x16xf32> to vector<16xf32>
      %swap3A_221 = vector.shape_cast %sub3A_216 : vector<16xf32> to vector<1x16xf32>
      tpu.vector_store %arg12[%swap3A_217, %swap3A_218], %swap3A_221 {strides = array<i32>} : memref<80x128xf32, #tpu.memory_space<vmem>>, vector<1x16xf32>,
      %mul3A_222 = arith.mulf %get3A_205, %get3A_205 : vector<16xf32>
      %add3A_223 = arith.addf %add3A_199, %mul3A_222 : vector<16xf32>
      %mul3A_224 = arith.mulf %get3A_209, %get3A_209 : vector<16xf32>
      %add3A_225 = arith.addf %add3A_201, %mul3A_224 : vector<16xf32>
      %get3A_226 = arith.index_cast %scan3A_152 : i32 to index
      %get3A_227 = arith.constant 48 : index
      %get3A_228 = tpu.vector_load %arg12[%get3A_226, %get3A_227] {strides = array<i32>} : memref<80x128xf32, #tpu.memory_space<vmem>>, vector<1x16xf32>,
      %get3A_229 = vector.shape_cast %get3A_228 : vector<1x16xf32> to vector<16xf32>
      %get3A_230 = arith.index_cast %scan3A_152 : i32 to index
      %get3A_231 = arith.constant 48 : index
      %get3A_232 = tpu.vector_load %arg13[%get3A_230, %get3A_231] {strides = array<i32>} : memref<80x128xf32, #tpu.memory_space<vmem>>, vector<1x16xf32>,
      %get3A_233 = vector.shape_cast %get3A_232 : vector<1x16xf32> to vector<16xf32>
      %mul3A_234 = arith.mulf %get3A_229, %get3A_233 : vector<16xf32>
      %swap3A_235 = arith.index_cast %scan3A_152 : i32 to index
      %swap3A_236 = arith.constant 48 : index
      %swap3A_237 = tpu.vector_load %arg13[%swap3A_235, %swap3A_236] {strides = array<i32>} : memref<80x128xf32, #tpu.memory_space<vmem>>, vector<1x16xf32>,
      %swap3A_238 = vector.shape_cast %swap3A_237 : vector<1x16xf32> to vector<16xf32>
      %swap3A_239 = vector.shape_cast %mul3A_234 : vector<16xf32> to vector<1x16xf32>
      tpu.vector_store %arg13[%swap3A_235, %swap3A_236], %swap3A_239 {strides = array<i32>} : memref<80x128xf32, #tpu.memory_space<vmem>>, vector<1x16xf32>,
      %sub3A_240 = arith.subf %get3A_229, %get3A_233 : vector<16xf32>
      %swap3A_241 = arith.index_cast %scan3A_152 : i32 to index
      %swap3A_242 = arith.constant 48 : index
      %swap3A_243 = tpu.vector_load %arg12[%swap3A_241, %swap3A_242] {strides = array<i32>} : memref<80x128xf32, #tpu.memory_space<vmem>>, vector<1x16xf32>,
      %swap3A_244 = vector.shape_cast %swap3A_243 : vector<1x16xf32> to vector<16xf32>
      %swap3A_245 = vector.shape_cast %sub3A_240 : vector<16xf32> to vector<1x16xf32>
      tpu.vector_store %arg12[%swap3A_241, %swap3A_242], %swap3A_245 {strides = array<i32>} : memref<80x128xf32, #tpu.memory_space<vmem>>, vector<1x16xf32>,
      %mul3A_246 = arith.mulf %get3A_229, %get3A_229 : vector<16xf32>
      %add3A_247 = arith.addf %add3A_223, %mul3A_246 : vector<16xf32>
      %mul3A_248 = arith.mulf %get3A_233, %get3A_233 : vector<16xf32>
      %add3A_249 = arith.addf %add3A_225, %mul3A_248 : vector<16xf32>
      %get3A_250 = arith.index_cast %scan3A_152 : i32 to index
      %get3A_251 = arith.constant 64 : index
      %get3A_252 = tpu.vector_load %arg12[%get3A_250, %get3A_251] {strides = array<i32>} : memref<80x128xf32, #tpu.memory_space<vmem>>, vector<1x16xf32>,
      %get3A_253 = vector.shape_cast %get3A_252 : vector<1x16xf32> to vector<16xf32>
      %get3A_254 = arith.index_cast %scan3A_152 : i32 to index
      %get3A_255 = arith.constant 64 : index
      %get3A_256 = tpu.vector_load %arg13[%get3A_254, %get3A_255] {strides = array<i32>} : memref<80x128xf32, #tpu.memory_space<vmem>>, vector<1x16xf32>,
      %get3A_257 = vector.shape_cast %get3A_256 : vector<1x16xf32> to vector<16xf32>
      %mul3A_258 = arith.mulf %get3A_253, %get3A_257 : vector<16xf32>
      %swap3A_259 = arith.index_cast %scan3A_152 : i32 to index
      %swap3A_260 = arith.constant 64 : index
      %swap3A_261 = tpu.vector_load %arg13[%swap3A_259, %swap3A_260] {strides = array<i32>} : memref<80x128xf32, #tpu.memory_space<vmem>>, vector<1x16xf32>,
      %swap3A_262 = vector.shape_cast %swap3A_261 : vector<1x16xf32> to vector<16xf32>
      %swap3A_263 = vector.shape_cast %mul3A_258 : vector<16xf32> to vector<1x16xf32>
      tpu.vector_store %arg13[%swap3A_259, %swap3A_260], %swap3A_263 {strides = array<i32>} : memref<80x128xf32, #tpu.memory_space<vmem>>, vector<1x16xf32>,
      %sub3A_264 = arith.subf %get3A_253, %get3A_257 : vector<16xf32>
      %swap3A_265 = arith.index_cast %scan3A_152 : i32 to index
      %swap3A_266 = arith.constant 64 : index
      %swap3A_267 = tpu.vector_load %arg12[%swap3A_265, %swap3A_266] {strides = array<i32>} : memref<80x128xf32, #tpu.memory_space<vmem>>, vector<1x16xf32>,
      %swap3A_268 = vector.shape_cast %swap3A_267 : vector<1x16xf32> to vector<16xf32>
      %swap3A_269 = vector.shape_cast %sub3A_264 : vector<16xf32> to vector<1x16xf32>
      tpu.vector_store %arg12[%swap3A_265, %swap3A_266], %swap3A_269 {strides = array<i32>} : memref<80x128xf32, #tpu.memory_space<vmem>>, vector<1x16xf32>,
      %mul3A_270 = arith.mulf %get3A_253, %get3A_253 : vector<16xf32>
      %add3A_271 = arith.addf %add3A_247, %mul3A_270 : vector<16xf32>
      %mul3A_272 = arith.mulf %get3A_257, %get3A_257 : vector<16xf32>
      %add3A_273 = arith.addf %add3A_249, %mul3A_272 : vector<16xf32>
      %get3A_274 = arith.index_cast %scan3A_152 : i32 to index
      %get3A_275 = arith.constant 80 : index
      %get3A_276 = tpu.vector_load %arg12[%get3A_274, %get3A_275] {strides = array<i32>} : memref<80x128xf32, #tpu.memory_space<vmem>>, vector<1x16xf32>,
      %get3A_277 = vector.shape_cast %get3A_276 : vector<1x16xf32> to vector<16xf32>
      %get3A_278 = arith.index_cast %scan3A_152 : i32 to index
      %get3A_279 = arith.constant 80 : index
      %get3A_280 = tpu.vector_load %arg13[%get3A_278, %get3A_279] {strides = array<i32>} : memref<80x128xf32, #tpu.memory_space<vmem>>, vector<1x16xf32>,
      %get3A_281 = vector.shape_cast %get3A_280 : vector<1x16xf32> to vector<16xf32>
      %mul3A_282 = arith.mulf %get3A_277, %get3A_281 : vector<16xf32>
      %swap3A_283 = arith.index_cast %scan3A_152 : i32 to index
      %swap3A_284 = arith.constant 80 : index
      %swap3A_285 = tpu.vector_load %arg13[%swap3A_283, %swap3A_284] {strides = array<i32>} : memref<80x128xf32, #tpu.memory_space<vmem>>, vector<1x16xf32>,
      %swap3A_286 = vector.shape_cast %swap3A_285 : vector<1x16xf32> to vector<16xf32>
      %swap3A_287 = vector.shape_cast %mul3A_282 : vector<16xf32> to vector<1x16xf32>
      tpu.vector_store %arg13[%swap3A_283, %swap3A_284], %swap3A_287 {strides = array<i32>} : memref<80x128xf32, #tpu.memory_space<vmem>>, vector<1x16xf32>,
      %sub3A_288 = arith.subf %get3A_277, %get3A_281 : vector<16xf32>
      %swap3A_289 = arith.index_cast %scan3A_152 : i32 to index
      %swap3A_290 = arith.constant 80 : index
      %swap3A_291 = tpu.vector_load %arg12[%swap3A_289, %swap3A_290] {strides = array<i32>} : memref<80x128xf32, #tpu.memory_space<vmem>>, vector<1x16xf32>,
      %swap3A_292 = vector.shape_cast %swap3A_291 : vector<1x16xf32> to vector<16xf32>
      %swap3A_293 = vector.shape_cast %sub3A_288 : vector<16xf32> to vector<1x16xf32>
      tpu.vector_store %arg12[%swap3A_289, %swap3A_290], %swap3A_293 {strides = array<i32>} : memref<80x128xf32, #tpu.memory_space<vmem>>, vector<1x16xf32>,
      %mul3A_294 = arith.mulf %get3A_277, %get3A_277 : vector<16xf32>
      %add3A_295 = arith.addf %add3A_271, %mul3A_294 : vector<16xf32>
      %mul3A_296 = arith.mulf %get3A_281, %get3A_281 : vector<16xf32>
      %add3A_297 = arith.addf %add3A_273, %mul3A_296 : vector<16xf32>
      %get3A_298 = arith.index_cast %scan3A_152 : i32 to index
      %get3A_299 = arith.constant 96 : index
      %get3A_300 = tpu.vector_load %arg12[%get3A_298, %get3A_299] {strides = array<i32>} : memref<80x128xf32, #tpu.memory_space<vmem>>, vector<1x16xf32>,
      %get3A_301 = vector.shape_cast %get3A_300 : vector<1x16xf32> to vector<16xf32>
      %get3A_302 = arith.index_cast %scan3A_152 : i32 to index
      %get3A_303 = arith.constant 96 : index
      %get3A_304 = tpu.vector_load %arg13[%get3A_302, %get3A_303] {strides = array<i32>} : memref<80x128xf32, #tpu.memory_space<vmem>>, vector<1x16xf32>,
      %get3A_305 = vector.shape_cast %get3A_304 : vector<1x16xf32> to vector<16xf32>
      %mul3A_306 = arith.mulf %get3A_301, %get3A_305 : vector<16xf32>
      %swap3A_307 = arith.index_cast %scan3A_152 : i32 to index
      %swap3A_308 = arith.constant 96 : index
      %swap3A_309 = tpu.vector_load %arg13[%swap3A_307, %swap3A_308] {strides = array<i32>} : memref<80x128xf32, #tpu.memory_space<vmem>>, vector<1x16xf32>,
      %swap3A_310 = vector.shape_cast %swap3A_309 : vector<1x16xf32> to vector<16xf32>
      %swap3A_311 = vector.shape_cast %mul3A_306 : vector<16xf32> to vector<1x16xf32>
      tpu.vector_store %arg13[%swap3A_307, %swap3A_308], %swap3A_311 {strides = array<i32>} : memref<80x128xf32, #tpu.memory_space<vmem>>, vector<1x16xf32>,
      %sub3A_312 = arith.subf %get3A_301, %get3A_305 : vector<16xf32>
      %swap3A_313 = arith.index_cast %scan3A_152 : i32 to index
      %swap3A_314 = arith.constant 96 : index
      %swap3A_315 = tpu.vector_load %arg12[%swap3A_313, %swap3A_314] {strides = array<i32>} : memref<80x128xf32, #tpu.memory_space<vmem>>, vector<1x16xf32>,
      %swap3A_316 = vector.shape_cast %swap3A_315 : vector<1x16xf32> to vector<16xf32>
      %swap3A_317 = vector.shape_cast %sub3A_312 : vector<16xf32> to vector<1x16xf32>
      tpu.vector_store %arg12[%swap3A_313, %swap3A_314], %swap3A_317 {strides = array<i32>} : memref<80x128xf32, #tpu.memory_space<vmem>>, vector<1x16xf32>,
      %mul3A_318 = arith.mulf %get3A_301, %get3A_301 : vector<16xf32>
      %add3A_319 = arith.addf %add3A_295, %mul3A_318 : vector<16xf32>
      %mul3A_320 = arith.mulf %get3A_305, %get3A_305 : vector<16xf32>
      %add3A_321 = arith.addf %add3A_297, %mul3A_320 : vector<16xf32>
      %get3A_322 = arith.index_cast %scan3A_152 : i32 to index
      %get3A_323 = arith.constant 112 : index
      %get3A_324 = tpu.vector_load %arg12[%get3A_322, %get3A_323] {strides = array<i32>} : memref<80x128xf32, #tpu.memory_space<vmem>>, vector<1x16xf32>,
      %get3A_325 = vector.shape_cast %get3A_324 : vector<1x16xf32> to vector<16xf32>
      %get3A_326 = arith.index_cast %scan3A_152 : i32 to index
      %get3A_327 = arith.constant 112 : index
      %get3A_328 = tpu.vector_load %arg13[%get3A_326, %get3A_327] {strides = array<i32>} : memref<80x128xf32, #tpu.memory_space<vmem>>, vector<1x16xf32>,
      %get3A_329 = vector.shape_cast %get3A_328 : vector<1x16xf32> to vector<16xf32>
      %mul3A_330 = arith.mulf %get3A_325, %get3A_329 : vector<16xf32>
      %swap3A_331 = arith.index_cast %scan3A_152 : i32 to index
      %swap3A_332 = arith.constant 112 : index
      %swap3A_333 = tpu.vector_load %arg13[%swap3A_331, %swap3A_332] {strides = array<i32>} : memref<80x128xf32, #tpu.memory_space<vmem>>, vector<1x16xf32>,
      %swap3A_334 = vector.shape_cast %swap3A_333 : vector<1x16xf32> to vector<16xf32>
      %swap3A_335 = vector.shape_cast %mul3A_330 : vector<16xf32> to vector<1x16xf32>
      tpu.vector_store %arg13[%swap3A_331, %swap3A_332], %swap3A_335 {strides = array<i32>} : memref<80x128xf32, #tpu.memory_space<vmem>>, vector<1x16xf32>,
      %sub3A_336 = arith.subf %get3A_325, %get3A_329 : vector<16xf32>
      %swap3A_337 = arith.index_cast %scan3A_152 : i32 to index
      %swap3A_338 = arith.constant 112 : index
      %swap3A_339 = tpu.vector_load %arg12[%swap3A_337, %swap3A_338] {strides = array<i32>} : memref<80x128xf32, #tpu.memory_space<vmem>>, vector<1x16xf32>,
      %swap3A_340 = vector.shape_cast %swap3A_339 : vector<1x16xf32> to vector<16xf32>
      %swap3A_341 = vector.shape_cast %sub3A_336 : vector<16xf32> to vector<1x16xf32>
      tpu.vector_store %arg12[%swap3A_337, %swap3A_338], %swap3A_341 {strides = array<i32>} : memref<80x128xf32, #tpu.memory_space<vmem>>, vector<1x16xf32>,
      %mul3A_342 = arith.mulf %get3A_325, %get3A_325 : vector<16xf32>
      %add3A_343 = arith.addf %add3A_319, %mul3A_342 : vector<16xf32>
      %mul3A_344 = arith.mulf %get3A_329, %get3A_329 : vector<16xf32>
      %add3A_345 = arith.addf %add3A_321, %mul3A_344 : vector<16xf32>
      scf.yield %add3A_343, %add3A_345 : vector<16xf32>, vector<16xf32>
    }
    %scan3A_95 = arith.constant 80 : i32
    %get3A = arith.constant 0 : i32
    %get3A_96 = arith.index_cast %get3A : i32 to index
    %get3A_97 = arith.constant 0 : index
    %get3A_98 = tpu.vector_load %arg16[%get3A_96, %get3A_97] {strides = array<i32>} : memref<2x16xf32, #tpu.memory_space<vmem>>, vector<1x16xf32>,
    %get3A_99 = vector.shape_cast %get3A_98 : vector<1x16xf32> to vector<16xf32>
    %add3A_100 = arith.addf %get3A_99, %scan3A_94#0 : vector<16xf32>
    %swap3A_101 = arith.constant 0 : i32
    %swap3A_102 = arith.index_cast %swap3A_101 : i32 to index
    %swap3A_103 = arith.constant 0 : index
    %swap3A_104 = tpu.vector_load %arg16[%swap3A_102, %swap3A_103] {strides = array<i32>} : memref<2x16xf32, #tpu.memory_space<vmem>>, vector<1x16xf32>,
    %swap3A_105 = vector.shape_cast %swap3A_104 : vector<1x16xf32> to vector<16xf32>
    %swap3A_106 = vector.shape_cast %add3A_100 : vector<16xf32> to vector<1x16xf32>
    tpu.vector_store %arg16[%swap3A_102, %swap3A_103], %swap3A_106 {strides = array<i32>} : memref<2x16xf32, #tpu.memory_space<vmem>>, vector<1x16xf32>,
    %get3A_107 = arith.constant 1 : i32
    %get3A_108 = arith.index_cast %get3A_107 : i32 to index
    %get3A_109 = arith.constant 0 : index
    %get3A_110 = tpu.vector_load %arg16[%get3A_108, %get3A_109] {strides = array<i32>} : memref<2x16xf32, #tpu.memory_space<vmem>>, vector<1x16xf32>,
    %get3A_111 = vector.shape_cast %get3A_110 : vector<1x16xf32> to vector<16xf32>
    %add3A_112 = arith.addf %get3A_111, %scan3A_94#1 : vector<16xf32>
    %swap3A_113 = arith.constant 1 : i32
    %swap3A_114 = arith.index_cast %swap3A_113 : i32 to index
    %swap3A_115 = arith.constant 0 : index
    %swap3A_116 = tpu.vector_load %arg16[%swap3A_114, %swap3A_115] {strides = array<i32>} : memref<2x16xf32, #tpu.memory_space<vmem>>, vector<1x16xf32>,
    %swap3A_117 = vector.shape_cast %swap3A_116 : vector<1x16xf32> to vector<16xf32>
    %swap3A_118 = vector.shape_cast %add3A_112 : vector<16xf32> to vector<1x16xf32>
    tpu.vector_store %arg16[%swap3A_114, %swap3A_115], %swap3A_118 {strides = array<i32>} : memref<2x16xf32, #tpu.memory_space<vmem>>, vector<1x16xf32>,
    "tpu.region"() ({
      %run_scoped3A = tpu.sem_alloc : memref<!tpu.dma_semaphore, #tpu.memory_space<semaphore_mem>>
      %dma_start3A_152 = arith.constant 0 : i32
      %dma_start3A_153 = tpu.memref_slice %arg5[%mul3A_82, %dma_start3A_152] : memref<327680x128xf32, #tpu.memory_space<hbm>> -> memref<80x128xf32, #tpu.memory_space<hbm>>
      %dma_start3A_154 = arith.constant 0 : i32
      %dma_start3A_155 = tpu.memref_slice %arg5[%mul3A_82, %dma_start3A_154] : memref<327680x128xf32, #tpu.memory_space<hbm>> -> memref<80x128xf32, #tpu.memory_space<hbm>>
      tpu.enqueue_dma source(%arg13 : memref<80x128xf32, #tpu.memory_space<vmem>>) target(%dma_start3A_155 : memref<80x128xf32, #tpu.memory_space<hbm>>) target_semaphore(%run_scoped3A : memref<!tpu.dma_semaphore, #tpu.memory_space<semaphore_mem>>)
      %dma_wait3A_156 = arith.constant 0 : i32
      %dma_wait3A_157 = tpu.memref_slice %arg5[%mul3A_82, %dma_wait3A_156] : memref<327680x128xf32, #tpu.memory_space<hbm>> -> memref<80x128xf32, #tpu.memory_space<hbm>>
      %dma_wait3A_158 = arith.constant 0 : i32
      %dma_wait3A_159 = tpu.memref_slice %arg5[%mul3A_82, %dma_wait3A_158] : memref<327680x128xf32, #tpu.memory_space<hbm>> -> memref<80x128xf32, #tpu.memory_space<hbm>>
      tpu.wait_dma2 semaphore(%run_scoped3A : memref<!tpu.dma_semaphore, #tpu.memory_space<semaphore_mem>>) src(%arg13 : memref<80x128xf32, #tpu.memory_space<vmem>>) dst(%dma_wait3A_159 : memref<80x128xf32, #tpu.memory_space<hbm>>)
      tpu.yield
    }) : () -> ()
    "tpu.region"() ({
      %run_scoped3A = tpu.sem_alloc : memref<!tpu.dma_semaphore, #tpu.memory_space<semaphore_mem>>
      %dma_start3A_152 = arith.constant 0 : i32
      %dma_start3A_153 = arith.constant 0 : i32
      %dma_start3A_154 = tpu.memref_slice %arg17[%dma_start3A_152, %dma_start3A_153] : memref<10112x128xf32, #tpu.memory_space<vmem_shared>> -> memref<10112x128xf32, #tpu.memory_space<vmem_shared>>
      tpu.enqueue_indirect_dma source(%arg12 : memref<80x128xf32, #tpu.memory_space<vmem>>) target(%dma_start3A_154 : memref<10112x128xf32, #tpu.memory_space<vmem_shared>>) offsets(%arg9 : memref<80xi32, #tpu.memory_space<vmem>>) semaphore(%run_scoped3A : memref<!tpu.dma_semaphore, #tpu.memory_space<semaphore_mem>>) {add = true}
      %dma_wait3A_155 = arith.constant 0 : i32
      %dma_wait3A_156 = arith.constant 0 : i32
      %dma_wait3A_157 = tpu.memref_slice %arg17[%dma_wait3A_155, %dma_wait3A_156] : memref<10112x128xf32, #tpu.memory_space<vmem_shared>> -> memref<10112x128xf32, #tpu.memory_space<vmem_shared>>
      tpu.wait_indirect_dma semaphore(%run_scoped3A : memref<!tpu.dma_semaphore, #tpu.memory_space<semaphore_mem>>) src(%arg12 : memref<80x128xf32, #tpu.memory_space<vmem>>) dst(%dma_wait3A_157 : memref<10112x128xf32, #tpu.memory_space<vmem_shared>>)
      tpu.yield
    }) : () -> ()
    "tpu.region"() ({
      %run_scoped3A = tpu.sem_alloc : memref<!tpu.dma_semaphore, #tpu.memory_space<semaphore_mem>>
      %dma_start3A_152 = arith.constant 0 : i32
      %dma_start3A_153 = arith.constant 0 : i32
      %dma_start3A_154 = tpu.memref_slice %arg7[%dma_start3A_152, %add3A, %dma_start3A_153] : memref<2x32x16xf32, #tpu.memory_space<hbm>> -> memref<2x1x16xf32, #tpu.memory_space<hbm>>
      %dma_start3A_155 = tpu.memref_squeeze %dma_start3A_154 : memref<2x1x16xf32, #tpu.memory_space<hbm>> -> memref<2x16xf32, #tpu.memory_space<hbm>>
      %dma_start3A_156 = arith.constant 0 : i32
      %dma_start3A_157 = arith.constant 0 : i32
      %dma_start3A_158 = tpu.memref_slice %arg7[%dma_start3A_156, %add3A, %dma_start3A_157] : memref<2x32x16xf32, #tpu.memory_space<hbm>> -> memref<2x1x16xf32, #tpu.memory_space<hbm>>
      %dma_start3A_159 = tpu.memref_squeeze %dma_start3A_158 : memref<2x1x16xf32, #tpu.memory_space<hbm>> -> memref<2x16xf32, #tpu.memory_space<hbm>>
      tpu.enqueue_dma source(%arg16 : memref<2x16xf32, #tpu.memory_space<vmem>>) target(%dma_start3A_159 : memref<2x16xf32, #tpu.memory_space<hbm>>) target_semaphore(%run_scoped3A : memref<!tpu.dma_semaphore, #tpu.memory_space<semaphore_mem>>)
      %dma_wait3A_160 = arith.constant 0 : i32
      %dma_wait3A_161 = arith.constant 0 : i32
      %dma_wait3A_162 = tpu.memref_slice %arg7[%dma_wait3A_160, %add3A, %dma_wait3A_161] : memref<2x32x16xf32, #tpu.memory_space<hbm>> -> memref<2x1x16xf32, #tpu.memory_space<hbm>>
      %dma_wait3A_163 = tpu.memref_squeeze %dma_wait3A_162 : memref<2x1x16xf32, #tpu.memory_space<hbm>> -> memref<2x16xf32, #tpu.memory_space<hbm>>
      %dma_wait3A_164 = arith.constant 0 : i32
      %dma_wait3A_165 = arith.constant 0 : i32
      %dma_wait3A_166 = tpu.memref_slice %arg7[%dma_wait3A_164, %add3A, %dma_wait3A_165] : memref<2x32x16xf32, #tpu.memory_space<hbm>> -> memref<2x1x16xf32, #tpu.memory_space<hbm>>
      %dma_wait3A_167 = tpu.memref_squeeze %dma_wait3A_166 : memref<2x1x16xf32, #tpu.memory_space<hbm>> -> memref<2x16xf32, #tpu.memory_space<hbm>>
      tpu.wait_dma2 semaphore(%run_scoped3A : memref<!tpu.dma_semaphore, #tpu.memory_space<semaphore_mem>>) src(%arg16 : memref<2x16xf32, #tpu.memory_space<vmem>>) dst(%dma_wait3A_167 : memref<2x16xf32, #tpu.memory_space<hbm>>)
      tpu.yield
    }) : () -> ()
    %barrier3A_119 = arith.constant 0 : index
    tpu.barrier barrier_id(%barrier3A_119)
    %mul3A_120 = arith.constant 632 : i32
    %mul3A_121 = arith.muli %arg1, %mul3A_120 : i32
    %add3A_122 = arith.constant 0 : i32
    %add3A_123 = arith.addi %mul3A_121, %add3A_122 : i32
    "tpu.region"() ({
      %run_scoped3A = tpu.sem_alloc : memref<!tpu.dma_semaphore, #tpu.memory_space<semaphore_mem>>
      %dma_start3A_152 = arith.constant 0 : i32
      %dma_start3A_153 = tpu.memref_slice %arg6[%arg0, %add3A_123, %dma_start3A_152] : memref<2x10112x128xf32, #tpu.memory_space<hbm>> -> memref<1x80x128xf32, #tpu.memory_space<hbm>>
      %dma_start3A_154 = tpu.memref_squeeze %dma_start3A_153 : memref<1x80x128xf32, #tpu.memory_space<hbm>> -> memref<80x128xf32, #tpu.memory_space<hbm>>
      %dma_start3A_155 = arith.constant 0 : i32
      %dma_start3A_156 = tpu.memref_slice %arg17[%add3A_123, %dma_start3A_155] : memref<10112x128xf32, #tpu.memory_space<vmem_shared>> -> memref<80x128xf32, #tpu.memory_space<vmem_shared>>
      tpu.enqueue_dma source(%dma_start3A_156 : memref<80x128xf32, #tpu.memory_space<vmem_shared>>) target(%dma_start3A_154 : memref<80x128xf32, #tpu.memory_space<hbm>>) target_semaphore(%run_scoped3A : memref<!tpu.dma_semaphore, #tpu.memory_space<semaphore_mem>>)
      %dma_wait3A_157 = arith.constant 0 : i32
      %dma_wait3A_158 = tpu.memref_slice %arg6[%arg0, %add3A_123, %dma_wait3A_157] : memref<2x10112x128xf32, #tpu.memory_space<hbm>> -> memref<1x80x128xf32, #tpu.memory_space<hbm>>
      %dma_wait3A_159 = tpu.memref_squeeze %dma_wait3A_158 : memref<1x80x128xf32, #tpu.memory_space<hbm>> -> memref<80x128xf32, #tpu.memory_space<hbm>>
      %dma_wait3A_160 = arith.constant 0 : i32
      %dma_wait3A_161 = tpu.memref_slice %arg17[%add3A_123, %dma_wait3A_160] : memref<10112x128xf32, #tpu.memory_space<vmem_shared>> -> memref<80x128xf32, #tpu.memory_space<vmem_shared>>
      tpu.wait_dma2 semaphore(%run_scoped3A : memref<!tpu.dma_semaphore, #tpu.memory_space<semaphore_mem>>) src(%dma_wait3A_161 : memref<80x128xf32, #tpu.memory_space<vmem_shared>>) dst(%dma_wait3A_159 : memref<80x128xf32, #tpu.memory_space<hbm>>)
      tpu.yield
    }) : () -> ()
    %mul3A_124 = arith.constant 632 : i32
    %mul3A_125 = arith.muli %arg1, %mul3A_124 : i32
    %add3A_126 = arith.constant 80 : i32
    %add3A_127 = arith.addi %mul3A_125, %add3A_126 : i32
    "tpu.region"() ({
      %run_scoped3A = tpu.sem_alloc : memref<!tpu.dma_semaphore, #tpu.memory_space<semaphore_mem>>
      %dma_start3A_152 = arith.constant 0 : i32
      %dma_start3A_153 = tpu.memref_slice %arg6[%arg0, %add3A_127, %dma_start3A_152] : memref<2x10112x128xf32, #tpu.memory_space<hbm>> -> memref<1x80x128xf32, #tpu.memory_space<hbm>>
      %dma_start3A_154 = tpu.memref_squeeze %dma_start3A_153 : memref<1x80x128xf32, #tpu.memory_space<hbm>> -> memref<80x128xf32, #tpu.memory_space<hbm>>
      %dma_start3A_155 = arith.constant 0 : i32
      %dma_start3A_156 = tpu.memref_slice %arg17[%add3A_127, %dma_start3A_155] : memref<10112x128xf32, #tpu.memory_space<vmem_shared>> -> memref<80x128xf32, #tpu.memory_space<vmem_shared>>
      tpu.enqueue_dma source(%dma_start3A_156 : memref<80x128xf32, #tpu.memory_space<vmem_shared>>) target(%dma_start3A_154 : memref<80x128xf32, #tpu.memory_space<hbm>>) target_semaphore(%run_scoped3A : memref<!tpu.dma_semaphore, #tpu.memory_space<semaphore_mem>>)
      %dma_wait3A_157 = arith.constant 0 : i32
      %dma_wait3A_158 = tpu.memref_slice %arg6[%arg0, %add3A_127, %dma_wait3A_157] : memref<2x10112x128xf32, #tpu.memory_space<hbm>> -> memref<1x80x128xf32, #tpu.memory_space<hbm>>
      %dma_wait3A_159 = tpu.memref_squeeze %dma_wait3A_158 : memref<1x80x128xf32, #tpu.memory_space<hbm>> -> memref<80x128xf32, #tpu.memory_space<hbm>>
      %dma_wait3A_160 = arith.constant 0 : i32
      %dma_wait3A_161 = tpu.memref_slice %arg17[%add3A_127, %dma_wait3A_160] : memref<10112x128xf32, #tpu.memory_space<vmem_shared>> -> memref<80x128xf32, #tpu.memory_space<vmem_shared>>
      tpu.wait_dma2 semaphore(%run_scoped3A : memref<!tpu.dma_semaphore, #tpu.memory_space<semaphore_mem>>) src(%dma_wait3A_161 : memref<80x128xf32, #tpu.memory_space<vmem_shared>>) dst(%dma_wait3A_159 : memref<80x128xf32, #tpu.memory_space<hbm>>)
      tpu.yield
    }) : () -> ()
    %mul3A_128 = arith.constant 632 : i32
    %mul3A_129 = arith.muli %arg1, %mul3A_128 : i32
    %add3A_130 = arith.constant 160 : i32
    %add3A_131 = arith.addi %mul3A_129, %add3A_130 : i32
    "tpu.region"() ({
      %run_scoped3A = tpu.sem_alloc : memref<!tpu.dma_semaphore, #tpu.memory_space<semaphore_mem>>
      %dma_start3A_152 = arith.constant 0 : i32
      %dma_start3A_153 = tpu.memref_slice %arg6[%arg0, %add3A_131, %dma_start3A_152] : memref<2x10112x128xf32, #tpu.memory_space<hbm>> -> memref<1x80x128xf32, #tpu.memory_space<hbm>>
      %dma_start3A_154 = tpu.memref_squeeze %dma_start3A_153 : memref<1x80x128xf32, #tpu.memory_space<hbm>> -> memref<80x128xf32, #tpu.memory_space<hbm>>
      %dma_start3A_155 = arith.constant 0 : i32
      %dma_start3A_156 = tpu.memref_slice %arg17[%add3A_131, %dma_start3A_155] : memref<10112x128xf32, #tpu.memory_space<vmem_shared>> -> memref<80x128xf32, #tpu.memory_space<vmem_shared>>
      tpu.enqueue_dma source(%dma_start3A_156 : memref<80x128xf32, #tpu.memory_space<vmem_shared>>) target(%dma_start3A_154 : memref<80x128xf32, #tpu.memory_space<hbm>>) target_semaphore(%run_scoped3A : memref<!tpu.dma_semaphore, #tpu.memory_space<semaphore_mem>>)
      %dma_wait3A_157 = arith.constant 0 : i32
      %dma_wait3A_158 = tpu.memref_slice %arg6[%arg0, %add3A_131, %dma_wait3A_157] : memref<2x10112x128xf32, #tpu.memory_space<hbm>> -> memref<1x80x128xf32, #tpu.memory_space<hbm>>
      %dma_wait3A_159 = tpu.memref_squeeze %dma_wait3A_158 : memref<1x80x128xf32, #tpu.memory_space<hbm>> -> memref<80x128xf32, #tpu.memory_space<hbm>>
      %dma_wait3A_160 = arith.constant 0 : i32
      %dma_wait3A_161 = tpu.memref_slice %arg17[%add3A_131, %dma_wait3A_160] : memref<10112x128xf32, #tpu.memory_space<vmem_shared>> -> memref<80x128xf32, #tpu.memory_space<vmem_shared>>
      tpu.wait_dma2 semaphore(%run_scoped3A : memref<!tpu.dma_semaphore, #tpu.memory_space<semaphore_mem>>) src(%dma_wait3A_161 : memref<80x128xf32, #tpu.memory_space<vmem_shared>>) dst(%dma_wait3A_159 : memref<80x128xf32, #tpu.memory_space<hbm>>)
      tpu.yield
    }) : () -> ()
    %mul3A_132 = arith.constant 632 : i32
    %mul3A_133 = arith.muli %arg1, %mul3A_132 : i32
    %add3A_134 = arith.constant 240 : i32
    %add3A_135 = arith.addi %mul3A_133, %add3A_134 : i32
    "tpu.region"() ({
      %run_scoped3A = tpu.sem_alloc : memref<!tpu.dma_semaphore, #tpu.memory_space<semaphore_mem>>
      %dma_start3A_152 = arith.constant 0 : i32
      %dma_start3A_153 = tpu.memref_slice %arg6[%arg0, %add3A_135, %dma_start3A_152] : memref<2x10112x128xf32, #tpu.memory_space<hbm>> -> memref<1x80x128xf32, #tpu.memory_space<hbm>>
      %dma_start3A_154 = tpu.memref_squeeze %dma_start3A_153 : memref<1x80x128xf32, #tpu.memory_space<hbm>> -> memref<80x128xf32, #tpu.memory_space<hbm>>
      %dma_start3A_155 = arith.constant 0 : i32
      %dma_start3A_156 = tpu.memref_slice %arg17[%add3A_135, %dma_start3A_155] : memref<10112x128xf32, #tpu.memory_space<vmem_shared>> -> memref<80x128xf32, #tpu.memory_space<vmem_shared>>
      tpu.enqueue_dma source(%dma_start3A_156 : memref<80x128xf32, #tpu.memory_space<vmem_shared>>) target(%dma_start3A_154 : memref<80x128xf32, #tpu.memory_space<hbm>>) target_semaphore(%run_scoped3A : memref<!tpu.dma_semaphore, #tpu.memory_space<semaphore_mem>>)
      %dma_wait3A_157 = arith.constant 0 : i32
      %dma_wait3A_158 = tpu.memref_slice %arg6[%arg0, %add3A_135, %dma_wait3A_157] : memref<2x10112x128xf32, #tpu.memory_space<hbm>> -> memref<1x80x128xf32, #tpu.memory_space<hbm>>
      %dma_wait3A_159 = tpu.memref_squeeze %dma_wait3A_158 : memref<1x80x128xf32, #tpu.memory_space<hbm>> -> memref<80x128xf32, #tpu.memory_space<hbm>>
      %dma_wait3A_160 = arith.constant 0 : i32
      %dma_wait3A_161 = tpu.memref_slice %arg17[%add3A_135, %dma_wait3A_160] : memref<10112x128xf32, #tpu.memory_space<vmem_shared>> -> memref<80x128xf32, #tpu.memory_space<vmem_shared>>
      tpu.wait_dma2 semaphore(%run_scoped3A : memref<!tpu.dma_semaphore, #tpu.memory_space<semaphore_mem>>) src(%dma_wait3A_161 : memref<80x128xf32, #tpu.memory_space<vmem_shared>>) dst(%dma_wait3A_159 : memref<80x128xf32, #tpu.memory_space<hbm>>)
      tpu.yield
    }) : () -> ()
    %mul3A_136 = arith.constant 632 : i32
    %mul3A_137 = arith.muli %arg1, %mul3A_136 : i32
    %add3A_138 = arith.constant 320 : i32
    %add3A_139 = arith.addi %mul3A_137, %add3A_138 : i32
    "tpu.region"() ({
      %run_scoped3A = tpu.sem_alloc : memref<!tpu.dma_semaphore, #tpu.memory_space<semaphore_mem>>
      %dma_start3A_152 = arith.constant 0 : i32
      %dma_start3A_153 = tpu.memref_slice %arg6[%arg0, %add3A_139, %dma_start3A_152] : memref<2x10112x128xf32, #tpu.memory_space<hbm>> -> memref<1x80x128xf32, #tpu.memory_space<hbm>>
      %dma_start3A_154 = tpu.memref_squeeze %dma_start3A_153 : memref<1x80x128xf32, #tpu.memory_space<hbm>> -> memref<80x128xf32, #tpu.memory_space<hbm>>
      %dma_start3A_155 = arith.constant 0 : i32
      %dma_start3A_156 = tpu.memref_slice %arg17[%add3A_139, %dma_start3A_155] : memref<10112x128xf32, #tpu.memory_space<vmem_shared>> -> memref<80x128xf32, #tpu.memory_space<vmem_shared>>
      tpu.enqueue_dma source(%dma_start3A_156 : memref<80x128xf32, #tpu.memory_space<vmem_shared>>) target(%dma_start3A_154 : memref<80x128xf32, #tpu.memory_space<hbm>>) target_semaphore(%run_scoped3A : memref<!tpu.dma_semaphore, #tpu.memory_space<semaphore_mem>>)
      %dma_wait3A_157 = arith.constant 0 : i32
      %dma_wait3A_158 = tpu.memref_slice %arg6[%arg0, %add3A_139, %dma_wait3A_157] : memref<2x10112x128xf32, #tpu.memory_space<hbm>> -> memref<1x80x128xf32, #tpu.memory_space<hbm>>
      %dma_wait3A_159 = tpu.memref_squeeze %dma_wait3A_158 : memref<1x80x128xf32, #tpu.memory_space<hbm>> -> memref<80x128xf32, #tpu.memory_space<hbm>>
      %dma_wait3A_160 = arith.constant 0 : i32
      %dma_wait3A_161 = tpu.memref_slice %arg17[%add3A_139, %dma_wait3A_160] : memref<10112x128xf32, #tpu.memory_space<vmem_shared>> -> memref<80x128xf32, #tpu.memory_space<vmem_shared>>
      tpu.wait_dma2 semaphore(%run_scoped3A : memref<!tpu.dma_semaphore, #tpu.memory_space<semaphore_mem>>) src(%dma_wait3A_161 : memref<80x128xf32, #tpu.memory_space<vmem_shared>>) dst(%dma_wait3A_159 : memref<80x128xf32, #tpu.memory_space<hbm>>)
      tpu.yield
    }) : () -> ()
    %mul3A_140 = arith.constant 632 : i32
    %mul3A_141 = arith.muli %arg1, %mul3A_140 : i32
    %add3A_142 = arith.constant 400 : i32
    %add3A_143 = arith.addi %mul3A_141, %add3A_142 : i32
    "tpu.region"() ({
      %run_scoped3A = tpu.sem_alloc : memref<!tpu.dma_semaphore, #tpu.memory_space<semaphore_mem>>
      %dma_start3A_152 = arith.constant 0 : i32
      %dma_start3A_153 = tpu.memref_slice %arg6[%arg0, %add3A_143, %dma_start3A_152] : memref<2x10112x128xf32, #tpu.memory_space<hbm>> -> memref<1x80x128xf32, #tpu.memory_space<hbm>>
      %dma_start3A_154 = tpu.memref_squeeze %dma_start3A_153 : memref<1x80x128xf32, #tpu.memory_space<hbm>> -> memref<80x128xf32, #tpu.memory_space<hbm>>
      %dma_start3A_155 = arith.constant 0 : i32
      %dma_start3A_156 = tpu.memref_slice %arg17[%add3A_143, %dma_start3A_155] : memref<10112x128xf32, #tpu.memory_space<vmem_shared>> -> memref<80x128xf32, #tpu.memory_space<vmem_shared>>
      tpu.enqueue_dma source(%dma_start3A_156 : memref<80x128xf32, #tpu.memory_space<vmem_shared>>) target(%dma_start3A_154 : memref<80x128xf32, #tpu.memory_space<hbm>>) target_semaphore(%run_scoped3A : memref<!tpu.dma_semaphore, #tpu.memory_space<semaphore_mem>>)
      %dma_wait3A_157 = arith.constant 0 : i32
      %dma_wait3A_158 = tpu.memref_slice %arg6[%arg0, %add3A_143, %dma_wait3A_157] : memref<2x10112x128xf32, #tpu.memory_space<hbm>> -> memref<1x80x128xf32, #tpu.memory_space<hbm>>
      %dma_wait3A_159 = tpu.memref_squeeze %dma_wait3A_158 : memref<1x80x128xf32, #tpu.memory_space<hbm>> -> memref<80x128xf32, #tpu.memory_space<hbm>>
      %dma_wait3A_160 = arith.constant 0 : i32
      %dma_wait3A_161 = tpu.memref_slice %arg17[%add3A_143, %dma_wait3A_160] : memref<10112x128xf32, #tpu.memory_space<vmem_shared>> -> memref<80x128xf32, #tpu.memory_space<vmem_shared>>
      tpu.wait_dma2 semaphore(%run_scoped3A : memref<!tpu.dma_semaphore, #tpu.memory_space<semaphore_mem>>) src(%dma_wait3A_161 : memref<80x128xf32, #tpu.memory_space<vmem_shared>>) dst(%dma_wait3A_159 : memref<80x128xf32, #tpu.memory_space<hbm>>)
      tpu.yield
    }) : () -> ()
    %mul3A_144 = arith.constant 632 : i32
    %mul3A_145 = arith.muli %arg1, %mul3A_144 : i32
    %add3A_146 = arith.constant 480 : i32
    %add3A_147 = arith.addi %mul3A_145, %add3A_146 : i32
    "tpu.region"() ({
      %run_scoped3A = tpu.sem_alloc : memref<!tpu.dma_semaphore, #tpu.memory_space<semaphore_mem>>
      %dma_start3A_152 = arith.constant 0 : i32
      %dma_start3A_153 = tpu.memref_slice %arg6[%arg0, %add3A_147, %dma_start3A_152] : memref<2x10112x128xf32, #tpu.memory_space<hbm>> -> memref<1x80x128xf32, #tpu.memory_space<hbm>>
      %dma_start3A_154 = tpu.memref_squeeze %dma_start3A_153 : memref<1x80x128xf32, #tpu.memory_space<hbm>> -> memref<80x128xf32, #tpu.memory_space<hbm>>
      %dma_start3A_155 = arith.constant 0 : i32
      %dma_start3A_156 = tpu.memref_slice %arg17[%add3A_147, %dma_start3A_155] : memref<10112x128xf32, #tpu.memory_space<vmem_shared>> -> memref<80x128xf32, #tpu.memory_space<vmem_shared>>
      tpu.enqueue_dma source(%dma_start3A_156 : memref<80x128xf32, #tpu.memory_space<vmem_shared>>) target(%dma_start3A_154 : memref<80x128xf32, #tpu.memory_space<hbm>>) target_semaphore(%run_scoped3A : memref<!tpu.dma_semaphore, #tpu.memory_space<semaphore_mem>>)
      %dma_wait3A_157 = arith.constant 0 : i32
      %dma_wait3A_158 = tpu.memref_slice %arg6[%arg0, %add3A_147, %dma_wait3A_157] : memref<2x10112x128xf32, #tpu.memory_space<hbm>> -> memref<1x80x128xf32, #tpu.memory_space<hbm>>
      %dma_wait3A_159 = tpu.memref_squeeze %dma_wait3A_158 : memref<1x80x128xf32, #tpu.memory_space<hbm>> -> memref<80x128xf32, #tpu.memory_space<hbm>>
      %dma_wait3A_160 = arith.constant 0 : i32
      %dma_wait3A_161 = tpu.memref_slice %arg17[%add3A_147, %dma_wait3A_160] : memref<10112x128xf32, #tpu.memory_space<vmem_shared>> -> memref<80x128xf32, #tpu.memory_space<vmem_shared>>
      tpu.wait_dma2 semaphore(%run_scoped3A : memref<!tpu.dma_semaphore, #tpu.memory_space<semaphore_mem>>) src(%dma_wait3A_161 : memref<80x128xf32, #tpu.memory_space<vmem_shared>>) dst(%dma_wait3A_159 : memref<80x128xf32, #tpu.memory_space<hbm>>)
      tpu.yield
    }) : () -> ()
    %mul3A_148 = arith.constant 632 : i32
    %mul3A_149 = arith.muli %arg1, %mul3A_148 : i32
    %add3A_150 = arith.constant 560 : i32
    %add3A_151 = arith.addi %mul3A_149, %add3A_150 : i32
    "tpu.region"() ({
      %run_scoped3A = tpu.sem_alloc : memref<!tpu.dma_semaphore, #tpu.memory_space<semaphore_mem>>
      %dma_start3A_152 = arith.constant 0 : i32
      %dma_start3A_153 = tpu.memref_slice %arg6[%arg0, %add3A_151, %dma_start3A_152] : memref<2x10112x128xf32, #tpu.memory_space<hbm>> -> memref<1x72x128xf32, #tpu.memory_space<hbm>>
      %dma_start3A_154 = tpu.memref_squeeze %dma_start3A_153 : memref<1x72x128xf32, #tpu.memory_space<hbm>> -> memref<72x128xf32, #tpu.memory_space<hbm>>
      %dma_start3A_155 = arith.constant 0 : i32
      %dma_start3A_156 = tpu.memref_slice %arg17[%add3A_151, %dma_start3A_155] : memref<10112x128xf32, #tpu.memory_space<vmem_shared>> -> memref<72x128xf32, #tpu.memory_space<vmem_shared>>
      tpu.enqueue_dma source(%dma_start3A_156 : memref<72x128xf32, #tpu.memory_space<vmem_shared>>) target(%dma_start3A_154 : memref<72x128xf32, #tpu.memory_space<hbm>>) target_semaphore(%run_scoped3A : memref<!tpu.dma_semaphore, #tpu.memory_space<semaphore_mem>>)
      %dma_wait3A_157 = arith.constant 0 : i32
      %dma_wait3A_158 = tpu.memref_slice %arg6[%arg0, %add3A_151, %dma_wait3A_157] : memref<2x10112x128xf32, #tpu.memory_space<hbm>> -> memref<1x72x128xf32, #tpu.memory_space<hbm>>
      %dma_wait3A_159 = tpu.memref_squeeze %dma_wait3A_158 : memref<1x72x128xf32, #tpu.memory_space<hbm>> -> memref<72x128xf32, #tpu.memory_space<hbm>>
      %dma_wait3A_160 = arith.constant 0 : i32
      %dma_wait3A_161 = tpu.memref_slice %arg17[%add3A_151, %dma_wait3A_160] : memref<10112x128xf32, #tpu.memory_space<vmem_shared>> -> memref<72x128xf32, #tpu.memory_space<vmem_shared>>
      tpu.wait_dma2 semaphore(%run_scoped3A : memref<!tpu.dma_semaphore, #tpu.memory_space<semaphore_mem>>) src(%dma_wait3A_161 : memref<72x128xf32, #tpu.memory_space<vmem_shared>>) dst(%dma_wait3A_159 : memref<72x128xf32, #tpu.memory_space<hbm>>)
      tpu.yield
    }) : () -> ()
    return
  }
}

module attributes {stable_mosaic.version = 14 : i64} {
  func.func @_score_body(%arg0: i32, %arg1: memref<2x512xf32, #tpu.memory_space<vmem>>, %arg2: memref<8192x128xf32, #tpu.memory_space<vmem>>, %arg3: memref<128x128xf32, #tpu.memory_space<vmem>>, %arg4: memref<8192xf32, #tpu.memory_space<vmem>>) attributes {dimension_semantics = [#tpu.dimension_semantics<arbitrary>], iteration_bounds = array<i64: 40>, scalar_prefetch = 0 : i64, scratch_operands = 0 : i64, tpu.core_type = #tpu.core_type<tc>, window_params = [{pipeline_mode = #tpu.pipeline_mode<synchronous>, transform_indices = @transform_0, window_bounds = array<i64: 2, 512>}, {transform_indices = @transform_1, window_bounds = array<i64: 8192, 128>}, {pipeline_mode = #tpu.pipeline_mode<synchronous>, transform_indices = @transform_2, window_bounds = array<i64: 128, 128>}, {transform_indices = @transform_3, window_bounds = array<i64: 8192>}]} {
    %get3A = arith.constant 0 : index
    %get3A_0 = arith.constant 0 : index
    %get3A_1 = vector.load %arg1[%get3A, %get3A_0] : memref<2x512xf32, #tpu.memory_space<vmem>>, vector<2x512xf32>
    %reduce_sum3A = arith.constant dense<0.000000e+00> : vector<2xf32>
    %reduce_sum3A_2 = vector.multi_reduction <add>, %get3A_1, %reduce_sum3A [1] : vector<2x512xf32> to vector<2xf32>
    %slice3A = vector.extract_strided_slice %reduce_sum3A_2 {offsets = [0], sizes = [1], strides = [1]} : vector<2xf32> to vector<1xf32>
    %squeeze3A = vector.extract %slice3A[0] : f32 from vector<1xf32>
    %sqrt3A = math.sqrt %squeeze3A : f32
    %slice3A_3 = vector.extract_strided_slice %reduce_sum3A_2 {offsets = [1], sizes = [1], strides = [1]} : vector<2xf32> to vector<1xf32>
    %squeeze3A_4 = vector.extract %slice3A_3[0] : f32 from vector<1xf32>
    %sqrt3A_5 = math.sqrt %squeeze3A_4 : f32
    %mul3A = arith.mulf %sqrt3A, %sqrt3A_5 : f32
    %add3A = arith.constant 9.99999997E-7 : f32
    %add3A_6 = arith.addf %mul3A, %add3A : f32
    %get3A_7 = arith.constant 0 : index
    %get3A_8 = arith.constant 0 : index
    %get3A_9 = vector.load %arg2[%get3A_7, %get3A_8] : memref<8192x128xf32, #tpu.memory_space<vmem>>, vector<8192x128xf32>
    %convert_element_type3A = arith.truncf %get3A_9 : vector<8192x128xf32> to vector<8192x128xbf16>
    %convert_element_type3A_10 = arith.extf %convert_element_type3A : vector<8192x128xbf16> to vector<8192x128xf32>
    %sub3A = arith.subf %get3A_9, %convert_element_type3A_10 : vector<8192x128xf32>
    %convert_element_type3A_11 = arith.truncf %sub3A : vector<8192x128xf32> to vector<8192x128xbf16>
    %get3A_12 = arith.constant 0 : index
    %get3A_13 = arith.constant 0 : index
    %get3A_14 = vector.load %arg3[%get3A_12, %get3A_13] : memref<128x128xf32, #tpu.memory_space<vmem>>, vector<128x128xf32>
    %convert_element_type3A_15 = arith.truncf %get3A_14 : vector<128x128xf32> to vector<128x128xbf16>
    %convert_element_type3A_16 = arith.extf %convert_element_type3A_15 : vector<128x128xbf16> to vector<128x128xf32>
    %sub3A_17 = arith.subf %get3A_14, %convert_element_type3A_16 : vector<128x128xf32>
    %convert_element_type3A_18 = arith.truncf %sub3A_17 : vector<128x128xf32> to vector<128x128xbf16>
    %dot_general3A = arith.constant dense<0.000000e+00> : vector<128x8192xf32>
    %dot_general3A_19 = tpu.matmul %convert_element_type3A_15, %convert_element_type3A, %dot_general3A {dimension_numbers = #tpu.dot_dimension_numbers<[0], [1], [1], [0], [0, 1, 1, 0], [], []>, transpose_lhs_hint = false} : vector<128x128xbf16>, vector<8192x128xbf16>, vector<128x8192xf32> -> vector<128x8192xf32>
    %dot_general3A_20 = arith.constant dense<0.000000e+00> : vector<128x8192xf32>
    %dot_general3A_21 = tpu.matmul %convert_element_type3A_18, %convert_element_type3A, %dot_general3A_20 {dimension_numbers = #tpu.dot_dimension_numbers<[0], [1], [1], [0], [0, 1, 1, 0], [], []>, transpose_lhs_hint = false} : vector<128x128xbf16>, vector<8192x128xbf16>, vector<128x8192xf32> -> vector<128x8192xf32>
    %add3A_22 = arith.addf %dot_general3A_19, %dot_general3A_21 : vector<128x8192xf32>
    %dot_general3A_23 = arith.constant dense<0.000000e+00> : vector<128x8192xf32>
    %dot_general3A_24 = tpu.matmul %convert_element_type3A_15, %convert_element_type3A_11, %dot_general3A_23 {dimension_numbers = #tpu.dot_dimension_numbers<[0], [1], [1], [0], [0, 1, 1, 0], [], []>, transpose_lhs_hint = false} : vector<128x128xbf16>, vector<8192x128xbf16>, vector<128x8192xf32> -> vector<128x8192xf32>
    %add3A_25 = arith.addf %add3A_22, %dot_general3A_24 : vector<128x8192xf32>
    %max3A = arith.constant 0.000000e+00 : f32
    %max3A_26 = vector.broadcast %max3A : f32 to vector<128x8192xf32>
    %max3A_27 = arith.maximumf %add3A_25, %max3A_26 : vector<128x8192xf32>
    %reduce_sum3A_28 = arith.constant dense<0.000000e+00> : vector<8192xf32>
    %reduce_sum3A_29 = vector.multi_reduction <add>, %max3A_27, %reduce_sum3A_28 [0] : vector<128x8192xf32> to vector<8192xf32>
    %div3A = vector.broadcast %add3A_6 : f32 to vector<8192xf32>
    %div3A_30 = arith.divf %reduce_sum3A_29, %div3A : vector<8192xf32>
    %jit3A = arith.constant -5.000000e+00 : f32
    %jit3A_31 = arith.constant 5.000000e+00 : f32
    %max3A_32 = vector.broadcast %jit3A : f32 to vector<8192xf32>
    %max3A_33 = arith.maximumf %max3A_32, %div3A_30 : vector<8192xf32>
    %min3A = vector.broadcast %jit3A_31 : f32 to vector<8192xf32>
    %min3A_34 = arith.minimumf %min3A, %max3A_33 : vector<8192xf32>
    %exp3A = math.exp %min3A_34 : vector<8192xf32>
    %swap3A = arith.constant 0 : index
    %swap3A_35 = vector.load %arg4[%swap3A] : memref<8192xf32, #tpu.memory_space<vmem>>, vector<8192xf32>
    tpu.vector_store %arg4[%swap3A], %exp3A {strides = array<i32>} : memref<8192xf32, #tpu.memory_space<vmem>>, vector<8192xf32>,
    return
  }
  func.func @transform_0(%arg0: i32) -> (i32, i32) {
    %c0_i32 = arith.constant 0 : i32
    %c0_i32_0 = arith.constant 0 : i32
    %c0_i32_1 = arith.constant 0 : i32
    return %c0_i32, %c0_i32_0 : i32, i32
  }
  func.func @transform_1(%arg0: i32) -> (i32, i32) {
    %c0_i32 = arith.constant 0 : i32
    %c0_i32_0 = arith.constant 0 : i32
    return %arg0, %c0_i32 : i32, i32
  }
  func.func @transform_2(%arg0: i32) -> (i32, i32) {
    %c0_i32 = arith.constant 0 : i32
    %c0_i32_0 = arith.constant 0 : i32
    %c0_i32_1 = arith.constant 0 : i32
    return %c0_i32, %c0_i32_0 : i32, i32
  }
  func.func @transform_3(%arg0: i32) -> i32 {
    %c0_i32 = arith.constant 0 : i32
    return %arg0 : i32
  }
}

module attributes {stable_mosaic.version = 14 : i64} {
  func.func @_combine_body(%arg0: i32, %arg1: memref<2x2528x128xf32, #tpu.memory_space<vmem>>, %arg2: memref<2528x128xf32, #tpu.memory_space<vmem>>) attributes {dimension_semantics = [#tpu.dimension_semantics<arbitrary>], iteration_bounds = array<i64: 4>, scalar_prefetch = 0 : i64, scratch_operands = 0 : i64, tpu.core_type = #tpu.core_type<tc>, window_params = [{transform_indices = @transform_0, window_bounds = array<i64: 2, 2528, 128>}, {transform_indices = @transform_1, window_bounds = array<i64: 2528, 128>}]} {
    %get3A = arith.constant 0 : index
    %get3A_0 = arith.constant 0 : index
    %get3A_1 = arith.constant 0 : index
    %get3A_2 = vector.load %arg1[%get3A, %get3A_0, %get3A_1] : memref<2x2528x128xf32, #tpu.memory_space<vmem>>, vector<1x2528x128xf32>
    %get3A_3 = vector.shape_cast %get3A_2 : vector<1x2528x128xf32> to vector<2528x128xf32>
    %get3A_4 = arith.constant 1 : index
    %get3A_5 = arith.constant 0 : index
    %get3A_6 = arith.constant 0 : index
    %get3A_7 = vector.load %arg1[%get3A_4, %get3A_5, %get3A_6] : memref<2x2528x128xf32, #tpu.memory_space<vmem>>, vector<1x2528x128xf32>
    %get3A_8 = vector.shape_cast %get3A_7 : vector<1x2528x128xf32> to vector<2528x128xf32>
    %add3A = arith.addf %get3A_3, %get3A_8 : vector<2528x128xf32>
    %swap3A = arith.constant 0 : index
    %swap3A_9 = arith.constant 0 : index
    %swap3A_10 = vector.load %arg2[%swap3A, %swap3A_9] : memref<2528x128xf32, #tpu.memory_space<vmem>>, vector<2528x128xf32>
    tpu.vector_store %arg2[%swap3A, %swap3A_9], %add3A {strides = array<i32>} : memref<2528x128xf32, #tpu.memory_space<vmem>>, vector<2528x128xf32>,
    return
  }
  func.func @transform_0(%arg0: i32) -> (i32, i32, i32) {
    %c0_i32 = arith.constant 0 : i32
    %c0_i32_0 = arith.constant 0 : i32
    %c0_i32_1 = arith.constant 0 : i32
    return %c0_i32, %arg0, %c0_i32_0 : i32, i32, i32
  }
  func.func @transform_1(%arg0: i32) -> (i32, i32) {
    %c0_i32 = arith.constant 0 : i32
    %c0_i32_0 = arith.constant 0 : i32
    return %arg0, %c0_i32 : i32, i32
  }
}

module attributes {stable_mosaic.version = 14 : i64} {
  func.func @_ffn_body(%arg0: i32, %arg1: memref<2x2000x128xf32, #tpu.memory_space<vmem>>, %arg2: memref<128x128xf32, #tpu.memory_space<vmem>>, %arg3: memref<1x128xf32, #tpu.memory_space<vmem>>, %arg4: memref<2000x128xf32, #tpu.memory_space<vmem>>) attributes {dimension_semantics = [#tpu.dimension_semantics<arbitrary>], iteration_bounds = array<i64: 5>, scalar_prefetch = 0 : i64, scratch_operands = 0 : i64, tpu.core_type = #tpu.core_type<tc>, window_params = [{transform_indices = @transform_0, window_bounds = array<i64: 2, 2000, 128>}, {pipeline_mode = #tpu.pipeline_mode<synchronous>, transform_indices = @transform_1, window_bounds = array<i64: 128, 128>}, {pipeline_mode = #tpu.pipeline_mode<synchronous>, transform_indices = @transform_2, window_bounds = array<i64: 1, 128>}, {transform_indices = @transform_3, window_bounds = array<i64: 2000, 128>}]} {
    %get3A = arith.constant 0 : index
    %get3A_0 = arith.constant 0 : index
    %get3A_1 = arith.constant 0 : index
    %get3A_2 = vector.load %arg1[%get3A, %get3A_0, %get3A_1] : memref<2x2000x128xf32, #tpu.memory_space<vmem>>, vector<1x2000x128xf32>
    %get3A_3 = vector.shape_cast %get3A_2 : vector<1x2000x128xf32> to vector<2000x128xf32>
    %get3A_4 = arith.constant 1 : index
    %get3A_5 = arith.constant 0 : index
    %get3A_6 = arith.constant 0 : index
    %get3A_7 = vector.load %arg1[%get3A_4, %get3A_5, %get3A_6] : memref<2x2000x128xf32, #tpu.memory_space<vmem>>, vector<1x2000x128xf32>
    %get3A_8 = vector.shape_cast %get3A_7 : vector<1x2000x128xf32> to vector<2000x128xf32>
    %add3A = arith.addf %get3A_3, %get3A_8 : vector<2000x128xf32>
    %get3A_9 = arith.constant 0 : index
    %get3A_10 = arith.constant 0 : index
    %get3A_11 = vector.load %arg2[%get3A_9, %get3A_10] : memref<128x128xf32, #tpu.memory_space<vmem>>, vector<128x128xf32>
    %dot_general3A = arith.constant dense<0.000000e+00> : vector<2000x128xf32>
    %dot_general3A_12 = tpu.matmul %add3A, %get3A_11, %dot_general3A {dimension_numbers = #tpu.dot_dimension_numbers<[1], [1], [0], [0], [0, 0, 1, 0], [], []>, transpose_lhs_hint = false} : vector<2000x128xf32>, vector<128x128xf32>, vector<2000x128xf32> -> vector<2000x128xf32>
    %get3A_13 = arith.constant 0 : index
    %get3A_14 = arith.constant 0 : index
    %get3A_15 = vector.load %arg3[%get3A_13, %get3A_14] : memref<1x128xf32, #tpu.memory_space<vmem>>, vector<1x128xf32>
    %add3A_16 = vector.broadcast %get3A_15 : vector<1x128xf32> to vector<2000x128xf32>
    %add3A_17 = arith.addf %dot_general3A_12, %add3A_16 : vector<2000x128xf32>
    %max3A = arith.constant 0.000000e+00 : f32
    %max3A_18 = vector.broadcast %max3A : f32 to vector<2000x128xf32>
    %max3A_19 = arith.maximumf %add3A_17, %max3A_18 : vector<2000x128xf32>
    %swap3A = arith.constant 0 : index
    %swap3A_20 = arith.constant 0 : index
    %swap3A_21 = vector.load %arg4[%swap3A, %swap3A_20] : memref<2000x128xf32, #tpu.memory_space<vmem>>, vector<2000x128xf32>
    tpu.vector_store %arg4[%swap3A, %swap3A_20], %max3A_19 {strides = array<i32>} : memref<2000x128xf32, #tpu.memory_space<vmem>>, vector<2000x128xf32>,
    return
  }
  func.func @transform_0(%arg0: i32) -> (i32, i32, i32) {
    %c0_i32 = arith.constant 0 : i32
    %c0_i32_0 = arith.constant 0 : i32
    %c0_i32_1 = arith.constant 0 : i32
    return %c0_i32, %arg0, %c0_i32_0 : i32, i32, i32
  }
  func.func @transform_1(%arg0: i32) -> (i32, i32) {
    %c0_i32 = arith.constant 0 : i32
    %c0_i32_0 = arith.constant 0 : i32
    %c0_i32_1 = arith.constant 0 : i32
    return %c0_i32, %c0_i32_0 : i32, i32
  }
  func.func @transform_2(%arg0: i32) -> (i32, i32) {
    %c0_i32 = arith.constant 0 : i32
    %c0_i32_0 = arith.constant 0 : i32
    %c0_i32_1 = arith.constant 0 : i32
    return %c0_i32, %c0_i32_0 : i32, i32
  }
  func.func @transform_3(%arg0: i32) -> (i32, i32) {
    %c0_i32 = arith.constant 0 : i32
    %c0_i32_0 = arith.constant 0 : i32
    return %arg0, %c0_i32 : i32, i32
  }
}

</mosaic_0001>

<sc_bundles>
// kernel: k1_gather_prod_segsum.3.cloned.1.call-start
scs
__scs_entry_jumppad:
0x0: {  	(pc) =	sbr.rel $0x88, $3  }
0x1: {  	(tag) =	ssettag $0x0;
	lr =	simm.s32 $0x1  }
0x2: {  	[smem:$0x3F9C] =	sst lr;
	_ =	strace $0xD0000000  }
0x3: {  	_ = 	snop  }
0x4: {  	_ = 	snop  }
0x5: {  	_ = 	snop  }
0x6: {  	_ = 	snop  }
0x7: {  	_ = 	snop  }
__scs_overlays_trampoline_lowered:
0x8: {  	[smem:$0x3FAB] =	sst s0  }
0x9: {  	[smem:$0x3FAC] =	sst s1  }
0xa: {  	[smem:$0x3FAD] =	sst s2  }
0xb: {  	[smem:$0x3FAE] =	sst s3  }
0xc: {  	[smem:$0x3FAF] =	sst s4  }
0xd: {  	[smem:$0x3FB0] =	sst s5  }
0xe: {  	[smem:$0x3FB1] =	sst s6  }
0xf: {  	[smem:$0x3FB2] =	sst s7  }
0x10: {  	[smem:$0x3FB3] =	sst s8  }
0x11: {  	[smem:$0x3FB4] =	sst s9;
	s0 =	simm.s32 @!p0 $0x0  }
0x12: {  	s1 =	sld [smem:$0x3F9A];
	s0 =	simm.s32 @p0 $0x1  }
0x13: {  	[smem:$0x3FB5] =	sst s0;
	s0 =	simm.s32 @!p1 $0x0  }
0x14: {  	s2 =	sld [smem:$0x3F99];
	s0 =	simm.s32 @p1 $0x1  }
0x15: {  	[smem:$0x3FB6] =	sst s0;
	s0 =	simm.s32 @!p2 $0x0  }
0x16: {  	s3 =	sld [smem:$0x3FDB];
	s0 =	simm.s32 @p2 $0x1  }
0x17: {  	s4 =	simm.s32 $0x1BF5;
	[smem:$0x3FB8] =	sst s0  }
0x18: {  	s0 =	sld [smem:$0x3F9B];
	_ =	swait.ge [sflag:s4], $0x0  }
0x19: {  	s7 =	sld [smem:$0x3F9C]  }
0x1a: {  	s8 =	sadd.s32 $0xFFFFE003, lr  }
0x1b: {  	s9 =	sadd.s32 $0xFFFFFEF7, lr;
	s5 =	simm.s32 $0xFFFFFFFF;
	p2 =	slt.u32 s8, $0xFFFFF086  }
0x1c: {  	p1 =	slt.u32 s9, $0xF7A;
	s5 =	simm.s32 @!p2 $0x0  }
0x1d: {  	s5 =	simm.s32 @p1 $0x1;
	p0 =	seq.s32 s7, s2  }
0x1e: {  	s7 =	smul.u32 @!p0 $0xF7A, s2;
	p2 =	seq.s32 @!p0 s5, $0x0  }
0x1f: {  	s9 =	smul.u32 $0xF7A, s1;
	s8 =	simm.s32 @!p0 $0x1BF5;
	p2 =	por !p2, p0  }
0x20: {  	[sflag:s8] =	ssyncset.s32 @!p0 $0xFFFFF086;
	s6 =	sadd.s32 @!p0 s3, s7;
	s7 =	simm.s32 @!p0 $0x108  }
0x21: {  	s3 =	sadd.s32 s3, s9;
	s6 =	sadd.s32 @!p0 $0x88, s6;
	s7 =	simm.s32 @p2 $0x1082  }
0x22: {  	[simem:s7], [sflag:s8] =	dma.local @!p0 [hbm:s6], $0xF7A  }
0x23: {  	s9 =	sor.u32 $0xD0000000, s2;
	s6 =	simm.s32 $0x108;
	_ =	swait.ge @!p0 [sflag:s8], $0x0  }
0x24: {  	s3 =	sadd.s32 $0x88, s3;
	s6 =	simm.s32 @!p1 $0x1082;
	[sflag:s4] =	ssyncset.s32 $0xFFFFF086  }
0x25: {  	[simem:s6], [sflag:s4] =	dma.local [hbm:s3], $0xF7A  }
0x26: {  	[smem:$0x3F9C] =	sst s1;
	(tag) =	ssettag s2;
	_ =	strace s9  }
0x27: {  	s1 =	sld [smem:$0x3FAC]  }
0x28: {  	s2 =	sld [smem:$0x3FAD]  }
0x29: {  	s4 =	sld [smem:$0x3FAF]  }
0x2a: {  	p0 =	seq.s32 s5, $0x0;
	s5 =	sld [smem:$0x3FB0]  }
0x2b: {  	s6 =	sld [smem:$0x3FB1]  }
0x2c: {  	s7 =	sld [smem:$0x3FB2]  }
0x2d: {  	s3 =	simm.s32 $0x108;
	s8 =	sld [smem:$0x3FB3]  }
0x2e: {  	s3 =	simm.s32 @!p0 $0x1082;
	s9 =	sld [smem:$0x3FB4]  }
0x2f: {  	lr =	sadd.s32 s0, s3;
	s0 =	sld [smem:$0x3FAB]  }
0x30: {  	s3 =	sld [smem:$0x3FAE]  }
0x31: {  	[smem:$0x3FB7] =	sst s10  }
0x32: {  	s10 =	sld [smem:$0x3FB5];
	_ =	sdelay $0x3  }
0x33: {  	p0 =	seq.s32 s10, $0x1;
	s10 =	sld [smem:$0x3FB7];
	_ =	sdelay $0x3  }
0x34: {  	[smem:$0x3FB7] =	sst s10  }
0x35: {  	s10 =	sld [smem:$0x3FB6];
	_ =	sdelay $0x3  }
0x36: {  	p1 =	seq.s32 s10, $0x1;
	s10 =	sld [smem:$0x3FB7];
	_ =	sdelay $0x3  }
0x37: {  	[smem:$0x3FB7] =	sst s10  }
0x38: {  	s10 =	sld [smem:$0x3FB8]  }
0x39: {  	_ = 	snop;
	(pc) =	sbr.ind lr, $3  }
0x3a: {  	_ = 	snop  }
0x3b: {  	_ = 	snop  }
0x3c: {  	p2 =	seq.s32 s10, $0x1;
	s10 =	sld [smem:$0x3FB7]  }
0x3d: {  	_ =	shalt  }
0x3e: {  	_ =	shalt  }
0x3f: {  	_ =	shalt  }
0x40: {  	_ =	shalt  }
0x41: {  	_ =	shalt  }
0x42: {  	_ =	shalt  }
0x43: {  	_ =	shalt  }
0x44: {  	_ =	shalt  }
0x45: {  	_ =	shalt  }
0x46: {  	_ =	shalt  }
0x47: {  	_ =	shalt  }
0x48: {  	_ =	shalt  }
0x49: {  	_ =	shalt  }
0x4a: {  	_ =	shalt  }
0x4b: {  	_ =	shalt  }
0x4c: {  	_ =	shalt  }
0x4d: {  	_ =	shalt  }
0x4e: {  	_ =	shalt  }
0x4f: {  	_ =	shalt  }
0x50: {  	_ =	shalt  }
0x51: {  	_ =	shalt  }
0x52: {  	_ =	shalt  }
0x53: {  	_ =	shalt  }
0x54: {  	_ =	shalt  }
0x55: {  	_ =	shalt  }
0x56: {  	_ =	shalt  }
0x57: {  	_ =	shalt  }
0x58: {  	_ =	shalt  }
0x59: {  	_ =	shalt  }
0x5a: {  	_ =	shalt  }
0x5b: {  	_ =	shalt  }
0x5c: {  	_ =	shalt  }
0x5d: {  	_ =	shalt  }
0x5e: {  	_ =	shalt  }
0x5f: {  	_ =	shalt  }
0x60: {  	_ =	shalt  }
0x61: {  	_ =	shalt  }
0x62: {  	_ =	shalt  }
0x63: {  	_ =	shalt  }
0x64: {  	_ =	shalt  }
0x65: {  	_ =	shalt  }
0x66: {  	_ =	shalt  }
0x67: {  	_ =	shalt  }
0x68: {  	_ =	shalt  }
0x69: {  	_ =	shalt  }
0x6a: {  	_ =	shalt  }
0x6b: {  	_ =	shalt  }
0x6c: {  	_ =	shalt  }
0x6d: {  	_ =	shalt  }
0x6e: {  	_ =	shalt  }
0x6f: {  	_ =	shalt  }
0x70: {  	_ =	shalt  }
0x71: {  	_ =	shalt  }
0x72: {  	_ =	shalt  }
0x73: {  	_ =	shalt  }
0x74: {  	_ =	shalt  }
0x75: {  	_ =	shalt  }
0x76: {  	_ =	shalt  }
0x77: {  	_ =	shalt  }
0x78: {  	_ =	shalt  }
0x79: {  	_ =	shalt  }
0x7a: {  	_ =	shalt  }
0x7b: {  	_ =	shalt  }
0x7c: {  	_ =	shalt  }
0x7d: {  	_ =	shalt  }
0x7e: {  	_ =	shalt  }
0x7f: {  	_ =	shalt  }
0x80: {  	_ =	shalt  }
0x81: {  	_ =	shalt  }
0x82: {  	_ =	shalt  }
0x83: {  	_ =	shalt  }
0x84: {  	_ =	shalt  }
0x85: {  	_ =	shalt  }
0x86: {  	_ =	shalt  }
0x87: {  	_ =	shalt  }
.Lfunc_end0:
.L_simem_size_0:
called_computation_lowered:
.L_overlay_start_0:
0x88: {  	s2 =	sld [smem:$0x3FD9]  }
0x89: {  	s3 =	sld [smem:$0x3FFE];
	_ =	sdelay $0x1  }
0x8a: {  	s1 =	srdreg.scid  }
0x8b: {  	s0 =	sand.u32 $0x1, s1  }
0x8c: {  	s17 =	sshll.u32 s0, $0xA;
	s2 =	sadd.s32 s3, s2  }
0x8d: {  	s2 =	sadd.s32 s2, s17  }
0x8e: {  	[smem:$0x3FC3] =	sst s2  }
0x8f: {  	_ = 	snop  }
0x90: {  	s2 =	sld [smem:$0x3FC9]  }
0x91: {  	s18 =	sld [smem:$0x3FD0];
	(tm) =	ssettm $0x1  }
0x92: {  	s4 =	sld [smem:$0x3FFB];
	_ =	sdelay $0x3  }
0x93: {  	_ =	strace s4  }
0x94: {  	s4 =	sld [smem:$0x3FFC];
	_ =	sdelay $0x3  }
0x95: {  	_ =	strace s4  }
0x96: {  	s4 =	sld [smem:$0x3FFD];
	_ =	sdelay $0x3  }
0x97: {  	_ =	strace s4  }
0x98: {  	_ =	strace $0x8FFFFFFF  }
0x99: {  	s19 =	sld [smem:$0x3FDB];
	_ =	sdelay $0x1  }
0x9a: {  	s5 =	simm.s32 $_scs_section_size  }
0x9b: {  	s6 =	simm.s32 $_size__tile_overlayer_lowered;
	s7 =	simm.s32 $_tile_overlayer_lowered  }
0x9c: {  	s22 =	simm.s32 $0x1BFF;
	s21 =	sshll.u32 s7, $0x1;
	s4 =	sadd.s32 s5, s19  }
0x9d: {  	s8 =	simm.s32 $0x0;
	s20 =	sshll.u32 s6, $0x1;
	s6 =	sadd.s32 s21, s4  }
0x9e: {  	[timem:s8], [sflag:s22] =	dma.local [hbm:s6], s20  }
0x9f: {  	_ =	swait.ge [sflag:s22], s20  }
0xa0: {  	s5 =	ssub.s32 $0x0, s20;
	[sflag:s22] =	ssyncset.done $0x0  }
0xa1: {  	[sflag:s22] =	ssyncadd.s32 s5;
	_ =	sdelay $0x1  }
0xa2: {  	s23 =	simm.s32 $0x1B8B  }
0xa3: {  	_ =	swait.ge [sflag:s23], $0x1  }
0xa4: {  	[sflag:s23] =	ssyncset.done $0x0  }
0xa5: {  	s25 =	simm.s32 $0x1B8E;
	s24 =	sld [smem:$0x3FFE];
	[sflag:s23] =	ssyncadd.s32 $0xFFFFFFFF  }
0xa6: {  	s26 =	simm.s32 $execute0_lowered;
	[smem:$0x3FD2] =	sst s25  }
0xa7: {  	s6 =	sshll.u32 s26, $0x1;
	_ =	strace $0x80000046;
	[dreg:$0x1] =	wrdreg $0xFFFFFFFF  }
0xa8: {  	s28 =	simm.s32 $_size_execute0_lowered;
	s4 =	sadd.s32 s4, s6;
	[dreg:$0x0] =	wrdreg $0x0  }
0xa9: {  	s6 =	sshll.u32 s28, $0x1;
	[dreg:$0x2] =	wrdreg s4  }
0xaa: {  	[dreg:$0x3] =	wrdreg s6  }
0xab: {  	[dreg:$0x4] =	wrdreg $0xC0  }
0xac: {  	_ =	task [dreg:s8], $0x5FFFF  }
0xad: {  	[dreg:$0x1] =	wrdreg $0xFFFFFFFF  }
0xae: {  	[dreg:$0x0] =	wrdreg $0x60  }
0xaf: {  	[dreg:$0x2] =	wrdreg s2  }
0xb0: {  	[dreg:$0x3] =	wrdreg s24  }
0xb1: {  	[dreg:$0x4] =	wrdreg s18  }
0xb2: {  	[dreg:$0x5] =	wrdreg $0xA3000  }
0xb3: {  	[dreg:$0x6] =	wrdreg $0x9  }
0xb4: {  	_ =	task.clear_ibuf [dreg:s8], $0x7FFFF;
	_ =	strace $0x90000046  }
0xb5: {  	s29 =	simm.s32 $0x9;
	_ =	strace $0x80000048  }
0xb6: {  	_ =	swait.ge [sflag:s29], $0x1  }
0xb7: {  	[sflag:s29] =	ssyncadd.s32 $0xFFFFFFFF  }
0xb8: {  	_ =	strace $0x90000048  }
0xb9: {  	_ =	sfence  }
0xba: {  	s30 =	sld [smem:$0x0];
	_ =	sdelay $0x2  }
0xbb: {  	s31 =	sshll.u32 s1, $0xD;
	s1 =	sshrl.u32 s1, $0x2  }
0xbc: {  	s3 =	sand.u32 $0x4000, s31;
	s1 =	sadd.s32 s1, s30  }
0xbd: {  	s0 =	sor.u32 s3, s0;
	s1 =	sshll.u32 s1, $0x11  }
0xbe: {  	s0 =	sor.u32 s1, s0  }
0xbf: {  	s0 =	sadd.s32 $0x8F2B, s0  }
0xc0: {  	[sflag:s0] =	ssyncadd.remote.s32 $0x1  }
0xc1: {  	_ =	sfence.sel $0xFFFF  }
0xc2: {  	[dreg:$0x0] =	wrdreg $0xFFFFFFFF;
	(pc) =	sbr.abs _section_cstart, $3  }
0xc3: {  	[dreg:$0x1] =	wrdreg $0xFFFFFFFF  }
0xc4: {  	_ =	task.clear_ibuf [dreg:s8], $0x2FFFF;
	_ =	strace $0x9FFFFFFF  }
0xc5: {  	(tm) =	ssettm $0x7FFFFFFF  }
tec
execute0_lowered:
.L_overlay_start_1:
0x0: {  	(tag) =	ssettag $0x1  }
0x1: {  	s1 =	rddreg [dreg:$0x0]  }
0x2: {  	s0 =	rddreg [dreg:$0x1]  }
0x3: {  	s2 =	rddreg [dreg:$0x2]  }
0x4: {  	s3 =	rddreg [dreg:$0x3];
	s5 =	srdreg.scid;
	s4 =	simm.s32 $0x0  }
0x5: {  	s11 =	stileid.u32;
	s28 =	simm.s32 $0x5200;
	s29 =	simm.s32 $0x7A00  }
0x6: {  	s30 =	simm.s32 $0x1;
	s31 =	simm.s32 $0x2;
	s7 =	smul.u32 $0x4F000, s11  }
0x7: {  	s6 =	sand.u32 $0x1, s5;
	[smem:$0x7FF] =	sst s4;
	s9 =	smul.u32 $0x13C00, s11  }
0x8: {  	s10 =	sadd.s32 $0x14E00, s0;
	s21 =	sshll.u32 s11, $0x1;
	s5 =	ssub.s32 $0x2, s6  }
0x9: {  	_ =	strace $0x80000047;
	s8 =	sshrl.u32 s5, $0x1;
	s7 =	sshrl.u32 s7, $0x2  }
0xa: {  	s22 =	sadd.s32 $0x2800, s9;
	s24 =	sadd.s32 $0x5000, s9;
	s25 =	sadd.s32 $0x7800, s9  }
0xb: {  	s13 =	sadd.s32 $0xA000, s9;
	s15 =	sadd.s32 $0xF000, s9;
	s23 =	sadd.s32 s22, s3  }
0xc: {  	s16 =	sadd.s32 $0x11800, s9;
	s12 =	sadd.s32 s24, s3;
	[dreg:$0x6] =	wrdreg s23  }
0xd: {  	s8 =	ssub.s32 s5, s8;
	s14 =	sadd.s32 s25, s3;
	[dreg:$0x7] =	wrdreg s12  }
0xe: {  	s5 =	sor.u32 s6, s21;
	s26 =	sadd.s32 s13, s3;
	[dreg:$0x8] =	wrdreg s14  }
0xf: {  	s20 =	sadd.s32 s7, s3;
	s6 =	smul.u32 $0x13C000, s6;
	[dreg:$0x9] =	wrdreg s26  }
0x10: {  	s14 =	sadd.s32 $0xC800, s9;
	s17 =	sshll.u32 s5, $0x4;
	s12 =	smul.u32 $0x50, s5  }
0x11: {  	[dreg:$0x5] =	wrdreg s20;
	s9 =	sadd.s32 s9, s6;
	s11 =	sadd.s32 s6, s22  }
0x12: {  	s2 =	sadd.s32 s2, s17;
	s18 =	sadd.s32 s6, s24;
	s19 =	sadd.s32 s6, s25  }
0x13: {  	s21 =	sadd.s32 s6, s13;
	s25 =	sadd.s32 s6, s14;
	s26 =	sadd.s32 s6, s15  }
0x14: {  	s6 =	sadd.s32 s6, s16;
	s13 =	sadd.s32 s14, s3;
	s14 =	sadd.s32 s15, s3  }
0x15: {  	s15 =	smul.u32 $0x2800, s5;
	s16 =	sadd.s32 s16, s3;
	[dreg:$0xa] =	wrdreg s2  }
0x16: {  	s9 =	sshrl.u32 s9, $0x3;
	s11 =	sshrl.u32 s11, $0x3;
	[dreg:$0x13] =	wrdreg s13  }
0x17: {  	s22 =	sshrl.u32 s19, $0x3;
	s23 =	sshrl.u32 s21, $0x3;
	[dreg:$0x14] =	wrdreg s14  }
0x18: {  	s6 =	sshrl.u32 s6, $0x3;
	[dreg:$0x15] =	wrdreg s16;
	s13 =	sor.u32 $0x60, s5  }
0x19: {  	s14 =	simm.s32 $0x200;
	s16 =	simm.s32 $0x80;
	s2 =	sadd.s32 s10, s9  }
0x1a: {  	s17 =	sadd.s32 s10, s11;
	s24 =	sadd.s32 s10, s23;
	s9 =	sshrl.u32 s26, $0x3  }
0x1b: {  	s11 =	sadd.s32 s10, s6;
	s6 =	sshrl.u32 s15, $0x3;
	[dreg:$0xb] =	wrdreg s2  }
0x1c: {  	s23 =	sadd.s32 $0xB000, s0;
	s26 =	smax.u32 s8, $0x1;
	[dreg:$0xc] =	wrdreg s17  }
0x1d: {  	s15 =	simm.s32 $0x5;
	s2 =	sshrl.u32 s18, $0x3;
	[dreg:$0xf] =	wrdreg s24  }
0x1e: {  	[dreg:$0x12] =	wrdreg s11;
	s17 =	smul.u32 $0xA, s5;
	s24 =	sadd.s32 $0x1200, s0  }
0x1f: {  	[dreg:$0x1c] =	wrdreg s26;
	s11 =	sadd.s32 $0x6DE00, s0;
	s2 =	sadd.s32 s10, s2  }
0x20: {  	s26 =	simm.s32 $0x180;
	[dreg:$0xd] =	wrdreg s2;
	s2 =	sadd.s32 s10, s22  }
0x21: {  	s18 =	sadd.s32 s23, s17;
	s7 =	sadd.s32 s24, s17;
	[dreg:$0xe] =	wrdreg s2  }
0x22: {  	s17 =	simm.s32 $0x50;
	s2 =	sshrl.u32 s25, $0x3;
	[dreg:$0x16] =	wrdreg s18  }
0x23: {  	s25 =	sadd.s32 $0x63E00, s0;
	[dreg:$0x17] =	wrdreg s7;
	s18 =	simm.s32 $0x2A00  }
0x24: {  	s0 =	simm.s32 $0x6;
	s7 =	simm.s32 $0x0;
	s2 =	sadd.s32 s10, s2  }
0x25: {  	s6 =	sadd.s32 s25, s6;
	[dreg:$0x10] =	wrdreg s2;
	s2 =	sadd.s32 s10, s9  }
0x26: {  	s21 =	sadd.s32 $0x4CE000, s6;
	[dreg:$0x11] =	wrdreg s2;
	s2 =	sshrl.u32 s12, $0x3  }
0x27: {  	s22 =	sadd.s32 $0x4D8000, s6;
	[dreg:$0x1a] =	wrdreg s21;
	s2 =	sadd.s32 $0x140, s2  }
0x28: {  	s6 =	simm.s32 $0x4;
	[dreg:$0x1b] =	wrdreg s22;
	s19 =	sadd.s32 s23, s2  }
0x29: {  	s12 =	sor.u32 $0x40, s5;
	s2 =	sadd.s32 s24, s2;
	[dreg:$0x18] =	wrdreg s19  }
0x2a: {  	v0 =	vimm.f32 $0.0e+00;
	[dreg:$0x19] =	wrdreg s2;
	s19 =	simm.s32 $0x100;
	s2 =	simm.s32 $0x3  }
.LBB2_1:
0x2b: {  	s8 =	simm.s32 $0x0;
	s9 =	simm.s32 $0x200  }
.LBB2_2:
0x2c: {  	p0 =	sne.s32 s9, $0x9E00;
	[tilespmem:s8+$0x270] =	vst v0  }
0x2d: {  	[tilespmem:s8+$0x200] =	vst v0  }
0x2e: {  	[tilespmem:s8+$0x210] =	vst v0  }
.Ltmp0:
0x2f: {  	[tilespmem:s8+$0x220] =	vst v0;
	(pc) =	sbr.rel @p0 .LBB2_2-.Ltmp0, $4  }
0x30: {  	[tilespmem:s8+$0x230] =	vst v0  }
0x31: {  	[tilespmem:s8+$0x240] =	vst v0  }
0x32: {  	[tilespmem:s8+$0x250] =	vst v0  }
0x33: {  	[tilespmem:s8+$0x260] =	vst v0;
	s8 =	sshra.s32 s9, $0x2;
	s9 =	sadd.s32 $0x200, s9  }
0x34: {  	[tilespmem:s8+$0x270] =	vst v0  }
0x35: {  	[tilespmem:s8+$0x200] =	vst v0  }
0x36: {  	[tilespmem:s8+$0x210] =	vst v0  }
0x37: {  	[tilespmem:s8+$0x220] =	vst v0  }
0x38: {  	[tilespmem:s8+$0x230] =	vst v0  }
0x39: {  	[tilespmem:s8+$0x240] =	vst v0  }
0x3a: {  	[tilespmem:s8+$0x250] =	vst v0  }
0x3b: {  	[tilespmem:s8+$0x260] =	vst v0  }
0x3c: {  	[spmem:s20] =	stream.linear.scatter [tilespmem:s14], [sflag:$0x5], $0x2800, $0x38;
	[tilespmem:$0x1DF00] =	vst v63  }
0x3d: {  	_ =	swait.ge [sflag:s15], $0x2800  }
0x3e: {  	[sflag:s15] =	ssyncset.done $0x0  }
0x3f: {  	s9 =	rddreg [dreg:$0x6];
	[sflag:s15] =	ssyncadd.s32 $0xFFFFD800  }
0x40: {  	[spmem:s9] =	stream.linear.scatter [tilespmem:s14], [sflag:$0x5], $0x2800, $0x38;
	[tilespmem:$0x1DF00] =	vst v63  }
0x41: {  	_ =	swait.ge [sflag:s15], $0x2800  }
0x42: {  	[sflag:s15] =	ssyncset.done $0x0  }
0x43: {  	s10 =	rddreg [dreg:$0x7];
	[sflag:s15] =	ssyncadd.s32 $0xFFFFD800  }
0x44: {  	[spmem:s10] =	stream.linear.scatter [tilespmem:s14], [sflag:$0x5], $0x2800, $0x38;
	[tilespmem:$0x1DF00] =	vst v63  }
0x45: {  	_ =	swait.ge [sflag:s15], $0x2800  }
0x46: {  	[sflag:s15] =	ssyncset.done $0x0  }
0x47: {  	s20 =	rddreg [dreg:$0x8];
	[sflag:s15] =	ssyncadd.s32 $0xFFFFD800  }
0x48: {  	[spmem:s20] =	stream.linear.scatter [tilespmem:s14], [sflag:$0x5], $0x2800, $0x38;
	[tilespmem:$0x1DF00] =	vst v63  }
0x49: {  	_ =	swait.ge [sflag:s15], $0x2800  }
0x4a: {  	[sflag:s15] =	ssyncset.done $0x0  }
0x4b: {  	s21 =	rddreg [dreg:$0x9];
	[sflag:s15] =	ssyncadd.s32 $0xFFFFD800  }
0x4c: {  	[spmem:s21] =	stream.linear.scatter [tilespmem:s14], [sflag:$0x5], $0x2800, $0x38;
	[tilespmem:$0x1DF00] =	vst v63  }
0x4d: {  	_ =	swait.ge [sflag:s15], $0x2800  }
0x4e: {  	[sflag:s15] =	ssyncset.done $0x0  }
0x4f: {  	s22 =	rddreg [dreg:$0x13];
	[sflag:s15] =	ssyncadd.s32 $0xFFFFD800  }
0x50: {  	[spmem:s22] =	stream.linear.scatter [tilespmem:s14], [sflag:$0x5], $0x2800, $0x38;
	[tilespmem:$0x1DF00] =	vst v63  }
0x51: {  	_ =	swait.ge [sflag:s15], $0x2800  }
0x52: {  	[sflag:s15] =	ssyncset.done $0x0  }
0x53: {  	s9 =	rddreg [dreg:$0x14];
	[sflag:s15] =	ssyncadd.s32 $0xFFFFD800  }
0x54: {  	[spmem:s9] =	stream.linear.scatter [tilespmem:s14], [sflag:$0x5], $0x2800, $0x38;
	[tilespmem:$0x1DF00] =	vst v63  }
0x55: {  	_ =	swait.ge [sflag:s15], $0x2800  }
0x56: {  	[sflag:s15] =	ssyncset.done $0x0  }
0x57: {  	s10 =	rddreg [dreg:$0x15];
	[sflag:s15] =	ssyncadd.s32 $0xFFFFD800  }
0x58: {  	[spmem:s10] =	stream.linear.scatter [tilespmem:s14], [sflag:$0x5], $0x2400, $0x38;
	[tilespmem:$0x1DF00] =	vst v63  }
0x59: {  	_ =	swait.ge [sflag:s15], $0x2400  }
0x5a: {  	[sflag:s15] =	ssyncset.done $0x0  }
0x5b: {  	[sflag:s15] =	ssyncadd.s32 $0xFFFFDC00  }
0x5c: {  	[tilespmem:$0xA200] =	vst v0  }
0x5d: {  	[tilespmem:$0xA280] =	vst v0  }
0x5e: {  	[bflag:$0x0] =	sbarrier.arrive $0xFFFF  }
0x5f: {  	s8 =	simm.s32 $0x0;
	s9 =	rddreg [dreg:$0x16]  }
0x60: {  	[tilespmem:s8], [sflag:$0x5] =	stream.linear.gather [hbm4b:s9+s8], $0x50, $0x38;
	[tilespmem:$0x1DF00] =	vst v63  }
0x61: {  	_ =	swait.ge [sflag:s15], $0x50  }
0x62: {  	[sflag:s15] =	ssyncset.done $0x0  }
0x63: {  	s20 =	rddreg [dreg:$0x17];
	[sflag:s15] =	ssyncadd.s32 $0xFFFFFFB0  }
0x64: {  	[tilespmem:s16], [sflag:$0x5] =	stream.linear.gather [hbm4b:s20+s8], $0x50, $0x38;
	[tilespmem:$0x1DF00] =	vst v63  }
0x65: {  	_ =	swait.ge [sflag:s15], $0x50  }
0x66: {  	[sflag:s15] =	ssyncset.done $0x0  }
0x67: {  	[sflag:s15] =	ssyncadd.s32 $0xFFFFFFB0  }
0x68: {  	[tilespmem:s14], [sflag:$0x1] =	stream.indirect.gather [hbm4b:s1+s17], $0x80, s8, s17, $0xb8;
	[tilespmem:$0x1DF00] =	vst v63  }
0x69: {  	_ = 	snop  }
0x6a: {  	[tilespmem:s18], [sflag:$0x2] =	stream.indirect.gather [hbm4b:s1+s17], $0x80, s16, s17, $0xb8;
	[tilespmem:$0x1DF00] =	vst v63  }
0x6b: {  	s21 =	rddreg [dreg:$0x18]  }
0x6c: {  	[tilespmem:s19], [sflag:$0x5] =	stream.linear.gather [hbm4b:s21+s8], $0x50, $0x38;
	[tilespmem:$0x1DF00] =	vst v63  }
0x6d: {  	_ =	swait.ge [sflag:s15], $0x50  }
0x6e: {  	[sflag:s15] =	ssyncset.done $0x0  }
0x6f: {  	s22 =	rddreg [dreg:$0x19];
	[sflag:s15] =	ssyncadd.s32 $0xFFFFFFB0  }
0x70: {  	[tilespmem:s26], [sflag:$0x5] =	stream.linear.gather [hbm4b:s22+s8], $0x50, $0x38;
	[tilespmem:$0x1DF00] =	vst v63  }
0x71: {  	_ =	swait.ge [sflag:s15], $0x50  }
0x72: {  	[sflag:s15] =	ssyncset.done $0x0  }
0x73: {  	[sflag:s15] =	ssyncadd.s32 $0xFFFFFFB0  }
0x74: {  	[tilespmem:s28], [sflag:$0x3] =	stream.indirect.gather [hbm4b:s1+s17], $0x80, s19, s17, $0xb8;
	[tilespmem:$0x1DF00] =	vst v63  }
0x75: {  	_ = 	snop  }
0x76: {  	[tilespmem:s29], [sflag:$0x4] =	stream.indirect.gather [hbm4b:s1+s17], $0x80, s26, s17, $0xb8;
	[tilespmem:$0x1DF00] =	vst v63  }
.LBB2_4:
0x77: {  	_ =	swait.ge [sflag:s30], $0x2800  }
0x78: {  	[sflag:s30] =	ssyncset.done $0x0  }
0x79: {  	[sflag:s30] =	ssyncadd.s32 $0xFFFFD800  }
0x7a: {  	_ =	swait.ge [sflag:s31], $0x2800  }
0x7b: {  	[sflag:s31] =	ssyncset.done $0x0  }
0x7c: {  	s10 =	simm.s32 $0x0;
	[sflag:s31] =	ssyncadd.s32 $0xFFFFD800  }
0x7d: {  	v4 =	vld [tilespmem:s10+$0x2A70]  }
0x7e: {  	v8 =	vld [tilespmem:s10+$0x260]  }
0x7f: {  	v12 =	vld [tilespmem:s10+$0x270]  }
0x80: {  	v14 =	vld [tilespmem:s10+$0x250]  }
0x81: {  	v26 =	vld [tilespmem:s10+$0x2A60]  }
0x82: {  	v15 =	vld [tilespmem:s10+$0x2A50]  }
0x83: {  	v10 =	vld [tilespmem:s10+$0x2A30]  }
0x84: {  	v17 =	vld [tilespmem:s10+$0x230]  }
0x85: {  	v13 =	vld [tilespmem:s10+$0x2A10]  }
0x86: {  	v16 =	vld [tilespmem:s10+$0x220]  }
0x87: {  	v18 =	vld [tilespmem:s10+$0x2A00];
	v1 =	vmul.f32 v4, v12  }
0x88: {  	v19 =	vld [tilespmem:s10+$0x210];
	v2 =	vmul.f32 v26, v8  }
0x89: {  	v20 =	vld [tilespmem:s10+$0x200];
	v3 =	vmul.f32 v15, v14;
	[tilespmem:s10+$0x2A70] =	vst v1  }
0x8a: {  	v21 =	vld [tilespmem:s10+$0x2A40];
	v1 =	vsub.f32 v14, v15;
	[tilespmem:s10+$0x2A60] =	vst v2  }
0x8b: {  	v22 =	vld [tilespmem:s10+$0x240];
	v2 =	vsub.f32 v8, v26;
	[tilespmem:s10+$0x2A50] =	vst v3  }
0x8c: {  	s9 =	simm.s32 $0x80;
	v23 =	vld [tilespmem:s10+$0x2A20];
	v3 =	vsub.f32 v12, v4;
	[tilespmem:s10+$0x250] =	vst v1  }
0x8d: {  	v5 =	vsub.f32 v17, v10;
	v1 =	vld [tilespmem:s9+$0x2A70];
	[tilespmem:s10+$0x260] =	vst v2  }
0x8e: {  	v6 =	vmul.f32 v10, v17;
	v2 =	vld [tilespmem:s9+$0x260];
	[tilespmem:s10+$0x270] =	vst v3  }
0x8f: {  	v7 =	vmul.f32 v13, v19;
	v3 =	vld [tilespmem:s9+$0x270];
	[tilespmem:s10+$0x230] =	vst v5  }
0x90: {  	v9 =	vmul.f32 v18, v20;
	v5 =	vld [tilespmem:s9+$0x250];
	[tilespmem:s10+$0x2A30] =	vst v6  }
0x91: {  	v11 =	vsub.f32 v19, v13;
	v6 =	vld [tilespmem:s9+$0x2A60];
	[tilespmem:s10+$0x2A10] =	vst v7  }
0x92: {  	v24 =	vmul.f32 v21, v22;
	v25 =	vld [tilespmem:s9+$0x2A30];
	[tilespmem:s10+$0x2A00] =	vst v9  }
0x93: {  	v7 =	vld [tilespmem:s9+$0x2A50];
	[tilespmem:s10+$0x210] =	vst v11  }
0x94: {  	v28 =	vimm.f32 $0.0e+00;
	v9 =	vld [tilespmem:s9+$0x230];
	[tilespmem:s10+$0x2A40] =	vst v24;
	v24 =	vmul.f32 v10, v10;
	v10 =	vmul.f32 v20, v20  }
0x95: {  	v27 =	vsub.f32 v16, v23;
	v29 =	vmul.f32 v18, v18;
	v19 =	vmul.f32 v19, v19  }
0x96: {  	v62 =	vmul.f32 v23, v16;
	v17 =	vmul.f32 v17, v17;
	v31 =	vadd.f32 v10, v28  }
0x97: {  	v30 =	vmul.f32 v1, v3;
	v28 =	vadd.f32 v29, v28;
	v29 =	vmul.f32 v13, v13  }
0x98: {  	v11 =	vld [tilespmem:s9+$0x2A10];
	[tilespmem:s10+$0x220] =	vst v27;
	v27 =	vmul.f32 v16, v16;
	v13 =	vmul.f32 v12, v12;
	v12 =	vadd.f32 v19, v31  }
0x99: {  	v20 =	vsub.f32 v20, v18;
	v19 =	vmul.f32 v23, v23;
	v23 =	vadd.f32 v29, v28  }
0x9a: {  	v26 =	vmul.f32 v26, v26;
	v18 =	vsub.f32 v3, v1;
	v10 =	vld [tilespmem:s9+$0x220];
	[tilespmem:s9+$0x2A70] =	vst v30;
	v27 =	vadd.f32 v27, v12  }
0x9b: {  	v16 =	vmul.f32 v8, v8;
	v8 =	vld [tilespmem:s9+$0x2A40];
	[tilespmem:s10+$0x2A20] =	vst v62;
	v28 =	vmul.f32 v15, v15;
	v19 =	vadd.f32 v19, v23  }
0x9c: {  	v63 =	vsub.f32 v5, v7;
	v12 =	vld [tilespmem:s9+$0x2A00];
	[tilespmem:s10+$0x200] =	vst v20;
	v20 =	vmul.f32 v22, v22;
	v17 =	vadd.f32 v17, v27  }
0x9d: {  	v29 =	vmul.f32 v21, v21;
	v23 =	vsub.f32 v22, v21;
	v19 =	vadd.f32 v24, v19  }
0x9e: {  	v22 =	vmul.f32 v6, v2;
	v27 =	vmul.f32 v14, v14;
	v17 =	vadd.f32 v20, v17  }
0x9f: {  	v21 =	vsub.f32 v2, v6;
	v15 =	vld [tilespmem:s9+$0x200];
	[tilespmem:s10+$0x240] =	vst v23;
	v24 =	vmul.f32 v7, v5;
	v29 =	vadd.f32 v29, v19  }
0xa0: {  	v14 =	vmul.f32 v25, v25;
	v23 =	vsub.f32 v9, v25;
	[tilespmem:s9+$0x2A60] =	vst v22;
	v20 =	vld [tilespmem:s9+$0x210];
	v27 =	vadd.f32 v27, v17  }
0xa1: {  	s10 =	simm.s32 $0x400;
	v22 =	vmul.f32 v25, v9;
	[tilespmem:s9+$0x250] =	vst v63;
	v19 =	vmul.f32 v10, v10;
	v17 =	vld [tilespmem:s9+$0x240];
	v25 =	vadd.f32 v28, v29  }
.LBB2_5:
0xa2: {  	[tilespmem:s9+$0x2A50] =	vst v24;
	v24 =	vadd.f32 v16, v27;
	v27 =	vmul.f32 v4, v4  }
0xa3: {  	s20 =	sshra.s32 s10, $0x2;
	p0 =	sne.s32 s10, $0x9E00;
	s10 =	sadd.s32 $0x200, s10;
	v28 =	vld [tilespmem:s9+$0x2A20];
	v29 =	vmovc v13;
	v13 =	vmul.f32 v3, v3;
	v4 =	vmovc v1;
	v30 =	vmov v5;
	v31 =	vmov v6  }
0xa4: {  	v16 =	vmul.f32 v2, v2;
	v1 =	vld [tilespmem:s20+$0x2A70];
	v32 =	vmul.f32 v12, v12;
	[tilespmem:s9+$0x260] =	vst v21;
	v5 =	vadd.f32 v26, v25  }
0xa5: {  	v25 =	vmul.f32 v7, v7;
	v2 =	vld [tilespmem:s20+$0x260];
	v6 =	vmul.f32 v15, v15;
	[tilespmem:s9+$0x270] =	vst v18;
	v7 =	vadd.f32 v29, v24  }
0xa6: {  	v3 =	vld [tilespmem:s20+$0x270];
	v18 =	vmul.f32 v11, v20;
	v21 =	vmul.f32 v20, v20;
	[tilespmem:s9+$0x230] =	vst v23;
	v23 =	vadd.f32 v27, v5  }
0xa7: {  	v24 =	vmul.f32 v12, v15;
	v5 =	vld [tilespmem:s20+$0x250];
	v7 =	vadd.f32 v6, v7;
	[tilespmem:s9+$0x2A30] =	vst v22;
	v22 =	vmul.f32 v8, v17  }
0xa8: {  	v6 =	vld [tilespmem:s20+$0x2A60];
	v23 =	vadd.f32 v32, v23;
	[tilespmem:s9+$0x2A10] =	vst v18;
	v18 =	vsub.f32 v20, v11;
	v11 =	vmul.f32 v11, v11  }
0xa9: {  	v26 =	vld [tilespmem:s20+$0x2A30];
	[tilespmem:s9+$0x2A00] =	vst v24;
	v20 =	vadd.f32 v21, v7;
	v21 =	vmul.f32 v28, v28;
	v24 =	vmul.f32 v9, v9  }
0xaa: {  	v27 =	vmul.f32 v28, v10;
	v10 =	vsub.f32 v10, v28;
	v7 =	vld [tilespmem:s20+$0x2A50];
	[tilespmem:s9+$0x210] =	vst v18;
	v23 =	vadd.f32 v11, v23  }
0xab: {  	v9 =	vld [tilespmem:s20+$0x230];
	v28 =	vmul.f32 v1, v3;
	v18 =	vsub.f32 v3, v1;
	v19 =	vadd.f32 v19, v20;
	[tilespmem:s9+$0x2A40] =	vst v22  }
0xac: {  	v15 =	vsub.f32 v15, v12;
	v20 =	vmul.f32 v8, v8;
	v11 =	vld [tilespmem:s20+$0x2A10];
	[tilespmem:s9+$0x220] =	vst v10;
	v12 =	vadd.f32 v21, v23  }
0xad: {  	v22 =	vmul.f32 v17, v17;
	v10 =	vld [tilespmem:s20+$0x220];
	v21 =	vsub.f32 v2, v6;
	[tilespmem:s20+$0x2A70] =	vst v28;
	v19 =	vadd.f32 v24, v19  }
.Ltmp1:
0xae: {  	v17 =	vsub.f32 v17, v8;
	v28 =	vmul.f32 v6, v2;
	[tilespmem:s9+$0x2A20] =	vst v27;
	v23 =	vadd.f32 v14, v12;
	v8 =	vld [tilespmem:s20+$0x2A40];
	(pc) =	sbr.rel @p0 .LBB2_5-.Ltmp1, $4  }
0xaf: {  	v27 =	vmul.f32 v30, v30;
	v12 =	vld [tilespmem:s20+$0x2A00];
	v24 =	vmul.f32 v7, v5;
	[tilespmem:s9+$0x200] =	vst v15;
	v19 =	vadd.f32 v22, v19  }
0xb0: {  	v14 =	vmul.f32 v26, v26;
	v29 =	vsub.f32 v5, v7;
	v15 =	vld [tilespmem:s20+$0x200];
	[tilespmem:s9+$0x240] =	vst v17;
	v30 =	vadd.f32 v20, v23;
	s9 =	smov.u32 s20  }
0xb1: {  	v22 =	vmul.f32 v26, v9;
	v23 =	vsub.f32 v9, v26;
	v20 =	vld [tilespmem:s9+$0x210];
	[tilespmem:s9+$0x2A60] =	vst v28;
	v27 =	vadd.f32 v27, v19  }
0xb2: {  	v26 =	vmul.f32 v31, v31;
	v19 =	vmul.f32 v10, v10;
	v17 =	vld [tilespmem:s9+$0x240];
	[tilespmem:s9+$0x250] =	vst v29;
	v25 =	vadd.f32 v25, v30  }
0xb3: {  	v16 =	vadd.f32 v16, v27  }
0xb4: {  	v4 =	vmul.f32 v4, v4;
	v25 =	vadd.f32 v26, v25  }
0xb5: {  	v49 =	vld [tilespmem:s9+$0x2A20];
	[tilespmem:s9+$0x2A50] =	vst v24;
	v50 =	vmul.f32 v15, v15;
	v13 =	vadd.f32 v13, v16  }
0xb6: {  	[tilespmem:s9+$0x260] =	vst v21;
	v51 =	vmul.f32 v12, v12;
	v4 =	vadd.f32 v4, v25  }
0xb7: {  	[tilespmem:s9+$0x270] =	vst v18;
	v52 =	vmul.f32 v20, v20;
	v13 =	vadd.f32 v50, v13  }
0xb8: {  	[tilespmem:s9+$0x230] =	vst v23;
	v54 =	vmul.f32 v11, v11;
	v55 =	vmul.f32 v12, v15;
	v4 =	vadd.f32 v51, v4  }
0xb9: {  	[tilespmem:s9+$0x2A30] =	vst v22;
	v62 =	vsub.f32 v15, v12;
	v13 =	vadd.f32 v52, v13  }
0xba: {  	v53 =	vmul.f32 v11, v20;
	[tilespmem:s9+$0x2A00] =	vst v55;
	v57 =	vmul.f32 v49, v49;
	v4 =	vadd.f32 v54, v4  }
0xbb: {  	v9 =	vmul.f32 v9, v9;
	v56 =	vsub.f32 v20, v11;
	[tilespmem:s9+$0x200] =	vst v62;
	v13 =	vadd.f32 v19, v13  }
0xbc: {  	v63 =	vmul.f32 v8, v8;
	v58 =	vmul.f32 v8, v17;
	[tilespmem:s9+$0x2A10] =	vst v53;
	v4 =	vadd.f32 v57, v4  }
0xbd: {  	v61 =	vmul.f32 v17, v17;
	v8 =	vsub.f32 v17, v8;
	[tilespmem:s9+$0x210] =	vst v56;
	v9 =	vadd.f32 v9, v13  }
0xbe: {  	v59 =	vsub.f32 v10, v49;
	[tilespmem:s9+$0x2A40] =	vst v58;
	v4 =	vadd.f32 v14, v4  }
0xbf: {  	v5 =	vmul.f32 v5, v5;
	v60 =	vmul.f32 v49, v10;
	[tilespmem:s9+$0x240] =	vst v8;
	v9 =	vadd.f32 v61, v9  }
0xc0: {  	v7 =	vmul.f32 v7, v7;
	[tilespmem:s9+$0x220] =	vst v59;
	v4 =	vadd.f32 v63, v4  }
0xc1: {  	v2 =	vmul.f32 v2, v2;
	[tilespmem:s9+$0x2A20] =	vst v60;
	v5 =	vadd.f32 v5, v9  }
0xc2: {  	v6 =	vmul.f32 v6, v6;
	v4 =	vadd.f32 v7, v4;
	v7 =	vld [tilespmem:$0xA200]  }
0xc3: {  	v3 =	vmul.f32 v3, v3;
	v2 =	vadd.f32 v2, v5;
	v5 =	vld [tilespmem:$0xA280]  }
0xc4: {  	v1 =	vmul.f32 v1, v1;
	v4 =	vadd.f32 v6, v4  }
0xc5: {  	v2 =	vadd.f32 v3, v2  }
0xc6: {  	s9 =	sshll.u32 s8, $0x6;
	v1 =	vadd.f32 v1, v4  }
0xc7: {  	s10 =	sor.u32 s5, s9;
	v2 =	vadd.f32 v7, v2  }
0xc8: {  	s10 =	smul.u32 $0x500, s10;
	v1 =	vadd.f32 v5, v1  }
0xc9: {  	[tilespmem:$0xA200] =	vst v2  }
0xca: {  	s21 =	simm.s32 $0x0;
	s20 =	sadd.s32 s25, s10;
	[tilespmem:$0xA280] =	vst v1  }
0xcb: {  	[hbm4b:s20+s21] =	stream.linear.scatter [tilespmem:s18], [sflag:$0x6], $0x2800, $0x38;
	[tilespmem:$0x1DF00] =	vst v63  }
0xcc: {  	_ =	swait.ge [sflag:s0], $0x2800  }
0xcd: {  	[sflag:s0] =	ssyncset.done $0x0  }
0xce: {  	s22 =	sadd.s32 s12, s9;
	[sflag:s0] =	ssyncadd.s32 $0xFFFFD800  }
0xcf: {  	[spmem:s3] =	stream.indirect.scatter.add.f32 [tilespmem:s14], [sflag:$0x6], $0x80, s16, s17, $0xb8;
	[tilespmem:$0x1DF00] =	vst v63  }
0xd0: {  	s20 =	smul.u32 $0xA, s22;
	_ =	swait.ge [sflag:s0], $0x2800  }
0xd1: {  	[sflag:s0] =	ssyncset.done $0x0  }
0xd2: {  	s22 =	sadd.s32 s23, s20;
	[sflag:s0] =	ssyncadd.s32 $0xFFFFD800  }
0xd3: {  	[tilespmem:s21], [sflag:$0x6] =	stream.linear.gather [hbm4b:s22+s21], $0x50, $0x38;
	[tilespmem:$0x1DF00] =	vst v63  }
0xd4: {  	_ =	swait.ge [sflag:s0], $0x50  }
0xd5: {  	[sflag:s0] =	ssyncset.done $0x0  }
0xd6: {  	s20 =	sadd.s32 s24, s20;
	[sflag:s0] =	ssyncadd.s32 $0xFFFFFFB0  }
0xd7: {  	[tilespmem:s16], [sflag:$0x6] =	stream.linear.gather [hbm4b:s20+s21], $0x50, $0x38;
	[tilespmem:$0x1DF00] =	vst v63  }
0xd8: {  	_ =	swait.ge [sflag:s0], $0x50  }
0xd9: {  	[sflag:s0] =	ssyncset.done $0x0  }
0xda: {  	[sflag:s0] =	ssyncadd.s32 $0xFFFFFFB0  }
0xdb: {  	[tilespmem:s14], [sflag:$0x1] =	stream.indirect.gather [hbm4b:s1+s17], $0x80, s21, s17, $0xb8;
	[tilespmem:$0x1DF00] =	vst v63  }
0xdc: {  	_ = 	snop  }
0xdd: {  	[tilespmem:s18], [sflag:$0x2] =	stream.indirect.gather [hbm4b:s1+s17], $0x80, s16, s17, $0xb8;
	[tilespmem:$0x1DF00] =	vst v63  }
0xde: {  	p0 =	seq.s32 s8, $0x3D;
	_ =	swait.ge [sflag:s2], $0x2800  }
.Ltmp2:
0xdf: {  	[sflag:s2] =	ssyncset.done $0x0;
	(pc) =	sbr.rel @p0 .LBB2_10-.Ltmp2, $4  }
0xe0: {  	[sflag:s2] =	ssyncadd.s32 $0xFFFFD800  }
0xe1: {  	_ =	swait.ge [sflag:s6], $0x2800  }
0xe2: {  	[sflag:s6] =	ssyncset.done $0x0  }
0xe3: {  	v7 =	vimm.f32 $0.0e+00;
	[sflag:s6] =	ssyncadd.s32 $0xFFFFD800  }
0xe4: {  	s21 =	simm.s32 $0x0  }
0xe5: {  	v4 =	vld [tilespmem:s21+$0x7A70]  }
0xe6: {  	v12 =	vld [tilespmem:s21+$0x5260]  }
0xe7: {  	v13 =	vld [tilespmem:s21+$0x5270]  }
0xe8: {  	v15 =	vld [tilespmem:s21+$0x5250]  }
0xe9: {  	v26 =	vld [tilespmem:s21+$0x7A60]  }
0xea: {  	v14 =	vld [tilespmem:s21+$0x7A50]  }
0xeb: {  	v8 =	vld [tilespmem:s21+$0x7A30]  }
0xec: {  	v16 =	vld [tilespmem:s21+$0x5230]  }
0xed: {  	v17 =	vld [tilespmem:s21+$0x7A10]  }
0xee: {  	v18 =	vld [tilespmem:s21+$0x5220]  }
0xef: {  	v19 =	vld [tilespmem:s21+$0x7A00];
	v1 =	vmul.f32 v4, v13  }
0xf0: {  	v20 =	vld [tilespmem:s21+$0x5210];
	v2 =	vmul.f32 v26, v12  }
0xf1: {  	v21 =	vld [tilespmem:s21+$0x5200];
	v3 =	vmul.f32 v14, v15;
	[tilespmem:s21+$0x7A70] =	vst v1  }
0xf2: {  	v22 =	vld [tilespmem:s21+$0x7A40];
	v1 =	vsub.f32 v15, v14;
	[tilespmem:s21+$0x7A60] =	vst v2  }
0xf3: {  	v23 =	vld [tilespmem:s21+$0x5240];
	v2 =	vsub.f32 v12, v26;
	[tilespmem:s21+$0x7A50] =	vst v3  }
0xf4: {  	s20 =	simm.s32 $0x80;
	v24 =	vld [tilespmem:s21+$0x7A20];
	v3 =	vsub.f32 v13, v4;
	[tilespmem:s21+$0x5250] =	vst v1  }
0xf5: {  	v5 =	vsub.f32 v16, v8;
	v1 =	vld [tilespmem:s20+$0x7A70];
	[tilespmem:s21+$0x5260] =	vst v2  }
0xf6: {  	v6 =	vmul.f32 v8, v16;
	v2 =	vld [tilespmem:s20+$0x5260];
	[tilespmem:s21+$0x5270] =	vst v3  }
0xf7: {  	v9 =	vmul.f32 v17, v20;
	v3 =	vld [tilespmem:s20+$0x5270];
	[tilespmem:s21+$0x5230] =	vst v5  }
0xf8: {  	v10 =	vmul.f32 v19, v21;
	v28 =	vmul.f32 v8, v8;
	v5 =	vld [tilespmem:s20+$0x5250];
	[tilespmem:s21+$0x7A30] =	vst v6  }
0xf9: {  	v8 =	vmul.f32 v21, v21;
	v29 =	vmul.f32 v19, v19;
	v6 =	vld [tilespmem:s20+$0x7A60];
	[tilespmem:s21+$0x7A10] =	vst v9;
	v9 =	vsub.f32 v20, v17  }
0xfa: {  	v27 =	vsub.f32 v18, v24;
	v62 =	vmul.f32 v17, v17;
	v25 =	vld [tilespmem:s20+$0x7A30];
	[tilespmem:s21+$0x7A00] =	vst v10;
	v10 =	vmul.f32 v22, v23  }
0xfb: {  	v19 =	vsub.f32 v21, v19;
	v31 =	vadd.f32 v8, v7;
	v20 =	vmul.f32 v20, v20;
	v11 =	vld [tilespmem:s20+$0x7A50];
	[tilespmem:s21+$0x5210] =	vst v9  }
0xfc: {  	v16 =	vmul.f32 v16, v16;
	v29 =	vadd.f32 v29, v7;
	v17 =	vmul.f32 v12, v12;
	v9 =	vld [tilespmem:s20+$0x5230];
	[tilespmem:s21+$0x7A40] =	vst v10  }
0xfd: {  	v12 =	vadd.f32 v20, v31;
	v30 =	vmul.f32 v1, v3;
	v10 =	vld [tilespmem:s20+$0x7A10];
	[tilespmem:s21+$0x5220] =	vst v27;
	v27 =	vmul.f32 v18, v18  }
0xfe: {  	v20 =	vmul.f32 v24, v24;
	v18 =	vmul.f32 v24, v18;
	v24 =	vadd.f32 v62, v29  }
0xff: {  	v13 =	vmul.f32 v13, v13;
	v15 =	vmul.f32 v15, v15;
	v8 =	vld [tilespmem:s20+$0x5220];
	[tilespmem:s20+$0x7A70] =	vst v30;
	v21 =	vadd.f32 v27, v12  }
0x100: {  	v26 =	vmul.f32 v26, v26;
	v29 =	vmul.f32 v14, v14;
	v7 =	vld [tilespmem:s20+$0x7A40];
	[tilespmem:s21+$0x7A20] =	vst v18;
	v24 =	vadd.f32 v20, v24  }
0x101: {  	v27 =	vsub.f32 v23, v22;
	v12 =	vld [tilespmem:s20+$0x7A00];
	[tilespmem:s21+$0x5200] =	vst v19;
	v19 =	vmul.f32 v23, v23;
	v16 =	vadd.f32 v16, v21  }
0x102: {  	v18 =	vsub.f32 v3, v1;
	v22 =	vmul.f32 v22, v22;
	v23 =	vadd.f32 v28, v24  }
0x103: {  	v20 =	vsub.f32 v2, v6;
	v14 =	vld [tilespmem:s20+$0x5200];
	v21 =	vmul.f32 v6, v2;
	[tilespmem:s21+$0x5240] =	vst v27;
	v27 =	vadd.f32 v19, v16  }
0x104: {  	v24 =	vmul.f32 v11, v5;
	v28 =	vsub.f32 v5, v11;
	v63 =	vadd.f32 v22, v23  }
0x105: {  	v19 =	vld [tilespmem:s20+$0x5210];
	v16 =	vmul.f32 v25, v25;
	[tilespmem:s20+$0x7A60] =	vst v21;
	v22 =	vmul.f32 v25, v9;
	v27 =	vadd.f32 v15, v27  }
0x106: {  	s21 =	simm.s32 $0x400;
	v23 =	vsub.f32 v9, v25;
	v21 =	vmul.f32 v8, v8;
	[tilespmem:s20+$0x5250] =	vst v28;
	v15 =	vld [tilespmem:s20+$0x5240];
	v25 =	vadd.f32 v29, v63  }
.LBB2_8:
0x107: {  	[tilespmem:s20+$0x7A50] =	vst v24;
	v24 =	vadd.f32 v17, v27;
	v27 =	vmul.f32 v4, v4  }
0x108: {  	s22 =	sshra.s32 s21, $0x2;
	p0 =	seq.s32 s21, $0x9E00;
	s21 =	sadd.s32 $0x200, s21;
	v28 =	vld [tilespmem:s20+$0x7A20];
	v29 =	vmovc v13;
	v13 =	vmul.f32 v3, v3;
	v4 =	vmovc v1;
	v30 =	vmov v5;
	v31 =	vmov v6  }
0x109: {  	v17 =	vmul.f32 v2, v2;
	v1 =	vld [tilespmem:s22+$0x7A70];
	v32 =	vmul.f32 v12, v12;
	[tilespmem:s20+$0x5260] =	vst v20;
	v5 =	vadd.f32 v26, v25  }
0x10a: {  	v25 =	vmul.f32 v11, v11;
	v2 =	vld [tilespmem:s22+$0x5260];
	v6 =	vmul.f32 v14, v14;
	[tilespmem:s20+$0x5270] =	vst v18;
	v11 =	vadd.f32 v29, v24  }
0x10b: {  	v3 =	vld [tilespmem:s22+$0x5270];
	v18 =	vmul.f32 v10, v19;
	v20 =	vmul.f32 v19, v19;
	[tilespmem:s20+$0x5230] =	vst v23;
	v23 =	vadd.f32 v27, v5  }
0x10c: {  	v24 =	vmul.f32 v12, v14;
	v5 =	vld [tilespmem:s22+$0x5250];
	v11 =	vadd.f32 v6, v11;
	[tilespmem:s20+$0x7A30] =	vst v22;
	v22 =	vmul.f32 v7, v15  }
0x10d: {  	v6 =	vld [tilespmem:s22+$0x7A60];
	v23 =	vadd.f32 v32, v23;
	[tilespmem:s20+$0x7A10] =	vst v18;
	v18 =	vsub.f32 v19, v10;
	v10 =	vmul.f32 v10, v10  }
0x10e: {  	v26 =	vld [tilespmem:s22+$0x7A30];
	[tilespmem:s20+$0x7A00] =	vst v24;
	v19 =	vadd.f32 v20, v11;
	v20 =	vmul.f32 v28, v28;
	v24 =	vmul.f32 v9, v9  }
0x10f: {  	v27 =	vmul.f32 v28, v8;
	v8 =	vsub.f32 v8, v28;
	v11 =	vld [tilespmem:s22+$0x7A50];
	[tilespmem:s20+$0x5210] =	vst v18;
	v23 =	vadd.f32 v10, v23  }
0x110: {  	v9 =	vld [tilespmem:s22+$0x5230];
	v28 =	vmul.f32 v1, v3;
	v18 =	vsub.f32 v3, v1;
	v19 =	vadd.f32 v21, v19;
	[tilespmem:s20+$0x7A40] =	vst v22  }
0x111: {  	v14 =	vsub.f32 v14, v12;
	v21 =	vmul.f32 v7, v7;
	v10 =	vld [tilespmem:s22+$0x7A10];
	[tilespmem:s20+$0x5220] =	vst v8;
	v12 =	vadd.f32 v20, v23  }
0x112: {  	v22 =	vmul.f32 v15, v15;
	v8 =	vld [tilespmem:s22+$0x5220];
	v20 =	vsub.f32 v2, v6;
	[tilespmem:s22+$0x7A70] =	vst v28;
	v19 =	vadd.f32 v24, v19  }
.Ltmp3:
0x113: {  	v15 =	vsub.f32 v15, v7;
	v28 =	vmul.f32 v6, v2;
	[tilespmem:s20+$0x7A20] =	vst v27;
	v23 =	vadd.f32 v16, v12;
	v7 =	vld [tilespmem:s22+$0x7A40];
	(pc) =	sbr.rel @!p0 .LBB2_8-.Ltmp3, $4  }
0x114: {  	v29 =	vmul.f32 v30, v30;
	v12 =	vld [tilespmem:s22+$0x7A00];
	v24 =	vmul.f32 v11, v5;
	[tilespmem:s20+$0x5200] =	vst v14;
	v27 =	vadd.f32 v22, v19  }
0x115: {  	v16 =	vmul.f32 v26, v26;
	v30 =	vsub.f32 v5, v11;
	v14 =	vld [tilespmem:s22+$0x5200];
	[tilespmem:s20+$0x5240] =	vst v15;
	v32 =	vadd.f32 v21, v23;
	s20 =	smov.u32 s22  }
0x116: {  	v22 =	vmul.f32 v26, v9;
	v23 =	vsub.f32 v9, v26;
	v19 =	vld [tilespmem:s20+$0x5210];
	[tilespmem:s20+$0x7A60] =	vst v28;
	v27 =	vadd.f32 v29, v27  }
0x117: {  	v26 =	vmul.f32 v31, v31;
	v21 =	vmul.f32 v8, v8;
	v15 =	vld [tilespmem:s20+$0x5240];
	[tilespmem:s20+$0x5250] =	vst v30;
	v25 =	vadd.f32 v25, v32  }
0x118: {  	v17 =	vadd.f32 v17, v27  }
0x119: {  	v4 =	vmul.f32 v4, v4  }
0x11a: {  	v25 =	vadd.f32 v26, v25;
	v28 =	vmul.f32 v14, v14;
	v13 =	vadd.f32 v13, v17  }
0x11b: {  	v47 =	vld [tilespmem:s20+$0x7A20];
	v48 =	vmul.f32 v12, v12  }
0x11c: {  	[tilespmem:s20+$0x7A50] =	vst v24;
	v4 =	vadd.f32 v4, v25;
	v49 =	vmul.f32 v19, v19;
	v13 =	vadd.f32 v28, v13  }
0x11d: {  	[tilespmem:s20+$0x5260] =	vst v20  }
0x11e: {  	v50 =	vmul.f32 v10, v10;
	[tilespmem:s20+$0x5270] =	vst v18;
	v4 =	vadd.f32 v48, v4;
	v13 =	vadd.f32 v49, v13  }
0x11f: {  	v9 =	vmul.f32 v9, v9;
	[tilespmem:s20+$0x5230] =	vst v23;
	v53 =	vmul.f32 v12, v14;
	v60 =	vsub.f32 v14, v12  }
0x120: {  	[tilespmem:s20+$0x7A30] =	vst v22;
	v51 =	vmul.f32 v47, v47;
	v4 =	vadd.f32 v50, v4;
	v13 =	vadd.f32 v21, v13  }
0x121: {  	v52 =	vmul.f32 v10, v19;
	v57 =	vsub.f32 v19, v10;
	[tilespmem:s20+$0x7A00] =	vst v53  }
0x122: {  	v55 =	vmul.f32 v15, v15;
	[tilespmem:s20+$0x5200] =	vst v60;
	v4 =	vadd.f32 v51, v4;
	v9 =	vadd.f32 v9, v13  }
0x123: {  	v54 =	vmul.f32 v7, v7;
	v56 =	vmul.f32 v7, v15;
	v61 =	vsub.f32 v15, v7;
	[tilespmem:s20+$0x7A10] =	vst v52  }
0x124: {  	v5 =	vmul.f32 v5, v5;
	[tilespmem:s20+$0x5210] =	vst v57;
	v4 =	vadd.f32 v16, v4;
	v9 =	vadd.f32 v55, v9  }
0x125: {  	v11 =	vmul.f32 v11, v11;
	v2 =	vmul.f32 v2, v2;
	v59 =	vsub.f32 v8, v47;
	[tilespmem:s20+$0x7A40] =	vst v56  }
0x126: {  	v58 =	vmul.f32 v47, v8;
	[tilespmem:s20+$0x5240] =	vst v61;
	v4 =	vadd.f32 v54, v4;
	v5 =	vadd.f32 v5, v9  }
0x127: {  	v6 =	vmul.f32 v6, v6;
	[tilespmem:s20+$0x5220] =	vst v59  }
0x128: {  	v3 =	vmul.f32 v3, v3;
	[tilespmem:s20+$0x7A20] =	vst v58;
	v4 =	vadd.f32 v11, v4;
	v2 =	vadd.f32 v2, v5  }
0x129: {  	v63 =	vld [tilespmem:$0xA280]  }
0x12a: {  	v62 =	vmul.f32 v1, v1;
	v4 =	vadd.f32 v6, v4;
	v1 =	vadd.f32 v3, v2;
	v3 =	vld [tilespmem:$0xA200];
	_ =	sdelay $0x1  }
0x12b: {  	v2 =	vadd.f32 v62, v4;
	_ =	sdelay $0x1  }
0x12c: {  	v2 =	vadd.f32 v63, v2  }
0x12d: {  	v1 =	vadd.f32 v3, v1  }
0x12e: {  	[tilespmem:$0xA280] =	vst v2  }
0x12f: {  	s10 =	sadd.s32 s11, s10;
	[tilespmem:$0xA200] =	vst v1  }
0x130: {  	[hbm4b:s10+s4] =	stream.linear.scatter [tilespmem:s29], [sflag:$0x6], $0x2800, $0x38;
	[tilespmem:$0x1DF00] =	vst v63  }
0x131: {  	_ =	swait.ge [sflag:s0], $0x2800  }
0x132: {  	[sflag:s0] =	ssyncset.done $0x0  }
0x133: {  	s9 =	sadd.s32 s13, s9;
	[sflag:s0] =	ssyncadd.s32 $0xFFFFD800  }
0x134: {  	[spmem:s3] =	stream.indirect.scatter.add.f32 [tilespmem:s28], [sflag:$0x6], $0x80, s26, s17, $0xb8;
	[tilespmem:$0x1DF00] =	vst v63  }
0x135: {  	s9 =	smul.u32 $0xA, s9;
	_ =	swait.ge [sflag:s0], $0x2800  }
0x136: {  	[sflag:s0] =	ssyncset.done $0x0  }
0x137: {  	s22 =	sadd.s32 s23, s9;
	[sflag:s0] =	ssyncadd.s32 $0xFFFFD800  }
0x138: {  	[tilespmem:s19], [sflag:$0x6] =	stream.linear.gather [hbm4b:s22+s4], $0x50, $0x38;
	[tilespmem:$0x1DF00] =	vst v63  }
0x139: {  	_ =	swait.ge [sflag:s0], $0x50  }
0x13a: {  	[sflag:s0] =	ssyncset.done $0x0  }
0x13b: {  	s9 =	sadd.s32 s24, s9;
	[sflag:s0] =	ssyncadd.s32 $0xFFFFFFB0  }
0x13c: {  	[tilespmem:s26], [sflag:$0x6] =	stream.linear.gather [hbm4b:s9+s4], $0x50, $0x38;
	[tilespmem:$0x1DF00] =	vst v63  }
0x13d: {  	_ =	swait.ge [sflag:s0], $0x50  }
.Ltmp4:
0x13e: {  	[sflag:s0] =	ssyncset.done $0x0;
	(pc) =	sbr.rel .LBB2_4-.Ltmp4, $4  }
0x13f: {  	[sflag:s0] =	ssyncadd.s32 $0xFFFFFFB0  }
0x140: {  	[tilespmem:s28], [sflag:$0x3] =	stream.indirect.gather [hbm4b:s1+s17], $0x80, s19, s17, $0xb8;
	[tilespmem:$0x1DF00] =	vst v63  }
0x141: {  	s8 =	sadd.s32 $0x1, s8  }
0x142: {  	[tilespmem:s29], [sflag:$0x4] =	stream.indirect.gather [hbm4b:s1+s17], $0x80, s26, s17, $0xb8;
	[tilespmem:$0x1DF00] =	vst v63  }
.LBB2_10:
0x143: {  	s9 =	simm.s32 $0x0  }
0x144: {  	v4 =	vld [tilespmem:s9+$0x7A70]  }
0x145: {  	v12 =	vld [tilespmem:s9+$0x5260]  }
0x146: {  	v13 =	vld [tilespmem:s9+$0x5270]  }
0x147: {  	v15 =	vld [tilespmem:s9+$0x5250]  }
0x148: {  	v26 =	vld [tilespmem:s9+$0x7A60]  }
0x149: {  	v14 =	vld [tilespmem:s9+$0x7A50]  }
0x14a: {  	v8 =	vld [tilespmem:s9+$0x7A30]  }
0x14b: {  	v16 =	vld [tilespmem:s9+$0x5230]  }
0x14c: {  	v17 =	vld [tilespmem:s9+$0x7A10]  }
0x14d: {  	v18 =	vld [tilespmem:s9+$0x5220]  }
0x14e: {  	v19 =	vld [tilespmem:s9+$0x7A00];
	v1 =	vmul.f32 v4, v13  }
0x14f: {  	v20 =	vld [tilespmem:s9+$0x5210];
	v2 =	vmul.f32 v26, v12  }
0x150: {  	v21 =	vld [tilespmem:s9+$0x5200];
	v3 =	vmul.f32 v14, v15;
	[tilespmem:s9+$0x7A70] =	vst v1  }
0x151: {  	v22 =	vld [tilespmem:s9+$0x7A40];
	v1 =	vsub.f32 v15, v14;
	[tilespmem:s9+$0x7A60] =	vst v2  }
0x152: {  	v23 =	vld [tilespmem:s9+$0x5240];
	v2 =	vsub.f32 v12, v26;
	[tilespmem:s9+$0x7A50] =	vst v3  }
0x153: {  	s8 =	simm.s32 $0x80;
	v24 =	vld [tilespmem:s9+$0x7A20];
	v3 =	vsub.f32 v13, v4;
	[tilespmem:s9+$0x5250] =	vst v1  }
0x154: {  	v5 =	vsub.f32 v16, v8;
	v1 =	vld [tilespmem:s8+$0x7A70];
	[tilespmem:s9+$0x5260] =	vst v2  }
0x155: {  	v6 =	vmul.f32 v8, v16;
	v2 =	vld [tilespmem:s8+$0x5260];
	[tilespmem:s9+$0x5270] =	vst v3  }
0x156: {  	v9 =	vmul.f32 v17, v20;
	v3 =	vld [tilespmem:s8+$0x5270];
	[tilespmem:s9+$0x5230] =	vst v5  }
0x157: {  	v10 =	vmul.f32 v19, v21;
	v28 =	vmul.f32 v8, v8;
	v5 =	vld [tilespmem:s8+$0x5250];
	[tilespmem:s9+$0x7A30] =	vst v6  }
0x158: {  	v8 =	vmul.f32 v21, v21;
	v29 =	vmul.f32 v19, v19;
	v6 =	vld [tilespmem:s8+$0x7A60];
	[tilespmem:s9+$0x7A10] =	vst v9;
	v9 =	vsub.f32 v20, v17  }
0x159: {  	v27 =	vsub.f32 v18, v24;
	v62 =	vmul.f32 v17, v17;
	v25 =	vld [tilespmem:s8+$0x7A30];
	[tilespmem:s9+$0x7A00] =	vst v10;
	v10 =	vmul.f32 v22, v23  }
0x15a: {  	v19 =	vsub.f32 v21, v19;
	v31 =	vadd.f32 v8, v7;
	v20 =	vmul.f32 v20, v20;
	v11 =	vld [tilespmem:s8+$0x7A50];
	[tilespmem:s9+$0x5210] =	vst v9  }
0x15b: {  	v16 =	vmul.f32 v16, v16;
	v29 =	vadd.f32 v29, v7;
	v17 =	vmul.f32 v12, v12;
	v9 =	vld [tilespmem:s8+$0x5230];
	[tilespmem:s9+$0x7A40] =	vst v10  }
0x15c: {  	v12 =	vadd.f32 v20, v31;
	v30 =	vmul.f32 v1, v3;
	v10 =	vld [tilespmem:s8+$0x7A10];
	[tilespmem:s9+$0x5220] =	vst v27;
	v27 =	vmul.f32 v18, v18  }
0x15d: {  	v20 =	vmul.f32 v24, v24;
	v18 =	vmul.f32 v24, v18;
	v24 =	vadd.f32 v62, v29  }
0x15e: {  	v13 =	vmul.f32 v13, v13;
	v15 =	vmul.f32 v15, v15;
	v8 =	vld [tilespmem:s8+$0x5220];
	[tilespmem:s8+$0x7A70] =	vst v30;
	v21 =	vadd.f32 v27, v12  }
0x15f: {  	v26 =	vmul.f32 v26, v26;
	v29 =	vmul.f32 v14, v14;
	v7 =	vld [tilespmem:s8+$0x7A40];
	[tilespmem:s9+$0x7A20] =	vst v18;
	v24 =	vadd.f32 v20, v24  }
0x160: {  	v27 =	vsub.f32 v23, v22;
	v12 =	vld [tilespmem:s8+$0x7A00];
	[tilespmem:s9+$0x5200] =	vst v19;
	v19 =	vmul.f32 v23, v23;
	v16 =	vadd.f32 v16, v21  }
0x161: {  	v18 =	vsub.f32 v3, v1;
	v22 =	vmul.f32 v22, v22;
	v23 =	vadd.f32 v28, v24  }
0x162: {  	v20 =	vsub.f32 v2, v6;
	v14 =	vld [tilespmem:s8+$0x5200];
	v21 =	vmul.f32 v6, v2;
	[tilespmem:s9+$0x5240] =	vst v27;
	v27 =	vadd.f32 v19, v16  }
0x163: {  	v24 =	vmul.f32 v11, v5;
	v28 =	vsub.f32 v5, v11;
	v63 =	vadd.f32 v22, v23  }
0x164: {  	v19 =	vld [tilespmem:s8+$0x5210];
	v16 =	vmul.f32 v25, v25;
	[tilespmem:s8+$0x7A60] =	vst v21;
	v22 =	vmul.f32 v25, v9;
	v27 =	vadd.f32 v15, v27  }
0x165: {  	s9 =	simm.s32 $0x400;
	v23 =	vsub.f32 v9, v25;
	v21 =	vmul.f32 v8, v8;
	[tilespmem:s8+$0x5250] =	vst v28;
	v15 =	vld [tilespmem:s8+$0x5240];
	v25 =	vadd.f32 v29, v63  }
.LBB2_11:
0x166: {  	[tilespmem:s8+$0x7A50] =	vst v24;
	v24 =	vadd.f32 v17, v27;
	v27 =	vmul.f32 v4, v4  }
0x167: {  	s10 =	sshra.s32 s9, $0x2;
	p0 =	seq.s32 s9, $0x9E00;
	s9 =	sadd.s32 $0x200, s9;
	v28 =	vld [tilespmem:s8+$0x7A20];
	v29 =	vmovc v13;
	v13 =	vmul.f32 v3, v3;
	v4 =	vmovc v1;
	v30 =	vmov v5;
	v31 =	vmov v6  }
0x168: {  	v17 =	vmul.f32 v2, v2;
	v1 =	vld [tilespmem:s10+$0x7A70];
	v32 =	vmul.f32 v12, v12;
	[tilespmem:s8+$0x5260] =	vst v20;
	v5 =	vadd.f32 v26, v25  }
0x169: {  	v25 =	vmul.f32 v11, v11;
	v2 =	vld [tilespmem:s10+$0x5260];
	v6 =	vmul.f32 v14, v14;
	[tilespmem:s8+$0x5270] =	vst v18;
	v11 =	vadd.f32 v29, v24  }
0x16a: {  	v3 =	vld [tilespmem:s10+$0x5270];
	v18 =	vmul.f32 v10, v19;
	v20 =	vmul.f32 v19, v19;
	[tilespmem:s8+$0x5230] =	vst v23;
	v23 =	vadd.f32 v27, v5  }
0x16b: {  	v24 =	vmul.f32 v12, v14;
	v5 =	vld [tilespmem:s10+$0x5250];
	v11 =	vadd.f32 v6, v11;
	[tilespmem:s8+$0x7A30] =	vst v22;
	v22 =	vmul.f32 v7, v15  }
0x16c: {  	v6 =	vld [tilespmem:s10+$0x7A60];
	v23 =	vadd.f32 v32, v23;
	[tilespmem:s8+$0x7A10] =	vst v18;
	v18 =	vsub.f32 v19, v10;
	v10 =	vmul.f32 v10, v10  }
0x16d: {  	v26 =	vld [tilespmem:s10+$0x7A30];
	[tilespmem:s8+$0x7A00] =	vst v24;
	v19 =	vadd.f32 v20, v11;
	v20 =	vmul.f32 v28, v28;
	v24 =	vmul.f32 v9, v9  }
0x16e: {  	v27 =	vmul.f32 v28, v8;
	v8 =	vsub.f32 v8, v28;
	v11 =	vld [tilespmem:s10+$0x7A50];
	[tilespmem:s8+$0x5210] =	vst v18;
	v23 =	vadd.f32 v10, v23  }
0x16f: {  	v9 =	vld [tilespmem:s10+$0x5230];
	v28 =	vmul.f32 v1, v3;
	v18 =	vsub.f32 v3, v1;
	v19 =	vadd.f32 v21, v19;
	[tilespmem:s8+$0x7A40] =	vst v22  }
0x170: {  	v14 =	vsub.f32 v14, v12;
	v21 =	vmul.f32 v7, v7;
	v10 =	vld [tilespmem:s10+$0x7A10];
	[tilespmem:s8+$0x5220] =	vst v8;
	v12 =	vadd.f32 v20, v23  }
0x171: {  	v22 =	vmul.f32 v15, v15;
	v8 =	vld [tilespmem:s10+$0x5220];
	v20 =	vsub.f32 v2, v6;
	[tilespmem:s10+$0x7A70] =	vst v28;
	v19 =	vadd.f32 v24, v19  }
.Ltmp5:
0x172: {  	v15 =	vsub.f32 v15, v7;
	v28 =	vmul.f32 v6, v2;
	[tilespmem:s8+$0x7A20] =	vst v27;
	v23 =	vadd.f32 v16, v12;
	v7 =	vld [tilespmem:s10+$0x7A40];
	(pc) =	sbr.rel @!p0 .LBB2_11-.Ltmp5, $4  }
0x173: {  	v29 =	vmul.f32 v30, v30;
	v12 =	vld [tilespmem:s10+$0x7A00];
	v24 =	vmul.f32 v11, v5;
	[tilespmem:s8+$0x5200] =	vst v14;
	v27 =	vadd.f32 v22, v19  }
0x174: {  	v16 =	vmul.f32 v26, v26;
	v30 =	vsub.f32 v5, v11;
	v14 =	vld [tilespmem:s10+$0x5200];
	[tilespmem:s8+$0x5240] =	vst v15;
	v32 =	vadd.f32 v21, v23;
	s8 =	smov.u32 s10  }
0x175: {  	v22 =	vmul.f32 v26, v9;
	v23 =	vsub.f32 v9, v26;
	v19 =	vld [tilespmem:s8+$0x5210];
	[tilespmem:s8+$0x7A60] =	vst v28;
	v27 =	vadd.f32 v29, v27  }
0x176: {  	v26 =	vmul.f32 v31, v31;
	v21 =	vmul.f32 v8, v8;
	v15 =	vld [tilespmem:s8+$0x5240];
	[tilespmem:s8+$0x5250] =	vst v30;
	v25 =	vadd.f32 v25, v32  }
0x177: {  	v17 =	vadd.f32 v17, v27  }
0x178: {  	v4 =	vmul.f32 v4, v4;
	v25 =	vadd.f32 v26, v25  }
0x179: {  	v26 =	vld [tilespmem:s8+$0x7A20];
	v28 =	vmul.f32 v14, v14;
	v13 =	vadd.f32 v13, v17  }
0x17a: {  	v27 =	vmul.f32 v12, v12;
	v4 =	vadd.f32 v4, v25  }
0x17b: {  	v17 =	vmul.f32 v19, v19;
	v13 =	vadd.f32 v28, v13  }
0x17c: {  	[tilespmem:s8+$0x7A50] =	vst v24;
	v25 =	vmul.f32 v10, v10;
	v4 =	vadd.f32 v27, v4  }
0x17d: {  	[tilespmem:s8+$0x5260] =	vst v20;
	v20 =	vmul.f32 v10, v19;
	v13 =	vadd.f32 v17, v13  }
0x17e: {  	[tilespmem:s8+$0x5270] =	vst v18;
	v10 =	vsub.f32 v19, v10;
	v17 =	vmul.f32 v26, v26;
	v4 =	vadd.f32 v25, v4  }
0x17f: {  	v9 =	vmul.f32 v9, v9;
	[tilespmem:s8+$0x5230] =	vst v23;
	v13 =	vadd.f32 v21, v13  }
0x180: {  	[tilespmem:s8+$0x5210] =	vst v10;
	v10 =	vmul.f32 v26, v8;
	v4 =	vadd.f32 v17, v4  }
0x181: {  	[tilespmem:s8+$0x7A30] =	vst v22;
	v8 =	vsub.f32 v8, v26;
	v9 =	vadd.f32 v9, v13;
	v13 =	vmul.f32 v15, v15  }
0x182: {  	v18 =	vmul.f32 v7, v7;
	[tilespmem:s8+$0x7A10] =	vst v20;
	v4 =	vadd.f32 v16, v4  }
0x183: {  	v5 =	vmul.f32 v5, v5;
	[tilespmem:s8+$0x5220] =	vst v8;
	v17 =	vmul.f32 v12, v14;
	v9 =	vadd.f32 v13, v9  }
0x184: {  	v11 =	vmul.f32 v11, v11;
	[tilespmem:s8+$0x7A20] =	vst v10;
	v16 =	vmul.f32 v7, v15;
	v4 =	vadd.f32 v18, v4  }
0x185: {  	v2 =	vmul.f32 v2, v2;
	[tilespmem:s8+$0x7A00] =	vst v17;
	v7 =	vsub.f32 v15, v7;
	v5 =	vadd.f32 v5, v9  }
0x186: {  	v6 =	vmul.f32 v6, v6;
	[tilespmem:s8+$0x7A40] =	vst v16;
	v9 =	vsub.f32 v14, v12;
	v4 =	vadd.f32 v11, v4  }
0x187: {  	v3 =	vmul.f32 v3, v3;
	[tilespmem:s8+$0x5240] =	vst v7;
	v2 =	vadd.f32 v2, v5  }
0x188: {  	v5 =	vmul.f32 v1, v1;
	[tilespmem:s8+$0x5200] =	vst v9;
	v4 =	vadd.f32 v6, v4  }
0x189: {  	v1 =	vadd.f32 v3, v2;
	v3 =	vld [tilespmem:$0xA200]  }
0x18a: {  	v2 =	vadd.f32 v5, v4;
	v4 =	vld [tilespmem:$0xA280];
	_ =	sdelay $0x3  }
0x18b: {  	v1 =	vadd.f32 v3, v1  }
0x18c: {  	v2 =	vadd.f32 v4, v2  }
0x18d: {  	[tilespmem:$0xA200] =	vst v1  }
0x18e: {  	s21 =	simm.s32 $0x0;
	s9 =	rddreg [dreg:$0x1a];
	[tilespmem:$0xA280] =	vst v2  }
0x18f: {  	[hbm4b:s9+s21] =	stream.linear.scatter [tilespmem:s29], [sflag:$0x6], $0x2800, $0x38;
	[tilespmem:$0x1DF00] =	vst v63  }
0x190: {  	s20 =	rddreg [dreg:$0x5];
	_ =	swait.ge [sflag:s0], $0x2800  }
0x191: {  	[sflag:s0] =	ssyncset.done $0x0  }
0x192: {  	[sflag:s0] =	ssyncadd.s32 $0xFFFFD800  }
0x193: {  	[spmem:s3] =	stream.indirect.scatter.add.f32 [tilespmem:s28], [sflag:$0x5], $0x80, s26, s17, $0xb8;
	[tilespmem:$0x1DF00] =	vst v63  }
0x194: {  	_ =	swait.ge [sflag:s15], $0x2800  }
0x195: {  	[sflag:s15] =	ssyncset.done $0x0  }
0x196: {  	[sflag:s15] =	ssyncadd.s32 $0xFFFFD800  }
0x197: {  	_ =	swait.ge [sflag:s30], $0x2800  }
0x198: {  	[sflag:s30] =	ssyncset.done $0x0  }
0x199: {  	[sflag:s30] =	ssyncadd.s32 $0xFFFFD800  }
0x19a: {  	_ =	swait.ge [sflag:s31], $0x2800  }
0x19b: {  	[sflag:s31] =	ssyncset.done $0x0  }
0x19c: {  	s22 =	simm.s32 $0x0;
	[sflag:s31] =	ssyncadd.s32 $0xFFFFD800  }
0x19d: {  	v4 =	vld [tilespmem:s22+$0x2A70]  }
0x19e: {  	v8 =	vld [tilespmem:s22+$0x260]  }
0x19f: {  	v12 =	vld [tilespmem:s22+$0x270]  }
0x1a0: {  	v14 =	vld [tilespmem:s22+$0x250]  }
0x1a1: {  	v26 =	vld [tilespmem:s22+$0x2A60]  }
0x1a2: {  	v15 =	vld [tilespmem:s22+$0x2A50]  }
0x1a3: {  	v10 =	vld [tilespmem:s22+$0x2A30]  }
0x1a4: {  	v17 =	vld [tilespmem:s22+$0x230]  }
0x1a5: {  	v13 =	vld [tilespmem:s22+$0x2A10]  }
0x1a6: {  	v16 =	vld [tilespmem:s22+$0x220]  }
0x1a7: {  	v18 =	vld [tilespmem:s22+$0x2A00];
	v1 =	vmul.f32 v4, v12  }
0x1a8: {  	v19 =	vld [tilespmem:s22+$0x210];
	v2 =	vmul.f32 v26, v8  }
0x1a9: {  	v20 =	vld [tilespmem:s22+$0x200];
	v3 =	vmul.f32 v15, v14;
	[tilespmem:s22+$0x2A70] =	vst v1  }
0x1aa: {  	v21 =	vld [tilespmem:s22+$0x2A40];
	v1 =	vsub.f32 v14, v15;
	[tilespmem:s22+$0x2A60] =	vst v2  }
0x1ab: {  	v22 =	vld [tilespmem:s22+$0x240];
	v2 =	vsub.f32 v8, v26;
	[tilespmem:s22+$0x2A50] =	vst v3  }
0x1ac: {  	s8 =	simm.s32 $0x80;
	v23 =	vld [tilespmem:s22+$0x2A20];
	v3 =	vsub.f32 v12, v4;
	[tilespmem:s22+$0x250] =	vst v1  }
0x1ad: {  	v5 =	vsub.f32 v17, v10;
	v1 =	vld [tilespmem:s8+$0x2A70];
	[tilespmem:s22+$0x260] =	vst v2  }
0x1ae: {  	v6 =	vmul.f32 v10, v17;
	v2 =	vld [tilespmem:s8+$0x260];
	[tilespmem:s22+$0x270] =	vst v3  }
0x1af: {  	v7 =	vmul.f32 v13, v19;
	v3 =	vld [tilespmem:s8+$0x270];
	[tilespmem:s22+$0x230] =	vst v5  }
0x1b0: {  	v9 =	vmul.f32 v18, v20;
	v5 =	vld [tilespmem:s8+$0x250];
	[tilespmem:s22+$0x2A30] =	vst v6  }
0x1b1: {  	v11 =	vsub.f32 v19, v13;
	v6 =	vld [tilespmem:s8+$0x2A60];
	[tilespmem:s22+$0x2A10] =	vst v7  }
0x1b2: {  	v24 =	vmul.f32 v21, v22;
	v25 =	vld [tilespmem:s8+$0x2A30];
	[tilespmem:s22+$0x2A00] =	vst v9  }
0x1b3: {  	v7 =	vld [tilespmem:s8+$0x2A50];
	[tilespmem:s22+$0x210] =	vst v11  }
0x1b4: {  	v28 =	vimm.f32 $0.0e+00;
	v9 =	vld [tilespmem:s8+$0x230];
	[tilespmem:s22+$0x2A40] =	vst v24;
	v24 =	vmul.f32 v10, v10;
	v10 =	vmul.f32 v20, v20  }
0x1b5: {  	v27 =	vsub.f32 v16, v23;
	v29 =	vmul.f32 v18, v18;
	v19 =	vmul.f32 v19, v19  }
0x1b6: {  	v62 =	vmul.f32 v23, v16;
	v17 =	vmul.f32 v17, v17;
	v31 =	vadd.f32 v10, v28  }
0x1b7: {  	v30 =	vmul.f32 v1, v3;
	v28 =	vadd.f32 v29, v28;
	v29 =	vmul.f32 v13, v13  }
0x1b8: {  	v11 =	vld [tilespmem:s8+$0x2A10];
	[tilespmem:s22+$0x220] =	vst v27;
	v27 =	vmul.f32 v16, v16;
	v13 =	vmul.f32 v12, v12;
	v12 =	vadd.f32 v19, v31  }
0x1b9: {  	v20 =	vsub.f32 v20, v18;
	v19 =	vmul.f32 v23, v23;
	v23 =	vadd.f32 v29, v28  }
0x1ba: {  	v26 =	vmul.f32 v26, v26;
	v18 =	vsub.f32 v3, v1;
	v10 =	vld [tilespmem:s8+$0x220];
	[tilespmem:s8+$0x2A70] =	vst v30;
	v27 =	vadd.f32 v27, v12  }
0x1bb: {  	v16 =	vmul.f32 v8, v8;
	v8 =	vld [tilespmem:s8+$0x2A40];
	[tilespmem:s22+$0x2A20] =	vst v62;
	v28 =	vmul.f32 v15, v15;
	v19 =	vadd.f32 v19, v23  }
0x1bc: {  	v63 =	vsub.f32 v5, v7;
	v12 =	vld [tilespmem:s8+$0x2A00];
	[tilespmem:s22+$0x200] =	vst v20;
	v20 =	vmul.f32 v22, v22;
	v17 =	vadd.f32 v17, v27  }
0x1bd: {  	v29 =	vmul.f32 v21, v21;
	v23 =	vsub.f32 v22, v21;
	v19 =	vadd.f32 v24, v19  }
0x1be: {  	v22 =	vmul.f32 v6, v2;
	v27 =	vmul.f32 v14, v14;
	v17 =	vadd.f32 v20, v17  }
0x1bf: {  	v21 =	vsub.f32 v2, v6;
	v15 =	vld [tilespmem:s8+$0x200];
	[tilespmem:s22+$0x240] =	vst v23;
	v24 =	vmul.f32 v7, v5;
	v29 =	vadd.f32 v29, v19  }
0x1c0: {  	v14 =	vmul.f32 v25, v25;
	v23 =	vsub.f32 v9, v25;
	[tilespmem:s8+$0x2A60] =	vst v22;
	v20 =	vld [tilespmem:s8+$0x210];
	v27 =	vadd.f32 v27, v17  }
0x1c1: {  	s9 =	simm.s32 $0x400;
	v22 =	vmul.f32 v25, v9;
	[tilespmem:s8+$0x250] =	vst v63;
	v19 =	vmul.f32 v10, v10;
	v17 =	vld [tilespmem:s8+$0x240];
	v25 =	vadd.f32 v28, v29  }
.LBB2_13:
0x1c2: {  	[tilespmem:s8+$0x2A50] =	vst v24;
	v24 =	vadd.f32 v16, v27;
	v27 =	vmul.f32 v4, v4  }
0x1c3: {  	s10 =	sshra.s32 s9, $0x2;
	p0 =	sne.s32 s9, $0x9E00;
	s9 =	sadd.s32 $0x200, s9;
	v28 =	vld [tilespmem:s8+$0x2A20];
	v29 =	vmovc v13;
	v13 =	vmul.f32 v3, v3;
	v4 =	vmovc v1;
	v30 =	vmov v5;
	v31 =	vmov v6  }
0x1c4: {  	v16 =	vmul.f32 v2, v2;
	v1 =	vld [tilespmem:s10+$0x2A70];
	v32 =	vmul.f32 v12, v12;
	[tilespmem:s8+$0x260] =	vst v21;
	v5 =	vadd.f32 v26, v25  }
0x1c5: {  	v25 =	vmul.f32 v7, v7;
	v2 =	vld [tilespmem:s10+$0x260];
	v6 =	vmul.f32 v15, v15;
	[tilespmem:s8+$0x270] =	vst v18;
	v7 =	vadd.f32 v29, v24  }
0x1c6: {  	v3 =	vld [tilespmem:s10+$0x270];
	v18 =	vmul.f32 v11, v20;
	v21 =	vmul.f32 v20, v20;
	[tilespmem:s8+$0x230] =	vst v23;
	v23 =	vadd.f32 v27, v5  }
0x1c7: {  	v24 =	vmul.f32 v12, v15;
	v5 =	vld [tilespmem:s10+$0x250];
	v7 =	vadd.f32 v6, v7;
	[tilespmem:s8+$0x2A30] =	vst v22;
	v22 =	vmul.f32 v8, v17  }
0x1c8: {  	v6 =	vld [tilespmem:s10+$0x2A60];
	v23 =	vadd.f32 v32, v23;
	[tilespmem:s8+$0x2A10] =	vst v18;
	v18 =	vsub.f32 v20, v11;
	v11 =	vmul.f32 v11, v11  }
0x1c9: {  	v26 =	vld [tilespmem:s10+$0x2A30];
	[tilespmem:s8+$0x2A00] =	vst v24;
	v20 =	vadd.f32 v21, v7;
	v21 =	vmul.f32 v28, v28;
	v24 =	vmul.f32 v9, v9  }
0x1ca: {  	v27 =	vmul.f32 v28, v10;
	v10 =	vsub.f32 v10, v28;
	v7 =	vld [tilespmem:s10+$0x2A50];
	[tilespmem:s8+$0x210] =	vst v18;
	v23 =	vadd.f32 v11, v23  }
0x1cb: {  	v9 =	vld [tilespmem:s10+$0x230];
	v28 =	vmul.f32 v1, v3;
	v18 =	vsub.f32 v3, v1;
	v19 =	vadd.f32 v19, v20;
	[tilespmem:s8+$0x2A40] =	vst v22  }
0x1cc: {  	v15 =	vsub.f32 v15, v12;
	v20 =	vmul.f32 v8, v8;
	v11 =	vld [tilespmem:s10+$0x2A10];
	[tilespmem:s8+$0x220] =	vst v10;
	v12 =	vadd.f32 v21, v23  }
0x1cd: {  	v22 =	vmul.f32 v17, v17;
	v10 =	vld [tilespmem:s10+$0x220];
	v21 =	vsub.f32 v2, v6;
	[tilespmem:s10+$0x2A70] =	vst v28;
	v19 =	vadd.f32 v24, v19  }
.Ltmp6:
0x1ce: {  	v17 =	vsub.f32 v17, v8;
	v28 =	vmul.f32 v6, v2;
	[tilespmem:s8+$0x2A20] =	vst v27;
	v23 =	vadd.f32 v14, v12;
	v8 =	vld [tilespmem:s10+$0x2A40];
	(pc) =	sbr.rel @p0 .LBB2_13-.Ltmp6, $4  }
0x1cf: {  	v27 =	vmul.f32 v30, v30;
	v12 =	vld [tilespmem:s10+$0x2A00];
	v24 =	vmul.f32 v7, v5;
	[tilespmem:s8+$0x200] =	vst v15;
	v19 =	vadd.f32 v22, v19  }
0x1d0: {  	v14 =	vmul.f32 v26, v26;
	v29 =	vsub.f32 v5, v7;
	v15 =	vld [tilespmem:s10+$0x200];
	[tilespmem:s8+$0x240] =	vst v17;
	v30 =	vadd.f32 v20, v23;
	s8 =	smov.u32 s10  }
0x1d1: {  	v22 =	vmul.f32 v26, v9;
	v23 =	vsub.f32 v9, v26;
	v20 =	vld [tilespmem:s8+$0x210];
	[tilespmem:s8+$0x2A60] =	vst v28;
	v27 =	vadd.f32 v27, v19  }
0x1d2: {  	v26 =	vmul.f32 v31, v31;
	v19 =	vmul.f32 v10, v10;
	v17 =	vld [tilespmem:s8+$0x240];
	[tilespmem:s8+$0x250] =	vst v29;
	v25 =	vadd.f32 v25, v30  }
0x1d3: {  	v16 =	vadd.f32 v16, v27  }
0x1d4: {  	v4 =	vmul.f32 v4, v4;
	v25 =	vadd.f32 v26, v25  }
0x1d5: {  	v46 =	vld [tilespmem:s8+$0x2A20];
	[tilespmem:s8+$0x2A50] =	vst v24;
	v47 =	vmul.f32 v15, v15;
	v13 =	vadd.f32 v13, v16  }
0x1d6: {  	[tilespmem:s8+$0x260] =	vst v21;
	v48 =	vmul.f32 v12, v12;
	v4 =	vadd.f32 v4, v25  }
0x1d7: {  	[tilespmem:s8+$0x270] =	vst v18;
	v49 =	vmul.f32 v20, v20;
	v13 =	vadd.f32 v47, v13  }
0x1d8: {  	[tilespmem:s8+$0x230] =	vst v23;
	v51 =	vmul.f32 v11, v11;
	v52 =	vmul.f32 v12, v15;
	v4 =	vadd.f32 v48, v4  }
0x1d9: {  	[tilespmem:s8+$0x2A30] =	vst v22;
	v59 =	vsub.f32 v15, v12;
	v13 =	vadd.f32 v49, v13  }
0x1da: {  	v50 =	vmul.f32 v11, v20;
	[tilespmem:s8+$0x2A00] =	vst v52;
	v54 =	vmul.f32 v46, v46;
	v4 =	vadd.f32 v51, v4  }
0x1db: {  	v9 =	vmul.f32 v9, v9;
	v53 =	vsub.f32 v20, v11;
	[tilespmem:s8+$0x200] =	vst v59;
	v13 =	vadd.f32 v19, v13  }
0x1dc: {  	v55 =	vmul.f32 v8, v17;
	[tilespmem:s8+$0x2A10] =	vst v50;
	v4 =	vadd.f32 v54, v4  }
0x1dd: {  	v58 =	vmul.f32 v17, v17;
	v61 =	vsub.f32 v17, v8;
	[tilespmem:s8+$0x210] =	vst v53;
	v9 =	vadd.f32 v9, v13  }
0x1de: {  	v60 =	vmul.f32 v8, v8;
	v56 =	vsub.f32 v10, v46;
	[tilespmem:s8+$0x2A40] =	vst v55;
	v4 =	vadd.f32 v14, v4  }
0x1df: {  	v5 =	vmul.f32 v5, v5;
	v57 =	vmul.f32 v46, v10;
	[tilespmem:s8+$0x240] =	vst v61;
	v9 =	vadd.f32 v58, v9  }
0x1e0: {  	v7 =	vmul.f32 v7, v7;
	[tilespmem:s8+$0x220] =	vst v56;
	v4 =	vadd.f32 v60, v4  }
0x1e1: {  	v2 =	vmul.f32 v2, v2;
	[tilespmem:s8+$0x2A20] =	vst v57;
	v5 =	vadd.f32 v5, v9  }
0x1e2: {  	v6 =	vmul.f32 v6, v6;
	v62 =	vld [tilespmem:$0xA200];
	v4 =	vadd.f32 v7, v4  }
0x1e3: {  	v3 =	vmul.f32 v3, v3;
	v63 =	vld [tilespmem:$0xA280];
	v2 =	vadd.f32 v2, v5  }
0x1e4: {  	v1 =	vmul.f32 v1, v1;
	v4 =	vadd.f32 v6, v4  }
0x1e5: {  	v2 =	vadd.f32 v3, v2  }
0x1e6: {  	v1 =	vadd.f32 v1, v4  }
0x1e7: {  	v2 =	vadd.f32 v62, v2  }
0x1e8: {  	v1 =	vadd.f32 v63, v1  }
0x1e9: {  	[tilespmem:$0xA200] =	vst v2  }
0x1ea: {  	s21 =	rddreg [dreg:$0x1b];
	[tilespmem:$0xA280] =	vst v1  }
0x1eb: {  	[hbm4b:s21+s4] =	stream.linear.scatter [tilespmem:s18], [sflag:$0x5], $0x2800, $0x38;
	[tilespmem:$0x1DF00] =	vst v63  }
0x1ec: {  	_ =	swait.ge [sflag:s15], $0x2800  }
0x1ed: {  	[sflag:s15] =	ssyncset.done $0x0  }
0x1ee: {  	[sflag:s15] =	ssyncadd.s32 $0xFFFFD800  }
0x1ef: {  	[spmem:s3] =	stream.indirect.scatter.add.f32 [tilespmem:s14], [sflag:$0x5], $0x80, s16, s17, $0xb8;
	[tilespmem:$0x1DF00] =	vst v63  }
0x1f0: {  	_ =	swait.ge [sflag:s15], $0x2800  }
0x1f1: {  	s9 =	simm.s32 $0x1000;
	[sflag:s15] =	ssyncset.done $0x0  }
0x1f2: {  	s10 =	simm.s32 $0xA200;
	s22 =	rddreg [dreg:$0xa];
	[sflag:s15] =	ssyncadd.s32 $0xFFFFD800  }
0x1f3: {  	[hbm4b:s22+s16] =	stream.strided.scatter [tilespmem:s10], [sflag:$0x5], $0x100, s9, s16, $0x38;
	[tilespmem:$0x1DF00] =	vst v63  }
0x1f4: {  	_ =	swait.ge [sflag:s15], $0x100  }
0x1f5: {  	[sflag:s15] =	ssyncset.done $0x0  }
0x1f6: {  	s10 =	stileid.u32;
	[sflag:s15] =	ssyncadd.s32 $0xFFFFFF00  }
0x1f7: {  	s8 =	sshll.u32 s10, $0x6;
	[bflag:$0x0] =	sbarrier.arrive $0xFFFF  }
0x1f8: {  	s21 =	sshrl.u32 s20, $0x3;
	s8 =	sor.u32 $0x1C05, s8;
	s22 =	rddreg [dreg:$0xb]  }
0x1f9: {  	[hbm:s22], [sflag:s8] =	dma.local [spmem:s21], $0x500  }
0x1fa: {  	_ =	swait.ge [sflag:s15], $0x500  }
0x1fb: {  	[sflag:s15] =	ssyncset.done $0x0;
	s21 =	rddreg [dreg:$0x6]  }
0x1fc: {  	s22 =	rddreg [dreg:$0xc];
	[sflag:s15] =	ssyncadd.s32 $0xFFFFFB00;
	s9 =	sshrl.u32 s21, $0x3  }
0x1fd: {  	[hbm:s22], [sflag:s8] =	dma.local [spmem:s9], $0x500  }
0x1fe: {  	_ =	swait.ge [sflag:s15], $0x500  }
0x1ff: {  	[sflag:s15] =	ssyncset.done $0x0;
	s21 =	rddreg [dreg:$0x7]  }
0x200: {  	s22 =	rddreg [dreg:$0xd];
	[sflag:s15] =	ssyncadd.s32 $0xFFFFFB00;
	s9 =	sshrl.u32 s21, $0x3  }
0x201: {  	[hbm:s22], [sflag:s8] =	dma.local [spmem:s9], $0x500  }
0x202: {  	_ =	swait.ge [sflag:s15], $0x500  }
0x203: {  	[sflag:s15] =	ssyncset.done $0x0;
	s21 =	rddreg [dreg:$0x8]  }
0x204: {  	s22 =	rddreg [dreg:$0xe];
	[sflag:s15] =	ssyncadd.s32 $0xFFFFFB00;
	s9 =	sshrl.u32 s21, $0x3  }
0x205: {  	[hbm:s22], [sflag:s8] =	dma.local [spmem:s9], $0x500  }
0x206: {  	_ =	swait.ge [sflag:s15], $0x500  }
0x207: {  	[sflag:s15] =	ssyncset.done $0x0;
	s21 =	rddreg [dreg:$0x9]  }
0x208: {  	s22 =	rddreg [dreg:$0xf];
	[sflag:s15] =	ssyncadd.s32 $0xFFFFFB00;
	s9 =	sshrl.u32 s21, $0x3  }
0x209: {  	[hbm:s22], [sflag:s8] =	dma.local [spmem:s9], $0x500  }
0x20a: {  	_ =	swait.ge [sflag:s15], $0x500  }
0x20b: {  	[sflag:s15] =	ssyncset.done $0x0;
	s21 =	rddreg [dreg:$0x13]  }
0x20c: {  	s22 =	rddreg [dreg:$0x10];
	[sflag:s15] =	ssyncadd.s32 $0xFFFFFB00;
	s9 =	sshrl.u32 s21, $0x3  }
0x20d: {  	[hbm:s22], [sflag:s8] =	dma.local [spmem:s9], $0x500  }
0x20e: {  	_ =	swait.ge [sflag:s15], $0x500  }
0x20f: {  	[sflag:s15] =	ssyncset.done $0x0;
	s21 =	rddreg [dreg:$0x14]  }
0x210: {  	s22 =	rddreg [dreg:$0x11];
	[sflag:s15] =	ssyncadd.s32 $0xFFFFFB00;
	s9 =	sshrl.u32 s21, $0x3  }
0x211: {  	[hbm:s22], [sflag:s8] =	dma.local [spmem:s9], $0x500  }
0x212: {  	_ =	swait.ge [sflag:s15], $0x500  }
0x213: {  	[sflag:s15] =	ssyncset.done $0x0;
	s10 =	rddreg [dreg:$0x15]  }
0x214: {  	s21 =	rddreg [dreg:$0x12];
	[sflag:s15] =	ssyncadd.s32 $0xFFFFFB00;
	s9 =	sshrl.u32 s10, $0x3  }
0x215: {  	[hbm:s21], [sflag:s8] =	dma.local [spmem:s9], $0x480  }
0x216: {  	_ =	swait.ge [sflag:s15], $0x480  }
0x217: {  	s7 =	sadd.s32 $0x1, s7;
	s22 =	rddreg [dreg:$0x1c]  }
0x218: {  	p0 =	sne.s32 s7, s22  }
.Ltmp7:
0x219: {  	_ = 	snop;
	(pc) =	sbr.rel @p0 .LBB2_1-.Ltmp7, $3  }
0x21a: {  	_ =	sdelay $0x1  }
0x21b: {  	[sflag:s15] =	ssyncset.done $0x0  }
0x21c: {  	[sflag:s15] =	ssyncadd.s32 $0xFFFFFB80  }
0x21d: {  	_ =	sfence.sel $0x180000  }
0x21e: {  	[bflag:$0x0] =	sbarrier.arrive $0xFFFF  }
0x21f: {  	_ =	strace $0x90000047  }
0x220: {  	s0 =	stileid.u32;
	[bflag:$0x2] =	sbarrier.arrive $0xFFFF  }
0x221: {  	p0 =	sne.s32 s0, $0x0;
	s0 =	rddreg [dreg:$0x4]  }
0x222: {  	s0 =	sadd.s32 @!p0 $0x100000, s0  }
0x223: {  	[sflag:s0] =	ssyncadd.tile.s32 @!p0 $0x1;
	_ =	shalt  }
.Lfunc_end2:
_tile_overlayer_lowered:
.L_overlay_start_2:
0x224: {  	(tag) =	ssettag $0x2  }
0x225: {  	s0 =	rddreg [dreg:$0x0];
	s2 =	stileid.u32  }
0x226: {  	s1 =	rddreg [dreg:$0x1];
	p0 =	sne.s32 s2, $0x0  }
0x227: {  	s3 =	rddreg [dreg:$0x2];
	[bflag:$0x3] =	sbarrier.arrive $0xFFFF;
	s2 =	simm.s32 @!p0 $0x1C05  }
0x228: {  	[timem:s3], [sflag:s2] =	dma.local @!p0 [hbm:s0], s1  }
0x229: {  	s0 =	simm.s32 @!p0 $0x5  }
0x22a: {  	_ =	swait.ge @!p0 [sflag:s0], s1  }
0x22b: {  	s1 =	ssub.s32 @!p0 $0x0, s1;
	[sflag:s0] =	ssyncset.done @!p0 $0x0  }
0x22c: {  	[sflag:s0] =	ssyncadd.s32 @!p0 s1  }
0x22d: {  	[bflag:$0x3] =	sbarrier.arrive $0xFFFF  }
0x22e: {  	_ =	shalt  }

// kernel: k3_weighted_segsum.3.cloned.1.call-start
scs
__scs_entry_jumppad:
0x0: {  	(pc) =	sbr.rel $0x88, $3  }
0x1: {  	(tag) =	ssettag $0x0;
	lr =	simm.s32 $0x1  }
0x2: {  	[smem:$0x3F9C] =	sst lr;
	_ =	strace $0xD0000000  }
0x3: {  	_ = 	snop  }
0x4: {  	_ = 	snop  }
0x5: {  	_ = 	snop  }
0x6: {  	_ = 	snop  }
0x7: {  	_ = 	snop  }
__scs_overlays_trampoline_lowered:
0x8: {  	[smem:$0x3FAB] =	sst s0  }
0x9: {  	[smem:$0x3FAC] =	sst s1  }
0xa: {  	[smem:$0x3FAD] =	sst s2  }
0xb: {  	[smem:$0x3FAE] =	sst s3  }
0xc: {  	[smem:$0x3FAF] =	sst s4  }
0xd: {  	[smem:$0x3FB0] =	sst s5  }
0xe: {  	[smem:$0x3FB1] =	sst s6  }
0xf: {  	[smem:$0x3FB2] =	sst s7  }
0x10: {  	[smem:$0x3FB3] =	sst s8  }
0x11: {  	[smem:$0x3FB4] =	sst s9;
	s0 =	simm.s32 @!p0 $0x0  }
0x12: {  	s1 =	sld [smem:$0x3F9A];
	s0 =	simm.s32 @p0 $0x1  }
0x13: {  	[smem:$0x3FB5] =	sst s0;
	s0 =	simm.s32 @!p1 $0x0  }
0x14: {  	s2 =	sld [smem:$0x3F99];
	s0 =	simm.s32 @p1 $0x1  }
0x15: {  	[smem:$0x3FB6] =	sst s0;
	s0 =	simm.s32 @!p2 $0x0  }
0x16: {  	s3 =	sld [smem:$0x3FDB];
	s0 =	simm.s32 @p2 $0x1  }
0x17: {  	s4 =	simm.s32 $0x1BF5;
	[smem:$0x3FB8] =	sst s0  }
0x18: {  	s0 =	sld [smem:$0x3F9B];
	_ =	swait.ge [sflag:s4], $0x0  }
0x19: {  	s7 =	sld [smem:$0x3F9C]  }
0x1a: {  	s8 =	sadd.s32 $0xFFFFE003, lr  }
0x1b: {  	s9 =	sadd.s32 $0xFFFFFEF7, lr;
	s5 =	simm.s32 $0xFFFFFFFF;
	p2 =	slt.u32 s8, $0xFFFFF086  }
0x1c: {  	p1 =	slt.u32 s9, $0xF7A;
	s5 =	simm.s32 @!p2 $0x0  }
0x1d: {  	s5 =	simm.s32 @p1 $0x1;
	p0 =	seq.s32 s7, s2  }
0x1e: {  	s7 =	smul.u32 @!p0 $0xF7A, s2;
	p2 =	seq.s32 @!p0 s5, $0x0  }
0x1f: {  	s9 =	smul.u32 $0xF7A, s1;
	s8 =	simm.s32 @!p0 $0x1BF5;
	p2 =	por !p2, p0  }
0x20: {  	[sflag:s8] =	ssyncset.s32 @!p0 $0xFFFFF086;
	s6 =	sadd.s32 @!p0 s3, s7;
	s7 =	simm.s32 @!p0 $0x108  }
0x21: {  	s3 =	sadd.s32 s3, s9;
	s6 =	sadd.s32 @!p0 $0x88, s6;
	s7 =	simm.s32 @p2 $0x1082  }
0x22: {  	[simem:s7], [sflag:s8] =	dma.local @!p0 [hbm:s6], $0xF7A  }
0x23: {  	s9 =	sor.u32 $0xD0000000, s2;
	s6 =	simm.s32 $0x108;
	_ =	swait.ge @!p0 [sflag:s8], $0x0  }
0x24: {  	s3 =	sadd.s32 $0x88, s3;
	s6 =	simm.s32 @!p1 $0x1082;
	[sflag:s4] =	ssyncset.s32 $0xFFFFF086  }
0x25: {  	[simem:s6], [sflag:s4] =	dma.local [hbm:s3], $0xF7A  }
0x26: {  	[smem:$0x3F9C] =	sst s1;
	(tag) =	ssettag s2;
	_ =	strace s9  }
0x27: {  	s1 =	sld [smem:$0x3FAC]  }
0x28: {  	s2 =	sld [smem:$0x3FAD]  }
0x29: {  	s4 =	sld [smem:$0x3FAF]  }
0x2a: {  	p0 =	seq.s32 s5, $0x0;
	s5 =	sld [smem:$0x3FB0]  }
0x2b: {  	s6 =	sld [smem:$0x3FB1]  }
0x2c: {  	s7 =	sld [smem:$0x3FB2]  }
0x2d: {  	s3 =	simm.s32 $0x108;
	s8 =	sld [smem:$0x3FB3]  }
0x2e: {  	s3 =	simm.s32 @!p0 $0x1082;
	s9 =	sld [smem:$0x3FB4]  }
0x2f: {  	lr =	sadd.s32 s0, s3;
	s0 =	sld [smem:$0x3FAB]  }
0x30: {  	s3 =	sld [smem:$0x3FAE]  }
0x31: {  	[smem:$0x3FB7] =	sst s10  }
0x32: {  	s10 =	sld [smem:$0x3FB5];
	_ =	sdelay $0x3  }
0x33: {  	p0 =	seq.s32 s10, $0x1;
	s10 =	sld [smem:$0x3FB7];
	_ =	sdelay $0x3  }
0x34: {  	[smem:$0x3FB7] =	sst s10  }
0x35: {  	s10 =	sld [smem:$0x3FB6];
	_ =	sdelay $0x3  }
0x36: {  	p1 =	seq.s32 s10, $0x1;
	s10 =	sld [smem:$0x3FB7];
	_ =	sdelay $0x3  }
0x37: {  	[smem:$0x3FB7] =	sst s10  }
0x38: {  	s10 =	sld [smem:$0x3FB8]  }
0x39: {  	_ = 	snop;
	(pc) =	sbr.ind lr, $3  }
0x3a: {  	_ = 	snop  }
0x3b: {  	_ = 	snop  }
0x3c: {  	p2 =	seq.s32 s10, $0x1;
	s10 =	sld [smem:$0x3FB7]  }
0x3d: {  	_ =	shalt  }
0x3e: {  	_ =	shalt  }
0x3f: {  	_ =	shalt  }
0x40: {  	_ =	shalt  }
0x41: {  	_ =	shalt  }
0x42: {  	_ =	shalt  }
0x43: {  	_ =	shalt  }
0x44: {  	_ =	shalt  }
0x45: {  	_ =	shalt  }
0x46: {  	_ =	shalt  }
0x47: {  	_ =	shalt  }
0x48: {  	_ =	shalt  }
0x49: {  	_ =	shalt  }
0x4a: {  	_ =	shalt  }
0x4b: {  	_ =	shalt  }
0x4c: {  	_ =	shalt  }
0x4d: {  	_ =	shalt  }
0x4e: {  	_ =	shalt  }
0x4f: {  	_ =	shalt  }
0x50: {  	_ =	shalt  }
0x51: {  	_ =	shalt  }
0x52: {  	_ =	shalt  }
0x53: {  	_ =	shalt  }
0x54: {  	_ =	shalt  }
0x55: {  	_ =	shalt  }
0x56: {  	_ =	shalt  }
0x57: {  	_ =	shalt  }
0x58: {  	_ =	shalt  }
0x59: {  	_ =	shalt  }
0x5a: {  	_ =	shalt  }
0x5b: {  	_ =	shalt  }
0x5c: {  	_ =	shalt  }
0x5d: {  	_ =	shalt  }
0x5e: {  	_ =	shalt  }
0x5f: {  	_ =	shalt  }
0x60: {  	_ =	shalt  }
0x61: {  	_ =	shalt  }
0x62: {  	_ =	shalt  }
0x63: {  	_ =	shalt  }
0x64: {  	_ =	shalt  }
0x65: {  	_ =	shalt  }
0x66: {  	_ =	shalt  }
0x67: {  	_ =	shalt  }
0x68: {  	_ =	shalt  }
0x69: {  	_ =	shalt  }
0x6a: {  	_ =	shalt  }
0x6b: {  	_ =	shalt  }
0x6c: {  	_ =	shalt  }
0x6d: {  	_ =	shalt  }
0x6e: {  	_ =	shalt  }
0x6f: {  	_ =	shalt  }
0x70: {  	_ =	shalt  }
0x71: {  	_ =	shalt  }
0x72: {  	_ =	shalt  }
0x73: {  	_ =	shalt  }
0x74: {  	_ =	shalt  }
0x75: {  	_ =	shalt  }
0x76: {  	_ =	shalt  }
0x77: {  	_ =	shalt  }
0x78: {  	_ =	shalt  }
0x79: {  	_ =	shalt  }
0x7a: {  	_ =	shalt  }
0x7b: {  	_ =	shalt  }
0x7c: {  	_ =	shalt  }
0x7d: {  	_ =	shalt  }
0x7e: {  	_ =	shalt  }
0x7f: {  	_ =	shalt  }
0x80: {  	_ =	shalt  }
0x81: {  	_ =	shalt  }
0x82: {  	_ =	shalt  }
0x83: {  	_ =	shalt  }
0x84: {  	_ =	shalt  }
0x85: {  	_ =	shalt  }
0x86: {  	_ =	shalt  }
0x87: {  	_ =	shalt  }
.Lfunc_end0:
.L_simem_size_0:
called_computation.1_lowered:
.L_overlay_start_0:
0x88: {  	s2 =	sld [smem:$0x3FD9]  }
0x89: {  	s3 =	sld [smem:$0x3FFE];
	_ =	sdelay $0x1  }
0x8a: {  	s1 =	srdreg.scid  }
0x8b: {  	s0 =	sand.u32 $0x1, s1  }
0x8c: {  	s17 =	sshll.u32 s0, $0xA;
	s2 =	sadd.s32 s3, s2  }
0x8d: {  	s2 =	sadd.s32 s2, s17  }
0x8e: {  	[smem:$0x3FC3] =	sst s2  }
0x8f: {  	_ = 	snop  }
0x90: {  	s2 =	sld [smem:$0x3FD0];
	(tm) =	ssettm $0x1  }
0x91: {  	s18 =	sld [smem:$0x3FFB];
	_ =	sdelay $0x3  }
0x92: {  	_ =	strace s18  }
0x93: {  	s3 =	sld [smem:$0x3FFC];
	_ =	sdelay $0x3  }
0x94: {  	_ =	strace s3  }
0x95: {  	s3 =	sld [smem:$0x3FFD];
	_ =	sdelay $0x3  }
0x96: {  	_ =	strace s3  }
0x97: {  	_ =	strace $0x8FFFFFFF  }
0x98: {  	s19 =	sld [smem:$0x3FDB];
	_ =	sdelay $0x1  }
0x99: {  	s4 =	simm.s32 $_scs_section_size  }
0x9a: {  	s5 =	simm.s32 $_size__tile_overlayer_lowered;
	s6 =	simm.s32 $_tile_overlayer_lowered  }
0x9b: {  	s22 =	simm.s32 $0x1BFF;
	s21 =	sshll.u32 s6, $0x1;
	s3 =	sadd.s32 s4, s19  }
0x9c: {  	s7 =	simm.s32 $0x0;
	s20 =	sshll.u32 s5, $0x1;
	s5 =	sadd.s32 s21, s3  }
0x9d: {  	[timem:s7], [sflag:s22] =	dma.local [hbm:s5], s20  }
0x9e: {  	_ =	swait.ge [sflag:s22], s20  }
0x9f: {  	s4 =	ssub.s32 $0x0, s20;
	[sflag:s22] =	ssyncset.done $0x0  }
0xa0: {  	[sflag:s22] =	ssyncadd.s32 s4;
	_ =	sdelay $0x1  }
0xa1: {  	s23 =	simm.s32 $0x1B8B  }
0xa2: {  	_ =	swait.ge [sflag:s23], $0x1  }
0xa3: {  	[sflag:s23] =	ssyncset.done $0x0  }
0xa4: {  	s25 =	simm.s32 $0x1B8E;
	s24 =	sld [smem:$0x3FFE];
	[sflag:s23] =	ssyncadd.s32 $0xFFFFFFFF  }
0xa5: {  	s26 =	simm.s32 $execute0_lowered;
	[smem:$0x3FD2] =	sst s25  }
0xa6: {  	s5 =	sshll.u32 s26, $0x1;
	_ =	strace $0x80000049;
	[dreg:$0x1] =	wrdreg $0xFFFFFFFF  }
0xa7: {  	s28 =	simm.s32 $_size_execute0_lowered;
	s3 =	sadd.s32 s3, s5;
	[dreg:$0x0] =	wrdreg $0x0  }
0xa8: {  	s5 =	sshll.u32 s28, $0x1;
	[dreg:$0x2] =	wrdreg s3  }
0xa9: {  	[dreg:$0x3] =	wrdreg s5  }
0xaa: {  	[dreg:$0x4] =	wrdreg $0xC0  }
0xab: {  	_ =	task [dreg:s7], $0x5FFFF  }
0xac: {  	[dreg:$0x1] =	wrdreg $0xFFFFFFFF  }
0xad: {  	[dreg:$0x0] =	wrdreg $0x60  }
0xae: {  	[dreg:$0x2] =	wrdreg s24  }
0xaf: {  	[dreg:$0x3] =	wrdreg s2  }
0xb0: {  	[dreg:$0x4] =	wrdreg $0xA6000  }
0xb1: {  	[dreg:$0x5] =	wrdreg $0x9  }
0xb2: {  	_ =	task.clear_ibuf [dreg:s7], $0x6FFFF;
	_ =	strace $0x90000049  }
0xb3: {  	s29 =	simm.s32 $0x9;
	_ =	strace $0x8000004B  }
0xb4: {  	_ =	swait.ge [sflag:s29], $0x1  }
0xb5: {  	[sflag:s29] =	ssyncadd.s32 $0xFFFFFFFF  }
0xb6: {  	_ =	strace $0x9000004B  }
0xb7: {  	_ =	sfence  }
0xb8: {  	s30 =	sld [smem:$0x0];
	_ =	sdelay $0x2  }
0xb9: {  	s31 =	sshll.u32 s1, $0xD;
	s1 =	sshrl.u32 s1, $0x2  }
0xba: {  	s3 =	sand.u32 $0x4000, s31;
	s1 =	sadd.s32 s1, s30  }
0xbb: {  	s0 =	sor.u32 s3, s0;
	s1 =	sshll.u32 s1, $0x11  }
0xbc: {  	s0 =	sor.u32 s1, s0  }
0xbd: {  	s0 =	sadd.s32 $0x8F2B, s0  }
0xbe: {  	[sflag:s0] =	ssyncadd.remote.s32 $0x1  }
0xbf: {  	_ =	sfence.sel $0xFFFF  }
0xc0: {  	[dreg:$0x0] =	wrdreg $0xFFFFFFFF;
	(pc) =	sbr.abs _section_cstart, $3  }
0xc1: {  	[dreg:$0x1] =	wrdreg $0xFFFFFFFF  }
0xc2: {  	_ =	task.clear_ibuf [dreg:s7], $0x2FFFF;
	_ =	strace $0x9FFFFFFF  }
0xc3: {  	(tm) =	ssettm $0x7FFFFFFF  }
tec
execute0_lowered:
.L_overlay_start_1:
0x0: {  	(tag) =	ssettag $0x1  }
0x1: {  	s0 =	rddreg [dreg:$0x0]  }
0x2: {  	s1 =	rddreg [dreg:$0x1]  }
0x3: {  	s2 =	rddreg [dreg:$0x2];
	s24 =	simm.s32 $0x0  }
0x4: {  	s3 =	srdreg.scid;
	s9 =	stileid.u32;
	s28 =	simm.s32 $0x300  }
0x5: {  	s29 =	simm.s32 $0x5600;
	s30 =	simm.s32 $0x1;
	s31 =	simm.s32 $0x180  }
0x6: {  	[smem:$0x7FF] =	sst s24;
	s3 =	sand.u32 $0x1, s3;
	s7 =	smul.u32 $0x4F000, s9  }
0x7: {  	s8 =	sshll.u32 s9, $0x1;
	s9 =	smul.u32 $0x13C00, s9;
	s4 =	ssub.s32 $0x2, s3  }
0x8: {  	s10 =	sadd.s32 $0x3C600, s0;
	_ =	strace $0x8000004A;
	s6 =	sshrl.u32 s4, $0x1  }
0x9: {  	s7 =	sshrl.u32 s7, $0x2;
	s11 =	sadd.s32 $0x5000, s9;
	s12 =	sadd.s32 $0x7800, s9  }
0xa: {  	s4 =	ssub.s32 s4, s6;
	s6 =	sor.u32 s3, s8;
	s3 =	smul.u32 $0x13C000, s3  }
0xb: {  	s13 =	sadd.s32 $0xA000, s9;
	s14 =	sadd.s32 $0xC800, s9;
	s8 =	sadd.s32 $0x2800, s9  }
0xc: {  	s17 =	sadd.s32 $0xF000, s9;
	s15 =	sadd.s32 s9, s3;
	s16 =	sadd.s32 s3, s8  }
0xd: {  	s9 =	sadd.s32 $0x11800, s9;
	s19 =	sadd.s32 s3, s11;
	s20 =	sadd.s32 s3, s12  }
0xe: {  	s23 =	sadd.s32 s3, s14;
	s25 =	sadd.s32 s3, s17;
	s14 =	sadd.s32 s14, s2  }
0xf: {  	s17 =	sadd.s32 s17, s2;
	s15 =	sshrl.u32 s15, $0x3;
	[dreg:$0x12] =	wrdreg s14  }
0x10: {  	s16 =	sshrl.u32 s16, $0x3;
	[dreg:$0x13] =	wrdreg s17;
	s15 =	sadd.s32 s10, s15  }
0x11: {  	s18 =	sadd.s32 s10, s16;
	s16 =	sshrl.u32 s20, $0x3;
	[dreg:$0x5] =	wrdreg s15  }
0x12: {  	[dreg:$0x6] =	wrdreg s18;
	s21 =	sadd.s32 s10, s16;
	s16 =	sshrl.u32 s25, $0x3  }
0x13: {  	s25 =	sadd.s32 s7, s2;
	s7 =	sadd.s32 s11, s2;
	[dreg:$0x8] =	wrdreg s21  }
0x14: {  	s18 =	sadd.s32 s3, s13;
	s15 =	sshrl.u32 s19, $0x3;
	[dreg:$0xf] =	wrdreg s7  }
0x15: {  	s3 =	sadd.s32 s3, s9;
	s13 =	sadd.s32 s13, s2;
	[dreg:$0xd] =	wrdreg s25  }
0x16: {  	s11 =	smul.u32 $0xA, s6;
	s15 =	sadd.s32 s10, s15;
	[dreg:$0x11] =	wrdreg s13  }
0x17: {  	s18 =	sshrl.u32 s18, $0x3;
	s26 =	sadd.s32 s10, s16;
	[dreg:$0x7] =	wrdreg s15  }
0x18: {  	s3 =	sshrl.u32 s3, $0x3;
	s22 =	sadd.s32 s10, s18;
	[dreg:$0xb] =	wrdreg s26  }
0x19: {  	s16 =	sadd.s32 $0x1200, s0;
	s3 =	sadd.s32 s10, s3;
	[dreg:$0x9] =	wrdreg s22  }
0x1a: {  	s5 =	sadd.s32 $0x14E00, s0;
	s19 =	sadd.s32 s16, s11;
	[dreg:$0xc] =	wrdreg s3  }
0x1b: {  	s15 =	sshrl.u32 s23, $0x3;
	s23 =	sor.u32 $0x80, s6;
	[dreg:$0x16] =	wrdreg s19  }
0x1c: {  	s26 =	sor.u32 $0xA0, s6;
	s15 =	sadd.s32 s10, s15;
	[dreg:$0x1c] =	wrdreg s23  }
0x1d: {  	s3 =	sadd.s32 s8, s2;
	s8 =	smul.u32 $0x50, s6;
	[dreg:$0x1d] =	wrdreg s26  }
0x1e: {  	s10 =	sadd.s32 s12, s2;
	s12 =	sadd.s32 s9, s2;
	[dreg:$0xa] =	wrdreg s15  }
0x1f: {  	s22 =	smax.u32 s4, $0x1;
	s9 =	simm.s32 $0x9;
	[dreg:$0xe] =	wrdreg s3  }
0x20: {  	s26 =	simm.s32 $0x100;
	s19 =	simm.s32 $0x2;
	[dreg:$0x10] =	wrdreg s10  }
0x21: {  	s23 =	simm.s32 $0x4;
	s15 =	sadd.s32 $0xB000, s0;
	[dreg:$0x14] =	wrdreg s12  }
0x22: {  	s3 =	sadd.s32 s1, s11;
	[dreg:$0x1b] =	wrdreg s22;
	s0 =	sshrl.u32 s8, $0x3  }
0x23: {  	s18 =	sadd.s32 s15, s11;
	[dreg:$0x17] =	wrdreg s3;
	s0 =	sadd.s32 $0x140, s0  }
0x24: {  	s10 =	simm.s32 $0x200;
	[dreg:$0x15] =	wrdreg s18;
	s20 =	sadd.s32 s15, s0  }
0x25: {  	s12 =	simm.s32 $0x50;
	s21 =	sadd.s32 s16, s0;
	[dreg:$0x18] =	wrdreg s20  }
0x26: {  	s22 =	simm.s32 $0x6;
	s0 =	sadd.s32 s1, s0;
	[dreg:$0x19] =	wrdreg s21  }
0x27: {  	s8 =	simm.s32 $0x600;
	s18 =	simm.s32 $0x7E00;
	[dreg:$0x1a] =	wrdreg s0  }
0x28: {  	v0 =	vimm.f32 $0.0e+00;
	s0 =	simm.s32 $0x380;
	s20 =	simm.s32 $0x5;
	s21 =	simm.s32 $0x3  }
.LBB2_1:
0x29: {  	[dreg:$0x4] =	wrdreg s24;
	s4 =	simm.s32 $0x0;
	s11 =	simm.s32 $0x200  }
.LBB2_2:
0x2a: {  	p0 =	sne.s32 s11, $0x9E00;
	[tilespmem:s4+$0x670] =	vst v0  }
0x2b: {  	[tilespmem:s4+$0x600] =	vst v0  }
0x2c: {  	[tilespmem:s4+$0x610] =	vst v0  }
.Ltmp0:
0x2d: {  	[tilespmem:s4+$0x620] =	vst v0;
	(pc) =	sbr.rel @p0 .LBB2_2-.Ltmp0, $4  }
0x2e: {  	[tilespmem:s4+$0x630] =	vst v0  }
0x2f: {  	[tilespmem:s4+$0x640] =	vst v0  }
0x30: {  	[tilespmem:s4+$0x650] =	vst v0  }
0x31: {  	[tilespmem:s4+$0x660] =	vst v0;
	s4 =	sshra.s32 s11, $0x2;
	s11 =	sadd.s32 $0x200, s11  }
0x32: {  	[tilespmem:s4+$0x670] =	vst v0  }
0x33: {  	[tilespmem:s4+$0x600] =	vst v0  }
0x34: {  	[tilespmem:s4+$0x610] =	vst v0  }
0x35: {  	[tilespmem:s4+$0x620] =	vst v0  }
0x36: {  	[tilespmem:s4+$0x630] =	vst v0  }
0x37: {  	[tilespmem:s4+$0x640] =	vst v0  }
0x38: {  	[tilespmem:s4+$0x650] =	vst v0  }
0x39: {  	[tilespmem:s4+$0x660] =	vst v0  }
0x3a: {  	[spmem:s25] =	stream.linear.scatter [tilespmem:s8], [sflag:$0x9], $0x2800, $0x38;
	[tilespmem:$0x1E200] =	vst v63  }
0x3b: {  	_ =	swait.ge [sflag:s9], $0x2800  }
0x3c: {  	[sflag:s9] =	ssyncset.done $0x0  }
0x3d: {  	s3 =	rddreg [dreg:$0xe];
	[sflag:s9] =	ssyncadd.s32 $0xFFFFD800  }
0x3e: {  	[spmem:s3] =	stream.linear.scatter [tilespmem:s8], [sflag:$0x9], $0x2800, $0x38;
	[tilespmem:$0x1E200] =	vst v63  }
0x3f: {  	_ =	swait.ge [sflag:s9], $0x2800  }
0x40: {  	[sflag:s9] =	ssyncset.done $0x0  }
0x41: {  	s4 =	rddreg [dreg:$0xf];
	[sflag:s9] =	ssyncadd.s32 $0xFFFFD800  }
0x42: {  	[spmem:s4] =	stream.linear.scatter [tilespmem:s8], [sflag:$0x9], $0x2800, $0x38;
	[tilespmem:$0x1E200] =	vst v63  }
0x43: {  	_ =	swait.ge [sflag:s9], $0x2800  }
0x44: {  	[sflag:s9] =	ssyncset.done $0x0  }
0x45: {  	s7 =	rddreg [dreg:$0x10];
	[sflag:s9] =	ssyncadd.s32 $0xFFFFD800  }
0x46: {  	[spmem:s7] =	stream.linear.scatter [tilespmem:s8], [sflag:$0x9], $0x2800, $0x38;
	[tilespmem:$0x1E200] =	vst v63  }
0x47: {  	_ =	swait.ge [sflag:s9], $0x2800  }
0x48: {  	[sflag:s9] =	ssyncset.done $0x0  }
0x49: {  	[sflag:s9] =	ssyncadd.s32 $0xFFFFD800  }
0x4a: {  	[spmem:s13] =	stream.linear.scatter [tilespmem:s8], [sflag:$0x9], $0x2800, $0x38;
	[tilespmem:$0x1E200] =	vst v63  }
0x4b: {  	_ =	swait.ge [sflag:s9], $0x2800  }
0x4c: {  	[sflag:s9] =	ssyncset.done $0x0  }
0x4d: {  	[sflag:s9] =	ssyncadd.s32 $0xFFFFD800  }
0x4e: {  	[spmem:s14] =	stream.linear.scatter [tilespmem:s8], [sflag:$0x9], $0x2800, $0x38;
	[tilespmem:$0x1E200] =	vst v63  }
0x4f: {  	_ =	swait.ge [sflag:s9], $0x2800  }
0x50: {  	[sflag:s9] =	ssyncset.done $0x0  }
0x51: {  	[sflag:s9] =	ssyncadd.s32 $0xFFFFD800  }
0x52: {  	[spmem:s17] =	stream.linear.scatter [tilespmem:s8], [sflag:$0x9], $0x2800, $0x38;
	[tilespmem:$0x1E200] =	vst v63  }
0x53: {  	_ =	swait.ge [sflag:s9], $0x2800  }
0x54: {  	[sflag:s9] =	ssyncset.done $0x0  }
0x55: {  	s11 =	rddreg [dreg:$0x14];
	[sflag:s9] =	ssyncadd.s32 $0xFFFFD800  }
0x56: {  	[spmem:s11] =	stream.linear.scatter [tilespmem:s8], [sflag:$0x9], $0x2400, $0x38;
	[tilespmem:$0x1E200] =	vst v63  }
0x57: {  	_ =	swait.ge [sflag:s9], $0x2400  }
0x58: {  	[sflag:s9] =	ssyncset.done $0x0  }
0x59: {  	[sflag:s9] =	ssyncadd.s32 $0xFFFFDC00  }
0x5a: {  	[bflag:$0x0] =	sbarrier.arrive $0xFFFF  }
0x5b: {  	s24 =	simm.s32 $0x0;
	s13 =	rddreg [dreg:$0x15]  }
0x5c: {  	[tilespmem:s24], [sflag:$0x9] =	stream.linear.gather [hbm4b:s13+s24], $0x50, $0x38;
	[tilespmem:$0x1E200] =	vst v63  }
0x5d: {  	_ =	swait.ge [sflag:s9], $0x50  }
0x5e: {  	[sflag:s9] =	ssyncset.done $0x0  }
0x5f: {  	s14 =	rddreg [dreg:$0x16];
	[sflag:s9] =	ssyncadd.s32 $0xFFFFFFB0  }
0x60: {  	[tilespmem:s10], [sflag:$0x9] =	stream.linear.gather [hbm4b:s14+s24], $0x50, $0x38;
	[tilespmem:$0x1E200] =	vst v63  }
0x61: {  	_ =	swait.ge [sflag:s9], $0x50  }
0x62: {  	[sflag:s9] =	ssyncset.done $0x0  }
0x63: {  	s25 =	simm.s32 $0x400;
	s17 =	rddreg [dreg:$0x17];
	[sflag:s9] =	ssyncadd.s32 $0xFFFFFFB0  }
0x64: {  	[tilespmem:s25], [sflag:$0x9] =	stream.linear.gather [hbm4b:s17+s24], $0x50, $0x38;
	[tilespmem:$0x1E200] =	vst v63  }
0x65: {  	_ =	swait.ge [sflag:s9], $0x50  }
0x66: {  	[sflag:s9] =	ssyncset.done $0x0  }
0x67: {  	[sflag:s9] =	ssyncadd.s32 $0xFFFFFFB0  }
0x68: {  	[tilespmem:s8], [sflag:$0x1] =	stream.indirect.gather [hbm4b:s5+s12], $0x80, s24, s12, $0xb8;
	[tilespmem:$0x1E200] =	vst v63  }
0x69: {  	s11 =	simm.s32 $0x80;
	s7 =	rddreg [dreg:$0x18]  }
0x6a: {  	[tilespmem:s11], [sflag:$0x9] =	stream.linear.gather [hbm4b:s7+s24], $0x50, $0x38;
	[tilespmem:$0x1E200] =	vst v63  }
0x6b: {  	_ =	swait.ge [sflag:s9], $0x50  }
0x6c: {  	[sflag:s9] =	ssyncset.done $0x0  }
0x6d: {  	s7 =	simm.s32 $0x280;
	s13 =	rddreg [dreg:$0x19];
	[sflag:s9] =	ssyncadd.s32 $0xFFFFFFB0  }
0x6e: {  	[tilespmem:s7], [sflag:$0x9] =	stream.linear.gather [hbm4b:s13+s24], $0x50, $0x38;
	[tilespmem:$0x1E200] =	vst v63  }
0x6f: {  	_ =	swait.ge [sflag:s9], $0x50  }
0x70: {  	[sflag:s9] =	ssyncset.done $0x0  }
0x71: {  	s17 =	simm.s32 $0x480;
	s14 =	rddreg [dreg:$0x1a];
	[sflag:s9] =	ssyncadd.s32 $0xFFFFFFB0  }
0x72: {  	[tilespmem:s17], [sflag:$0x9] =	stream.linear.gather [hbm4b:s14+s24], $0x50, $0x38;
	[tilespmem:$0x1E200] =	vst v63  }
0x73: {  	_ =	swait.ge [sflag:s9], $0x50  }
0x74: {  	[sflag:s9] =	ssyncset.done $0x0  }
0x75: {  	s4 =	simm.s32 $0x0;
	s25 =	simm.s32 $0x2E00;
	[sflag:s9] =	ssyncadd.s32 $0xFFFFFFB0  }
0x76: {  	[tilespmem:s25], [sflag:$0x2] =	stream.indirect.gather [hbm4b:s5+s12], $0x80, s11, s12, $0xb8;
	[tilespmem:$0x1E200] =	vst v63  }
.LBB2_4:
0x77: {  	s13 =	sshll.u32 s4, $0x7;
	p0 =	seq.s32 s4, $0x0  }
0x78: {  	s11 =	sor.u32 @!p0 $0x40, s13  }
0x79: {  	s11 =	simm.s32 @p0 $0x40  }
0x7a: {  	s14 =	simm.s32 @!p0 $0x7;
	s11 =	sor.u32 s6, s11  }
0x7b: {  	_ =	swait.ge @!p0 [sflag:s14], $0x2800;
	s11 =	smul.u32 $0xA, s11  }
0x7c: {  	[sflag:s14] =	ssyncset.done @!p0 $0x0  }
0x7d: {  	[sflag:s14] =	ssyncadd.s32 @!p0 $0xFFFFD800;
	s7 =	sadd.s32 s15, s11  }
0x7e: {  	[tilespmem:s26], [sflag:$0x9] =	stream.linear.gather [hbm4b:s7+s24], $0x50, $0x38;
	[tilespmem:$0x1E200] =	vst v63  }
0x7f: {  	_ =	swait.ge [sflag:s9], $0x50  }
0x80: {  	[sflag:s9] =	ssyncset.done $0x0  }
0x81: {  	s17 =	sadd.s32 s16, s11;
	[sflag:s9] =	ssyncadd.s32 $0xFFFFFFB0  }
0x82: {  	[tilespmem:s28], [sflag:$0x9] =	stream.linear.gather [hbm4b:s17+s24], $0x50, $0x38;
	[tilespmem:$0x1E200] =	vst v63  }
0x83: {  	_ =	swait.ge [sflag:s9], $0x50  }
0x84: {  	[sflag:s9] =	ssyncset.done $0x0  }
0x85: {  	s3 =	simm.s32 $0x500;
	s11 =	sadd.s32 s1, s11;
	[sflag:s9] =	ssyncadd.s32 $0xFFFFFFB0  }
0x86: {  	[tilespmem:s3], [sflag:$0x9] =	stream.linear.gather [hbm4b:s11+s24], $0x50, $0x38;
	[tilespmem:$0x1E200] =	vst v63  }
0x87: {  	_ =	swait.ge [sflag:s9], $0x50  }
0x88: {  	[sflag:s9] =	ssyncset.done $0x0  }
0x89: {  	[sflag:s9] =	ssyncadd.s32 $0xFFFFFFB0  }
0x8a: {  	[tilespmem:s29], [sflag:$0x3] =	stream.indirect.gather [hbm4b:s5+s12], $0x80, s26, s12, $0xb8;
	[tilespmem:$0x1E200] =	vst v63  }
0x8b: {  	_ =	swait.ge [sflag:s30], $0x2800  }
0x8c: {  	[sflag:s30] =	ssyncset.done $0x0  }
0x8d: {  	s25 =	sand.u32 $0x1C0, s24;
	s17 =	simm.s32 $0x640;
	[sflag:s30] =	ssyncadd.s32 $0xFFFFD800  }
0x8e: {  	s11 =	sshrl.u32 s25, $0x2;
	v5 =	vld [tilespmem:s17+$0x30]  }
0x8f: {  	v2 =	vld [tilespmem:s11+$0x400]  }
0x90: {  	v8 =	vld [tilespmem:s17+$0x10]  }
0x91: {  	v6 =	vld [tilespmem:s17+$0xFFFFFFC0]  }
0x92: {  	v10 =	vld [tilespmem:s17+$0xFFFFFFE0]  }
0x93: {  	v3 =	vmov s24;
	v1 =	vld [tilespmem:s17+$0xFFFFFFF0]  }
0x94: {  	v4 =	vld [tilespmem:s17+$0xFFFFFFD0];
	v2 =	vperm.xlane v2, v3  }
0x95: {  	v3 =	vld [tilespmem:s17+$0x20]  }
0x96: {  	v9 =	vmul.f32 v5, v2;
	v5 =	vld [tilespmem:s17+$0x0];
	_ =	sdelay $0x1  }
0x97: {  	v7 =	vmul.f32 v6, v2  }
0x98: {  	s14 =	simm.s32 $0x0;
	s25 =	simm.s32 $0x640;
	s11 =	simm.s32 $0x1;
	v6 =	vmul.f32 v10, v2;
	v8 =	vmul.f32 v8, v2  }
.LBB2_5:
0x99: {  	p1 =	sne.s32 s11, $0x4F;
	v4 =	vmul.f32 v4, v2;
	v3 =	vmul.f32 v3, v2;
	[tilespmem:s17+$0x30] =	vst v9;
	s14 =	sadd.s32 $0x4, s14;
	s25 =	sadd.s32 $0x80, s25  }
0x9a: {  	v1 =	vmul.f32 v1, v2;
	s3 =	smov.u32 s11;
	s11 =	sadd.s32 $0x1, s11;
	[tilespmem:s17+$0xFFFFFFC0] =	vst v7;
	v2 =	vmul.f32 v5, v2  }
0x9b: {  	[tilespmem:s17+$0x10] =	vst v8  }
0x9c: {  	[tilespmem:s17+$0xFFFFFFE0] =	vst v6  }
0x9d: {  	[tilespmem:s17+$0xFFFFFFF0] =	vst v1  }
0x9e: {  	v1 =	vld [tilespmem:s25+$0xFFFFFFF0];
	[tilespmem:s17+$0x0] =	vst v2  }
0x9f: {  	s7 =	sand.u32 $0x1C0, s14;
	v6 =	vld [tilespmem:s25+$0x30];
	[tilespmem:s17+$0x20] =	vst v3  }
0xa0: {  	s7 =	sshrl.u32 s7, $0x2;
	v8 =	vld [tilespmem:s25+$0x10];
	[tilespmem:s17+$0xFFFFFFD0] =	vst v4;
	s17 =	smov.u32 s25  }
0xa1: {  	v2 =	vld [tilespmem:s7+$0x400]  }
0xa2: {  	v7 =	vld [tilespmem:s25+$0xFFFFFFC0]  }
0xa3: {  	v10 =	vld [tilespmem:s25+$0xFFFFFFE0]  }
0xa4: {  	v3 =	vld [tilespmem:s25+$0x20]  }
.Ltmp1:
0xa5: {  	v5 =	vmov s3;
	v4 =	vld [tilespmem:s25+$0xFFFFFFD0];
	(pc) =	sbr.rel @p1 .LBB2_5-.Ltmp1, $3  }
0xa6: {  	v2 =	vperm.xlane v2, v5;
	v5 =	vld [tilespmem:s25+$0x0];
	_ =	sdelay $0x1  }
0xa7: {  	v7 =	vmul.f32 v7, v2;
	v9 =	vmul.f32 v6, v2  }
0xa8: {  	v6 =	vmul.f32 v10, v2;
	v8 =	vmul.f32 v8, v2  }
0xa9: {  	[tilespmem:s17+$0x30] =	vst v9  }
0xaa: {  	[tilespmem:s17+$0xFFFFFFC0] =	vst v7  }
0xab: {  	v1 =	vmul.f32 v1, v2;
	[tilespmem:s17+$0x10] =	vst v8  }
0xac: {  	v3 =	vmul.f32 v3, v2;
	[tilespmem:s17+$0xFFFFFFE0] =	vst v6  }
0xad: {  	v5 =	vmul.f32 v5, v2;
	[tilespmem:s17+$0xFFFFFFF0] =	vst v1  }
0xae: {  	s3 =	sor.u32 @!p0 $0x60, s13;
	v1 =	vmul.f32 v4, v2;
	[tilespmem:s17+$0x20] =	vst v3  }
0xaf: {  	s3 =	simm.s32 @p0 $0x60;
	[tilespmem:s17+$0x0] =	vst v5  }
0xb0: {  	s7 =	simm.s32 @!p0 $0x8;
	s3 =	sadd.s32 s6, s3;
	[tilespmem:s17+$0xFFFFFFD0] =	vst v1  }
0xb1: {  	[spmem:s2] =	stream.indirect.scatter.add.f32 [tilespmem:s8], [sflag:$0x5], $0x80, s10, s12, $0xb8;
	[tilespmem:$0x1E200] =	vst v63  }
0xb2: {  	s3 =	smul.u32 $0xA, s3;
	_ =	swait.ge @!p0 [sflag:s7], $0x2800  }
0xb3: {  	[sflag:s7] =	ssyncset.done @!p0 $0x0  }
0xb4: {  	s17 =	simm.s32 $0x0;
	s25 =	sadd.s32 s15, s3;
	[sflag:s7] =	ssyncadd.s32 @!p0 $0xFFFFD800  }
0xb5: {  	[tilespmem:s31], [sflag:$0x9] =	stream.linear.gather [hbm4b:s25+s17], $0x50, $0x38;
	[tilespmem:$0x1E200] =	vst v63  }
0xb6: {  	_ =	swait.ge [sflag:s9], $0x50  }
0xb7: {  	[sflag:s9] =	ssyncset.done $0x0  }
0xb8: {  	s11 =	sadd.s32 s16, s3;
	[sflag:s9] =	ssyncadd.s32 $0xFFFFFFB0  }
0xb9: {  	[tilespmem:s0], [sflag:$0x9] =	stream.linear.gather [hbm4b:s11+s17], $0x50, $0x38;
	[tilespmem:$0x1E200] =	vst v63  }
0xba: {  	_ =	swait.ge [sflag:s9], $0x50  }
0xbb: {  	[sflag:s9] =	ssyncset.done $0x0  }
0xbc: {  	s14 =	simm.s32 $0x580;
	s3 =	sadd.s32 s1, s3;
	[sflag:s9] =	ssyncadd.s32 $0xFFFFFFB0  }
0xbd: {  	[tilespmem:s14], [sflag:$0x9] =	stream.linear.gather [hbm4b:s3+s17], $0x50, $0x38;
	[tilespmem:$0x1E200] =	vst v63  }
0xbe: {  	_ =	swait.ge [sflag:s9], $0x50  }
0xbf: {  	[sflag:s9] =	ssyncset.done $0x0  }
0xc0: {  	[sflag:s9] =	ssyncadd.s32 $0xFFFFFFB0  }
0xc1: {  	[tilespmem:s18], [sflag:$0x4] =	stream.indirect.gather [hbm4b:s5+s12], $0x80, s31, s12, $0xb8;
	[tilespmem:$0x1E200] =	vst v63  }
0xc2: {  	_ =	swait.ge [sflag:s19], $0x2800  }
0xc3: {  	[sflag:s19] =	ssyncset.done $0x0  }
0xc4: {  	s25 =	sand.u32 $0x1C0, s17;
	s11 =	simm.s32 $0x2E40;
	[sflag:s19] =	ssyncadd.s32 $0xFFFFD800  }
0xc5: {  	s3 =	sshrl.u32 s25, $0x2;
	v5 =	vld [tilespmem:s11+$0x30]  }
0xc6: {  	v2 =	vld [tilespmem:s3+$0x480]  }
0xc7: {  	v8 =	vld [tilespmem:s11+$0x10]  }
0xc8: {  	v6 =	vld [tilespmem:s11+$0xFFFFFFC0]  }
0xc9: {  	v10 =	vld [tilespmem:s11+$0xFFFFFFE0]  }
0xca: {  	v3 =	vmov s17;
	v1 =	vld [tilespmem:s11+$0xFFFFFFF0]  }
0xcb: {  	v4 =	vld [tilespmem:s11+$0xFFFFFFD0];
	v2 =	vperm.xlane v2, v3  }
0xcc: {  	v3 =	vld [tilespmem:s11+$0x20]  }
0xcd: {  	v9 =	vmul.f32 v5, v2;
	v5 =	vld [tilespmem:s11+$0x0];
	_ =	sdelay $0x1  }
0xce: {  	v7 =	vmul.f32 v6, v2  }
0xcf: {  	s14 =	simm.s32 $0x1;
	s25 =	simm.s32 $0x2E40;
	v6 =	vmul.f32 v10, v2;
	v8 =	vmul.f32 v8, v2  }
.LBB2_7:
0xd0: {  	p0 =	sne.s32 s14, $0x4F;
	v4 =	vmul.f32 v4, v2;
	v3 =	vmul.f32 v3, v2;
	[tilespmem:s11+$0x30] =	vst v9;
	s17 =	sadd.s32 $0x4, s17;
	s25 =	sadd.s32 $0x80, s25  }
0xd1: {  	v1 =	vmul.f32 v1, v2;
	s3 =	smov.u32 s14;
	s14 =	sadd.s32 $0x1, s14;
	[tilespmem:s11+$0xFFFFFFC0] =	vst v7;
	v2 =	vmul.f32 v5, v2  }
0xd2: {  	[tilespmem:s11+$0x10] =	vst v8  }
0xd3: {  	[tilespmem:s11+$0xFFFFFFE0] =	vst v6  }
0xd4: {  	[tilespmem:s11+$0xFFFFFFF0] =	vst v1  }
0xd5: {  	v1 =	vld [tilespmem:s25+$0xFFFFFFF0];
	[tilespmem:s11+$0x0] =	vst v2  }
0xd6: {  	s7 =	sand.u32 $0x1C0, s17;
	v6 =	vld [tilespmem:s25+$0x30];
	[tilespmem:s11+$0x20] =	vst v3  }
0xd7: {  	s7 =	sshrl.u32 s7, $0x2;
	v8 =	vld [tilespmem:s25+$0x10];
	[tilespmem:s11+$0xFFFFFFD0] =	vst v4;
	s11 =	smov.u32 s25  }
0xd8: {  	v2 =	vld [tilespmem:s7+$0x480]  }
0xd9: {  	v7 =	vld [tilespmem:s25+$0xFFFFFFC0]  }
0xda: {  	v10 =	vld [tilespmem:s25+$0xFFFFFFE0]  }
0xdb: {  	v3 =	vld [tilespmem:s25+$0x20]  }
.Ltmp2:
0xdc: {  	v5 =	vmov s3;
	v4 =	vld [tilespmem:s25+$0xFFFFFFD0];
	(pc) =	sbr.rel @p0 .LBB2_7-.Ltmp2, $3  }
0xdd: {  	v2 =	vperm.xlane v2, v5;
	v5 =	vld [tilespmem:s25+$0x0];
	_ =	sdelay $0x1  }
0xde: {  	v7 =	vmul.f32 v7, v2;
	v9 =	vmul.f32 v6, v2  }
0xdf: {  	v6 =	vmul.f32 v10, v2;
	v8 =	vmul.f32 v8, v2  }
0xe0: {  	[tilespmem:s11+$0x30] =	vst v9  }
0xe1: {  	[tilespmem:s11+$0xFFFFFFC0] =	vst v7  }
0xe2: {  	v1 =	vmul.f32 v1, v2;
	[tilespmem:s11+$0x10] =	vst v8  }
0xe3: {  	v3 =	vmul.f32 v3, v2;
	[tilespmem:s11+$0xFFFFFFE0] =	vst v6  }
0xe4: {  	v5 =	vmul.f32 v5, v2;
	[tilespmem:s11+$0xFFFFFFF0] =	vst v1  }
0xe5: {  	v1 =	vmul.f32 v4, v2;
	[tilespmem:s11+$0x20] =	vst v3  }
0xe6: {  	[tilespmem:s11+$0x0] =	vst v5  }
0xe7: {  	s3 =	simm.s32 $0x280;
	s7 =	simm.s32 $0x2E00;
	s17 =	rddreg [dreg:$0x1c];
	[tilespmem:s11+$0xFFFFFFD0] =	vst v1  }
0xe8: {  	[spmem:s2] =	stream.indirect.scatter.add.f32 [tilespmem:s7], [sflag:$0x6], $0x80, s3, s12, $0xb8;
	[tilespmem:$0x1E200] =	vst v63  }
0xe9: {  	s3 =	sadd.s32 s17, s13  }
0xea: {  	_ =	swait.ge [sflag:s20], $0x2800;
	s3 =	smul.u32 $0xA, s3  }
0xeb: {  	[sflag:s20] =	ssyncset.done $0x0  }
0xec: {  	s17 =	simm.s32 $0x0;
	[sflag:s20] =	ssyncadd.s32 $0xFFFFD800;
	s25 =	sadd.s32 s15, s3  }
0xed: {  	[tilespmem:s17], [sflag:$0x9] =	stream.linear.gather [hbm4b:s25+s17], $0x50, $0x38;
	[tilespmem:$0x1E200] =	vst v63  }
0xee: {  	_ =	swait.ge [sflag:s9], $0x50  }
0xef: {  	[sflag:s9] =	ssyncset.done $0x0  }
0xf0: {  	s11 =	sadd.s32 s16, s3;
	[sflag:s9] =	ssyncadd.s32 $0xFFFFFFB0  }
0xf1: {  	[tilespmem:s10], [sflag:$0x9] =	stream.linear.gather [hbm4b:s11+s17], $0x50, $0x38;
	[tilespmem:$0x1E200] =	vst v63  }
0xf2: {  	_ =	swait.ge [sflag:s9], $0x50  }
0xf3: {  	[sflag:s9] =	ssyncset.done $0x0  }
0xf4: {  	s14 =	simm.s32 $0x400;
	s3 =	sadd.s32 s1, s3;
	[sflag:s9] =	ssyncadd.s32 $0xFFFFFFB0  }
0xf5: {  	[tilespmem:s14], [sflag:$0x9] =	stream.linear.gather [hbm4b:s3+s17], $0x50, $0x38;
	[tilespmem:$0x1E200] =	vst v63  }
0xf6: {  	_ =	swait.ge [sflag:s9], $0x50  }
0xf7: {  	[sflag:s9] =	ssyncset.done $0x0  }
0xf8: {  	[sflag:s9] =	ssyncadd.s32 $0xFFFFFFB0  }
0xf9: {  	[tilespmem:s8], [sflag:$0x1] =	stream.indirect.gather [hbm4b:s5+s12], $0x80, s17, s12, $0xb8;
	[tilespmem:$0x1E200] =	vst v63  }
0xfa: {  	_ =	swait.ge [sflag:s21], $0x2800  }
0xfb: {  	[sflag:s21] =	ssyncset.done $0x0  }
0xfc: {  	s25 =	sand.u32 $0x1C0, s17;
	s11 =	simm.s32 $0x5640;
	[sflag:s21] =	ssyncadd.s32 $0xFFFFD800  }
0xfd: {  	s3 =	sshrl.u32 s25, $0x2;
	v5 =	vld [tilespmem:s11+$0x30]  }
0xfe: {  	v2 =	vld [tilespmem:s3+$0x500]  }
0xff: {  	v8 =	vld [tilespmem:s11+$0x10]  }
0x100: {  	v6 =	vld [tilespmem:s11+$0xFFFFFFC0]  }
0x101: {  	v10 =	vld [tilespmem:s11+$0xFFFFFFE0]  }
0x102: {  	v3 =	vmov s17;
	v1 =	vld [tilespmem:s11+$0xFFFFFFF0]  }
0x103: {  	v4 =	vld [tilespmem:s11+$0xFFFFFFD0];
	v2 =	vperm.xlane v2, v3  }
0x104: {  	v3 =	vld [tilespmem:s11+$0x20]  }
0x105: {  	v9 =	vmul.f32 v5, v2;
	v5 =	vld [tilespmem:s11+$0x0];
	_ =	sdelay $0x1  }
0x106: {  	v7 =	vmul.f32 v6, v2  }
0x107: {  	s14 =	simm.s32 $0x1;
	s25 =	simm.s32 $0x5640;
	v6 =	vmul.f32 v10, v2;
	v8 =	vmul.f32 v8, v2  }
.LBB2_9:
0x108: {  	p0 =	sne.s32 s14, $0x4F;
	v4 =	vmul.f32 v4, v2;
	v3 =	vmul.f32 v3, v2;
	[tilespmem:s11+$0x30] =	vst v9;
	s17 =	sadd.s32 $0x4, s17;
	s25 =	sadd.s32 $0x80, s25  }
0x109: {  	v1 =	vmul.f32 v1, v2;
	s3 =	smov.u32 s14;
	s14 =	sadd.s32 $0x1, s14;
	[tilespmem:s11+$0xFFFFFFC0] =	vst v7;
	v2 =	vmul.f32 v5, v2  }
0x10a: {  	[tilespmem:s11+$0x10] =	vst v8  }
0x10b: {  	[tilespmem:s11+$0xFFFFFFE0] =	vst v6  }
0x10c: {  	[tilespmem:s11+$0xFFFFFFF0] =	vst v1  }
0x10d: {  	v1 =	vld [tilespmem:s25+$0xFFFFFFF0];
	[tilespmem:s11+$0x0] =	vst v2  }
0x10e: {  	s7 =	sand.u32 $0x1C0, s17;
	v6 =	vld [tilespmem:s25+$0x30];
	[tilespmem:s11+$0x20] =	vst v3  }
0x10f: {  	s7 =	sshrl.u32 s7, $0x2;
	v8 =	vld [tilespmem:s25+$0x10];
	[tilespmem:s11+$0xFFFFFFD0] =	vst v4;
	s11 =	smov.u32 s25  }
0x110: {  	v2 =	vld [tilespmem:s7+$0x500]  }
0x111: {  	v7 =	vld [tilespmem:s25+$0xFFFFFFC0]  }
0x112: {  	v10 =	vld [tilespmem:s25+$0xFFFFFFE0]  }
0x113: {  	v3 =	vld [tilespmem:s25+$0x20]  }
.Ltmp3:
0x114: {  	v5 =	vmov s3;
	v4 =	vld [tilespmem:s25+$0xFFFFFFD0];
	(pc) =	sbr.rel @p0 .LBB2_9-.Ltmp3, $3  }
0x115: {  	v2 =	vperm.xlane v2, v5;
	v5 =	vld [tilespmem:s25+$0x0];
	_ =	sdelay $0x1  }
0x116: {  	v7 =	vmul.f32 v7, v2;
	v9 =	vmul.f32 v6, v2  }
0x117: {  	v6 =	vmul.f32 v10, v2;
	v8 =	vmul.f32 v8, v2  }
0x118: {  	[tilespmem:s11+$0x30] =	vst v9  }
0x119: {  	[tilespmem:s11+$0xFFFFFFC0] =	vst v7  }
0x11a: {  	v1 =	vmul.f32 v1, v2;
	[tilespmem:s11+$0x10] =	vst v8  }
0x11b: {  	v3 =	vmul.f32 v3, v2;
	[tilespmem:s11+$0xFFFFFFE0] =	vst v6  }
0x11c: {  	v5 =	vmul.f32 v5, v2;
	[tilespmem:s11+$0xFFFFFFF0] =	vst v1  }
0x11d: {  	v1 =	vmul.f32 v4, v2;
	[tilespmem:s11+$0x20] =	vst v3  }
0x11e: {  	[tilespmem:s11+$0x0] =	vst v5  }
0x11f: {  	[tilespmem:s11+$0xFFFFFFD0] =	vst v1  }
0x120: {  	[spmem:s2] =	stream.indirect.scatter.add.f32 [tilespmem:s29], [sflag:$0x7], $0x80, s28, s12, $0xb8;
	[tilespmem:$0x1E200] =	vst v63  }
0x121: {  	_ =	swait.ge [sflag:s22], $0x2800  }
0x122: {  	p0 =	seq.s32 s4, $0x1E;
	s3 =	rddreg [dreg:$0x1d]  }
0x123: {  	s3 =	sadd.s32 @!p0 s3, s13  }
0x124: {  	s3 =	smul.u32 @!p0 $0xA, s3  }
0x125: {  	s11 =	simm.s32 @!p0 $0x0;
	[sflag:s22] =	ssyncset.done $0x0  }
0x126: {  	[sflag:s22] =	ssyncadd.s32 $0xFFFFD800;
	s13 =	simm.s32 @!p0 $0x80;
	s7 =	sadd.s32 @!p0 s15, s3  }
0x127: {  	[tilespmem:s13], [sflag:$0x9] =	stream.linear.gather @!p0 [hbm4b:s7+s11], $0x50, $0x38;
	[tilespmem:$0x1E200] =	vst v63  }
0x128: {  	s7 =	simm.s32 @!p0 $0x9  }
0x129: {  	_ =	swait.ge @!p0 [sflag:s7], $0x50  }
0x12a: {  	[sflag:s7] =	ssyncset.done @!p0 $0x0  }
0x12b: {  	s17 =	simm.s32 @!p0 $0x280;
	s14 =	sadd.s32 @!p0 s16, s3;
	[sflag:s7] =	ssyncadd.s32 @!p0 $0xFFFFFFB0  }
0x12c: {  	[tilespmem:s17], [sflag:$0x9] =	stream.linear.gather @!p0 [hbm4b:s14+s11], $0x50, $0x38;
	[tilespmem:$0x1E200] =	vst v63  }
0x12d: {  	_ =	swait.ge @!p0 [sflag:s7], $0x50  }
0x12e: {  	[sflag:s7] =	ssyncset.done @!p0 $0x0  }
0x12f: {  	s3 =	sadd.s32 @!p0 s1, s3;
	s14 =	simm.s32 @!p0 $0x480;
	[sflag:s7] =	ssyncadd.s32 @!p0 $0xFFFFFFB0  }
0x130: {  	[tilespmem:s14], [sflag:$0x9] =	stream.linear.gather @!p0 [hbm4b:s3+s11], $0x50, $0x38;
	[tilespmem:$0x1E200] =	vst v63  }
0x131: {  	_ =	swait.ge @!p0 [sflag:s7], $0x50  }
0x132: {  	[sflag:s7] =	ssyncset.done @!p0 $0x0  }
0x133: {  	s3 =	simm.s32 @!p0 $0x50;
	[sflag:s7] =	ssyncadd.s32 @!p0 $0xFFFFFFB0;
	s7 =	simm.s32 @!p0 $0x2E00  }
0x134: {  	[tilespmem:s7], [sflag:$0x2] =	stream.indirect.gather @!p0 [hbm4b:s5+s3], $0x80, s13, s3, $0xb8;
	[tilespmem:$0x1E200] =	vst v63  }
0x135: {  	_ =	swait.ge [sflag:s23], $0x2800  }
0x136: {  	s13 =	simm.s32 $0x0;
	[sflag:s23] =	ssyncset.done $0x0  }
0x137: {  	s11 =	simm.s32 $0x7E40;
	s25 =	sand.u32 $0x1C0, s13;
	[sflag:s23] =	ssyncadd.s32 $0xFFFFD800  }
0x138: {  	s3 =	sshrl.u32 s25, $0x2;
	v5 =	vld [tilespmem:s11+$0x30]  }
0x139: {  	v2 =	vld [tilespmem:s3+$0x580]  }
0x13a: {  	v8 =	vld [tilespmem:s11+$0x10]  }
0x13b: {  	v6 =	vld [tilespmem:s11+$0xFFFFFFC0]  }
0x13c: {  	v10 =	vld [tilespmem:s11+$0xFFFFFFE0]  }
0x13d: {  	v3 =	vmov s13;
	v1 =	vld [tilespmem:s11+$0xFFFFFFF0]  }
0x13e: {  	v4 =	vld [tilespmem:s11+$0xFFFFFFD0];
	v2 =	vperm.xlane v2, v3  }
0x13f: {  	v3 =	vld [tilespmem:s11+$0x20]  }
0x140: {  	v9 =	vmul.f32 v5, v2;
	v5 =	vld [tilespmem:s11+$0x0];
	_ =	sdelay $0x1  }
0x141: {  	v7 =	vmul.f32 v6, v2  }
0x142: {  	s17 =	simm.s32 $0x7E40;
	s14 =	simm.s32 $0x1;
	v6 =	vmul.f32 v10, v2;
	v8 =	vmul.f32 v8, v2  }
.LBB2_11:
0x143: {  	p0 =	sne.s32 s14, $0x4F;
	v4 =	vmul.f32 v4, v2;
	v3 =	vmul.f32 v3, v2;
	[tilespmem:s11+$0x30] =	vst v9;
	s13 =	sadd.s32 $0x4, s13;
	s17 =	sadd.s32 $0x80, s17  }
0x144: {  	v1 =	vmul.f32 v1, v2;
	s3 =	smov.u32 s14;
	s14 =	sadd.s32 $0x1, s14;
	[tilespmem:s11+$0xFFFFFFC0] =	vst v7;
	v2 =	vmul.f32 v5, v2  }
0x145: {  	[tilespmem:s11+$0x10] =	vst v8  }
0x146: {  	[tilespmem:s11+$0xFFFFFFE0] =	vst v6  }
0x147: {  	[tilespmem:s11+$0xFFFFFFF0] =	vst v1  }
0x148: {  	v1 =	vld [tilespmem:s17+$0xFFFFFFF0];
	[tilespmem:s11+$0x0] =	vst v2  }
0x149: {  	s7 =	sand.u32 $0x1C0, s13;
	v6 =	vld [tilespmem:s17+$0x30];
	[tilespmem:s11+$0x20] =	vst v3  }
0x14a: {  	s7 =	sshrl.u32 s7, $0x2;
	v8 =	vld [tilespmem:s17+$0x10];
	[tilespmem:s11+$0xFFFFFFD0] =	vst v4;
	s11 =	smov.u32 s17  }
0x14b: {  	v2 =	vld [tilespmem:s7+$0x580]  }
0x14c: {  	v7 =	vld [tilespmem:s17+$0xFFFFFFC0]  }
0x14d: {  	v10 =	vld [tilespmem:s17+$0xFFFFFFE0]  }
0x14e: {  	v3 =	vld [tilespmem:s17+$0x20]  }
.Ltmp4:
0x14f: {  	v5 =	vmov s3;
	v4 =	vld [tilespmem:s17+$0xFFFFFFD0];
	(pc) =	sbr.rel @p0 .LBB2_11-.Ltmp4, $3  }
0x150: {  	v2 =	vperm.xlane v2, v5;
	v5 =	vld [tilespmem:s17+$0x0];
	_ =	sdelay $0x1  }
0x151: {  	v7 =	vmul.f32 v7, v2;
	v9 =	vmul.f32 v6, v2  }
0x152: {  	v6 =	vmul.f32 v10, v2;
	v8 =	vmul.f32 v8, v2  }
0x153: {  	[tilespmem:s11+$0x30] =	vst v9  }
0x154: {  	[tilespmem:s11+$0xFFFFFFC0] =	vst v7  }
0x155: {  	v1 =	vmul.f32 v1, v2;
	s4 =	sadd.s32 $0x1, s4;
	[tilespmem:s11+$0x10] =	vst v8  }
0x156: {  	v3 =	vmul.f32 v3, v2;
	[tilespmem:s11+$0xFFFFFFE0] =	vst v6;
	p0 =	sne.s32 s4, $0x1F  }
.Ltmp5:
0x157: {  	v5 =	vmul.f32 v5, v2;
	[tilespmem:s11+$0xFFFFFFF0] =	vst v1;
	(pc) =	sbr.rel @p0 .LBB2_4-.Ltmp5, $4  }
0x158: {  	v1 =	vmul.f32 v4, v2;
	[tilespmem:s11+$0x20] =	vst v3  }
0x159: {  	[tilespmem:s11+$0x0] =	vst v5  }
0x15a: {  	[tilespmem:s11+$0xFFFFFFD0] =	vst v1  }
0x15b: {  	[spmem:s2] =	stream.indirect.scatter.add.f32 [tilespmem:s18], [sflag:$0x8], $0x80, s0, s12, $0xb8;
	[tilespmem:$0x1E200] =	vst v63  }
0x15c: {  	s3 =	simm.s32 $0x7  }
0x15d: {  	_ =	swait.ge [sflag:s3], $0x2800  }
0x15e: {  	[sflag:s3] =	ssyncset.done $0x0  }
0x15f: {  	[sflag:s3] =	ssyncadd.s32 $0xFFFFD800  }
0x160: {  	_ =	swait.ge [sflag:s30], $0x2800  }
0x161: {  	s11 =	simm.s32 $0x0;
	[sflag:s30] =	ssyncset.done $0x0  }
0x162: {  	s4 =	simm.s32 $0x640;
	s25 =	sand.u32 $0x1C0, s11;
	[sflag:s30] =	ssyncadd.s32 $0xFFFFD800  }
0x163: {  	s3 =	sshrl.u32 s25, $0x2;
	v5 =	vld [tilespmem:s4+$0x30]  }
0x164: {  	v2 =	vld [tilespmem:s3+$0x400]  }
0x165: {  	v8 =	vld [tilespmem:s4+$0x10]  }
0x166: {  	v6 =	vld [tilespmem:s4+$0xFFFFFFC0]  }
0x167: {  	v10 =	vld [tilespmem:s4+$0xFFFFFFE0]  }
0x168: {  	v3 =	vmov s11;
	v1 =	vld [tilespmem:s4+$0xFFFFFFF0]  }
0x169: {  	v4 =	vld [tilespmem:s4+$0xFFFFFFD0];
	v2 =	vperm.xlane v2, v3  }
0x16a: {  	v3 =	vld [tilespmem:s4+$0x20]  }
0x16b: {  	v9 =	vmul.f32 v5, v2;
	v5 =	vld [tilespmem:s4+$0x0];
	_ =	sdelay $0x1  }
0x16c: {  	v7 =	vmul.f32 v6, v2  }
0x16d: {  	s13 =	simm.s32 $0x1;
	s14 =	simm.s32 $0x640;
	v6 =	vmul.f32 v10, v2;
	v8 =	vmul.f32 v8, v2  }
.LBB2_14:
0x16e: {  	p0 =	sne.s32 s13, $0x4F;
	v4 =	vmul.f32 v4, v2;
	v3 =	vmul.f32 v3, v2;
	[tilespmem:s4+$0x30] =	vst v9;
	s11 =	sadd.s32 $0x4, s11;
	s14 =	sadd.s32 $0x80, s14  }
0x16f: {  	v1 =	vmul.f32 v1, v2;
	s3 =	smov.u32 s13;
	s13 =	sadd.s32 $0x1, s13;
	[tilespmem:s4+$0xFFFFFFC0] =	vst v7;
	v2 =	vmul.f32 v5, v2  }
0x170: {  	[tilespmem:s4+$0x10] =	vst v8  }
0x171: {  	[tilespmem:s4+$0xFFFFFFE0] =	vst v6  }
0x172: {  	[tilespmem:s4+$0xFFFFFFF0] =	vst v1  }
0x173: {  	v1 =	vld [tilespmem:s14+$0xFFFFFFF0];
	[tilespmem:s4+$0x0] =	vst v2  }
0x174: {  	s7 =	sand.u32 $0x1C0, s11;
	v6 =	vld [tilespmem:s14+$0x30];
	[tilespmem:s4+$0x20] =	vst v3  }
0x175: {  	s7 =	sshrl.u32 s7, $0x2;
	v8 =	vld [tilespmem:s14+$0x10];
	[tilespmem:s4+$0xFFFFFFD0] =	vst v4;
	s4 =	smov.u32 s14  }
0x176: {  	v2 =	vld [tilespmem:s7+$0x400]  }
0x177: {  	v7 =	vld [tilespmem:s14+$0xFFFFFFC0]  }
0x178: {  	v10 =	vld [tilespmem:s14+$0xFFFFFFE0]  }
0x179: {  	v3 =	vld [tilespmem:s14+$0x20]  }
.Ltmp6:
0x17a: {  	v5 =	vmov s3;
	v4 =	vld [tilespmem:s14+$0xFFFFFFD0];
	(pc) =	sbr.rel @p0 .LBB2_14-.Ltmp6, $3  }
0x17b: {  	v2 =	vperm.xlane v2, v5;
	v5 =	vld [tilespmem:s14+$0x0];
	_ =	sdelay $0x1  }
0x17c: {  	v7 =	vmul.f32 v7, v2;
	v9 =	vmul.f32 v6, v2  }
0x17d: {  	v6 =	vmul.f32 v10, v2;
	v8 =	vmul.f32 v8, v2  }
0x17e: {  	[tilespmem:s4+$0x30] =	vst v9  }
0x17f: {  	[tilespmem:s4+$0xFFFFFFC0] =	vst v7  }
0x180: {  	v1 =	vmul.f32 v1, v2;
	[tilespmem:s4+$0x10] =	vst v8  }
0x181: {  	v3 =	vmul.f32 v3, v2;
	[tilespmem:s4+$0xFFFFFFE0] =	vst v6  }
0x182: {  	v5 =	vmul.f32 v5, v2;
	[tilespmem:s4+$0xFFFFFFF0] =	vst v1  }
0x183: {  	v1 =	vmul.f32 v4, v2;
	[tilespmem:s4+$0x20] =	vst v3  }
0x184: {  	[tilespmem:s4+$0x0] =	vst v5  }
0x185: {  	s3 =	simm.s32 $0x8;
	[tilespmem:s4+$0xFFFFFFD0] =	vst v1  }
0x186: {  	[spmem:s2] =	stream.indirect.scatter.add.f32 [tilespmem:s8], [sflag:$0x5], $0x80, s10, s12, $0xb8;
	[tilespmem:$0x1E200] =	vst v63  }
0x187: {  	_ =	swait.ge [sflag:s3], $0x2800  }
0x188: {  	[sflag:s3] =	ssyncset.done $0x0  }
0x189: {  	[sflag:s3] =	ssyncadd.s32 $0xFFFFD800  }
0x18a: {  	_ =	swait.ge [sflag:s20], $0x2800  }
0x18b: {  	[sflag:s20] =	ssyncset.done $0x0  }
0x18c: {  	[sflag:s20] =	ssyncadd.s32 $0xFFFFD800  }
0x18d: {  	s17 =	stileid.u32;
	[bflag:$0x0] =	sbarrier.arrive $0xFFFF  }
0x18e: {  	s3 =	sshll.u32 s17, $0x6;
	s25 =	rddreg [dreg:$0xd]  }
0x18f: {  	s3 =	sor.u32 $0x1C09, s3;
	s7 =	rddreg [dreg:$0x5];
	s24 =	sshrl.u32 s25, $0x3  }
0x190: {  	[hbm:s7], [sflag:s3] =	dma.local [spmem:s24], $0x500  }
0x191: {  	_ =	swait.ge [sflag:s9], $0x500  }
0x192: {  	[sflag:s9] =	ssyncset.done $0x0;
	s7 =	rddreg [dreg:$0xe]  }
0x193: {  	s11 =	rddreg [dreg:$0x6];
	[sflag:s9] =	ssyncadd.s32 $0xFFFFFB00;
	s4 =	sshrl.u32 s7, $0x3  }
0x194: {  	[hbm:s11], [sflag:s3] =	dma.local [spmem:s4], $0x500  }
0x195: {  	_ =	swait.ge [sflag:s9], $0x500  }
0x196: {  	[sflag:s9] =	ssyncset.done $0x0;
	s13 =	rddreg [dreg:$0xf]  }
0x197: {  	s14 =	rddreg [dreg:$0x7];
	[sflag:s9] =	ssyncadd.s32 $0xFFFFFB00;
	s4 =	sshrl.u32 s13, $0x3  }
0x198: {  	[hbm:s14], [sflag:s3] =	dma.local [spmem:s4], $0x500  }
0x199: {  	_ =	swait.ge [sflag:s9], $0x500  }
0x19a: {  	[sflag:s9] =	ssyncset.done $0x0;
	s17 =	rddreg [dreg:$0x10]  }
0x19b: {  	s24 =	rddreg [dreg:$0x8];
	[sflag:s9] =	ssyncadd.s32 $0xFFFFFB00;
	s4 =	sshrl.u32 s17, $0x3  }
0x19c: {  	[hbm:s24], [sflag:s3] =	dma.local [spmem:s4], $0x500  }
0x19d: {  	_ =	swait.ge [sflag:s9], $0x500  }
0x19e: {  	[sflag:s9] =	ssyncset.done $0x0;
	s13 =	rddreg [dreg:$0x11]  }
0x19f: {  	s14 =	rddreg [dreg:$0x9];
	[sflag:s9] =	ssyncadd.s32 $0xFFFFFB00;
	s11 =	sshrl.u32 s13, $0x3  }
0x1a0: {  	[hbm:s14], [sflag:s3] =	dma.local [spmem:s11], $0x500  }
0x1a1: {  	_ =	swait.ge [sflag:s9], $0x500  }
0x1a2: {  	[sflag:s9] =	ssyncset.done $0x0;
	s14 =	rddreg [dreg:$0x12]  }
0x1a3: {  	s24 =	rddreg [dreg:$0xa];
	[sflag:s9] =	ssyncadd.s32 $0xFFFFFB00;
	s17 =	sshrl.u32 s14, $0x3  }
0x1a4: {  	[hbm:s24], [sflag:s3] =	dma.local [spmem:s17], $0x500  }
0x1a5: {  	_ =	swait.ge [sflag:s9], $0x500  }
0x1a6: {  	[sflag:s9] =	ssyncset.done $0x0;
	s17 =	rddreg [dreg:$0x13]  }
0x1a7: {  	s24 =	rddreg [dreg:$0xb];
	[sflag:s9] =	ssyncadd.s32 $0xFFFFFB00;
	s11 =	sshrl.u32 s17, $0x3  }
0x1a8: {  	[hbm:s24], [sflag:s3] =	dma.local [spmem:s11], $0x500  }
0x1a9: {  	_ =	swait.ge [sflag:s9], $0x500  }
0x1aa: {  	[sflag:s9] =	ssyncset.done $0x0;
	s11 =	rddreg [dreg:$0x14]  }
0x1ab: {  	s24 =	rddreg [dreg:$0xc];
	[sflag:s9] =	ssyncadd.s32 $0xFFFFFB00;
	s4 =	sshrl.u32 s11, $0x3  }
0x1ac: {  	[hbm:s24], [sflag:s3] =	dma.local [spmem:s4], $0x480  }
0x1ad: {  	_ =	swait.ge [sflag:s9], $0x480  }
0x1ae: {  	s24 =	rddreg [dreg:$0x4]  }
0x1af: {  	s11 =	rddreg [dreg:$0x1b];
	s24 =	sadd.s32 $0x1, s24  }
0x1b0: {  	p0 =	sne.s32 s24, s11  }
.Ltmp7:
0x1b1: {  	_ = 	snop;
	(pc) =	sbr.rel @p0 .LBB2_1-.Ltmp7, $3  }
0x1b2: {  	_ =	sdelay $0x1  }
0x1b3: {  	[sflag:s9] =	ssyncset.done $0x0  }
0x1b4: {  	[sflag:s9] =	ssyncadd.s32 $0xFFFFFB80  }
0x1b5: {  	_ =	sfence.sel $0x180000  }
0x1b6: {  	[bflag:$0x0] =	sbarrier.arrive $0xFFFF  }
0x1b7: {  	_ =	strace $0x9000004A  }
0x1b8: {  	s0 =	stileid.u32;
	[bflag:$0x2] =	sbarrier.arrive $0xFFFF  }
0x1b9: {  	p0 =	sne.s32 s0, $0x0;
	s0 =	rddreg [dreg:$0x3]  }
0x1ba: {  	s0 =	sadd.s32 @!p0 $0x100000, s0  }
0x1bb: {  	[sflag:s0] =	ssyncadd.tile.s32 @!p0 $0x1;
	_ =	shalt  }
.Lfunc_end2:
_tile_overlayer_lowered:
.L_overlay_start_2:
0x1bc: {  	(tag) =	ssettag $0x2  }
0x1bd: {  	s0 =	rddreg [dreg:$0x0];
	s2 =	stileid.u32  }
0x1be: {  	s1 =	rddreg [dreg:$0x1];
	p0 =	sne.s32 s2, $0x0  }
0x1bf: {  	s3 =	rddreg [dreg:$0x2];
	[bflag:$0x3] =	sbarrier.arrive $0xFFFF;
	s2 =	simm.s32 @!p0 $0x1C09  }
0x1c0: {  	[timem:s3], [sflag:s2] =	dma.local @!p0 [hbm:s0], s1  }
0x1c1: {  	s0 =	simm.s32 @!p0 $0x9  }
0x1c2: {  	_ =	swait.ge @!p0 [sflag:s0], s1  }
0x1c3: {  	s1 =	ssub.s32 @!p0 $0x0, s1;
	[sflag:s0] =	ssyncset.done @!p0 $0x0  }
0x1c4: {  	[sflag:s0] =	ssyncadd.s32 @!p0 s1  }
0x1c5: {  	[bflag:$0x3] =	sbarrier.arrive $0xFFFF  }
0x1c6: {  	_ =	shalt  }

</sc_bundles>
